<compile_context>
chip_gen: v7x
topology: tpu7x:2x2x1
jax: 0.10.2.dev20260603
libtpu: 0.0.44.dev20260713+nightly
codegen_flags: <defaults>
</compile_context>

<pallas_src>
import jax
import jax.numpy as jnp
import numpy as np
from jax import lax
from jax.experimental import pallas as pl
from jax.experimental.pallas import tpu as pltpu
from jax.experimental.pallas import tpu_sc as plsc

_B = 20
_NPG = 500
_N = 10000
_E = 320000
_D = 128
_FF = 256
_L = 3
_KK = 16
_C = 10

_NC = 2
_NS = 16
_EPG = _E // _B
_GPC = _B // _NC
_WAVES = 5
_GPW = _GPC // _WAVES
_RT = (_NPG + 7) // 8
_CT = (_NPG + 127) // 128
_TCELLS = _RT * _CT * 1024
_WAVE_CELLS = _GPW * _TCELLS
_WAVE_EDGES = _GPW * _EPG
_EPT = _WAVE_EDGES // _NS
_CH = 128
_NCHUNK = (_EPT + _CH - 1) // _CH
_EBUF = _NCHUNK * _CH
_SLICE = _WAVE_CELLS // _NS
_SPMEM = _WAVE_CELLS + 8
_DUMP = _WAVE_CELLS


def _adj_body(src_hbm, dst_hbm, a_hbm, zero_v, stage_v, src_v, dst_v, idx_v,
              ones_v, shared, sem_out):
    cid = lax.axis_index("c")
    sid = lax.axis_index("s")

    zf = jnp.zeros((16,), jnp.float32)
    of = jnp.ones((16,), jnp.float32)

    def fill_body(j, _):
        zero_v[pl.ds(j * 16, 16)] = zf
        return 0

    lax.fori_loop(0, _SLICE // 16, fill_body, 0)
    for j in range(_CH // 16):
        ones_v[pl.ds(j * 16, 16)] = of

    out_cp = None
    for w in range(_WAVES):
        g0 = cid * _GPC + w * _GPW
        pltpu.sync_copy(zero_v, shared.at[pl.ds(sid * _SLICE, _SLICE)])
        ebase = g0 * _EPG + sid * _EPT
        pltpu.sync_copy(src_hbm.at[pl.ds(ebase, _EPT)],
                        src_v.at[pl.ds(0, _EPT)])
        pltpu.sync_copy(dst_hbm.at[pl.ds(ebase, _EPT)],
                        dst_v.at[pl.ds(0, _EPT)])
        plsc.subcore_barrier()
        lanes = lax.broadcasted_iota(jnp.int32, (16,), 0)

        def chunk_body(c, _):
            for j in range(_CH // 16):
                off = c * _CH + j * 16
                s = src_v[pl.ds(off, 16)]
                dv = dst_v[pl.ds(off, 16)]
                g = lax.shift_right_logical(dv * 16778, 23)
                dl = dv - g * _NPG
                sl = s - g * _NPG
                widx = ((g - g0) * _TCELLS
                        + (lax.shift_right_logical(dl, 3) * _CT
                           + lax.shift_right_logical(sl, 7)) * 1024
                        + (dl & 7) * 128 + (sl & 127))
                valid = (off + lanes) < _EPT
                idx_v[pl.ds(j * 16, 16)] = jnp.where(valid, widx, _DUMP)
            pltpu.sync_copy(ones_v, shared.at[idx_v], add=True)
            return 0

        lax.fori_loop(0, _NCHUNK, chunk_body, 0)
        plsc.subcore_barrier()
        if out_cp is not None:
            out_cp.wait()
        awave = g0 * _TCELLS
        pltpu.sync_copy(shared.at[pl.ds(sid * _SLICE, _SLICE)], stage_v)
        plsc.subcore_barrier()
        out_cp = pltpu.async_copy(
            stage_v, a_hbm.at[pl.ds(awave + sid * _SLICE, _SLICE)], sem_out)
    out_cp.wait()


def _build_adjacency(edge_index):
    mesh = plsc.VectorSubcoreMesh(core_axis_name="c", subcore_axis_name="s",
                                  num_cores=_NC, num_subcores=_NS)
    fn = pl.kernel(
        _adj_body,
        out_type=jax.ShapeDtypeStruct((_B * _TCELLS,), jnp.float32),
        mesh=mesh,
        scratch_types=[
            pltpu.VMEM((_SLICE,), jnp.float32),
            pltpu.VMEM((_SLICE,), jnp.float32),
            pltpu.VMEM((_EBUF,), jnp.int32),
            pltpu.VMEM((_EBUF,), jnp.int32),
            pltpu.VMEM((_CH,), jnp.int32),
            pltpu.VMEM((_CH,), jnp.float32),
            pltpu.VMEM_SHARED((_SPMEM,), jnp.float32),
            pltpu.SemaphoreType.DMA,
        ],
    )
    return fn(edge_index[0], edge_index[1])



def _mm(a, b):
    return jnp.dot(a, b, preferred_element_type=jnp.float32)


def _enc_body(x_ref, wenc_ref, benc_ref, w1_ref, b1_ref, w2_ref, b2_ref,
              h_ref, z_ref, ssum_ref, ssq_ref):
    xg = x_ref[0]
    h = _mm(xg, wenc_ref[...]) + benc_ref[...]
    z = h + _mm(jnp.maximum(_mm(h, w1_ref[...]) + b1_ref[...], 0.0),
                w2_ref[...]) + b2_ref[...]
    h_ref[0] = h
    z_ref[0] = z
    ssum_ref[0] = jnp.sum(z, axis=0, keepdims=True)
    ssq_ref[0] = jnp.sum(z * z, axis=0, keepdims=True)


def _attn_update(z, xd, a_blk, ssum, ssq, bns, bnsh, wq, wk, wg, bg):
    mu = jnp.sum(ssum, axis=0) * (1.0 / _N)
    ex2 = jnp.sum(ssq, axis=0) * (1.0 / _N)
    var = ex2 - mu * mu
    xu = (z - mu) / jnp.sqrt(var + 1e-5) * bns + bnsh
    q = _mm(xu, wq)
    k = _mm(xu, wk)
    logits = lax.dot_general(q, k, (((1,), (1,)), ((), ())),
                             preferred_element_type=jnp.float32)
    logits = logits * (1.0 / np.sqrt(_D))
    neg = jnp.full((_NPG, 12), -3e38, jnp.float32)
    x0 = logits[:, 0:128]
    x1 = logits[:, 128:256]
    x2 = logits[:, 256:384]
    x3 = jnp.concatenate([logits[:, 384:500], neg], axis=1)
    a = jnp.maximum(x0, x1)
    b = jnp.minimum(x0, x1)
    c = jnp.maximum(x2, x3)
    d = jnp.minimum(x2, x3)
    s0 = jnp.maximum(a, c)
    t = jnp.minimum(a, c)
    u = jnp.maximum(b, d)
    n3 = jnp.minimum(b, d)
    n1 = jnp.maximum(t, u)
    n2 = jnp.minimum(t, u)
    work = s0
    mx = jnp.max(work, axis=-1, keepdims=True)
    m = mx
    for _t in range(_KK - 1):
        eq = work == mx
        work = jnp.where(eq, n1, work)
        n1 = jnp.where(eq, n2, n1)
        n2 = jnp.where(eq, n3, n2)
        n3 = jnp.where(eq, -3e38, n3)
        mx = jnp.max(work, axis=-1, keepdims=True)
    e = jnp.exp(logits - m)
    zs = jnp.sum(e, axis=-1, keepdims=True)
    sel = logits >= mx
    esel = jnp.where(sel, e, 0.0)
    denom = jnp.sum(esel, axis=-1, keepdims=True) + zs * 1e-9
    wfull = esel / denom
    agg = _mm(wfull, xd)
    xpad = jnp.concatenate(
        [xd[3 * 128:], jnp.zeros((4 * 128 - _NPG, _D), jnp.float32)], axis=0)
    seg_p = jnp.zeros((_RT * 8, _D), jnp.float32)
    deg_p = jnp.zeros((_RT * 8, 1), jnp.float32)
    for cg in range(_CT):
        acg = a_blk[:, cg].reshape(_RT * 8, 128)
        xr = xd[cg * 128:(cg + 1) * 128] if cg < _CT - 1 else xpad
        seg_p = seg_p + _mm(acg, xr)
        deg_p = deg_p + jnp.sum(acg, axis=-1, keepdims=True)
    seg = seg_p[:_NPG] / jnp.maximum(deg_p[:_NPG], 1.0)
    pre = _mm(seg, wg[:_D]) + _mm(agg, wg[_D:]) + bg
    return xu, xd + jnp.maximum(pre, 0.0)


def _layer_mid_body(z_ref, xd_ref, ssum_ref, ssq_ref, a_ref, bns_ref,
                    bnsh_ref, wq_ref, wk_ref, wg_ref, bg_ref, w1_ref, b1_ref,
                    w2_ref, b2_ref, xdo_ref, zo_ref, ssumo_ref, ssqo_ref):
    xu, xdn = _attn_update(z_ref[0], xd_ref[0], a_ref[0], ssum_ref[...],
                           ssq_ref[...], bns_ref[...], bnsh_ref[...],
                           wq_ref[...], wk_ref[...], wg_ref[...], bg_ref[...])
    xdo_ref[0] = xdn
    z2 = xu + _mm(jnp.maximum(_mm(xu, w1_ref[...]) + b1_ref[...], 0.0),
                  w2_ref[...]) + b2_ref[...]
    zo_ref[0] = z2
    ssumo_ref[0] = jnp.sum(z2, axis=0, keepdims=True)
    ssqo_ref[0] = jnp.sum(z2 * z2, axis=0, keepdims=True)


def _layer_last_body(z_ref, xd_ref, ssum_ref, ssq_ref, a_ref, bns_ref,
                     bnsh_ref, wq_ref, wk_ref, wg_ref, bg_ref, pool_ref):
    _xu, xdn = _attn_update(z_ref[0], xd_ref[0], a_ref[0], ssum_ref[...],
                            ssq_ref[...], bns_ref[...], bnsh_ref[...],
                            wq_ref[...], wk_ref[...], wg_ref[...], bg_ref[...])
    pool_ref[0] = jnp.sum(xdn, axis=0, keepdims=True) * (1.0 / _NPG)


def _head_body(p_ref, wm1_ref, bm1_ref, wm2_ref, bm2_ref, o_ref):
    hmid = jnp.maximum(_mm(p_ref[...], wm1_ref[...]) + bm1_ref[...], 0.0)
    o_ref[...] = _mm(hmid, wm2_ref[...]) + bm2_ref[...]


def _blk(shape, index_map):
    return pl.BlockSpec(shape, index_map)


def _full(shape):
    return pl.BlockSpec(shape, lambda *b: tuple(0 for _ in shape))


def _row(d2):
    return pl.BlockSpec((1, 1, d2), lambda b: (b, 0, 0))


def _node_block():
    return pl.BlockSpec((1, _NPG, _D), lambda b: (b, 0, 0))


def kernel(x, edge_index, batch, W_enc, b_enc, W1, b1, W2, b2, bn_scale,
           bn_shift, Wq, Wk, W_gnn, b_gnn, Wm1, bm1, Wm2, bm2):
    a3 = _build_adjacency(edge_index).reshape(_B, _RT, _CT, 8, 128)

    f32 = jnp.float32
    nd = jax.ShapeDtypeStruct((_B, _NPG, _D), f32)
    bd = jax.ShapeDtypeStruct((_B, 1, _D), f32)

    h, z, ssum, ssq = pl.pallas_call(
        _enc_body,
        grid=(_B,),
        in_specs=[_node_block(), _full((_D, _D)), _full((1, _D)),
                  _full((_D, _FF)), _full((1, _FF)), _full((_FF, _D)),
                  _full((1, _D))],
        out_specs=[_node_block(), _node_block(), _row(_D), _row(_D)],
        out_shape=[nd, nd, bd, bd],
    )(x.reshape(_B, _NPG, _D), W_enc, b_enc.reshape(1, _D), W1[0],
      b1[0].reshape(1, _FF), W2[0], b2[0].reshape(1, _D))

    xd = h
    layer_common_specs = [
        _node_block(), _node_block(), _full((_B, 1, _D)), _full((_B, 1, _D)),
        pl.BlockSpec((1, _RT, _CT, 8, 128), lambda b: (b, 0, 0, 0, 0)),
        _full((1, _D)), _full((1, _D)), _full((_D, _D)), _full((_D, _D)),
        _full((2 * _D, _D)), _full((1, _D)),
    ]
    for i in range(_L):
        common_args = (z, xd, ssum, ssq, a3, bn_scale[i].reshape(1, _D),
                       bn_shift[i].reshape(1, _D), Wq[i], Wk[i], W_gnn[i],
                       b_gnn[i].reshape(1, _D))
        if i < _L - 1:
            xd, z, ssum, ssq = pl.pallas_call(
                _layer_mid_body,
                grid=(_B,),
                in_specs=layer_common_specs + [
                    _full((_D, _FF)), _full((1, _FF)), _full((_FF, _D)),
                    _full((1, _D))],
                out_specs=[_node_block(), _node_block(), _row(_D), _row(_D)],
                out_shape=[nd, nd, bd, bd],
            )(*common_args, W1[i + 1], b1[i + 1].reshape(1, _FF), W2[i + 1],
              b2[i + 1].reshape(1, _D))
        else:
            pooled = pl.pallas_call(
                _layer_last_body,
                grid=(_B,),
                in_specs=layer_common_specs,
                out_specs=[_row(_D)],
                out_shape=[bd],
            )(*common_args)[0]

    out = pl.pallas_call(
        _head_body,
        in_specs=[_full((_B, _D)), _full((_D, _D)), _full((1, _D)),
                  _full((_D, _C)), _full((1, _C))],
        out_specs=_full((_B, _C)),
        out_shape=jax.ShapeDtypeStruct((_B, _C), f32),
    )(pooled.reshape(_B, _D), Wm1, bm1.reshape(1, _D), Wm2,
      bm2.reshape(1, _C))
    return out

# --- scband reference (transcript-rebuilt; emitter-appended) ---
"""Pipeline reference for scband-decoupled-dynamic-rewire-trans-upstream-gnn-27702539059577 (READ-ONLY COPY).

The authoritative reference and input builder live on the scoring server;
editing this copy changes nothing except your own understanding.
"""

import jax, jax.numpy as jnp
import numpy as np

B = 20
NPG = 500
N = 10000
E = 320000
D = 128
FF = 256
L = 3
KK = 16
C = 10


def setup_inputs(seed: int = 0) -> dict:
    key = jax.random.key(seed)
    ks = jax.random.split(key, 16)
    x = jax.random.normal(ks[0], (N, D), dtype=jnp.float32)
    # edges confined within each graph (20 graphs x 500 nodes, 16000 edges each)
    src_local = jax.random.randint(ks[1], (E,), 0, NPG)
    dst_local = jax.random.randint(ks[2], (E,), 0, NPG)
    gid = jnp.repeat(jnp.arange(B), E // B)
    edge_index = jnp.stack([src_local + gid * NPG, dst_local + gid * NPG]).astype(jnp.int32)
    batch = jnp.repeat(jnp.arange(B), NPG).astype(jnp.int32)

    def pinit(k, shape, scale):
        return jax.random.normal(k, shape, dtype=jnp.float32) * scale

    s = 1.0 / np.sqrt(D)
    W_enc = pinit(ks[3], (D, D), s)
    b_enc = jnp.zeros((D,), jnp.float32)
    W1 = pinit(ks[4], (L, D, FF), s)
    b1 = jnp.zeros((L, FF), jnp.float32)
    W2 = pinit(ks[5], (L, FF, D), 1.0 / np.sqrt(FF))
    b2 = jnp.zeros((L, D), jnp.float32)
    bn_scale = jnp.ones((L, D), jnp.float32)
    bn_shift = jnp.zeros((L, D), jnp.float32)
    Wq = pinit(ks[6], (L, D, D), s)
    Wk = pinit(ks[7], (L, D, D), s)
    W_gnn = pinit(ks[8], (L, 2 * D, D), 1.0 / np.sqrt(2 * D))
    b_gnn = jnp.zeros((L, D), jnp.float32)
    Wm1 = pinit(ks[9], (D, D), s)
    bm1 = jnp.zeros((D,), jnp.float32)
    Wm2 = pinit(ks[10], (D, C), s)
    bm2 = jnp.zeros((C,), jnp.float32)
    return {"x": x, "edge_index": edge_index, "batch": batch, "W_enc": W_enc, "b_enc": b_enc,
            "W1": W1, "b1": b1, "W2": W2, "b2": b2, "bn_scale": bn_scale, "bn_shift": bn_shift,
            "Wq": Wq, "Wk": Wk, "W_gnn": W_gnn, "b_gnn": b_gnn,
            "Wm1": Wm1, "bm1": bm1, "Wm2": Wm2, "bm2": bm2}


def reference(x, edge_index, batch, W_enc, b_enc, W1, b1, W2, b2, bn_scale, bn_shift,
              Wq, Wk, W_gnn, b_gnn, Wm1, bm1, Wm2, bm2):
    src = edge_index[0]
    dst = edge_index[1]
    deg = jax.ops.segment_sum(jnp.ones((E,), jnp.float32), dst, num_segments=N)
    deg = jnp.clip(deg, 1.0)
    # atom encoder
    h = x @ W_enc + b_enc
    x_down = h
    x_up = h
    for i in range(L):
        # TransformerLayer (use_attn=False): FFN + residual + batch norm
        h2 = jax.nn.relu(x_up @ W1[i] + b1[i]) @ W2[i] + b2[i]
        z = x_up + h2
        mu = z.mean(axis=0)
        var = z.var(axis=0)
        x_up = (z - mu) / jnp.sqrt(var + 1e-5) * bn_scale[i] + bn_shift[i]
        # AttentionLayer: dense per-graph attention scores (to_dense_batch)
        xd = x_up.reshape(B, NPG, D)
        q = xd @ Wq[i]
        kmat = xd @ Wk[i]
        att = jnp.einsum('bnd,bmd->bnm', q, kmat) / np.sqrt(D)
        att = jax.nn.softmax(att, axis=-1)
        # sampler: dynamic rewiring via per-node top-k over attention scores
        topv, topi = jax.lax.top_k(att, KK)
        w = topv / (topv.sum(axis=-1, keepdims=True) + 1e-9)
        xdd = x_down.reshape(B, NPG, D)
        gathered = jax.vmap(lambda xg, ig: xg[ig])(xdd, topi)  # [B, n, KK, D]
        topk_agg = (w[..., None] * gathered).sum(axis=2).reshape(N, D)
        # intermediate GNN: mean aggregation over original edges (scatter-add)
        msgs = x_down[src]
        seg = jax.ops.segment_sum(msgs, dst, num_segments=N) / deg[:, None]
        x_new = jax.nn.relu(jnp.concatenate([seg, topk_agg], axis=-1) @ W_gnn[i] + b_gnn[i])
        x_down = x_down + x_new  # residual
    # global mean pool over graphs
    counts = jax.ops.segment_sum(jnp.ones((N,), jnp.float32), batch, num_segments=B)
    pooled = jax.ops.segment_sum(x_down, batch, num_segments=B) / counts[:, None]
    out = jax.nn.relu(pooled @ Wm1 + bm1) @ Wm2 + bm2
    return out

if __name__ == "__main__":
    import jax
    _d = setup_inputs()
    print(jax.jit(kernel)(*tuple(_d.values())))

</pallas_src>

<mosaic_0001>
#map = affine_map<(d0, d1) -> (0)>
module attributes {stable_mosaic.version = 14 : i64} {
  func.func @_adj_body(%arg0: i32, %arg1: i32, %arg2: memref<320000xi32, #tpu.memory_space<hbm>>, %arg3: memref<320000xi32, #tpu.memory_space<hbm>>, %arg4: memref<5160960xf32, #tpu.memory_space<hbm>>, %arg5: memref<32256xf32, #tpu.memory_space<vmem>>, %arg6: memref<32256xf32, #tpu.memory_space<vmem>>, %arg7: memref<2048xi32, #tpu.memory_space<vmem>>, %arg8: memref<2048xi32, #tpu.memory_space<vmem>>, %arg9: memref<128xi32, #tpu.memory_space<vmem>>, %arg10: memref<128xf32, #tpu.memory_space<vmem>>, %arg11: memref<516104xf32, #tpu.memory_space<vmem_shared>>, %arg12: memref<!tpu.dma_semaphore, #tpu.memory_space<semaphore_mem>>) attributes {dimension_semantics = [#tpu.dimension_semantics<core_parallel>, #tpu.dimension_semantics<subcore_parallel>], iteration_bounds = array<i64: 2, 16>, scalar_prefetch = 0 : i64, scratch_operands = 8 : i64, tpu.core_type = #tpu.core_type<sc_vector_subcore>, window_params = [{transform_indices = #map}, {transform_indices = #map}, {transform_indices = #map}]} {
    %broadcast_in_dim3A = arith.constant 0.000000e+00 : f32
    %broadcast_in_dim3A_0 = vector.broadcast %broadcast_in_dim3A : f32 to vector<16xf32>
    %broadcast_in_dim3A_1 = arith.constant 1.000000e+00 : f32
    %broadcast_in_dim3A_2 = vector.broadcast %broadcast_in_dim3A_1 : f32 to vector<16xf32>
    %scan3A = arith.constant 0 : i32
    %scan3A_3 = arith.constant 0 : i32
    %scan3A_4 = arith.constant 2016 : i32
    %scan3A_5 = arith.addi %scan3A_3, %scan3A_4 : i32
    %scan3A_6 = arith.constant 1 : i32
    %scan3A_7 = scf.for %scan3A_199 = %scan3A_3 to %scan3A_5 step %scan3A_6 iter_args(%scan3A_200 = %scan3A) -> (i32)  : i32 {
      %mul3A_201 = arith.constant 16 : i32
      %mul3A_202 = arith.muli %scan3A_199, %mul3A_201 : i32
      %swap3A_203 = arith.index_cast %mul3A_202 : i32 to index
      %swap3A_204 = tpu.vector_load %arg5[%swap3A_203] {strides = array<i32>} : memref<32256xf32, #tpu.memory_space<vmem>>, vector<16xf32>,
      %swap3A_205 = vector.shape_cast %swap3A_204 : vector<16xf32> to vector<16xf32>
      %swap3A_206 = vector.shape_cast %broadcast_in_dim3A_0 : vector<16xf32> to vector<16xf32>
      tpu.vector_store %arg5[%swap3A_203], %swap3A_206 {strides = array<i32>} : memref<32256xf32, #tpu.memory_space<vmem>>, vector<16xf32>,
      %scan3A_207 = arith.constant 0 : i32
      scf.yield %scan3A_207 : i32
    }
    %scan3A_8 = arith.constant 2016 : i32
    %swap3A = arith.constant 0 : index
    %swap3A_9 = tpu.vector_load %arg10[%swap3A] {strides = array<i32>} : memref<128xf32, #tpu.memory_space<vmem>>, vector<16xf32>,
    %swap3A_10 = vector.shape_cast %swap3A_9 : vector<16xf32> to vector<16xf32>
    %swap3A_11 = vector.shape_cast %broadcast_in_dim3A_2 : vector<16xf32> to vector<16xf32>
    tpu.vector_store %arg10[%swap3A], %swap3A_11 {strides = array<i32>} : memref<128xf32, #tpu.memory_space<vmem>>, vector<16xf32>,
    %swap3A_12 = arith.constant 16 : index
    %swap3A_13 = tpu.vector_load %arg10[%swap3A_12] {strides = array<i32>} : memref<128xf32, #tpu.memory_space<vmem>>, vector<16xf32>,
    %swap3A_14 = vector.shape_cast %swap3A_13 : vector<16xf32> to vector<16xf32>
    %swap3A_15 = vector.shape_cast %broadcast_in_dim3A_2 : vector<16xf32> to vector<16xf32>
    tpu.vector_store %arg10[%swap3A_12], %swap3A_15 {strides = array<i32>} : memref<128xf32, #tpu.memory_space<vmem>>, vector<16xf32>,
    %swap3A_16 = arith.constant 32 : index
    %swap3A_17 = tpu.vector_load %arg10[%swap3A_16] {strides = array<i32>} : memref<128xf32, #tpu.memory_space<vmem>>, vector<16xf32>,
    %swap3A_18 = vector.shape_cast %swap3A_17 : vector<16xf32> to vector<16xf32>
    %swap3A_19 = vector.shape_cast %broadcast_in_dim3A_2 : vector<16xf32> to vector<16xf32>
    tpu.vector_store %arg10[%swap3A_16], %swap3A_19 {strides = array<i32>} : memref<128xf32, #tpu.memory_space<vmem>>, vector<16xf32>,
    %swap3A_20 = arith.constant 48 : index
    %swap3A_21 = tpu.vector_load %arg10[%swap3A_20] {strides = array<i32>} : memref<128xf32, #tpu.memory_space<vmem>>, vector<16xf32>,
    %swap3A_22 = vector.shape_cast %swap3A_21 : vector<16xf32> to vector<16xf32>
    %swap3A_23 = vector.shape_cast %broadcast_in_dim3A_2 : vector<16xf32> to vector<16xf32>
    tpu.vector_store %arg10[%swap3A_20], %swap3A_23 {strides = array<i32>} : memref<128xf32, #tpu.memory_space<vmem>>, vector<16xf32>,
    %swap3A_24 = arith.constant 64 : index
    %swap3A_25 = tpu.vector_load %arg10[%swap3A_24] {strides = array<i32>} : memref<128xf32, #tpu.memory_space<vmem>>, vector<16xf32>,
    %swap3A_26 = vector.shape_cast %swap3A_25 : vector<16xf32> to vector<16xf32>
    %swap3A_27 = vector.shape_cast %broadcast_in_dim3A_2 : vector<16xf32> to vector<16xf32>
    tpu.vector_store %arg10[%swap3A_24], %swap3A_27 {strides = array<i32>} : memref<128xf32, #tpu.memory_space<vmem>>, vector<16xf32>,
    %swap3A_28 = arith.constant 80 : index
    %swap3A_29 = tpu.vector_load %arg10[%swap3A_28] {strides = array<i32>} : memref<128xf32, #tpu.memory_space<vmem>>, vector<16xf32>,
    %swap3A_30 = vector.shape_cast %swap3A_29 : vector<16xf32> to vector<16xf32>
    %swap3A_31 = vector.shape_cast %broadcast_in_dim3A_2 : vector<16xf32> to vector<16xf32>
    tpu.vector_store %arg10[%swap3A_28], %swap3A_31 {strides = array<i32>} : memref<128xf32, #tpu.memory_space<vmem>>, vector<16xf32>,
    %swap3A_32 = arith.constant 96 : index
    %swap3A_33 = tpu.vector_load %arg10[%swap3A_32] {strides = array<i32>} : memref<128xf32, #tpu.memory_space<vmem>>, vector<16xf32>,
    %swap3A_34 = vector.shape_cast %swap3A_33 : vector<16xf32> to vector<16xf32>
    %swap3A_35 = vector.shape_cast %broadcast_in_dim3A_2 : vector<16xf32> to vector<16xf32>
    tpu.vector_store %arg10[%swap3A_32], %swap3A_35 {strides = array<i32>} : memref<128xf32, #tpu.memory_space<vmem>>, vector<16xf32>,
    %swap3A_36 = arith.constant 112 : index
    %swap3A_37 = tpu.vector_load %arg10[%swap3A_36] {strides = array<i32>} : memref<128xf32, #tpu.memory_space<vmem>>, vector<16xf32>,
    %swap3A_38 = vector.shape_cast %swap3A_37 : vector<16xf32> to vector<16xf32>
    %swap3A_39 = vector.shape_cast %broadcast_in_dim3A_2 : vector<16xf32> to vector<16xf32>
    tpu.vector_store %arg10[%swap3A_36], %swap3A_39 {strides = array<i32>} : memref<128xf32, #tpu.memory_space<vmem>>, vector<16xf32>,
    %mul3A = arith.constant 10 : i32
    %mul3A_40 = arith.muli %arg0, %mul3A : i32
    %add3A = arith.constant 0 : i32
    %add3A_41 = arith.addi %mul3A_40, %add3A : i32
    %mul3A_42 = arith.constant 32256 : i32
    %mul3A_43 = arith.muli %arg1, %mul3A_42 : i32
    "tpu.region"() ({
      %run_scoped3A = tpu.sem_alloc : memref<!tpu.dma_semaphore, #tpu.memory_space<semaphore_mem>>
      %dma_start3A_199 = tpu.memref_slice %arg11[%mul3A_43] : memref<516104xf32, #tpu.memory_space<vmem_shared>> -> memref<32256xf32, #tpu.memory_space<vmem_shared>>
      %dma_start3A_200 = tpu.memref_slice %arg11[%mul3A_43] : memref<516104xf32, #tpu.memory_space<vmem_shared>> -> memref<32256xf32, #tpu.memory_space<vmem_shared>>
      tpu.enqueue_dma source(%arg5 : memref<32256xf32, #tpu.memory_space<vmem>>) target(%dma_start3A_200 : memref<32256xf32, #tpu.memory_space<vmem_shared>>) target_semaphore(%run_scoped3A : memref<!tpu.dma_semaphore, #tpu.memory_space<semaphore_mem>>)
      %dma_wait3A_201 = tpu.memref_slice %arg11[%mul3A_43] : memref<516104xf32, #tpu.memory_space<vmem_shared>> -> memref<32256xf32, #tpu.memory_space<vmem_shared>>
      %dma_wait3A_202 = tpu.memref_slice %arg11[%mul3A_43] : memref<516104xf32, #tpu.memory_space<vmem_shared>> -> memref<32256xf32, #tpu.memory_space<vmem_shared>>
      tpu.wait_dma2 semaphore(%run_scoped3A : memref<!tpu.dma_semaphore, #tpu.memory_space<semaphore_mem>>) src(%arg5 : memref<32256xf32, #tpu.memory_space<vmem>>) dst(%dma_wait3A_202 : memref<32256xf32, #tpu.memory_space<vmem_shared>>)
      tpu.yield
    }) : () -> ()
    %mul3A_44 = arith.constant 16000 : i32
    %mul3A_45 = arith.muli %add3A_41, %mul3A_44 : i32
    %mul3A_46 = arith.constant 2000 : i32
    %mul3A_47 = arith.muli %arg1, %mul3A_46 : i32
    %add3A_48 = arith.addi %mul3A_45, %mul3A_47 : i32
    "tpu.region"() ({
      %run_scoped3A = tpu.sem_alloc : memref<!tpu.dma_semaphore, #tpu.memory_space<semaphore_mem>>
      %dma_start3A_199 = arith.constant 0 : i32
      %dma_start3A_200 = tpu.memref_slice %arg7[%dma_start3A_199] : memref<2048xi32, #tpu.memory_space<vmem>> -> memref<2000xi32, #tpu.memory_space<vmem>>
      %dma_start3A_201 = tpu.memref_slice %arg2[%add3A_48] : memref<320000xi32, #tpu.memory_space<hbm>> -> memref<2000xi32, #tpu.memory_space<hbm>>
      %dma_start3A_202 = arith.constant 0 : i32
      %dma_start3A_203 = tpu.memref_slice %arg7[%dma_start3A_202] : memref<2048xi32, #tpu.memory_space<vmem>> -> memref<2000xi32, #tpu.memory_space<vmem>>
      %dma_start3A_204 = tpu.memref_slice %arg2[%add3A_48] : memref<320000xi32, #tpu.memory_space<hbm>> -> memref<2000xi32, #tpu.memory_space<hbm>>
      tpu.enqueue_dma source(%dma_start3A_204 : memref<2000xi32, #tpu.memory_space<hbm>>) target(%dma_start3A_203 : memref<2000xi32, #tpu.memory_space<vmem>>) target_semaphore(%run_scoped3A : memref<!tpu.dma_semaphore, #tpu.memory_space<semaphore_mem>>)
      %dma_wait3A_205 = arith.constant 0 : i32
      %dma_wait3A_206 = tpu.memref_slice %arg7[%dma_wait3A_205] : memref<2048xi32, #tpu.memory_space<vmem>> -> memref<2000xi32, #tpu.memory_space<vmem>>
      %dma_wait3A_207 = tpu.memref_slice %arg2[%add3A_48] : memref<320000xi32, #tpu.memory_space<hbm>> -> memref<2000xi32, #tpu.memory_space<hbm>>
      %dma_wait3A_208 = arith.constant 0 : i32
      %dma_wait3A_209 = tpu.memref_slice %arg7[%dma_wait3A_208] : memref<2048xi32, #tpu.memory_space<vmem>> -> memref<2000xi32, #tpu.memory_space<vmem>>
      %dma_wait3A_210 = tpu.memref_slice %arg2[%add3A_48] : memref<320000xi32, #tpu.memory_space<hbm>> -> memref<2000xi32, #tpu.memory_space<hbm>>
      tpu.wait_dma2 semaphore(%run_scoped3A : memref<!tpu.dma_semaphore, #tpu.memory_space<semaphore_mem>>) src(%dma_wait3A_210 : memref<2000xi32, #tpu.memory_space<hbm>>) dst(%dma_wait3A_209 : memref<2000xi32, #tpu.memory_space<vmem>>)
      tpu.yield
    }) : () -> ()
    "tpu.region"() ({
      %run_scoped3A = tpu.sem_alloc : memref<!tpu.dma_semaphore, #tpu.memory_space<semaphore_mem>>
      %dma_start3A_199 = arith.constant 0 : i32
      %dma_start3A_200 = tpu.memref_slice %arg8[%dma_start3A_199] : memref<2048xi32, #tpu.memory_space<vmem>> -> memref<2000xi32, #tpu.memory_space<vmem>>
      %dma_start3A_201 = tpu.memref_slice %arg3[%add3A_48] : memref<320000xi32, #tpu.memory_space<hbm>> -> memref<2000xi32, #tpu.memory_space<hbm>>
      %dma_start3A_202 = arith.constant 0 : i32
      %dma_start3A_203 = tpu.memref_slice %arg8[%dma_start3A_202] : memref<2048xi32, #tpu.memory_space<vmem>> -> memref<2000xi32, #tpu.memory_space<vmem>>
      %dma_start3A_204 = tpu.memref_slice %arg3[%add3A_48] : memref<320000xi32, #tpu.memory_space<hbm>> -> memref<2000xi32, #tpu.memory_space<hbm>>
      tpu.enqueue_dma source(%dma_start3A_204 : memref<2000xi32, #tpu.memory_space<hbm>>) target(%dma_start3A_203 : memref<2000xi32, #tpu.memory_space<vmem>>) target_semaphore(%run_scoped3A : memref<!tpu.dma_semaphore, #tpu.memory_space<semaphore_mem>>)
      %dma_wait3A_205 = arith.constant 0 : i32
      %dma_wait3A_206 = tpu.memref_slice %arg8[%dma_wait3A_205] : memref<2048xi32, #tpu.memory_space<vmem>> -> memref<2000xi32, #tpu.memory_space<vmem>>
      %dma_wait3A_207 = tpu.memref_slice %arg3[%add3A_48] : memref<320000xi32, #tpu.memory_space<hbm>> -> memref<2000xi32, #tpu.memory_space<hbm>>
      %dma_wait3A_208 = arith.constant 0 : i32
      %dma_wait3A_209 = tpu.memref_slice %arg8[%dma_wait3A_208] : memref<2048xi32, #tpu.memory_space<vmem>> -> memref<2000xi32, #tpu.memory_space<vmem>>
      %dma_wait3A_210 = tpu.memref_slice %arg3[%add3A_48] : memref<320000xi32, #tpu.memory_space<hbm>> -> memref<2000xi32, #tpu.memory_space<hbm>>
      tpu.wait_dma2 semaphore(%run_scoped3A : memref<!tpu.dma_semaphore, #tpu.memory_space<semaphore_mem>>) src(%dma_wait3A_210 : memref<2000xi32, #tpu.memory_space<hbm>>) dst(%dma_wait3A_209 : memref<2000xi32, #tpu.memory_space<vmem>>)
      tpu.yield
    }) : () -> ()
    %barrier3A = arith.constant 0 : index
    tpu.barrier barrier_id(%barrier3A)
    %iota3A = tpu.iota {dimensions = array<i32: 0>} : vector<16xi32>
    %scan3A_49 = arith.constant 0 : i32
    %scan3A_50 = arith.constant 0 : i32
    %scan3A_51 = arith.constant 16 : i32
    %scan3A_52 = arith.addi %scan3A_50, %scan3A_51 : i32
    %scan3A_53 = arith.constant 1 : i32
    %scan3A_54 = scf.for %scan3A_199 = %scan3A_50 to %scan3A_52 step %scan3A_53 iter_args(%scan3A_200 = %scan3A_49) -> (i32)  : i32 {
      %mul3A_201 = arith.constant 128 : i32
      %mul3A_202 = arith.muli %scan3A_199, %mul3A_201 : i32
      %add3A_203 = arith.constant 0 : i32
      %add3A_204 = arith.addi %mul3A_202, %add3A_203 : i32
      %get3A = arith.index_cast %add3A_204 : i32 to index
      %get3A_205 = tpu.vector_load %arg7[%get3A] {strides = array<i32>} : memref<2048xi32, #tpu.memory_space<vmem>>, vector<16xi32>,
      %get3A_206 = vector.shape_cast %get3A_205 : vector<16xi32> to vector<16xi32>
      %get3A_207 = arith.index_cast %add3A_204 : i32 to index
      %get3A_208 = tpu.vector_load %arg8[%get3A_207] {strides = array<i32>} : memref<2048xi32, #tpu.memory_space<vmem>>, vector<16xi32>,
      %get3A_209 = vector.shape_cast %get3A_208 : vector<16xi32> to vector<16xi32>
      %mul3A_210 = arith.constant 16778 : i32
      %mul3A_211 = vector.broadcast %mul3A_210 : i32 to vector<16xi32>
      %mul3A_212 = arith.muli %get3A_209, %mul3A_211 : vector<16xi32>
      %shift_right_logical3A = arith.constant 23 : i32
      %shift_right_logical3A_213 = vector.broadcast %shift_right_logical3A : i32 to vector<16xi32>
      %shift_right_logical3A_214 = arith.shrui %mul3A_212, %shift_right_logical3A_213 : vector<16xi32>
      %mul3A_215 = arith.constant 500 : i32
      %mul3A_216 = vector.broadcast %mul3A_215 : i32 to vector<16xi32>
      %mul3A_217 = arith.muli %shift_right_logical3A_214, %mul3A_216 : vector<16xi32>
      %sub3A = arith.subi %get3A_209, %mul3A_217 : vector<16xi32>
      %mul3A_218 = arith.constant 500 : i32
      %mul3A_219 = vector.broadcast %mul3A_218 : i32 to vector<16xi32>
      %mul3A_220 = arith.muli %shift_right_logical3A_214, %mul3A_219 : vector<16xi32>
      %sub3A_221 = arith.subi %get3A_206, %mul3A_220 : vector<16xi32>
      %sub3A_222 = vector.broadcast %add3A_41 : i32 to vector<16xi32>
      %sub3A_223 = arith.subi %shift_right_logical3A_214, %sub3A_222 : vector<16xi32>
      %mul3A_224 = arith.constant 258048 : i32
      %mul3A_225 = vector.broadcast %mul3A_224 : i32 to vector<16xi32>
      %mul3A_226 = arith.muli %sub3A_223, %mul3A_225 : vector<16xi32>
      %shift_right_logical3A_227 = arith.constant 3 : i32
      %shift_right_logical3A_228 = vector.broadcast %shift_right_logical3A_227 : i32 to vector<16xi32>
      %shift_right_logical3A_229 = arith.shrui %sub3A, %shift_right_logical3A_228 : vector<16xi32>
      %mul3A_230 = arith.constant 4 : i32
      %mul3A_231 = vector.broadcast %mul3A_230 : i32 to vector<16xi32>
      %mul3A_232 = arith.muli %shift_right_logical3A_229, %mul3A_231 : vector<16xi32>
      %shift_right_logical3A_233 = arith.constant 7 : i32
      %shift_right_logical3A_234 = vector.broadcast %shift_right_logical3A_233 : i32 to vector<16xi32>
      %shift_right_logical3A_235 = arith.shrui %sub3A_221, %shift_right_logical3A_234 : vector<16xi32>
      %add3A_236 = arith.addi %mul3A_232, %shift_right_logical3A_235 : vector<16xi32>
      %mul3A_237 = arith.constant 1024 : i32
      %mul3A_238 = vector.broadcast %mul3A_237 : i32 to vector<16xi32>
      %mul3A_239 = arith.muli %add3A_236, %mul3A_238 : vector<16xi32>
      %add3A_240 = arith.addi %mul3A_226, %mul3A_239 : vector<16xi32>
      %and3A = arith.constant 7 : i32
      %and3A_241 = vector.broadcast %and3A : i32 to vector<16xi32>
      %and3A_242 = arith.andi %sub3A, %and3A_241 : vector<16xi32>
      %mul3A_243 = arith.constant 128 : i32
      %mul3A_244 = vector.broadcast %mul3A_243 : i32 to vector<16xi32>
      %mul3A_245 = arith.muli %and3A_242, %mul3A_244 : vector<16xi32>
      %add3A_246 = arith.addi %add3A_240, %mul3A_245 : vector<16xi32>
      %and3A_247 = arith.constant 127 : i32
      %and3A_248 = vector.broadcast %and3A_247 : i32 to vector<16xi32>
      %and3A_249 = arith.andi %sub3A_221, %and3A_248 : vector<16xi32>
      %add3A_250 = arith.addi %add3A_246, %and3A_249 : vector<16xi32>
      %add3A_251 = vector.broadcast %add3A_204 : i32 to vector<16xi32>
      %add3A_252 = arith.addi %add3A_251, %iota3A : vector<16xi32>
      %lt3A = arith.constant 2000 : i32
      %lt3A_253 = vector.broadcast %lt3A : i32 to vector<16xi32>
      %lt3A_254 = arith.cmpi slt, %add3A_252, %lt3A_253 : vector<16xi32>
      %jit3A = arith.constant 516096 : i32
      %broadcast_in_dim3A_255 = vector.broadcast %jit3A : i32 to vector<16xi32>
      %select_n3A = arith.select %lt3A_254, %add3A_250, %broadcast_in_dim3A_255 : vector<16xi1>, vector<16xi32>
      %swap3A_256 = arith.constant 0 : index
      %swap3A_257 = tpu.vector_load %arg9[%swap3A_256] {strides = array<i32>} : memref<128xi32, #tpu.memory_space<vmem>>, vector<16xi32>,
      %swap3A_258 = vector.shape_cast %swap3A_257 : vector<16xi32> to vector<16xi32>
      %swap3A_259 = vector.shape_cast %select_n3A : vector<16xi32> to vector<16xi32>
      tpu.vector_store %arg9[%swap3A_256], %swap3A_259 {strides = array<i32>} : memref<128xi32, #tpu.memory_space<vmem>>, vector<16xi32>,
      %mul3A_260 = arith.constant 128 : i32
      %mul3A_261 = arith.muli %scan3A_199, %mul3A_260 : i32
      %add3A_262 = arith.constant 16 : i32
      %add3A_263 = arith.addi %mul3A_261, %add3A_262 : i32
      %get3A_264 = arith.index_cast %add3A_263 : i32 to index
      %get3A_265 = tpu.vector_load %arg7[%get3A_264] {strides = array<i32>} : memref<2048xi32, #tpu.memory_space<vmem>>, vector<16xi32>,
      %get3A_266 = vector.shape_cast %get3A_265 : vector<16xi32> to vector<16xi32>
      %get3A_267 = arith.index_cast %add3A_263 : i32 to index
      %get3A_268 = tpu.vector_load %arg8[%get3A_267] {strides = array<i32>} : memref<2048xi32, #tpu.memory_space<vmem>>, vector<16xi32>,
      %get3A_269 = vector.shape_cast %get3A_268 : vector<16xi32> to vector<16xi32>
      %mul3A_270 = arith.constant 16778 : i32
      %mul3A_271 = vector.broadcast %mul3A_270 : i32 to vector<16xi32>
      %mul3A_272 = arith.muli %get3A_269, %mul3A_271 : vector<16xi32>
      %shift_right_logical3A_273 = arith.constant 23 : i32
      %shift_right_logical3A_274 = vector.broadcast %shift_right_logical3A_273 : i32 to vector<16xi32>
      %shift_right_logical3A_275 = arith.shrui %mul3A_272, %shift_right_logical3A_274 : vector<16xi32>
      %mul3A_276 = arith.constant 500 : i32
      %mul3A_277 = vector.broadcast %mul3A_276 : i32 to vector<16xi32>
      %mul3A_278 = arith.muli %shift_right_logical3A_275, %mul3A_277 : vector<16xi32>
      %sub3A_279 = arith.subi %get3A_269, %mul3A_278 : vector<16xi32>
      %mul3A_280 = arith.constant 500 : i32
      %mul3A_281 = vector.broadcast %mul3A_280 : i32 to vector<16xi32>
      %mul3A_282 = arith.muli %shift_right_logical3A_275, %mul3A_281 : vector<16xi32>
      %sub3A_283 = arith.subi %get3A_266, %mul3A_282 : vector<16xi32>
      %sub3A_284 = vector.broadcast %add3A_41 : i32 to vector<16xi32>
      %sub3A_285 = arith.subi %shift_right_logical3A_275, %sub3A_284 : vector<16xi32>
      %mul3A_286 = arith.constant 258048 : i32
      %mul3A_287 = vector.broadcast %mul3A_286 : i32 to vector<16xi32>
      %mul3A_288 = arith.muli %sub3A_285, %mul3A_287 : vector<16xi32>
      %shift_right_logical3A_289 = arith.constant 3 : i32
      %shift_right_logical3A_290 = vector.broadcast %shift_right_logical3A_289 : i32 to vector<16xi32>
      %shift_right_logical3A_291 = arith.shrui %sub3A_279, %shift_right_logical3A_290 : vector<16xi32>
      %mul3A_292 = arith.constant 4 : i32
      %mul3A_293 = vector.broadcast %mul3A_292 : i32 to vector<16xi32>
      %mul3A_294 = arith.muli %shift_right_logical3A_291, %mul3A_293 : vector<16xi32>
      %shift_right_logical3A_295 = arith.constant 7 : i32
      %shift_right_logical3A_296 = vector.broadcast %shift_right_logical3A_295 : i32 to vector<16xi32>
      %shift_right_logical3A_297 = arith.shrui %sub3A_283, %shift_right_logical3A_296 : vector<16xi32>
      %add3A_298 = arith.addi %mul3A_294, %shift_right_logical3A_297 : vector<16xi32>
      %mul3A_299 = arith.constant 1024 : i32
      %mul3A_300 = vector.broadcast %mul3A_299 : i32 to vector<16xi32>
      %mul3A_301 = arith.muli %add3A_298, %mul3A_300 : vector<16xi32>
      %add3A_302 = arith.addi %mul3A_288, %mul3A_301 : vector<16xi32>
      %and3A_303 = arith.constant 7 : i32
      %and3A_304 = vector.broadcast %and3A_303 : i32 to vector<16xi32>
      %and3A_305 = arith.andi %sub3A_279, %and3A_304 : vector<16xi32>
      %mul3A_306 = arith.constant 128 : i32
      %mul3A_307 = vector.broadcast %mul3A_306 : i32 to vector<16xi32>
      %mul3A_308 = arith.muli %and3A_305, %mul3A_307 : vector<16xi32>
      %add3A_309 = arith.addi %add3A_302, %mul3A_308 : vector<16xi32>
      %and3A_310 = arith.constant 127 : i32
      %and3A_311 = vector.broadcast %and3A_310 : i32 to vector<16xi32>
      %and3A_312 = arith.andi %sub3A_283, %and3A_311 : vector<16xi32>
      %add3A_313 = arith.addi %add3A_309, %and3A_312 : vector<16xi32>
      %add3A_314 = vector.broadcast %add3A_263 : i32 to vector<16xi32>
      %add3A_315 = arith.addi %add3A_314, %iota3A : vector<16xi32>
      %lt3A_316 = arith.constant 2000 : i32
      %lt3A_317 = vector.broadcast %lt3A_316 : i32 to vector<16xi32>
      %lt3A_318 = arith.cmpi slt, %add3A_315, %lt3A_317 : vector<16xi32>
      %jit3A_319 = arith.constant 516096 : i32
      %broadcast_in_dim3A_320 = vector.broadcast %jit3A_319 : i32 to vector<16xi32>
      %select_n3A_321 = arith.select %lt3A_318, %add3A_313, %broadcast_in_dim3A_320 : vector<16xi1>, vector<16xi32>
      %swap3A_322 = arith.constant 16 : index
      %swap3A_323 = tpu.vector_load %arg9[%swap3A_322] {strides = array<i32>} : memref<128xi32, #tpu.memory_space<vmem>>, vector<16xi32>,
      %swap3A_324 = vector.shape_cast %swap3A_323 : vector<16xi32> to vector<16xi32>
      %swap3A_325 = vector.shape_cast %select_n3A_321 : vector<16xi32> to vector<16xi32>
      tpu.vector_store %arg9[%swap3A_322], %swap3A_325 {strides = array<i32>} : memref<128xi32, #tpu.memory_space<vmem>>, vector<16xi32>,
      %mul3A_326 = arith.constant 128 : i32
      %mul3A_327 = arith.muli %scan3A_199, %mul3A_326 : i32
      %add3A_328 = arith.constant 32 : i32
      %add3A_329 = arith.addi %mul3A_327, %add3A_328 : i32
      %get3A_330 = arith.index_cast %add3A_329 : i32 to index
      %get3A_331 = tpu.vector_load %arg7[%get3A_330] {strides = array<i32>} : memref<2048xi32, #tpu.memory_space<vmem>>, vector<16xi32>,
      %get3A_332 = vector.shape_cast %get3A_331 : vector<16xi32> to vector<16xi32>
      %get3A_333 = arith.index_cast %add3A_329 : i32 to index
      %get3A_334 = tpu.vector_load %arg8[%get3A_333] {strides = array<i32>} : memref<2048xi32, #tpu.memory_space<vmem>>, vector<16xi32>,
      %get3A_335 = vector.shape_cast %get3A_334 : vector<16xi32> to vector<16xi32>
      %mul3A_336 = arith.constant 16778 : i32
      %mul3A_337 = vector.broadcast %mul3A_336 : i32 to vector<16xi32>
      %mul3A_338 = arith.muli %get3A_335, %mul3A_337 : vector<16xi32>
      %shift_right_logical3A_339 = arith.constant 23 : i32
      %shift_right_logical3A_340 = vector.broadcast %shift_right_logical3A_339 : i32 to vector<16xi32>
      %shift_right_logical3A_341 = arith.shrui %mul3A_338, %shift_right_logical3A_340 : vector<16xi32>
      %mul3A_342 = arith.constant 500 : i32
      %mul3A_343 = vector.broadcast %mul3A_342 : i32 to vector<16xi32>
      %mul3A_344 = arith.muli %shift_right_logical3A_341, %mul3A_343 : vector<16xi32>
      %sub3A_345 = arith.subi %get3A_335, %mul3A_344 : vector<16xi32>
      %mul3A_346 = arith.constant 500 : i32
      %mul3A_347 = vector.broadcast %mul3A_346 : i32 to vector<16xi32>
      %mul3A_348 = arith.muli %shift_right_logical3A_341, %mul3A_347 : vector<16xi32>
      %sub3A_349 = arith.subi %get3A_332, %mul3A_348 : vector<16xi32>
      %sub3A_350 = vector.broadcast %add3A_41 : i32 to vector<16xi32>
      %sub3A_351 = arith.subi %shift_right_logical3A_341, %sub3A_350 : vector<16xi32>
      %mul3A_352 = arith.constant 258048 : i32
      %mul3A_353 = vector.broadcast %mul3A_352 : i32 to vector<16xi32>
      %mul3A_354 = arith.muli %sub3A_351, %mul3A_353 : vector<16xi32>
      %shift_right_logical3A_355 = arith.constant 3 : i32
      %shift_right_logical3A_356 = vector.broadcast %shift_right_logical3A_355 : i32 to vector<16xi32>
      %shift_right_logical3A_357 = arith.shrui %sub3A_345, %shift_right_logical3A_356 : vector<16xi32>
      %mul3A_358 = arith.constant 4 : i32
      %mul3A_359 = vector.broadcast %mul3A_358 : i32 to vector<16xi32>
      %mul3A_360 = arith.muli %shift_right_logical3A_357, %mul3A_359 : vector<16xi32>
      %shift_right_logical3A_361 = arith.constant 7 : i32
      %shift_right_logical3A_362 = vector.broadcast %shift_right_logical3A_361 : i32 to vector<16xi32>
      %shift_right_logical3A_363 = arith.shrui %sub3A_349, %shift_right_logical3A_362 : vector<16xi32>
      %add3A_364 = arith.addi %mul3A_360, %shift_right_logical3A_363 : vector<16xi32>
      %mul3A_365 = arith.constant 1024 : i32
      %mul3A_366 = vector.broadcast %mul3A_365 : i32 to vector<16xi32>
      %mul3A_367 = arith.muli %add3A_364, %mul3A_366 : vector<16xi32>
      %add3A_368 = arith.addi %mul3A_354, %mul3A_367 : vector<16xi32>
      %and3A_369 = arith.constant 7 : i32
      %and3A_370 = vector.broadcast %and3A_369 : i32 to vector<16xi32>
      %and3A_371 = arith.andi %sub3A_345, %and3A_370 : vector<16xi32>
      %mul3A_372 = arith.constant 128 : i32
      %mul3A_373 = vector.broadcast %mul3A_372 : i32 to vector<16xi32>
      %mul3A_374 = arith.muli %and3A_371, %mul3A_373 : vector<16xi32>
      %add3A_375 = arith.addi %add3A_368, %mul3A_374 : vector<16xi32>
      %and3A_376 = arith.constant 127 : i32
      %and3A_377 = vector.broadcast %and3A_376 : i32 to vector<16xi32>
      %and3A_378 = arith.andi %sub3A_349, %and3A_377 : vector<16xi32>
      %add3A_379 = arith.addi %add3A_375, %and3A_378 : vector<16xi32>
      %add3A_380 = vector.broadcast %add3A_329 : i32 to vector<16xi32>
      %add3A_381 = arith.addi %add3A_380, %iota3A : vector<16xi32>
      %lt3A_382 = arith.constant 2000 : i32
      %lt3A_383 = vector.broadcast %lt3A_382 : i32 to vector<16xi32>
      %lt3A_384 = arith.cmpi slt, %add3A_381, %lt3A_383 : vector<16xi32>
      %jit3A_385 = arith.constant 516096 : i32
      %broadcast_in_dim3A_386 = vector.broadcast %jit3A_385 : i32 to vector<16xi32>
      %select_n3A_387 = arith.select %lt3A_384, %add3A_379, %broadcast_in_dim3A_386 : vector<16xi1>, vector<16xi32>
      %swap3A_388 = arith.constant 32 : index
      %swap3A_389 = tpu.vector_load %arg9[%swap3A_388] {strides = array<i32>} : memref<128xi32, #tpu.memory_space<vmem>>, vector<16xi32>,
      %swap3A_390 = vector.shape_cast %swap3A_389 : vector<16xi32> to vector<16xi32>
      %swap3A_391 = vector.shape_cast %select_n3A_387 : vector<16xi32> to vector<16xi32>
      tpu.vector_store %arg9[%swap3A_388], %swap3A_391 {strides = array<i32>} : memref<128xi32, #tpu.memory_space<vmem>>, vector<16xi32>,
      %mul3A_392 = arith.constant 128 : i32
      %mul3A_393 = arith.muli %scan3A_199, %mul3A_392 : i32
      %add3A_394 = arith.constant 48 : i32
      %add3A_395 = arith.addi %mul3A_393, %add3A_394 : i32
      %get3A_396 = arith.index_cast %add3A_395 : i32 to index
      %get3A_397 = tpu.vector_load %arg7[%get3A_396] {strides = array<i32>} : memref<2048xi32, #tpu.memory_space<vmem>>, vector<16xi32>,
      %get3A_398 = vector.shape_cast %get3A_397 : vector<16xi32> to vector<16xi32>
      %get3A_399 = arith.index_cast %add3A_395 : i32 to index
      %get3A_400 = tpu.vector_load %arg8[%get3A_399] {strides = array<i32>} : memref<2048xi32, #tpu.memory_space<vmem>>, vector<16xi32>,
      %get3A_401 = vector.shape_cast %get3A_400 : vector<16xi32> to vector<16xi32>
      %mul3A_402 = arith.constant 16778 : i32
      %mul3A_403 = vector.broadcast %mul3A_402 : i32 to vector<16xi32>
      %mul3A_404 = arith.muli %get3A_401, %mul3A_403 : vector<16xi32>
      %shift_right_logical3A_405 = arith.constant 23 : i32
      %shift_right_logical3A_406 = vector.broadcast %shift_right_logical3A_405 : i32 to vector<16xi32>
      %shift_right_logical3A_407 = arith.shrui %mul3A_404, %shift_right_logical3A_406 : vector<16xi32>
      %mul3A_408 = arith.constant 500 : i32
      %mul3A_409 = vector.broadcast %mul3A_408 : i32 to vector<16xi32>
      %mul3A_410 = arith.muli %shift_right_logical3A_407, %mul3A_409 : vector<16xi32>
      %sub3A_411 = arith.subi %get3A_401, %mul3A_410 : vector<16xi32>
      %mul3A_412 = arith.constant 500 : i32
      %mul3A_413 = vector.broadcast %mul3A_412 : i32 to vector<16xi32>
      %mul3A_414 = arith.muli %shift_right_logical3A_407, %mul3A_413 : vector<16xi32>
      %sub3A_415 = arith.subi %get3A_398, %mul3A_414 : vector<16xi32>
      %sub3A_416 = vector.broadcast %add3A_41 : i32 to vector<16xi32>
      %sub3A_417 = arith.subi %shift_right_logical3A_407, %sub3A_416 : vector<16xi32>
      %mul3A_418 = arith.constant 258048 : i32
      %mul3A_419 = vector.broadcast %mul3A_418 : i32 to vector<16xi32>
      %mul3A_420 = arith.muli %sub3A_417, %mul3A_419 : vector<16xi32>
      %shift_right_logical3A_421 = arith.constant 3 : i32
      %shift_right_logical3A_422 = vector.broadcast %shift_right_logical3A_421 : i32 to vector<16xi32>
      %shift_right_logical3A_423 = arith.shrui %sub3A_411, %shift_right_logical3A_422 : vector<16xi32>
      %mul3A_424 = arith.constant 4 : i32
      %mul3A_425 = vector.broadcast %mul3A_424 : i32 to vector<16xi32>
      %mul3A_426 = arith.muli %shift_right_logical3A_423, %mul3A_425 : vector<16xi32>
      %shift_right_logical3A_427 = arith.constant 7 : i32
      %shift_right_logical3A_428 = vector.broadcast %shift_right_logical3A_427 : i32 to vector<16xi32>
      %shift_right_logical3A_429 = arith.shrui %sub3A_415, %shift_right_logical3A_428 : vector<16xi32>
      %add3A_430 = arith.addi %mul3A_426, %shift_right_logical3A_429 : vector<16xi32>
      %mul3A_431 = arith.constant 1024 : i32
      %mul3A_432 = vector.broadcast %mul3A_431 : i32 to vector<16xi32>
      %mul3A_433 = arith.muli %add3A_430, %mul3A_432 : vector<16xi32>
      %add3A_434 = arith.addi %mul3A_420, %mul3A_433 : vector<16xi32>
      %and3A_435 = arith.constant 7 : i32
      %and3A_436 = vector.broadcast %and3A_435 : i32 to vector<16xi32>
      %and3A_437 = arith.andi %sub3A_411, %and3A_436 : vector<16xi32>
      %mul3A_438 = arith.constant 128 : i32
      %mul3A_439 = vector.broadcast %mul3A_438 : i32 to vector<16xi32>
      %mul3A_440 = arith.muli %and3A_437, %mul3A_439 : vector<16xi32>
      %add3A_441 = arith.addi %add3A_434, %mul3A_440 : vector<16xi32>
      %and3A_442 = arith.constant 127 : i32
      %and3A_443 = vector.broadcast %and3A_442 : i32 to vector<16xi32>
      %and3A_444 = arith.andi %sub3A_415, %and3A_443 : vector<16xi32>
      %add3A_445 = arith.addi %add3A_441, %and3A_444 : vector<16xi32>
      %add3A_446 = vector.broadcast %add3A_395 : i32 to vector<16xi32>
      %add3A_447 = arith.addi %add3A_446, %iota3A : vector<16xi32>
      %lt3A_448 = arith.constant 2000 : i32
      %lt3A_449 = vector.broadcast %lt3A_448 : i32 to vector<16xi32>
      %lt3A_450 = arith.cmpi slt, %add3A_447, %lt3A_449 : vector<16xi32>
      %jit3A_451 = arith.constant 516096 : i32
      %broadcast_in_dim3A_452 = vector.broadcast %jit3A_451 : i32 to vector<16xi32>
      %select_n3A_453 = arith.select %lt3A_450, %add3A_445, %broadcast_in_dim3A_452 : vector<16xi1>, vector<16xi32>
      %swap3A_454 = arith.constant 48 : index
      %swap3A_455 = tpu.vector_load %arg9[%swap3A_454] {strides = array<i32>} : memref<128xi32, #tpu.memory_space<vmem>>, vector<16xi32>,
      %swap3A_456 = vector.shape_cast %swap3A_455 : vector<16xi32> to vector<16xi32>
      %swap3A_457 = vector.shape_cast %select_n3A_453 : vector<16xi32> to vector<16xi32>
      tpu.vector_store %arg9[%swap3A_454], %swap3A_457 {strides = array<i32>} : memref<128xi32, #tpu.memory_space<vmem>>, vector<16xi32>,
      %mul3A_458 = arith.constant 128 : i32
      %mul3A_459 = arith.muli %scan3A_199, %mul3A_458 : i32
      %add3A_460 = arith.constant 64 : i32
      %add3A_461 = arith.addi %mul3A_459, %add3A_460 : i32
      %get3A_462 = arith.index_cast %add3A_461 : i32 to index
      %get3A_463 = tpu.vector_load %arg7[%get3A_462] {strides = array<i32>} : memref<2048xi32, #tpu.memory_space<vmem>>, vector<16xi32>,
      %get3A_464 = vector.shape_cast %get3A_463 : vector<16xi32> to vector<16xi32>
      %get3A_465 = arith.index_cast %add3A_461 : i32 to index
      %get3A_466 = tpu.vector_load %arg8[%get3A_465] {strides = array<i32>} : memref<2048xi32, #tpu.memory_space<vmem>>, vector<16xi32>,
      %get3A_467 = vector.shape_cast %get3A_466 : vector<16xi32> to vector<16xi32>
      %mul3A_468 = arith.constant 16778 : i32
      %mul3A_469 = vector.broadcast %mul3A_468 : i32 to vector<16xi32>
      %mul3A_470 = arith.muli %get3A_467, %mul3A_469 : vector<16xi32>
      %shift_right_logical3A_471 = arith.constant 23 : i32
      %shift_right_logical3A_472 = vector.broadcast %shift_right_logical3A_471 : i32 to vector<16xi32>
      %shift_right_logical3A_473 = arith.shrui %mul3A_470, %shift_right_logical3A_472 : vector<16xi32>
      %mul3A_474 = arith.constant 500 : i32
      %mul3A_475 = vector.broadcast %mul3A_474 : i32 to vector<16xi32>
      %mul3A_476 = arith.muli %shift_right_logical3A_473, %mul3A_475 : vector<16xi32>
      %sub3A_477 = arith.subi %get3A_467, %mul3A_476 : vector<16xi32>
      %mul3A_478 = arith.constant 500 : i32
      %mul3A_479 = vector.broadcast %mul3A_478 : i32 to vector<16xi32>
      %mul3A_480 = arith.muli %shift_right_logical3A_473, %mul3A_479 : vector<16xi32>
      %sub3A_481 = arith.subi %get3A_464, %mul3A_480 : vector<16xi32>
      %sub3A_482 = vector.broadcast %add3A_41 : i32 to vector<16xi32>
      %sub3A_483 = arith.subi %shift_right_logical3A_473, %sub3A_482 : vector<16xi32>
      %mul3A_484 = arith.constant 258048 : i32
      %mul3A_485 = vector.broadcast %mul3A_484 : i32 to vector<16xi32>
      %mul3A_486 = arith.muli %sub3A_483, %mul3A_485 : vector<16xi32>
      %shift_right_logical3A_487 = arith.constant 3 : i32
      %shift_right_logical3A_488 = vector.broadcast %shift_right_logical3A_487 : i32 to vector<16xi32>
      %shift_right_logical3A_489 = arith.shrui %sub3A_477, %shift_right_logical3A_488 : vector<16xi32>
      %mul3A_490 = arith.constant 4 : i32
      %mul3A_491 = vector.broadcast %mul3A_490 : i32 to vector<16xi32>
      %mul3A_492 = arith.muli %shift_right_logical3A_489, %mul3A_491 : vector<16xi32>
      %shift_right_logical3A_493 = arith.constant 7 : i32
      %shift_right_logical3A_494 = vector.broadcast %shift_right_logical3A_493 : i32 to vector<16xi32>
      %shift_right_logical3A_495 = arith.shrui %sub3A_481, %shift_right_logical3A_494 : vector<16xi32>
      %add3A_496 = arith.addi %mul3A_492, %shift_right_logical3A_495 : vector<16xi32>
      %mul3A_497 = arith.constant 1024 : i32
      %mul3A_498 = vector.broadcast %mul3A_497 : i32 to vector<16xi32>
      %mul3A_499 = arith.muli %add3A_496, %mul3A_498 : vector<16xi32>
      %add3A_500 = arith.addi %mul3A_486, %mul3A_499 : vector<16xi32>
      %and3A_501 = arith.constant 7 : i32
      %and3A_502 = vector.broadcast %and3A_501 : i32 to vector<16xi32>
      %and3A_503 = arith.andi %sub3A_477, %and3A_502 : vector<16xi32>
      %mul3A_504 = arith.constant 128 : i32
      %mul3A_505 = vector.broadcast %mul3A_504 : i32 to vector<16xi32>
      %mul3A_506 = arith.muli %and3A_503, %mul3A_505 : vector<16xi32>
      %add3A_507 = arith.addi %add3A_500, %mul3A_506 : vector<16xi32>
      %and3A_508 = arith.constant 127 : i32
      %and3A_509 = vector.broadcast %and3A_508 : i32 to vector<16xi32>
      %and3A_510 = arith.andi %sub3A_481, %and3A_509 : vector<16xi32>
      %add3A_511 = arith.addi %add3A_507, %and3A_510 : vector<16xi32>
      %add3A_512 = vector.broadcast %add3A_461 : i32 to vector<16xi32>
      %add3A_513 = arith.addi %add3A_512, %iota3A : vector<16xi32>
      %lt3A_514 = arith.constant 2000 : i32
      %lt3A_515 = vector.broadcast %lt3A_514 : i32 to vector<16xi32>
      %lt3A_516 = arith.cmpi slt, %add3A_513, %lt3A_515 : vector<16xi32>
      %jit3A_517 = arith.constant 516096 : i32
      %broadcast_in_dim3A_518 = vector.broadcast %jit3A_517 : i32 to vector<16xi32>
      %select_n3A_519 = arith.select %lt3A_516, %add3A_511, %broadcast_in_dim3A_518 : vector<16xi1>, vector<16xi32>
      %swap3A_520 = arith.constant 64 : index
      %swap3A_521 = tpu.vector_load %arg9[%swap3A_520] {strides = array<i32>} : memref<128xi32, #tpu.memory_space<vmem>>, vector<16xi32>,
      %swap3A_522 = vector.shape_cast %swap3A_521 : vector<16xi32> to vector<16xi32>
      %swap3A_523 = vector.shape_cast %select_n3A_519 : vector<16xi32> to vector<16xi32>
      tpu.vector_store %arg9[%swap3A_520], %swap3A_523 {strides = array<i32>} : memref<128xi32, #tpu.memory_space<vmem>>, vector<16xi32>,
      %mul3A_524 = arith.constant 128 : i32
      %mul3A_525 = arith.muli %scan3A_199, %mul3A_524 : i32
      %add3A_526 = arith.constant 80 : i32
      %add3A_527 = arith.addi %mul3A_525, %add3A_526 : i32
      %get3A_528 = arith.index_cast %add3A_527 : i32 to index
      %get3A_529 = tpu.vector_load %arg7[%get3A_528] {strides = array<i32>} : memref<2048xi32, #tpu.memory_space<vmem>>, vector<16xi32>,
      %get3A_530 = vector.shape_cast %get3A_529 : vector<16xi32> to vector<16xi32>
      %get3A_531 = arith.index_cast %add3A_527 : i32 to index
      %get3A_532 = tpu.vector_load %arg8[%get3A_531] {strides = array<i32>} : memref<2048xi32, #tpu.memory_space<vmem>>, vector<16xi32>,
      %get3A_533 = vector.shape_cast %get3A_532 : vector<16xi32> to vector<16xi32>
      %mul3A_534 = arith.constant 16778 : i32
      %mul3A_535 = vector.broadcast %mul3A_534 : i32 to vector<16xi32>
      %mul3A_536 = arith.muli %get3A_533, %mul3A_535 : vector<16xi32>
      %shift_right_logical3A_537 = arith.constant 23 : i32
      %shift_right_logical3A_538 = vector.broadcast %shift_right_logical3A_537 : i32 to vector<16xi32>
      %shift_right_logical3A_539 = arith.shrui %mul3A_536, %shift_right_logical3A_538 : vector<16xi32>
      %mul3A_540 = arith.constant 500 : i32
      %mul3A_541 = vector.broadcast %mul3A_540 : i32 to vector<16xi32>
      %mul3A_542 = arith.muli %shift_right_logical3A_539, %mul3A_541 : vector<16xi32>
      %sub3A_543 = arith.subi %get3A_533, %mul3A_542 : vector<16xi32>
      %mul3A_544 = arith.constant 500 : i32
      %mul3A_545 = vector.broadcast %mul3A_544 : i32 to vector<16xi32>
      %mul3A_546 = arith.muli %shift_right_logical3A_539, %mul3A_545 : vector<16xi32>
      %sub3A_547 = arith.subi %get3A_530, %mul3A_546 : vector<16xi32>
      %sub3A_548 = vector.broadcast %add3A_41 : i32 to vector<16xi32>
      %sub3A_549 = arith.subi %shift_right_logical3A_539, %sub3A_548 : vector<16xi32>
      %mul3A_550 = arith.constant 258048 : i32
      %mul3A_551 = vector.broadcast %mul3A_550 : i32 to vector<16xi32>
      %mul3A_552 = arith.muli %sub3A_549, %mul3A_551 : vector<16xi32>
      %shift_right_logical3A_553 = arith.constant 3 : i32
      %shift_right_logical3A_554 = vector.broadcast %shift_right_logical3A_553 : i32 to vector<16xi32>
      %shift_right_logical3A_555 = arith.shrui %sub3A_543, %shift_right_logical3A_554 : vector<16xi32>
      %mul3A_556 = arith.constant 4 : i32
      %mul3A_557 = vector.broadcast %mul3A_556 : i32 to vector<16xi32>
      %mul3A_558 = arith.muli %shift_right_logical3A_555, %mul3A_557 : vector<16xi32>
      %shift_right_logical3A_559 = arith.constant 7 : i32
      %shift_right_logical3A_560 = vector.broadcast %shift_right_logical3A_559 : i32 to vector<16xi32>
      %shift_right_logical3A_561 = arith.shrui %sub3A_547, %shift_right_logical3A_560 : vector<16xi32>
      %add3A_562 = arith.addi %mul3A_558, %shift_right_logical3A_561 : vector<16xi32>
      %mul3A_563 = arith.constant 1024 : i32
      %mul3A_564 = vector.broadcast %mul3A_563 : i32 to vector<16xi32>
      %mul3A_565 = arith.muli %add3A_562, %mul3A_564 : vector<16xi32>
      %add3A_566 = arith.addi %mul3A_552, %mul3A_565 : vector<16xi32>
      %and3A_567 = arith.constant 7 : i32
      %and3A_568 = vector.broadcast %and3A_567 : i32 to vector<16xi32>
      %and3A_569 = arith.andi %sub3A_543, %and3A_568 : vector<16xi32>
      %mul3A_570 = arith.constant 128 : i32
      %mul3A_571 = vector.broadcast %mul3A_570 : i32 to vector<16xi32>
      %mul3A_572 = arith.muli %and3A_569, %mul3A_571 : vector<16xi32>
      %add3A_573 = arith.addi %add3A_566, %mul3A_572 : vector<16xi32>
      %and3A_574 = arith.constant 127 : i32
      %and3A_575 = vector.broadcast %and3A_574 : i32 to vector<16xi32>
      %and3A_576 = arith.andi %sub3A_547, %and3A_575 : vector<16xi32>
      %add3A_577 = arith.addi %add3A_573, %and3A_576 : vector<16xi32>
      %add3A_578 = vector.broadcast %add3A_527 : i32 to vector<16xi32>
      %add3A_579 = arith.addi %add3A_578, %iota3A : vector<16xi32>
      %lt3A_580 = arith.constant 2000 : i32
      %lt3A_581 = vector.broadcast %lt3A_580 : i32 to vector<16xi32>
      %lt3A_582 = arith.cmpi slt, %add3A_579, %lt3A_581 : vector<16xi32>
      %jit3A_583 = arith.constant 516096 : i32
      %broadcast_in_dim3A_584 = vector.broadcast %jit3A_583 : i32 to vector<16xi32>
      %select_n3A_585 = arith.select %lt3A_582, %add3A_577, %broadcast_in_dim3A_584 : vector<16xi1>, vector<16xi32>
      %swap3A_586 = arith.constant 80 : index
      %swap3A_587 = tpu.vector_load %arg9[%swap3A_586] {strides = array<i32>} : memref<128xi32, #tpu.memory_space<vmem>>, vector<16xi32>,
      %swap3A_588 = vector.shape_cast %swap3A_587 : vector<16xi32> to vector<16xi32>
      %swap3A_589 = vector.shape_cast %select_n3A_585 : vector<16xi32> to vector<16xi32>
      tpu.vector_store %arg9[%swap3A_586], %swap3A_589 {strides = array<i32>} : memref<128xi32, #tpu.memory_space<vmem>>, vector<16xi32>,
      %mul3A_590 = arith.constant 128 : i32
      %mul3A_591 = arith.muli %scan3A_199, %mul3A_590 : i32
      %add3A_592 = arith.constant 96 : i32
      %add3A_593 = arith.addi %mul3A_591, %add3A_592 : i32
      %get3A_594 = arith.index_cast %add3A_593 : i32 to index
      %get3A_595 = tpu.vector_load %arg7[%get3A_594] {strides = array<i32>} : memref<2048xi32, #tpu.memory_space<vmem>>, vector<16xi32>,
      %get3A_596 = vector.shape_cast %get3A_595 : vector<16xi32> to vector<16xi32>
      %get3A_597 = arith.index_cast %add3A_593 : i32 to index
      %get3A_598 = tpu.vector_load %arg8[%get3A_597] {strides = array<i32>} : memref<2048xi32, #tpu.memory_space<vmem>>, vector<16xi32>,
      %get3A_599 = vector.shape_cast %get3A_598 : vector<16xi32> to vector<16xi32>
      %mul3A_600 = arith.constant 16778 : i32
      %mul3A_601 = vector.broadcast %mul3A_600 : i32 to vector<16xi32>
      %mul3A_602 = arith.muli %get3A_599, %mul3A_601 : vector<16xi32>
      %shift_right_logical3A_603 = arith.constant 23 : i32
      %shift_right_logical3A_604 = vector.broadcast %shift_right_logical3A_603 : i32 to vector<16xi32>
      %shift_right_logical3A_605 = arith.shrui %mul3A_602, %shift_right_logical3A_604 : vector<16xi32>
      %mul3A_606 = arith.constant 500 : i32
      %mul3A_607 = vector.broadcast %mul3A_606 : i32 to vector<16xi32>
      %mul3A_608 = arith.muli %shift_right_logical3A_605, %mul3A_607 : vector<16xi32>
      %sub3A_609 = arith.subi %get3A_599, %mul3A_608 : vector<16xi32>
      %mul3A_610 = arith.constant 500 : i32
      %mul3A_611 = vector.broadcast %mul3A_610 : i32 to vector<16xi32>
      %mul3A_612 = arith.muli %shift_right_logical3A_605, %mul3A_611 : vector<16xi32>
      %sub3A_613 = arith.subi %get3A_596, %mul3A_612 : vector<16xi32>
      %sub3A_614 = vector.broadcast %add3A_41 : i32 to vector<16xi32>
      %sub3A_615 = arith.subi %shift_right_logical3A_605, %sub3A_614 : vector<16xi32>
      %mul3A_616 = arith.constant 258048 : i32
      %mul3A_617 = vector.broadcast %mul3A_616 : i32 to vector<16xi32>
      %mul3A_618 = arith.muli %sub3A_615, %mul3A_617 : vector<16xi32>
      %shift_right_logical3A_619 = arith.constant 3 : i32
      %shift_right_logical3A_620 = vector.broadcast %shift_right_logical3A_619 : i32 to vector<16xi32>
      %shift_right_logical3A_621 = arith.shrui %sub3A_609, %shift_right_logical3A_620 : vector<16xi32>
      %mul3A_622 = arith.constant 4 : i32
      %mul3A_623 = vector.broadcast %mul3A_622 : i32 to vector<16xi32>
      %mul3A_624 = arith.muli %shift_right_logical3A_621, %mul3A_623 : vector<16xi32>
      %shift_right_logical3A_625 = arith.constant 7 : i32
      %shift_right_logical3A_626 = vector.broadcast %shift_right_logical3A_625 : i32 to vector<16xi32>
      %shift_right_logical3A_627 = arith.shrui %sub3A_613, %shift_right_logical3A_626 : vector<16xi32>
      %add3A_628 = arith.addi %mul3A_624, %shift_right_logical3A_627 : vector<16xi32>
      %mul3A_629 = arith.constant 1024 : i32
      %mul3A_630 = vector.broadcast %mul3A_629 : i32 to vector<16xi32>
      %mul3A_631 = arith.muli %add3A_628, %mul3A_630 : vector<16xi32>
      %add3A_632 = arith.addi %mul3A_618, %mul3A_631 : vector<16xi32>
      %and3A_633 = arith.constant 7 : i32
      %and3A_634 = vector.broadcast %and3A_633 : i32 to vector<16xi32>
      %and3A_635 = arith.andi %sub3A_609, %and3A_634 : vector<16xi32>
      %mul3A_636 = arith.constant 128 : i32
      %mul3A_637 = vector.broadcast %mul3A_636 : i32 to vector<16xi32>
      %mul3A_638 = arith.muli %and3A_635, %mul3A_637 : vector<16xi32>
      %add3A_639 = arith.addi %add3A_632, %mul3A_638 : vector<16xi32>
      %and3A_640 = arith.constant 127 : i32
      %and3A_641 = vector.broadcast %and3A_640 : i32 to vector<16xi32>
      %and3A_642 = arith.andi %sub3A_613, %and3A_641 : vector<16xi32>
      %add3A_643 = arith.addi %add3A_639, %and3A_642 : vector<16xi32>
      %add3A_644 = vector.broadcast %add3A_593 : i32 to vector<16xi32>
      %add3A_645 = arith.addi %add3A_644, %iota3A : vector<16xi32>
      %lt3A_646 = arith.constant 2000 : i32
      %lt3A_647 = vector.broadcast %lt3A_646 : i32 to vector<16xi32>
      %lt3A_648 = arith.cmpi slt, %add3A_645, %lt3A_647 : vector<16xi32>
      %jit3A_649 = arith.constant 516096 : i32
      %broadcast_in_dim3A_650 = vector.broadcast %jit3A_649 : i32 to vector<16xi32>
      %select_n3A_651 = arith.select %lt3A_648, %add3A_643, %broadcast_in_dim3A_650 : vector<16xi1>, vector<16xi32>
      %swap3A_652 = arith.constant 96 : index
      %swap3A_653 = tpu.vector_load %arg9[%swap3A_652] {strides = array<i32>} : memref<128xi32, #tpu.memory_space<vmem>>, vector<16xi32>,
      %swap3A_654 = vector.shape_cast %swap3A_653 : vector<16xi32> to vector<16xi32>
      %swap3A_655 = vector.shape_cast %select_n3A_651 : vector<16xi32> to vector<16xi32>
      tpu.vector_store %arg9[%swap3A_652], %swap3A_655 {strides = array<i32>} : memref<128xi32, #tpu.memory_space<vmem>>, vector<16xi32>,
      %mul3A_656 = arith.constant 128 : i32
      %mul3A_657 = arith.muli %scan3A_199, %mul3A_656 : i32
      %add3A_658 = arith.constant 112 : i32
      %add3A_659 = arith.addi %mul3A_657, %add3A_658 : i32
      %get3A_660 = arith.index_cast %add3A_659 : i32 to index
      %get3A_661 = tpu.vector_load %arg7[%get3A_660] {strides = array<i32>} : memref<2048xi32, #tpu.memory_space<vmem>>, vector<16xi32>,
      %get3A_662 = vector.shape_cast %get3A_661 : vector<16xi32> to vector<16xi32>
      %get3A_663 = arith.index_cast %add3A_659 : i32 to index
      %get3A_664 = tpu.vector_load %arg8[%get3A_663] {strides = array<i32>} : memref<2048xi32, #tpu.memory_space<vmem>>, vector<16xi32>,
      %get3A_665 = vector.shape_cast %get3A_664 : vector<16xi32> to vector<16xi32>
      %mul3A_666 = arith.constant 16778 : i32
      %mul3A_667 = vector.broadcast %mul3A_666 : i32 to vector<16xi32>
      %mul3A_668 = arith.muli %get3A_665, %mul3A_667 : vector<16xi32>
      %shift_right_logical3A_669 = arith.constant 23 : i32
      %shift_right_logical3A_670 = vector.broadcast %shift_right_logical3A_669 : i32 to vector<16xi32>
      %shift_right_logical3A_671 = arith.shrui %mul3A_668, %shift_right_logical3A_670 : vector<16xi32>
      %mul3A_672 = arith.constant 500 : i32
      %mul3A_673 = vector.broadcast %mul3A_672 : i32 to vector<16xi32>
      %mul3A_674 = arith.muli %shift_right_logical3A_671, %mul3A_673 : vector<16xi32>
      %sub3A_675 = arith.subi %get3A_665, %mul3A_674 : vector<16xi32>
      %mul3A_676 = arith.constant 500 : i32
      %mul3A_677 = vector.broadcast %mul3A_676 : i32 to vector<16xi32>
      %mul3A_678 = arith.muli %shift_right_logical3A_671, %mul3A_677 : vector<16xi32>
      %sub3A_679 = arith.subi %get3A_662, %mul3A_678 : vector<16xi32>
      %sub3A_680 = vector.broadcast %add3A_41 : i32 to vector<16xi32>
      %sub3A_681 = arith.subi %shift_right_logical3A_671, %sub3A_680 : vector<16xi32>
      %mul3A_682 = arith.constant 258048 : i32
      %mul3A_683 = vector.broadcast %mul3A_682 : i32 to vector<16xi32>
      %mul3A_684 = arith.muli %sub3A_681, %mul3A_683 : vector<16xi32>
      %shift_right_logical3A_685 = arith.constant 3 : i32
      %shift_right_logical3A_686 = vector.broadcast %shift_right_logical3A_685 : i32 to vector<16xi32>
      %shift_right_logical3A_687 = arith.shrui %sub3A_675, %shift_right_logical3A_686 : vector<16xi32>
      %mul3A_688 = arith.constant 4 : i32
      %mul3A_689 = vector.broadcast %mul3A_688 : i32 to vector<16xi32>
      %mul3A_690 = arith.muli %shift_right_logical3A_687, %mul3A_689 : vector<16xi32>
      %shift_right_logical3A_691 = arith.constant 7 : i32
      %shift_right_logical3A_692 = vector.broadcast %shift_right_logical3A_691 : i32 to vector<16xi32>
      %shift_right_logical3A_693 = arith.shrui %sub3A_679, %shift_right_logical3A_692 : vector<16xi32>
      %add3A_694 = arith.addi %mul3A_690, %shift_right_logical3A_693 : vector<16xi32>
      %mul3A_695 = arith.constant 1024 : i32
      %mul3A_696 = vector.broadcast %mul3A_695 : i32 to vector<16xi32>
      %mul3A_697 = arith.muli %add3A_694, %mul3A_696 : vector<16xi32>
      %add3A_698 = arith.addi %mul3A_684, %mul3A_697 : vector<16xi32>
      %and3A_699 = arith.constant 7 : i32
      %and3A_700 = vector.broadcast %and3A_699 : i32 to vector<16xi32>
      %and3A_701 = arith.andi %sub3A_675, %and3A_700 : vector<16xi32>
      %mul3A_702 = arith.constant 128 : i32
      %mul3A_703 = vector.broadcast %mul3A_702 : i32 to vector<16xi32>
      %mul3A_704 = arith.muli %and3A_701, %mul3A_703 : vector<16xi32>
      %add3A_705 = arith.addi %add3A_698, %mul3A_704 : vector<16xi32>
      %and3A_706 = arith.constant 127 : i32
      %and3A_707 = vector.broadcast %and3A_706 : i32 to vector<16xi32>
      %and3A_708 = arith.andi %sub3A_679, %and3A_707 : vector<16xi32>
      %add3A_709 = arith.addi %add3A_705, %and3A_708 : vector<16xi32>
      %add3A_710 = vector.broadcast %add3A_659 : i32 to vector<16xi32>
      %add3A_711 = arith.addi %add3A_710, %iota3A : vector<16xi32>
      %lt3A_712 = arith.constant 2000 : i32
      %lt3A_713 = vector.broadcast %lt3A_712 : i32 to vector<16xi32>
      %lt3A_714 = arith.cmpi slt, %add3A_711, %lt3A_713 : vector<16xi32>
      %jit3A_715 = arith.constant 516096 : i32
      %broadcast_in_dim3A_716 = vector.broadcast %jit3A_715 : i32 to vector<16xi32>
      %select_n3A_717 = arith.select %lt3A_714, %add3A_709, %broadcast_in_dim3A_716 : vector<16xi1>, vector<16xi32>
      %swap3A_718 = arith.constant 112 : index
      %swap3A_719 = tpu.vector_load %arg9[%swap3A_718] {strides = array<i32>} : memref<128xi32, #tpu.memory_space<vmem>>, vector<16xi32>,
      %swap3A_720 = vector.shape_cast %swap3A_719 : vector<16xi32> to vector<16xi32>
      %swap3A_721 = vector.shape_cast %select_n3A_717 : vector<16xi32> to vector<16xi32>
      tpu.vector_store %arg9[%swap3A_718], %swap3A_721 {strides = array<i32>} : memref<128xi32, #tpu.memory_space<vmem>>, vector<16xi32>,
      "tpu.region"() ({
        %run_scoped3A = tpu.sem_alloc : memref<!tpu.dma_semaphore, #tpu.memory_space<semaphore_mem>>
        %dma_start3A_723 = arith.constant 0 : i32
        %dma_start3A_724 = tpu.memref_slice %arg11[%dma_start3A_723] : memref<516104xf32, #tpu.memory_space<vmem_shared>> -> memref<516104xf32, #tpu.memory_space<vmem_shared>>
        tpu.enqueue_indirect_dma source(%arg10 : memref<128xf32, #tpu.memory_space<vmem>>) target(%dma_start3A_724 : memref<516104xf32, #tpu.memory_space<vmem_shared>>) offsets(%arg9 : memref<128xi32, #tpu.memory_space<vmem>>) semaphore(%run_scoped3A : memref<!tpu.dma_semaphore, #tpu.memory_space<semaphore_mem>>) {add = true}
        %dma_wait3A_725 = arith.constant 0 : i32
        %dma_wait3A_726 = tpu.memref_slice %arg11[%dma_wait3A_725] : memref<516104xf32, #tpu.memory_space<vmem_shared>> -> memref<516104xf32, #tpu.memory_space<vmem_shared>>
        tpu.wait_indirect_dma semaphore(%run_scoped3A : memref<!tpu.dma_semaphore, #tpu.memory_space<semaphore_mem>>) src(%arg10 : memref<128xf32, #tpu.memory_space<vmem>>) dst(%dma_wait3A_726 : memref<516104xf32, #tpu.memory_space<vmem_shared>>)
        tpu.yield
      }) : () -> ()
      %scan3A_722 = arith.constant 0 : i32
      scf.yield %scan3A_722 : i32
    }
    %scan3A_55 = arith.constant 16 : i32
    %barrier3A_56 = arith.constant 0 : index
    tpu.barrier barrier_id(%barrier3A_56)
    %mul3A_57 = arith.constant 258048 : i32
    %mul3A_58 = arith.muli %add3A_41, %mul3A_57 : i32
    %mul3A_59 = arith.constant 32256 : i32
    %mul3A_60 = arith.muli %arg1, %mul3A_59 : i32
    "tpu.region"() ({
      %run_scoped3A = tpu.sem_alloc : memref<!tpu.dma_semaphore, #tpu.memory_space<semaphore_mem>>
      %dma_start3A_199 = tpu.memref_slice %arg11[%mul3A_60] : memref<516104xf32, #tpu.memory_space<vmem_shared>> -> memref<32256xf32, #tpu.memory_space<vmem_shared>>
      %dma_start3A_200 = tpu.memref_slice %arg11[%mul3A_60] : memref<516104xf32, #tpu.memory_space<vmem_shared>> -> memref<32256xf32, #tpu.memory_space<vmem_shared>>
      tpu.enqueue_dma source(%dma_start3A_200 : memref<32256xf32, #tpu.memory_space<vmem_shared>>) target(%arg6 : memref<32256xf32, #tpu.memory_space<vmem>>) target_semaphore(%run_scoped3A : memref<!tpu.dma_semaphore, #tpu.memory_space<semaphore_mem>>)
      %dma_wait3A_201 = tpu.memref_slice %arg11[%mul3A_60] : memref<516104xf32, #tpu.memory_space<vmem_shared>> -> memref<32256xf32, #tpu.memory_space<vmem_shared>>
      %dma_wait3A_202 = tpu.memref_slice %arg11[%mul3A_60] : memref<516104xf32, #tpu.memory_space<vmem_shared>> -> memref<32256xf32, #tpu.memory_space<vmem_shared>>
      tpu.wait_dma2 semaphore(%run_scoped3A : memref<!tpu.dma_semaphore, #tpu.memory_space<semaphore_mem>>) src(%dma_wait3A_202 : memref<32256xf32, #tpu.memory_space<vmem_shared>>) dst(%arg6 : memref<32256xf32, #tpu.memory_space<vmem>>)
      tpu.yield
    }) : () -> ()
    %barrier3A_61 = arith.constant 0 : index
    tpu.barrier barrier_id(%barrier3A_61)
    %mul3A_62 = arith.constant 32256 : i32
    %mul3A_63 = arith.muli %arg1, %mul3A_62 : i32
    %add3A_64 = arith.addi %mul3A_58, %mul3A_63 : i32
    %dma_start3A = tpu.memref_slice %arg4[%add3A_64] : memref<5160960xf32, #tpu.memory_space<hbm>> -> memref<32256xf32, #tpu.memory_space<hbm>>
    %dma_start3A_65 = tpu.memref_slice %arg4[%add3A_64] : memref<5160960xf32, #tpu.memory_space<hbm>> -> memref<32256xf32, #tpu.memory_space<hbm>>
    tpu.enqueue_dma source(%arg6 : memref<32256xf32, #tpu.memory_space<vmem>>) target(%dma_start3A_65 : memref<32256xf32, #tpu.memory_space<hbm>>) target_semaphore(%arg12 : memref<!tpu.dma_semaphore, #tpu.memory_space<semaphore_mem>>)
    %mul3A_66 = arith.constant 10 : i32
    %mul3A_67 = arith.muli %arg0, %mul3A_66 : i32
    %add3A_68 = arith.constant 2 : i32
    %add3A_69 = arith.addi %mul3A_67, %add3A_68 : i32
    %mul3A_70 = arith.constant 32256 : i32
    %mul3A_71 = arith.muli %arg1, %mul3A_70 : i32
    "tpu.region"() ({
      %run_scoped3A = tpu.sem_alloc : memref<!tpu.dma_semaphore, #tpu.memory_space<semaphore_mem>>
      %dma_start3A_199 = tpu.memref_slice %arg11[%mul3A_71] : memref<516104xf32, #tpu.memory_space<vmem_shared>> -> memref<32256xf32, #tpu.memory_space<vmem_shared>>
      %dma_start3A_200 = tpu.memref_slice %arg11[%mul3A_71] : memref<516104xf32, #tpu.memory_space<vmem_shared>> -> memref<32256xf32, #tpu.memory_space<vmem_shared>>
      tpu.enqueue_dma source(%arg5 : memref<32256xf32, #tpu.memory_space<vmem>>) target(%dma_start3A_200 : memref<32256xf32, #tpu.memory_space<vmem_shared>>) target_semaphore(%run_scoped3A : memref<!tpu.dma_semaphore, #tpu.memory_space<semaphore_mem>>)
      %dma_wait3A_201 = tpu.memref_slice %arg11[%mul3A_71] : memref<516104xf32, #tpu.memory_space<vmem_shared>> -> memref<32256xf32, #tpu.memory_space<vmem_shared>>
      %dma_wait3A_202 = tpu.memref_slice %arg11[%mul3A_71] : memref<516104xf32, #tpu.memory_space<vmem_shared>> -> memref<32256xf32, #tpu.memory_space<vmem_shared>>
      tpu.wait_dma2 semaphore(%run_scoped3A : memref<!tpu.dma_semaphore, #tpu.memory_space<semaphore_mem>>) src(%arg5 : memref<32256xf32, #tpu.memory_space<vmem>>) dst(%dma_wait3A_202 : memref<32256xf32, #tpu.memory_space<vmem_shared>>)
      tpu.yield
    }) : () -> ()
    %mul3A_72 = arith.constant 16000 : i32
    %mul3A_73 = arith.muli %add3A_69, %mul3A_72 : i32
    %mul3A_74 = arith.constant 2000 : i32
    %mul3A_75 = arith.muli %arg1, %mul3A_74 : i32
    %add3A_76 = arith.addi %mul3A_73, %mul3A_75 : i32
    "tpu.region"() ({
      %run_scoped3A = tpu.sem_alloc : memref<!tpu.dma_semaphore, #tpu.memory_space<semaphore_mem>>
      %dma_start3A_199 = arith.constant 0 : i32
      %dma_start3A_200 = tpu.memref_slice %arg7[%dma_start3A_199] : memref<2048xi32, #tpu.memory_space<vmem>> -> memref<2000xi32, #tpu.memory_space<vmem>>
      %dma_start3A_201 = tpu.memref_slice %arg2[%add3A_76] : memref<320000xi32, #tpu.memory_space<hbm>> -> memref<2000xi32, #tpu.memory_space<hbm>>
      %dma_start3A_202 = arith.constant 0 : i32
      %dma_start3A_203 = tpu.memref_slice %arg7[%dma_start3A_202] : memref<2048xi32, #tpu.memory_space<vmem>> -> memref<2000xi32, #tpu.memory_space<vmem>>
      %dma_start3A_204 = tpu.memref_slice %arg2[%add3A_76] : memref<320000xi32, #tpu.memory_space<hbm>> -> memref<2000xi32, #tpu.memory_space<hbm>>
      tpu.enqueue_dma source(%dma_start3A_204 : memref<2000xi32, #tpu.memory_space<hbm>>) target(%dma_start3A_203 : memref<2000xi32, #tpu.memory_space<vmem>>) target_semaphore(%run_scoped3A : memref<!tpu.dma_semaphore, #tpu.memory_space<semaphore_mem>>)
      %dma_wait3A_205 = arith.constant 0 : i32
      %dma_wait3A_206 = tpu.memref_slice %arg7[%dma_wait3A_205] : memref<2048xi32, #tpu.memory_space<vmem>> -> memref<2000xi32, #tpu.memory_space<vmem>>
      %dma_wait3A_207 = tpu.memref_slice %arg2[%add3A_76] : memref<320000xi32, #tpu.memory_space<hbm>> -> memref<2000xi32, #tpu.memory_space<hbm>>
      %dma_wait3A_208 = arith.constant 0 : i32
      %dma_wait3A_209 = tpu.memref_slice %arg7[%dma_wait3A_208] : memref<2048xi32, #tpu.memory_space<vmem>> -> memref<2000xi32, #tpu.memory_space<vmem>>
      %dma_wait3A_210 = tpu.memref_slice %arg2[%add3A_76] : memref<320000xi32, #tpu.memory_space<hbm>> -> memref<2000xi32, #tpu.memory_space<hbm>>
      tpu.wait_dma2 semaphore(%run_scoped3A : memref<!tpu.dma_semaphore, #tpu.memory_space<semaphore_mem>>) src(%dma_wait3A_210 : memref<2000xi32, #tpu.memory_space<hbm>>) dst(%dma_wait3A_209 : memref<2000xi32, #tpu.memory_space<vmem>>)
      tpu.yield
    }) : () -> ()
    "tpu.region"() ({
      %run_scoped3A = tpu.sem_alloc : memref<!tpu.dma_semaphore, #tpu.memory_space<semaphore_mem>>
      %dma_start3A_199 = arith.constant 0 : i32
      %dma_start3A_200 = tpu.memref_slice %arg8[%dma_start3A_199] : memref<2048xi32, #tpu.memory_space<vmem>> -> memref<2000xi32, #tpu.memory_space<vmem>>
      %dma_start3A_201 = tpu.memref_slice %arg3[%add3A_76] : memref<320000xi32, #tpu.memory_space<hbm>> -> memref<2000xi32, #tpu.memory_space<hbm>>
      %dma_start3A_202 = arith.constant 0 : i32
      %dma_start3A_203 = tpu.memref_slice %arg8[%dma_start3A_202] : memref<2048xi32, #tpu.memory_space<vmem>> -> memref<2000xi32, #tpu.memory_space<vmem>>
      %dma_start3A_204 = tpu.memref_slice %arg3[%add3A_76] : memref<320000xi32, #tpu.memory_space<hbm>> -> memref<2000xi32, #tpu.memory_space<hbm>>
      tpu.enqueue_dma source(%dma_start3A_204 : memref<2000xi32, #tpu.memory_space<hbm>>) target(%dma_start3A_203 : memref<2000xi32, #tpu.memory_space<vmem>>) target_semaphore(%run_scoped3A : memref<!tpu.dma_semaphore, #tpu.memory_space<semaphore_mem>>)
      %dma_wait3A_205 = arith.constant 0 : i32
      %dma_wait3A_206 = tpu.memref_slice %arg8[%dma_wait3A_205] : memref<2048xi32, #tpu.memory_space<vmem>> -> memref<2000xi32, #tpu.memory_space<vmem>>
      %dma_wait3A_207 = tpu.memref_slice %arg3[%add3A_76] : memref<320000xi32, #tpu.memory_space<hbm>> -> memref<2000xi32, #tpu.memory_space<hbm>>
      %dma_wait3A_208 = arith.constant 0 : i32
      %dma_wait3A_209 = tpu.memref_slice %arg8[%dma_wait3A_208] : memref<2048xi32, #tpu.memory_space<vmem>> -> memref<2000xi32, #tpu.memory_space<vmem>>
      %dma_wait3A_210 = tpu.memref_slice %arg3[%add3A_76] : memref<320000xi32, #tpu.memory_space<hbm>> -> memref<2000xi32, #tpu.memory_space<hbm>>
      tpu.wait_dma2 semaphore(%run_scoped3A : memref<!tpu.dma_semaphore, #tpu.memory_space<semaphore_mem>>) src(%dma_wait3A_210 : memref<2000xi32, #tpu.memory_space<hbm>>) dst(%dma_wait3A_209 : memref<2000xi32, #tpu.memory_space<vmem>>)
      tpu.yield
    }) : () -> ()
    %barrier3A_77 = arith.constant 0 : index
    tpu.barrier barrier_id(%barrier3A_77)
    %iota3A_78 = tpu.iota {dimensions = array<i32: 0>} : vector<16xi32>
    %scan3A_79 = arith.constant 0 : i32
    %scan3A_80 = arith.constant 0 : i32
    %scan3A_81 = arith.constant 16 : i32
    %scan3A_82 = arith.addi %scan3A_80, %scan3A_81 : i32
    %scan3A_83 = arith.constant 1 : i32
    %scan3A_84 = scf.for %scan3A_199 = %scan3A_80 to %scan3A_82 step %scan3A_83 iter_args(%scan3A_200 = %scan3A_79) -> (i32)  : i32 {
      %mul3A_201 = arith.constant 128 : i32
      %mul3A_202 = arith.muli %scan3A_199, %mul3A_201 : i32
      %add3A_203 = arith.constant 0 : i32
      %add3A_204 = arith.addi %mul3A_202, %add3A_203 : i32
      %get3A = arith.index_cast %add3A_204 : i32 to index
      %get3A_205 = tpu.vector_load %arg7[%get3A] {strides = array<i32>} : memref<2048xi32, #tpu.memory_space<vmem>>, vector<16xi32>,
      %get3A_206 = vector.shape_cast %get3A_205 : vector<16xi32> to vector<16xi32>
      %get3A_207 = arith.index_cast %add3A_204 : i32 to index
      %get3A_208 = tpu.vector_load %arg8[%get3A_207] {strides = array<i32>} : memref<2048xi32, #tpu.memory_space<vmem>>, vector<16xi32>,
      %get3A_209 = vector.shape_cast %get3A_208 : vector<16xi32> to vector<16xi32>
      %mul3A_210 = arith.constant 16778 : i32
      %mul3A_211 = vector.broadcast %mul3A_210 : i32 to vector<16xi32>
      %mul3A_212 = arith.muli %get3A_209, %mul3A_211 : vector<16xi32>
      %shift_right_logical3A = arith.constant 23 : i32
      %shift_right_logical3A_213 = vector.broadcast %shift_right_logical3A : i32 to vector<16xi32>
      %shift_right_logical3A_214 = arith.shrui %mul3A_212, %shift_right_logical3A_213 : vector<16xi32>
      %mul3A_215 = arith.constant 500 : i32
      %mul3A_216 = vector.broadcast %mul3A_215 : i32 to vector<16xi32>
      %mul3A_217 = arith.muli %shift_right_logical3A_214, %mul3A_216 : vector<16xi32>
      %sub3A = arith.subi %get3A_209, %mul3A_217 : vector<16xi32>
      %mul3A_218 = arith.constant 500 : i32
      %mul3A_219 = vector.broadcast %mul3A_218 : i32 to vector<16xi32>
      %mul3A_220 = arith.muli %shift_right_logical3A_214, %mul3A_219 : vector<16xi32>
      %sub3A_221 = arith.subi %get3A_206, %mul3A_220 : vector<16xi32>
      %sub3A_222 = vector.broadcast %add3A_69 : i32 to vector<16xi32>
      %sub3A_223 = arith.subi %shift_right_logical3A_214, %sub3A_222 : vector<16xi32>
      %mul3A_224 = arith.constant 258048 : i32
      %mul3A_225 = vector.broadcast %mul3A_224 : i32 to vector<16xi32>
      %mul3A_226 = arith.muli %sub3A_223, %mul3A_225 : vector<16xi32>
      %shift_right_logical3A_227 = arith.constant 3 : i32
      %shift_right_logical3A_228 = vector.broadcast %shift_right_logical3A_227 : i32 to vector<16xi32>
      %shift_right_logical3A_229 = arith.shrui %sub3A, %shift_right_logical3A_228 : vector<16xi32>
      %mul3A_230 = arith.constant 4 : i32
      %mul3A_231 = vector.broadcast %mul3A_230 : i32 to vector<16xi32>
      %mul3A_232 = arith.muli %shift_right_logical3A_229, %mul3A_231 : vector<16xi32>
      %shift_right_logical3A_233 = arith.constant 7 : i32
      %shift_right_logical3A_234 = vector.broadcast %shift_right_logical3A_233 : i32 to vector<16xi32>
      %shift_right_logical3A_235 = arith.shrui %sub3A_221, %shift_right_logical3A_234 : vector<16xi32>
      %add3A_236 = arith.addi %mul3A_232, %shift_right_logical3A_235 : vector<16xi32>
      %mul3A_237 = arith.constant 1024 : i32
      %mul3A_238 = vector.broadcast %mul3A_237 : i32 to vector<16xi32>
      %mul3A_239 = arith.muli %add3A_236, %mul3A_238 : vector<16xi32>
      %add3A_240 = arith.addi %mul3A_226, %mul3A_239 : vector<16xi32>
      %and3A = arith.constant 7 : i32
      %and3A_241 = vector.broadcast %and3A : i32 to vector<16xi32>
      %and3A_242 = arith.andi %sub3A, %and3A_241 : vector<16xi32>
      %mul3A_243 = arith.constant 128 : i32
      %mul3A_244 = vector.broadcast %mul3A_243 : i32 to vector<16xi32>
      %mul3A_245 = arith.muli %and3A_242, %mul3A_244 : vector<16xi32>
      %add3A_246 = arith.addi %add3A_240, %mul3A_245 : vector<16xi32>
      %and3A_247 = arith.constant 127 : i32
      %and3A_248 = vector.broadcast %and3A_247 : i32 to vector<16xi32>
      %and3A_249 = arith.andi %sub3A_221, %and3A_248 : vector<16xi32>
      %add3A_250 = arith.addi %add3A_246, %and3A_249 : vector<16xi32>
      %add3A_251 = vector.broadcast %add3A_204 : i32 to vector<16xi32>
      %add3A_252 = arith.addi %add3A_251, %iota3A_78 : vector<16xi32>
      %lt3A = arith.constant 2000 : i32
      %lt3A_253 = vector.broadcast %lt3A : i32 to vector<16xi32>
      %lt3A_254 = arith.cmpi slt, %add3A_252, %lt3A_253 : vector<16xi32>
      %jit3A = arith.constant 516096 : i32
      %broadcast_in_dim3A_255 = vector.broadcast %jit3A : i32 to vector<16xi32>
      %select_n3A = arith.select %lt3A_254, %add3A_250, %broadcast_in_dim3A_255 : vector<16xi1>, vector<16xi32>
      %swap3A_256 = arith.constant 0 : index
      %swap3A_257 = tpu.vector_load %arg9[%swap3A_256] {strides = array<i32>} : memref<128xi32, #tpu.memory_space<vmem>>, vector<16xi32>,
      %swap3A_258 = vector.shape_cast %swap3A_257 : vector<16xi32> to vector<16xi32>
      %swap3A_259 = vector.shape_cast %select_n3A : vector<16xi32> to vector<16xi32>
      tpu.vector_store %arg9[%swap3A_256], %swap3A_259 {strides = array<i32>} : memref<128xi32, #tpu.memory_space<vmem>>, vector<16xi32>,
      %mul3A_260 = arith.constant 128 : i32
      %mul3A_261 = arith.muli %scan3A_199, %mul3A_260 : i32
      %add3A_262 = arith.constant 16 : i32
      %add3A_263 = arith.addi %mul3A_261, %add3A_262 : i32
      %get3A_264 = arith.index_cast %add3A_263 : i32 to index
      %get3A_265 = tpu.vector_load %arg7[%get3A_264] {strides = array<i32>} : memref<2048xi32, #tpu.memory_space<vmem>>, vector<16xi32>,
      %get3A_266 = vector.shape_cast %get3A_265 : vector<16xi32> to vector<16xi32>
      %get3A_267 = arith.index_cast %add3A_263 : i32 to index
      %get3A_268 = tpu.vector_load %arg8[%get3A_267] {strides = array<i32>} : memref<2048xi32, #tpu.memory_space<vmem>>, vector<16xi32>,
      %get3A_269 = vector.shape_cast %get3A_268 : vector<16xi32> to vector<16xi32>
      %mul3A_270 = arith.constant 16778 : i32
      %mul3A_271 = vector.broadcast %mul3A_270 : i32 to vector<16xi32>
      %mul3A_272 = arith.muli %get3A_269, %mul3A_271 : vector<16xi32>
      %shift_right_logical3A_273 = arith.constant 23 : i32
      %shift_right_logical3A_274 = vector.broadcast %shift_right_logical3A_273 : i32 to vector<16xi32>
      %shift_right_logical3A_275 = arith.shrui %mul3A_272, %shift_right_logical3A_274 : vector<16xi32>
      %mul3A_276 = arith.constant 500 : i32
      %mul3A_277 = vector.broadcast %mul3A_276 : i32 to vector<16xi32>
      %mul3A_278 = arith.muli %shift_right_logical3A_275, %mul3A_277 : vector<16xi32>
      %sub3A_279 = arith.subi %get3A_269, %mul3A_278 : vector<16xi32>
      %mul3A_280 = arith.constant 500 : i32
      %mul3A_281 = vector.broadcast %mul3A_280 : i32 to vector<16xi32>
      %mul3A_282 = arith.muli %shift_right_logical3A_275, %mul3A_281 : vector<16xi32>
      %sub3A_283 = arith.subi %get3A_266, %mul3A_282 : vector<16xi32>
      %sub3A_284 = vector.broadcast %add3A_69 : i32 to vector<16xi32>
      %sub3A_285 = arith.subi %shift_right_logical3A_275, %sub3A_284 : vector<16xi32>
      %mul3A_286 = arith.constant 258048 : i32
      %mul3A_287 = vector.broadcast %mul3A_286 : i32 to vector<16xi32>
      %mul3A_288 = arith.muli %sub3A_285, %mul3A_287 : vector<16xi32>
      %shift_right_logical3A_289 = arith.constant 3 : i32
      %shift_right_logical3A_290 = vector.broadcast %shift_right_logical3A_289 : i32 to vector<16xi32>
      %shift_right_logical3A_291 = arith.shrui %sub3A_279, %shift_right_logical3A_290 : vector<16xi32>
      %mul3A_292 = arith.constant 4 : i32
      %mul3A_293 = vector.broadcast %mul3A_292 : i32 to vector<16xi32>
      %mul3A_294 = arith.muli %shift_right_logical3A_291, %mul3A_293 : vector<16xi32>
      %shift_right_logical3A_295 = arith.constant 7 : i32
      %shift_right_logical3A_296 = vector.broadcast %shift_right_logical3A_295 : i32 to vector<16xi32>
      %shift_right_logical3A_297 = arith.shrui %sub3A_283, %shift_right_logical3A_296 : vector<16xi32>
      %add3A_298 = arith.addi %mul3A_294, %shift_right_logical3A_297 : vector<16xi32>
      %mul3A_299 = arith.constant 1024 : i32
      %mul3A_300 = vector.broadcast %mul3A_299 : i32 to vector<16xi32>
      %mul3A_301 = arith.muli %add3A_298, %mul3A_300 : vector<16xi32>
      %add3A_302 = arith.addi %mul3A_288, %mul3A_301 : vector<16xi32>
      %and3A_303 = arith.constant 7 : i32
      %and3A_304 = vector.broadcast %and3A_303 : i32 to vector<16xi32>
      %and3A_305 = arith.andi %sub3A_279, %and3A_304 : vector<16xi32>
      %mul3A_306 = arith.constant 128 : i32
      %mul3A_307 = vector.broadcast %mul3A_306 : i32 to vector<16xi32>
      %mul3A_308 = arith.muli %and3A_305, %mul3A_307 : vector<16xi32>
      %add3A_309 = arith.addi %add3A_302, %mul3A_308 : vector<16xi32>
      %and3A_310 = arith.constant 127 : i32
      %and3A_311 = vector.broadcast %and3A_310 : i32 to vector<16xi32>
      %and3A_312 = arith.andi %sub3A_283, %and3A_311 : vector<16xi32>
      %add3A_313 = arith.addi %add3A_309, %and3A_312 : vector<16xi32>
      %add3A_314 = vector.broadcast %add3A_263 : i32 to vector<16xi32>
      %add3A_315 = arith.addi %add3A_314, %iota3A_78 : vector<16xi32>
      %lt3A_316 = arith.constant 2000 : i32
      %lt3A_317 = vector.broadcast %lt3A_316 : i32 to vector<16xi32>
      %lt3A_318 = arith.cmpi slt, %add3A_315, %lt3A_317 : vector<16xi32>
      %jit3A_319 = arith.constant 516096 : i32
      %broadcast_in_dim3A_320 = vector.broadcast %jit3A_319 : i32 to vector<16xi32>
      %select_n3A_321 = arith.select %lt3A_318, %add3A_313, %broadcast_in_dim3A_320 : vector<16xi1>, vector<16xi32>
      %swap3A_322 = arith.constant 16 : index
      %swap3A_323 = tpu.vector_load %arg9[%swap3A_322] {strides = array<i32>} : memref<128xi32, #tpu.memory_space<vmem>>, vector<16xi32>,
      %swap3A_324 = vector.shape_cast %swap3A_323 : vector<16xi32> to vector<16xi32>
      %swap3A_325 = vector.shape_cast %select_n3A_321 : vector<16xi32> to vector<16xi32>
      tpu.vector_store %arg9[%swap3A_322], %swap3A_325 {strides = array<i32>} : memref<128xi32, #tpu.memory_space<vmem>>, vector<16xi32>,
      %mul3A_326 = arith.constant 128 : i32
      %mul3A_327 = arith.muli %scan3A_199, %mul3A_326 : i32
      %add3A_328 = arith.constant 32 : i32
      %add3A_329 = arith.addi %mul3A_327, %add3A_328 : i32
      %get3A_330 = arith.index_cast %add3A_329 : i32 to index
      %get3A_331 = tpu.vector_load %arg7[%get3A_330] {strides = array<i32>} : memref<2048xi32, #tpu.memory_space<vmem>>, vector<16xi32>,
      %get3A_332 = vector.shape_cast %get3A_331 : vector<16xi32> to vector<16xi32>
      %get3A_333 = arith.index_cast %add3A_329 : i32 to index
      %get3A_334 = tpu.vector_load %arg8[%get3A_333] {strides = array<i32>} : memref<2048xi32, #tpu.memory_space<vmem>>, vector<16xi32>,
      %get3A_335 = vector.shape_cast %get3A_334 : vector<16xi32> to vector<16xi32>
      %mul3A_336 = arith.constant 16778 : i32
      %mul3A_337 = vector.broadcast %mul3A_336 : i32 to vector<16xi32>
      %mul3A_338 = arith.muli %get3A_335, %mul3A_337 : vector<16xi32>
      %shift_right_logical3A_339 = arith.constant 23 : i32
      %shift_right_logical3A_340 = vector.broadcast %shift_right_logical3A_339 : i32 to vector<16xi32>
      %shift_right_logical3A_341 = arith.shrui %mul3A_338, %shift_right_logical3A_340 : vector<16xi32>
      %mul3A_342 = arith.constant 500 : i32
      %mul3A_343 = vector.broadcast %mul3A_342 : i32 to vector<16xi32>
      %mul3A_344 = arith.muli %shift_right_logical3A_341, %mul3A_343 : vector<16xi32>
      %sub3A_345 = arith.subi %get3A_335, %mul3A_344 : vector<16xi32>
      %mul3A_346 = arith.constant 500 : i32
      %mul3A_347 = vector.broadcast %mul3A_346 : i32 to vector<16xi32>
      %mul3A_348 = arith.muli %shift_right_logical3A_341, %mul3A_347 : vector<16xi32>
      %sub3A_349 = arith.subi %get3A_332, %mul3A_348 : vector<16xi32>
      %sub3A_350 = vector.broadcast %add3A_69 : i32 to vector<16xi32>
      %sub3A_351 = arith.subi %shift_right_logical3A_341, %sub3A_350 : vector<16xi32>
      %mul3A_352 = arith.constant 258048 : i32
      %mul3A_353 = vector.broadcast %mul3A_352 : i32 to vector<16xi32>
      %mul3A_354 = arith.muli %sub3A_351, %mul3A_353 : vector<16xi32>
      %shift_right_logical3A_355 = arith.constant 3 : i32
      %shift_right_logical3A_356 = vector.broadcast %shift_right_logical3A_355 : i32 to vector<16xi32>
      %shift_right_logical3A_357 = arith.shrui %sub3A_345, %shift_right_logical3A_356 : vector<16xi32>
      %mul3A_358 = arith.constant 4 : i32
      %mul3A_359 = vector.broadcast %mul3A_358 : i32 to vector<16xi32>
      %mul3A_360 = arith.muli %shift_right_logical3A_357, %mul3A_359 : vector<16xi32>
      %shift_right_logical3A_361 = arith.constant 7 : i32
      %shift_right_logical3A_362 = vector.broadcast %shift_right_logical3A_361 : i32 to vector<16xi32>
      %shift_right_logical3A_363 = arith.shrui %sub3A_349, %shift_right_logical3A_362 : vector<16xi32>
      %add3A_364 = arith.addi %mul3A_360, %shift_right_logical3A_363 : vector<16xi32>
      %mul3A_365 = arith.constant 1024 : i32
      %mul3A_366 = vector.broadcast %mul3A_365 : i32 to vector<16xi32>
      %mul3A_367 = arith.muli %add3A_364, %mul3A_366 : vector<16xi32>
      %add3A_368 = arith.addi %mul3A_354, %mul3A_367 : vector<16xi32>
      %and3A_369 = arith.constant 7 : i32
      %and3A_370 = vector.broadcast %and3A_369 : i32 to vector<16xi32>
      %and3A_371 = arith.andi %sub3A_345, %and3A_370 : vector<16xi32>
      %mul3A_372 = arith.constant 128 : i32
      %mul3A_373 = vector.broadcast %mul3A_372 : i32 to vector<16xi32>
      %mul3A_374 = arith.muli %and3A_371, %mul3A_373 : vector<16xi32>
      %add3A_375 = arith.addi %add3A_368, %mul3A_374 : vector<16xi32>
      %and3A_376 = arith.constant 127 : i32
      %and3A_377 = vector.broadcast %and3A_376 : i32 to vector<16xi32>
      %and3A_378 = arith.andi %sub3A_349, %and3A_377 : vector<16xi32>
      %add3A_379 = arith.addi %add3A_375, %and3A_378 : vector<16xi32>
      %add3A_380 = vector.broadcast %add3A_329 : i32 to vector<16xi32>
      %add3A_381 = arith.addi %add3A_380, %iota3A_78 : vector<16xi32>
      %lt3A_382 = arith.constant 2000 : i32
      %lt3A_383 = vector.broadcast %lt3A_382 : i32 to vector<16xi32>
      %lt3A_384 = arith.cmpi slt, %add3A_381, %lt3A_383 : vector<16xi32>
      %jit3A_385 = arith.constant 516096 : i32
      %broadcast_in_dim3A_386 = vector.broadcast %jit3A_385 : i32 to vector<16xi32>
      %select_n3A_387 = arith.select %lt3A_384, %add3A_379, %broadcast_in_dim3A_386 : vector<16xi1>, vector<16xi32>
      %swap3A_388 = arith.constant 32 : index
      %swap3A_389 = tpu.vector_load %arg9[%swap3A_388] {strides = array<i32>} : memref<128xi32, #tpu.memory_space<vmem>>, vector<16xi32>,
      %swap3A_390 = vector.shape_cast %swap3A_389 : vector<16xi32> to vector<16xi32>
      %swap3A_391 = vector.shape_cast %select_n3A_387 : vector<16xi32> to vector<16xi32>
      tpu.vector_store %arg9[%swap3A_388], %swap3A_391 {strides = array<i32>} : memref<128xi32, #tpu.memory_space<vmem>>, vector<16xi32>,
      %mul3A_392 = arith.constant 128 : i32
      %mul3A_393 = arith.muli %scan3A_199, %mul3A_392 : i32
      %add3A_394 = arith.constant 48 : i32
      %add3A_395 = arith.addi %mul3A_393, %add3A_394 : i32
      %get3A_396 = arith.index_cast %add3A_395 : i32 to index
      %get3A_397 = tpu.vector_load %arg7[%get3A_396] {strides = array<i32>} : memref<2048xi32, #tpu.memory_space<vmem>>, vector<16xi32>,
      %get3A_398 = vector.shape_cast %get3A_397 : vector<16xi32> to vector<16xi32>
      %get3A_399 = arith.index_cast %add3A_395 : i32 to index
      %get3A_400 = tpu.vector_load %arg8[%get3A_399] {strides = array<i32>} : memref<2048xi32, #tpu.memory_space<vmem>>, vector<16xi32>,
      %get3A_401 = vector.shape_cast %get3A_400 : vector<16xi32> to vector<16xi32>
      %mul3A_402 = arith.constant 16778 : i32
      %mul3A_403 = vector.broadcast %mul3A_402 : i32 to vector<16xi32>
      %mul3A_404 = arith.muli %get3A_401, %mul3A_403 : vector<16xi32>
      %shift_right_logical3A_405 = arith.constant 23 : i32
      %shift_right_logical3A_406 = vector.broadcast %shift_right_logical3A_405 : i32 to vector<16xi32>
      %shift_right_logical3A_407 = arith.shrui %mul3A_404, %shift_right_logical3A_406 : vector<16xi32>
      %mul3A_408 = arith.constant 500 : i32
      %mul3A_409 = vector.broadcast %mul3A_408 : i32 to vector<16xi32>
      %mul3A_410 = arith.muli %shift_right_logical3A_407, %mul3A_409 : vector<16xi32>
      %sub3A_411 = arith.subi %get3A_401, %mul3A_410 : vector<16xi32>
      %mul3A_412 = arith.constant 500 : i32
      %mul3A_413 = vector.broadcast %mul3A_412 : i32 to vector<16xi32>
      %mul3A_414 = arith.muli %shift_right_logical3A_407, %mul3A_413 : vector<16xi32>
      %sub3A_415 = arith.subi %get3A_398, %mul3A_414 : vector<16xi32>
      %sub3A_416 = vector.broadcast %add3A_69 : i32 to vector<16xi32>
      %sub3A_417 = arith.subi %shift_right_logical3A_407, %sub3A_416 : vector<16xi32>
      %mul3A_418 = arith.constant 258048 : i32
      %mul3A_419 = vector.broadcast %mul3A_418 : i32 to vector<16xi32>
      %mul3A_420 = arith.muli %sub3A_417, %mul3A_419 : vector<16xi32>
      %shift_right_logical3A_421 = arith.constant 3 : i32
      %shift_right_logical3A_422 = vector.broadcast %shift_right_logical3A_421 : i32 to vector<16xi32>
      %shift_right_logical3A_423 = arith.shrui %sub3A_411, %shift_right_logical3A_422 : vector<16xi32>
      %mul3A_424 = arith.constant 4 : i32
      %mul3A_425 = vector.broadcast %mul3A_424 : i32 to vector<16xi32>
      %mul3A_426 = arith.muli %shift_right_logical3A_423, %mul3A_425 : vector<16xi32>
      %shift_right_logical3A_427 = arith.constant 7 : i32
      %shift_right_logical3A_428 = vector.broadcast %shift_right_logical3A_427 : i32 to vector<16xi32>
      %shift_right_logical3A_429 = arith.shrui %sub3A_415, %shift_right_logical3A_428 : vector<16xi32>
      %add3A_430 = arith.addi %mul3A_426, %shift_right_logical3A_429 : vector<16xi32>
      %mul3A_431 = arith.constant 1024 : i32
      %mul3A_432 = vector.broadcast %mul3A_431 : i32 to vector<16xi32>
      %mul3A_433 = arith.muli %add3A_430, %mul3A_432 : vector<16xi32>
      %add3A_434 = arith.addi %mul3A_420, %mul3A_433 : vector<16xi32>
      %and3A_435 = arith.constant 7 : i32
      %and3A_436 = vector.broadcast %and3A_435 : i32 to vector<16xi32>
      %and3A_437 = arith.andi %sub3A_411, %and3A_436 : vector<16xi32>
      %mul3A_438 = arith.constant 128 : i32
      %mul3A_439 = vector.broadcast %mul3A_438 : i32 to vector<16xi32>
      %mul3A_440 = arith.muli %and3A_437, %mul3A_439 : vector<16xi32>
      %add3A_441 = arith.addi %add3A_434, %mul3A_440 : vector<16xi32>
      %and3A_442 = arith.constant 127 : i32
      %and3A_443 = vector.broadcast %and3A_442 : i32 to vector<16xi32>
      %and3A_444 = arith.andi %sub3A_415, %and3A_443 : vector<16xi32>
      %add3A_445 = arith.addi %add3A_441, %and3A_444 : vector<16xi32>
      %add3A_446 = vector.broadcast %add3A_395 : i32 to vector<16xi32>
      %add3A_447 = arith.addi %add3A_446, %iota3A_78 : vector<16xi32>
      %lt3A_448 = arith.constant 2000 : i32
      %lt3A_449 = vector.broadcast %lt3A_448 : i32 to vector<16xi32>
      %lt3A_450 = arith.cmpi slt, %add3A_447, %lt3A_449 : vector<16xi32>
      %jit3A_451 = arith.constant 516096 : i32
      %broadcast_in_dim3A_452 = vector.broadcast %jit3A_451 : i32 to vector<16xi32>
      %select_n3A_453 = arith.select %lt3A_450, %add3A_445, %broadcast_in_dim3A_452 : vector<16xi1>, vector<16xi32>
      %swap3A_454 = arith.constant 48 : index
      %swap3A_455 = tpu.vector_load %arg9[%swap3A_454] {strides = array<i32>} : memref<128xi32, #tpu.memory_space<vmem>>, vector<16xi32>,
      %swap3A_456 = vector.shape_cast %swap3A_455 : vector<16xi32> to vector<16xi32>
      %swap3A_457 = vector.shape_cast %select_n3A_453 : vector<16xi32> to vector<16xi32>
      tpu.vector_store %arg9[%swap3A_454], %swap3A_457 {strides = array<i32>} : memref<128xi32, #tpu.memory_space<vmem>>, vector<16xi32>,
      %mul3A_458 = arith.constant 128 : i32
      %mul3A_459 = arith.muli %scan3A_199, %mul3A_458 : i32
      %add3A_460 = arith.constant 64 : i32
      %add3A_461 = arith.addi %mul3A_459, %add3A_460 : i32
      %get3A_462 = arith.index_cast %add3A_461 : i32 to index
      %get3A_463 = tpu.vector_load %arg7[%get3A_462] {strides = array<i32>} : memref<2048xi32, #tpu.memory_space<vmem>>, vector<16xi32>,
      %get3A_464 = vector.shape_cast %get3A_463 : vector<16xi32> to vector<16xi32>
      %get3A_465 = arith.index_cast %add3A_461 : i32 to index
      %get3A_466 = tpu.vector_load %arg8[%get3A_465] {strides = array<i32>} : memref<2048xi32, #tpu.memory_space<vmem>>, vector<16xi32>,
      %get3A_467 = vector.shape_cast %get3A_466 : vector<16xi32> to vector<16xi32>
      %mul3A_468 = arith.constant 16778 : i32
      %mul3A_469 = vector.broadcast %mul3A_468 : i32 to vector<16xi32>
      %mul3A_470 = arith.muli %get3A_467, %mul3A_469 : vector<16xi32>
      %shift_right_logical3A_471 = arith.constant 23 : i32
      %shift_right_logical3A_472 = vector.broadcast %shift_right_logical3A_471 : i32 to vector<16xi32>
      %shift_right_logical3A_473 = arith.shrui %mul3A_470, %shift_right_logical3A_472 : vector<16xi32>
      %mul3A_474 = arith.constant 500 : i32
      %mul3A_475 = vector.broadcast %mul3A_474 : i32 to vector<16xi32>
      %mul3A_476 = arith.muli %shift_right_logical3A_473, %mul3A_475 : vector<16xi32>
      %sub3A_477 = arith.subi %get3A_467, %mul3A_476 : vector<16xi32>
      %mul3A_478 = arith.constant 500 : i32
      %mul3A_479 = vector.broadcast %mul3A_478 : i32 to vector<16xi32>
      %mul3A_480 = arith.muli %shift_right_logical3A_473, %mul3A_479 : vector<16xi32>
      %sub3A_481 = arith.subi %get3A_464, %mul3A_480 : vector<16xi32>
      %sub3A_482 = vector.broadcast %add3A_69 : i32 to vector<16xi32>
      %sub3A_483 = arith.subi %shift_right_logical3A_473, %sub3A_482 : vector<16xi32>
      %mul3A_484 = arith.constant 258048 : i32
      %mul3A_485 = vector.broadcast %mul3A_484 : i32 to vector<16xi32>
      %mul3A_486 = arith.muli %sub3A_483, %mul3A_485 : vector<16xi32>
      %shift_right_logical3A_487 = arith.constant 3 : i32
      %shift_right_logical3A_488 = vector.broadcast %shift_right_logical3A_487 : i32 to vector<16xi32>
      %shift_right_logical3A_489 = arith.shrui %sub3A_477, %shift_right_logical3A_488 : vector<16xi32>
      %mul3A_490 = arith.constant 4 : i32
      %mul3A_491 = vector.broadcast %mul3A_490 : i32 to vector<16xi32>
      %mul3A_492 = arith.muli %shift_right_logical3A_489, %mul3A_491 : vector<16xi32>
      %shift_right_logical3A_493 = arith.constant 7 : i32
      %shift_right_logical3A_494 = vector.broadcast %shift_right_logical3A_493 : i32 to vector<16xi32>
      %shift_right_logical3A_495 = arith.shrui %sub3A_481, %shift_right_logical3A_494 : vector<16xi32>
      %add3A_496 = arith.addi %mul3A_492, %shift_right_logical3A_495 : vector<16xi32>
      %mul3A_497 = arith.constant 1024 : i32
      %mul3A_498 = vector.broadcast %mul3A_497 : i32 to vector<16xi32>
      %mul3A_499 = arith.muli %add3A_496, %mul3A_498 : vector<16xi32>
      %add3A_500 = arith.addi %mul3A_486, %mul3A_499 : vector<16xi32>
      %and3A_501 = arith.constant 7 : i32
      %and3A_502 = vector.broadcast %and3A_501 : i32 to vector<16xi32>
      %and3A_503 = arith.andi %sub3A_477, %and3A_502 : vector<16xi32>
      %mul3A_504 = arith.constant 128 : i32
      %mul3A_505 = vector.broadcast %mul3A_504 : i32 to vector<16xi32>
      %mul3A_506 = arith.muli %and3A_503, %mul3A_505 : vector<16xi32>
      %add3A_507 = arith.addi %add3A_500, %mul3A_506 : vector<16xi32>
      %and3A_508 = arith.constant 127 : i32
      %and3A_509 = vector.broadcast %and3A_508 : i32 to vector<16xi32>
      %and3A_510 = arith.andi %sub3A_481, %and3A_509 : vector<16xi32>
      %add3A_511 = arith.addi %add3A_507, %and3A_510 : vector<16xi32>
      %add3A_512 = vector.broadcast %add3A_461 : i32 to vector<16xi32>
      %add3A_513 = arith.addi %add3A_512, %iota3A_78 : vector<16xi32>
      %lt3A_514 = arith.constant 2000 : i32
      %lt3A_515 = vector.broadcast %lt3A_514 : i32 to vector<16xi32>
      %lt3A_516 = arith.cmpi slt, %add3A_513, %lt3A_515 : vector<16xi32>
      %jit3A_517 = arith.constant 516096 : i32
      %broadcast_in_dim3A_518 = vector.broadcast %jit3A_517 : i32 to vector<16xi32>
      %select_n3A_519 = arith.select %lt3A_516, %add3A_511, %broadcast_in_dim3A_518 : vector<16xi1>, vector<16xi32>
      %swap3A_520 = arith.constant 64 : index
      %swap3A_521 = tpu.vector_load %arg9[%swap3A_520] {strides = array<i32>} : memref<128xi32, #tpu.memory_space<vmem>>, vector<16xi32>,
      %swap3A_522 = vector.shape_cast %swap3A_521 : vector<16xi32> to vector<16xi32>
      %swap3A_523 = vector.shape_cast %select_n3A_519 : vector<16xi32> to vector<16xi32>
      tpu.vector_store %arg9[%swap3A_520], %swap3A_523 {strides = array<i32>} : memref<128xi32, #tpu.memory_space<vmem>>, vector<16xi32>,
      %mul3A_524 = arith.constant 128 : i32
      %mul3A_525 = arith.muli %scan3A_199, %mul3A_524 : i32
      %add3A_526 = arith.constant 80 : i32
      %add3A_527 = arith.addi %mul3A_525, %add3A_526 : i32
      %get3A_528 = arith.index_cast %add3A_527 : i32 to index
      %get3A_529 = tpu.vector_load %arg7[%get3A_528] {strides = array<i32>} : memref<2048xi32, #tpu.memory_space<vmem>>, vector<16xi32>,
      %get3A_530 = vector.shape_cast %get3A_529 : vector<16xi32> to vector<16xi32>
      %get3A_531 = arith.index_cast %add3A_527 : i32 to index
      %get3A_532 = tpu.vector_load %arg8[%get3A_531] {strides = array<i32>} : memref<2048xi32, #tpu.memory_space<vmem>>, vector<16xi32>,
      %get3A_533 = vector.shape_cast %get3A_532 : vector<16xi32> to vector<16xi32>
      %mul3A_534 = arith.constant 16778 : i32
      %mul3A_535 = vector.broadcast %mul3A_534 : i32 to vector<16xi32>
      %mul3A_536 = arith.muli %get3A_533, %mul3A_535 : vector<16xi32>
      %shift_right_logical3A_537 = arith.constant 23 : i32
      %shift_right_logical3A_538 = vector.broadcast %shift_right_logical3A_537 : i32 to vector<16xi32>
      %shift_right_logical3A_539 = arith.shrui %mul3A_536, %shift_right_logical3A_538 : vector<16xi32>
      %mul3A_540 = arith.constant 500 : i32
      %mul3A_541 = vector.broadcast %mul3A_540 : i32 to vector<16xi32>
      %mul3A_542 = arith.muli %shift_right_logical3A_539, %mul3A_541 : vector<16xi32>
      %sub3A_543 = arith.subi %get3A_533, %mul3A_542 : vector<16xi32>
      %mul3A_544 = arith.constant 500 : i32
      %mul3A_545 = vector.broadcast %mul3A_544 : i32 to vector<16xi32>
      %mul3A_546 = arith.muli %shift_right_logical3A_539, %mul3A_545 : vector<16xi32>
      %sub3A_547 = arith.subi %get3A_530, %mul3A_546 : vector<16xi32>
      %sub3A_548 = vector.broadcast %add3A_69 : i32 to vector<16xi32>
      %sub3A_549 = arith.subi %shift_right_logical3A_539, %sub3A_548 : vector<16xi32>
      %mul3A_550 = arith.constant 258048 : i32
      %mul3A_551 = vector.broadcast %mul3A_550 : i32 to vector<16xi32>
      %mul3A_552 = arith.muli %sub3A_549, %mul3A_551 : vector<16xi32>
      %shift_right_logical3A_553 = arith.constant 3 : i32
      %shift_right_logical3A_554 = vector.broadcast %shift_right_logical3A_553 : i32 to vector<16xi32>
      %shift_right_logical3A_555 = arith.shrui %sub3A_543, %shift_right_logical3A_554 : vector<16xi32>
      %mul3A_556 = arith.constant 4 : i32
      %mul3A_557 = vector.broadcast %mul3A_556 : i32 to vector<16xi32>
      %mul3A_558 = arith.muli %shift_right_logical3A_555, %mul3A_557 : vector<16xi32>
      %shift_right_logical3A_559 = arith.constant 7 : i32
      %shift_right_logical3A_560 = vector.broadcast %shift_right_logical3A_559 : i32 to vector<16xi32>
      %shift_right_logical3A_561 = arith.shrui %sub3A_547, %shift_right_logical3A_560 : vector<16xi32>
      %add3A_562 = arith.addi %mul3A_558, %shift_right_logical3A_561 : vector<16xi32>
      %mul3A_563 = arith.constant 1024 : i32
      %mul3A_564 = vector.broadcast %mul3A_563 : i32 to vector<16xi32>
      %mul3A_565 = arith.muli %add3A_562, %mul3A_564 : vector<16xi32>
      %add3A_566 = arith.addi %mul3A_552, %mul3A_565 : vector<16xi32>
      %and3A_567 = arith.constant 7 : i32
      %and3A_568 = vector.broadcast %and3A_567 : i32 to vector<16xi32>
      %and3A_569 = arith.andi %sub3A_543, %and3A_568 : vector<16xi32>
      %mul3A_570 = arith.constant 128 : i32
      %mul3A_571 = vector.broadcast %mul3A_570 : i32 to vector<16xi32>
      %mul3A_572 = arith.muli %and3A_569, %mul3A_571 : vector<16xi32>
      %add3A_573 = arith.addi %add3A_566, %mul3A_572 : vector<16xi32>
      %and3A_574 = arith.constant 127 : i32
      %and3A_575 = vector.broadcast %and3A_574 : i32 to vector<16xi32>
      %and3A_576 = arith.andi %sub3A_547, %and3A_575 : vector<16xi32>
      %add3A_577 = arith.addi %add3A_573, %and3A_576 : vector<16xi32>
      %add3A_578 = vector.broadcast %add3A_527 : i32 to vector<16xi32>
      %add3A_579 = arith.addi %add3A_578, %iota3A_78 : vector<16xi32>
      %lt3A_580 = arith.constant 2000 : i32
      %lt3A_581 = vector.broadcast %lt3A_580 : i32 to vector<16xi32>
      %lt3A_582 = arith.cmpi slt, %add3A_579, %lt3A_581 : vector<16xi32>
      %jit3A_583 = arith.constant 516096 : i32
      %broadcast_in_dim3A_584 = vector.broadcast %jit3A_583 : i32 to vector<16xi32>
      %select_n3A_585 = arith.select %lt3A_582, %add3A_577, %broadcast_in_dim3A_584 : vector<16xi1>, vector<16xi32>
      %swap3A_586 = arith.constant 80 : index
      %swap3A_587 = tpu.vector_load %arg9[%swap3A_586] {strides = array<i32>} : memref<128xi32, #tpu.memory_space<vmem>>, vector<16xi32>,
      %swap3A_588 = vector.shape_cast %swap3A_587 : vector<16xi32> to vector<16xi32>
      %swap3A_589 = vector.shape_cast %select_n3A_585 : vector<16xi32> to vector<16xi32>
      tpu.vector_store %arg9[%swap3A_586], %swap3A_589 {strides = array<i32>} : memref<128xi32, #tpu.memory_space<vmem>>, vector<16xi32>,
      %mul3A_590 = arith.constant 128 : i32
      %mul3A_591 = arith.muli %scan3A_199, %mul3A_590 : i32
      %add3A_592 = arith.constant 96 : i32
      %add3A_593 = arith.addi %mul3A_591, %add3A_592 : i32
      %get3A_594 = arith.index_cast %add3A_593 : i32 to index
      %get3A_595 = tpu.vector_load %arg7[%get3A_594] {strides = array<i32>} : memref<2048xi32, #tpu.memory_space<vmem>>, vector<16xi32>,
      %get3A_596 = vector.shape_cast %get3A_595 : vector<16xi32> to vector<16xi32>
      %get3A_597 = arith.index_cast %add3A_593 : i32 to index
      %get3A_598 = tpu.vector_load %arg8[%get3A_597] {strides = array<i32>} : memref<2048xi32, #tpu.memory_space<vmem>>, vector<16xi32>,
      %get3A_599 = vector.shape_cast %get3A_598 : vector<16xi32> to vector<16xi32>
      %mul3A_600 = arith.constant 16778 : i32
      %mul3A_601 = vector.broadcast %mul3A_600 : i32 to vector<16xi32>
      %mul3A_602 = arith.muli %get3A_599, %mul3A_601 : vector<16xi32>
      %shift_right_logical3A_603 = arith.constant 23 : i32
      %shift_right_logical3A_604 = vector.broadcast %shift_right_logical3A_603 : i32 to vector<16xi32>
      %shift_right_logical3A_605 = arith.shrui %mul3A_602, %shift_right_logical3A_604 : vector<16xi32>
      %mul3A_606 = arith.constant 500 : i32
      %mul3A_607 = vector.broadcast %mul3A_606 : i32 to vector<16xi32>
      %mul3A_608 = arith.muli %shift_right_logical3A_605, %mul3A_607 : vector<16xi32>
      %sub3A_609 = arith.subi %get3A_599, %mul3A_608 : vector<16xi32>
      %mul3A_610 = arith.constant 500 : i32
      %mul3A_611 = vector.broadcast %mul3A_610 : i32 to vector<16xi32>
      %mul3A_612 = arith.muli %shift_right_logical3A_605, %mul3A_611 : vector<16xi32>
      %sub3A_613 = arith.subi %get3A_596, %mul3A_612 : vector<16xi32>
      %sub3A_614 = vector.broadcast %add3A_69 : i32 to vector<16xi32>
      %sub3A_615 = arith.subi %shift_right_logical3A_605, %sub3A_614 : vector<16xi32>
      %mul3A_616 = arith.constant 258048 : i32
      %mul3A_617 = vector.broadcast %mul3A_616 : i32 to vector<16xi32>
      %mul3A_618 = arith.muli %sub3A_615, %mul3A_617 : vector<16xi32>
      %shift_right_logical3A_619 = arith.constant 3 : i32
      %shift_right_logical3A_620 = vector.broadcast %shift_right_logical3A_619 : i32 to vector<16xi32>
      %shift_right_logical3A_621 = arith.shrui %sub3A_609, %shift_right_logical3A_620 : vector<16xi32>
      %mul3A_622 = arith.constant 4 : i32
      %mul3A_623 = vector.broadcast %mul3A_622 : i32 to vector<16xi32>
      %mul3A_624 = arith.muli %shift_right_logical3A_621, %mul3A_623 : vector<16xi32>
      %shift_right_logical3A_625 = arith.constant 7 : i32
      %shift_right_logical3A_626 = vector.broadcast %shift_right_logical3A_625 : i32 to vector<16xi32>
      %shift_right_logical3A_627 = arith.shrui %sub3A_613, %shift_right_logical3A_626 : vector<16xi32>
      %add3A_628 = arith.addi %mul3A_624, %shift_right_logical3A_627 : vector<16xi32>
      %mul3A_629 = arith.constant 1024 : i32
      %mul3A_630 = vector.broadcast %mul3A_629 : i32 to vector<16xi32>
      %mul3A_631 = arith.muli %add3A_628, %mul3A_630 : vector<16xi32>
      %add3A_632 = arith.addi %mul3A_618, %mul3A_631 : vector<16xi32>
      %and3A_633 = arith.constant 7 : i32
      %and3A_634 = vector.broadcast %and3A_633 : i32 to vector<16xi32>
      %and3A_635 = arith.andi %sub3A_609, %and3A_634 : vector<16xi32>
      %mul3A_636 = arith.constant 128 : i32
      %mul3A_637 = vector.broadcast %mul3A_636 : i32 to vector<16xi32>
      %mul3A_638 = arith.muli %and3A_635, %mul3A_637 : vector<16xi32>
      %add3A_639 = arith.addi %add3A_632, %mul3A_638 : vector<16xi32>
      %and3A_640 = arith.constant 127 : i32
      %and3A_641 = vector.broadcast %and3A_640 : i32 to vector<16xi32>
      %and3A_642 = arith.andi %sub3A_613, %and3A_641 : vector<16xi32>
      %add3A_643 = arith.addi %add3A_639, %and3A_642 : vector<16xi32>
      %add3A_644 = vector.broadcast %add3A_593 : i32 to vector<16xi32>
      %add3A_645 = arith.addi %add3A_644, %iota3A_78 : vector<16xi32>
      %lt3A_646 = arith.constant 2000 : i32
      %lt3A_647 = vector.broadcast %lt3A_646 : i32 to vector<16xi32>
      %lt3A_648 = arith.cmpi slt, %add3A_645, %lt3A_647 : vector<16xi32>
      %jit3A_649 = arith.constant 516096 : i32
      %broadcast_in_dim3A_650 = vector.broadcast %jit3A_649 : i32 to vector<16xi32>
      %select_n3A_651 = arith.select %lt3A_648, %add3A_643, %broadcast_in_dim3A_650 : vector<16xi1>, vector<16xi32>
      %swap3A_652 = arith.constant 96 : index
      %swap3A_653 = tpu.vector_load %arg9[%swap3A_652] {strides = array<i32>} : memref<128xi32, #tpu.memory_space<vmem>>, vector<16xi32>,
      %swap3A_654 = vector.shape_cast %swap3A_653 : vector<16xi32> to vector<16xi32>
      %swap3A_655 = vector.shape_cast %select_n3A_651 : vector<16xi32> to vector<16xi32>
      tpu.vector_store %arg9[%swap3A_652], %swap3A_655 {strides = array<i32>} : memref<128xi32, #tpu.memory_space<vmem>>, vector<16xi32>,
      %mul3A_656 = arith.constant 128 : i32
      %mul3A_657 = arith.muli %scan3A_199, %mul3A_656 : i32
      %add3A_658 = arith.constant 112 : i32
      %add3A_659 = arith.addi %mul3A_657, %add3A_658 : i32
      %get3A_660 = arith.index_cast %add3A_659 : i32 to index
      %get3A_661 = tpu.vector_load %arg7[%get3A_660] {strides = array<i32>} : memref<2048xi32, #tpu.memory_space<vmem>>, vector<16xi32>,
      %get3A_662 = vector.shape_cast %get3A_661 : vector<16xi32> to vector<16xi32>
      %get3A_663 = arith.index_cast %add3A_659 : i32 to index
      %get3A_664 = tpu.vector_load %arg8[%get3A_663] {strides = array<i32>} : memref<2048xi32, #tpu.memory_space<vmem>>, vector<16xi32>,
      %get3A_665 = vector.shape_cast %get3A_664 : vector<16xi32> to vector<16xi32>
      %mul3A_666 = arith.constant 16778 : i32
      %mul3A_667 = vector.broadcast %mul3A_666 : i32 to vector<16xi32>
      %mul3A_668 = arith.muli %get3A_665, %mul3A_667 : vector<16xi32>
      %shift_right_logical3A_669 = arith.constant 23 : i32
      %shift_right_logical3A_670 = vector.broadcast %shift_right_logical3A_669 : i32 to vector<16xi32>
      %shift_right_logical3A_671 = arith.shrui %mul3A_668, %shift_right_logical3A_670 : vector<16xi32>
      %mul3A_672 = arith.constant 500 : i32
      %mul3A_673 = vector.broadcast %mul3A_672 : i32 to vector<16xi32>
      %mul3A_674 = arith.muli %shift_right_logical3A_671, %mul3A_673 : vector<16xi32>
      %sub3A_675 = arith.subi %get3A_665, %mul3A_674 : vector<16xi32>
      %mul3A_676 = arith.constant 500 : i32
      %mul3A_677 = vector.broadcast %mul3A_676 : i32 to vector<16xi32>
      %mul3A_678 = arith.muli %shift_right_logical3A_671, %mul3A_677 : vector<16xi32>
      %sub3A_679 = arith.subi %get3A_662, %mul3A_678 : vector<16xi32>
      %sub3A_680 = vector.broadcast %add3A_69 : i32 to vector<16xi32>
      %sub3A_681 = arith.subi %shift_right_logical3A_671, %sub3A_680 : vector<16xi32>
      %mul3A_682 = arith.constant 258048 : i32
      %mul3A_683 = vector.broadcast %mul3A_682 : i32 to vector<16xi32>
      %mul3A_684 = arith.muli %sub3A_681, %mul3A_683 : vector<16xi32>
      %shift_right_logical3A_685 = arith.constant 3 : i32
      %shift_right_logical3A_686 = vector.broadcast %shift_right_logical3A_685 : i32 to vector<16xi32>
      %shift_right_logical3A_687 = arith.shrui %sub3A_675, %shift_right_logical3A_686 : vector<16xi32>
      %mul3A_688 = arith.constant 4 : i32
      %mul3A_689 = vector.broadcast %mul3A_688 : i32 to vector<16xi32>
      %mul3A_690 = arith.muli %shift_right_logical3A_687, %mul3A_689 : vector<16xi32>
      %shift_right_logical3A_691 = arith.constant 7 : i32
      %shift_right_logical3A_692 = vector.broadcast %shift_right_logical3A_691 : i32 to vector<16xi32>
      %shift_right_logical3A_693 = arith.shrui %sub3A_679, %shift_right_logical3A_692 : vector<16xi32>
      %add3A_694 = arith.addi %mul3A_690, %shift_right_logical3A_693 : vector<16xi32>
      %mul3A_695 = arith.constant 1024 : i32
      %mul3A_696 = vector.broadcast %mul3A_695 : i32 to vector<16xi32>
      %mul3A_697 = arith.muli %add3A_694, %mul3A_696 : vector<16xi32>
      %add3A_698 = arith.addi %mul3A_684, %mul3A_697 : vector<16xi32>
      %and3A_699 = arith.constant 7 : i32
      %and3A_700 = vector.broadcast %and3A_699 : i32 to vector<16xi32>
      %and3A_701 = arith.andi %sub3A_675, %and3A_700 : vector<16xi32>
      %mul3A_702 = arith.constant 128 : i32
      %mul3A_703 = vector.broadcast %mul3A_702 : i32 to vector<16xi32>
      %mul3A_704 = arith.muli %and3A_701, %mul3A_703 : vector<16xi32>
      %add3A_705 = arith.addi %add3A_698, %mul3A_704 : vector<16xi32>
      %and3A_706 = arith.constant 127 : i32
      %and3A_707 = vector.broadcast %and3A_706 : i32 to vector<16xi32>
      %and3A_708 = arith.andi %sub3A_679, %and3A_707 : vector<16xi32>
      %add3A_709 = arith.addi %add3A_705, %and3A_708 : vector<16xi32>
      %add3A_710 = vector.broadcast %add3A_659 : i32 to vector<16xi32>
      %add3A_711 = arith.addi %add3A_710, %iota3A_78 : vector<16xi32>
      %lt3A_712 = arith.constant 2000 : i32
      %lt3A_713 = vector.broadcast %lt3A_712 : i32 to vector<16xi32>
      %lt3A_714 = arith.cmpi slt, %add3A_711, %lt3A_713 : vector<16xi32>
      %jit3A_715 = arith.constant 516096 : i32
      %broadcast_in_dim3A_716 = vector.broadcast %jit3A_715 : i32 to vector<16xi32>
      %select_n3A_717 = arith.select %lt3A_714, %add3A_709, %broadcast_in_dim3A_716 : vector<16xi1>, vector<16xi32>
      %swap3A_718 = arith.constant 112 : index
      %swap3A_719 = tpu.vector_load %arg9[%swap3A_718] {strides = array<i32>} : memref<128xi32, #tpu.memory_space<vmem>>, vector<16xi32>,
      %swap3A_720 = vector.shape_cast %swap3A_719 : vector<16xi32> to vector<16xi32>
      %swap3A_721 = vector.shape_cast %select_n3A_717 : vector<16xi32> to vector<16xi32>
      tpu.vector_store %arg9[%swap3A_718], %swap3A_721 {strides = array<i32>} : memref<128xi32, #tpu.memory_space<vmem>>, vector<16xi32>,
      "tpu.region"() ({
        %run_scoped3A = tpu.sem_alloc : memref<!tpu.dma_semaphore, #tpu.memory_space<semaphore_mem>>
        %dma_start3A_723 = arith.constant 0 : i32
        %dma_start3A_724 = tpu.memref_slice %arg11[%dma_start3A_723] : memref<516104xf32, #tpu.memory_space<vmem_shared>> -> memref<516104xf32, #tpu.memory_space<vmem_shared>>
        tpu.enqueue_indirect_dma source(%arg10 : memref<128xf32, #tpu.memory_space<vmem>>) target(%dma_start3A_724 : memref<516104xf32, #tpu.memory_space<vmem_shared>>) offsets(%arg9 : memref<128xi32, #tpu.memory_space<vmem>>) semaphore(%run_scoped3A : memref<!tpu.dma_semaphore, #tpu.memory_space<semaphore_mem>>) {add = true}
        %dma_wait3A_725 = arith.constant 0 : i32
        %dma_wait3A_726 = tpu.memref_slice %arg11[%dma_wait3A_725] : memref<516104xf32, #tpu.memory_space<vmem_shared>> -> memref<516104xf32, #tpu.memory_space<vmem_shared>>
        tpu.wait_indirect_dma semaphore(%run_scoped3A : memref<!tpu.dma_semaphore, #tpu.memory_space<semaphore_mem>>) src(%arg10 : memref<128xf32, #tpu.memory_space<vmem>>) dst(%dma_wait3A_726 : memref<516104xf32, #tpu.memory_space<vmem_shared>>)
        tpu.yield
      }) : () -> ()
      %scan3A_722 = arith.constant 0 : i32
      scf.yield %scan3A_722 : i32
    }
    %scan3A_85 = arith.constant 16 : i32
    %barrier3A_86 = arith.constant 0 : index
    tpu.barrier barrier_id(%barrier3A_86)
    %dma_wait3A = tpu.memref_slice %arg4[%add3A_64] : memref<5160960xf32, #tpu.memory_space<hbm>> -> memref<32256xf32, #tpu.memory_space<hbm>>
    %dma_wait3A_87 = tpu.memref_slice %arg4[%add3A_64] : memref<5160960xf32, #tpu.memory_space<hbm>> -> memref<32256xf32, #tpu.memory_space<hbm>>
    tpu.wait_dma2 semaphore(%arg12 : memref<!tpu.dma_semaphore, #tpu.memory_space<semaphore_mem>>) src(%arg6 : memref<32256xf32, #tpu.memory_space<vmem>>) dst(%dma_wait3A_87 : memref<32256xf32, #tpu.memory_space<hbm>>)
    %mul3A_88 = arith.constant 258048 : i32
    %mul3A_89 = arith.muli %add3A_69, %mul3A_88 : i32
    %mul3A_90 = arith.constant 32256 : i32
    %mul3A_91 = arith.muli %arg1, %mul3A_90 : i32
    "tpu.region"() ({
      %run_scoped3A = tpu.sem_alloc : memref<!tpu.dma_semaphore, #tpu.memory_space<semaphore_mem>>
      %dma_start3A_199 = tpu.memref_slice %arg11[%mul3A_91] : memref<516104xf32, #tpu.memory_space<vmem_shared>> -> memref<32256xf32, #tpu.memory_space<vmem_shared>>
      %dma_start3A_200 = tpu.memref_slice %arg11[%mul3A_91] : memref<516104xf32, #tpu.memory_space<vmem_shared>> -> memref<32256xf32, #tpu.memory_space<vmem_shared>>
      tpu.enqueue_dma source(%dma_start3A_200 : memref<32256xf32, #tpu.memory_space<vmem_shared>>) target(%arg6 : memref<32256xf32, #tpu.memory_space<vmem>>) target_semaphore(%run_scoped3A : memref<!tpu.dma_semaphore, #tpu.memory_space<semaphore_mem>>)
      %dma_wait3A_201 = tpu.memref_slice %arg11[%mul3A_91] : memref<516104xf32, #tpu.memory_space<vmem_shared>> -> memref<32256xf32, #tpu.memory_space<vmem_shared>>
      %dma_wait3A_202 = tpu.memref_slice %arg11[%mul3A_91] : memref<516104xf32, #tpu.memory_space<vmem_shared>> -> memref<32256xf32, #tpu.memory_space<vmem_shared>>
      tpu.wait_dma2 semaphore(%run_scoped3A : memref<!tpu.dma_semaphore, #tpu.memory_space<semaphore_mem>>) src(%dma_wait3A_202 : memref<32256xf32, #tpu.memory_space<vmem_shared>>) dst(%arg6 : memref<32256xf32, #tpu.memory_space<vmem>>)
      tpu.yield
    }) : () -> ()
    %barrier3A_92 = arith.constant 0 : index
    tpu.barrier barrier_id(%barrier3A_92)
    %mul3A_93 = arith.constant 32256 : i32
    %mul3A_94 = arith.muli %arg1, %mul3A_93 : i32
    %add3A_95 = arith.addi %mul3A_89, %mul3A_94 : i32
    %dma_start3A_96 = tpu.memref_slice %arg4[%add3A_95] : memref<5160960xf32, #tpu.memory_space<hbm>> -> memref<32256xf32, #tpu.memory_space<hbm>>
    %dma_start3A_97 = tpu.memref_slice %arg4[%add3A_95] : memref<5160960xf32, #tpu.memory_space<hbm>> -> memref<32256xf32, #tpu.memory_space<hbm>>
    tpu.enqueue_dma source(%arg6 : memref<32256xf32, #tpu.memory_space<vmem>>) target(%dma_start3A_97 : memref<32256xf32, #tpu.memory_space<hbm>>) target_semaphore(%arg12 : memref<!tpu.dma_semaphore, #tpu.memory_space<semaphore_mem>>)
    %mul3A_98 = arith.constant 10 : i32
    %mul3A_99 = arith.muli %arg0, %mul3A_98 : i32
    %add3A_100 = arith.constant 4 : i32
    %add3A_101 = arith.addi %mul3A_99, %add3A_100 : i32
    %mul3A_102 = arith.constant 32256 : i32
    %mul3A_103 = arith.muli %arg1, %mul3A_102 : i32
    "tpu.region"() ({
      %run_scoped3A = tpu.sem_alloc : memref<!tpu.dma_semaphore, #tpu.memory_space<semaphore_mem>>
      %dma_start3A_199 = tpu.memref_slice %arg11[%mul3A_103] : memref<516104xf32, #tpu.memory_space<vmem_shared>> -> memref<32256xf32, #tpu.memory_space<vmem_shared>>
      %dma_start3A_200 = tpu.memref_slice %arg11[%mul3A_103] : memref<516104xf32, #tpu.memory_space<vmem_shared>> -> memref<32256xf32, #tpu.memory_space<vmem_shared>>
      tpu.enqueue_dma source(%arg5 : memref<32256xf32, #tpu.memory_space<vmem>>) target(%dma_start3A_200 : memref<32256xf32, #tpu.memory_space<vmem_shared>>) target_semaphore(%run_scoped3A : memref<!tpu.dma_semaphore, #tpu.memory_space<semaphore_mem>>)
      %dma_wait3A_201 = tpu.memref_slice %arg11[%mul3A_103] : memref<516104xf32, #tpu.memory_space<vmem_shared>> -> memref<32256xf32, #tpu.memory_space<vmem_shared>>
      %dma_wait3A_202 = tpu.memref_slice %arg11[%mul3A_103] : memref<516104xf32, #tpu.memory_space<vmem_shared>> -> memref<32256xf32, #tpu.memory_space<vmem_shared>>
      tpu.wait_dma2 semaphore(%run_scoped3A : memref<!tpu.dma_semaphore, #tpu.memory_space<semaphore_mem>>) src(%arg5 : memref<32256xf32, #tpu.memory_space<vmem>>) dst(%dma_wait3A_202 : memref<32256xf32, #tpu.memory_space<vmem_shared>>)
      tpu.yield
    }) : () -> ()
    %mul3A_104 = arith.constant 16000 : i32
    %mul3A_105 = arith.muli %add3A_101, %mul3A_104 : i32
    %mul3A_106 = arith.constant 2000 : i32
    %mul3A_107 = arith.muli %arg1, %mul3A_106 : i32
    %add3A_108 = arith.addi %mul3A_105, %mul3A_107 : i32
    "tpu.region"() ({
      %run_scoped3A = tpu.sem_alloc : memref<!tpu.dma_semaphore, #tpu.memory_space<semaphore_mem>>
      %dma_start3A_199 = arith.constant 0 : i32
      %dma_start3A_200 = tpu.memref_slice %arg7[%dma_start3A_199] : memref<2048xi32, #tpu.memory_space<vmem>> -> memref<2000xi32, #tpu.memory_space<vmem>>
      %dma_start3A_201 = tpu.memref_slice %arg2[%add3A_108] : memref<320000xi32, #tpu.memory_space<hbm>> -> memref<2000xi32, #tpu.memory_space<hbm>>
      %dma_start3A_202 = arith.constant 0 : i32
      %dma_start3A_203 = tpu.memref_slice %arg7[%dma_start3A_202] : memref<2048xi32, #tpu.memory_space<vmem>> -> memref<2000xi32, #tpu.memory_space<vmem>>
      %dma_start3A_204 = tpu.memref_slice %arg2[%add3A_108] : memref<320000xi32, #tpu.memory_space<hbm>> -> memref<2000xi32, #tpu.memory_space<hbm>>
      tpu.enqueue_dma source(%dma_start3A_204 : memref<2000xi32, #tpu.memory_space<hbm>>) target(%dma_start3A_203 : memref<2000xi32, #tpu.memory_space<vmem>>) target_semaphore(%run_scoped3A : memref<!tpu.dma_semaphore, #tpu.memory_space<semaphore_mem>>)
      %dma_wait3A_205 = arith.constant 0 : i32
      %dma_wait3A_206 = tpu.memref_slice %arg7[%dma_wait3A_205] : memref<2048xi32, #tpu.memory_space<vmem>> -> memref<2000xi32, #tpu.memory_space<vmem>>
      %dma_wait3A_207 = tpu.memref_slice %arg2[%add3A_108] : memref<320000xi32, #tpu.memory_space<hbm>> -> memref<2000xi32, #tpu.memory_space<hbm>>
      %dma_wait3A_208 = arith.constant 0 : i32
      %dma_wait3A_209 = tpu.memref_slice %arg7[%dma_wait3A_208] : memref<2048xi32, #tpu.memory_space<vmem>> -> memref<2000xi32, #tpu.memory_space<vmem>>
      %dma_wait3A_210 = tpu.memref_slice %arg2[%add3A_108] : memref<320000xi32, #tpu.memory_space<hbm>> -> memref<2000xi32, #tpu.memory_space<hbm>>
      tpu.wait_dma2 semaphore(%run_scoped3A : memref<!tpu.dma_semaphore, #tpu.memory_space<semaphore_mem>>) src(%dma_wait3A_210 : memref<2000xi32, #tpu.memory_space<hbm>>) dst(%dma_wait3A_209 : memref<2000xi32, #tpu.memory_space<vmem>>)
      tpu.yield
    }) : () -> ()
    "tpu.region"() ({
      %run_scoped3A = tpu.sem_alloc : memref<!tpu.dma_semaphore, #tpu.memory_space<semaphore_mem>>
      %dma_start3A_199 = arith.constant 0 : i32
      %dma_start3A_200 = tpu.memref_slice %arg8[%dma_start3A_199] : memref<2048xi32, #tpu.memory_space<vmem>> -> memref<2000xi32, #tpu.memory_space<vmem>>
      %dma_start3A_201 = tpu.memref_slice %arg3[%add3A_108] : memref<320000xi32, #tpu.memory_space<hbm>> -> memref<2000xi32, #tpu.memory_space<hbm>>
      %dma_start3A_202 = arith.constant 0 : i32
      %dma_start3A_203 = tpu.memref_slice %arg8[%dma_start3A_202] : memref<2048xi32, #tpu.memory_space<vmem>> -> memref<2000xi32, #tpu.memory_space<vmem>>
      %dma_start3A_204 = tpu.memref_slice %arg3[%add3A_108] : memref<320000xi32, #tpu.memory_space<hbm>> -> memref<2000xi32, #tpu.memory_space<hbm>>
      tpu.enqueue_dma source(%dma_start3A_204 : memref<2000xi32, #tpu.memory_space<hbm>>) target(%dma_start3A_203 : memref<2000xi32, #tpu.memory_space<vmem>>) target_semaphore(%run_scoped3A : memref<!tpu.dma_semaphore, #tpu.memory_space<semaphore_mem>>)
      %dma_wait3A_205 = arith.constant 0 : i32
      %dma_wait3A_206 = tpu.memref_slice %arg8[%dma_wait3A_205] : memref<2048xi32, #tpu.memory_space<vmem>> -> memref<2000xi32, #tpu.memory_space<vmem>>
      %dma_wait3A_207 = tpu.memref_slice %arg3[%add3A_108] : memref<320000xi32, #tpu.memory_space<hbm>> -> memref<2000xi32, #tpu.memory_space<hbm>>
      %dma_wait3A_208 = arith.constant 0 : i32
      %dma_wait3A_209 = tpu.memref_slice %arg8[%dma_wait3A_208] : memref<2048xi32, #tpu.memory_space<vmem>> -> memref<2000xi32, #tpu.memory_space<vmem>>
      %dma_wait3A_210 = tpu.memref_slice %arg3[%add3A_108] : memref<320000xi32, #tpu.memory_space<hbm>> -> memref<2000xi32, #tpu.memory_space<hbm>>
      tpu.wait_dma2 semaphore(%run_scoped3A : memref<!tpu.dma_semaphore, #tpu.memory_space<semaphore_mem>>) src(%dma_wait3A_210 : memref<2000xi32, #tpu.memory_space<hbm>>) dst(%dma_wait3A_209 : memref<2000xi32, #tpu.memory_space<vmem>>)
      tpu.yield
    }) : () -> ()
    %barrier3A_109 = arith.constant 0 : index
    tpu.barrier barrier_id(%barrier3A_109)
    %iota3A_110 = tpu.iota {dimensions = array<i32: 0>} : vector<16xi32>
    %scan3A_111 = arith.constant 0 : i32
    %scan3A_112 = arith.constant 0 : i32
    %scan3A_113 = arith.constant 16 : i32
    %scan3A_114 = arith.addi %scan3A_112, %scan3A_113 : i32
    %scan3A_115 = arith.constant 1 : i32
    %scan3A_116 = scf.for %scan3A_199 = %scan3A_112 to %scan3A_114 step %scan3A_115 iter_args(%scan3A_200 = %scan3A_111) -> (i32)  : i32 {
      %mul3A_201 = arith.constant 128 : i32
      %mul3A_202 = arith.muli %scan3A_199, %mul3A_201 : i32
      %add3A_203 = arith.constant 0 : i32
      %add3A_204 = arith.addi %mul3A_202, %add3A_203 : i32
      %get3A = arith.index_cast %add3A_204 : i32 to index
      %get3A_205 = tpu.vector_load %arg7[%get3A] {strides = array<i32>} : memref<2048xi32, #tpu.memory_space<vmem>>, vector<16xi32>,
      %get3A_206 = vector.shape_cast %get3A_205 : vector<16xi32> to vector<16xi32>
      %get3A_207 = arith.index_cast %add3A_204 : i32 to index
      %get3A_208 = tpu.vector_load %arg8[%get3A_207] {strides = array<i32>} : memref<2048xi32, #tpu.memory_space<vmem>>, vector<16xi32>,
      %get3A_209 = vector.shape_cast %get3A_208 : vector<16xi32> to vector<16xi32>
      %mul3A_210 = arith.constant 16778 : i32
      %mul3A_211 = vector.broadcast %mul3A_210 : i32 to vector<16xi32>
      %mul3A_212 = arith.muli %get3A_209, %mul3A_211 : vector<16xi32>
      %shift_right_logical3A = arith.constant 23 : i32
      %shift_right_logical3A_213 = vector.broadcast %shift_right_logical3A : i32 to vector<16xi32>
      %shift_right_logical3A_214 = arith.shrui %mul3A_212, %shift_right_logical3A_213 : vector<16xi32>
      %mul3A_215 = arith.constant 500 : i32
      %mul3A_216 = vector.broadcast %mul3A_215 : i32 to vector<16xi32>
      %mul3A_217 = arith.muli %shift_right_logical3A_214, %mul3A_216 : vector<16xi32>
      %sub3A = arith.subi %get3A_209, %mul3A_217 : vector<16xi32>
      %mul3A_218 = arith.constant 500 : i32
      %mul3A_219 = vector.broadcast %mul3A_218 : i32 to vector<16xi32>
      %mul3A_220 = arith.muli %shift_right_logical3A_214, %mul3A_219 : vector<16xi32>
      %sub3A_221 = arith.subi %get3A_206, %mul3A_220 : vector<16xi32>
      %sub3A_222 = vector.broadcast %add3A_101 : i32 to vector<16xi32>
      %sub3A_223 = arith.subi %shift_right_logical3A_214, %sub3A_222 : vector<16xi32>
      %mul3A_224 = arith.constant 258048 : i32
      %mul3A_225 = vector.broadcast %mul3A_224 : i32 to vector<16xi32>
      %mul3A_226 = arith.muli %sub3A_223, %mul3A_225 : vector<16xi32>
      %shift_right_logical3A_227 = arith.constant 3 : i32
      %shift_right_logical3A_228 = vector.broadcast %shift_right_logical3A_227 : i32 to vector<16xi32>
      %shift_right_logical3A_229 = arith.shrui %sub3A, %shift_right_logical3A_228 : vector<16xi32>
      %mul3A_230 = arith.constant 4 : i32
      %mul3A_231 = vector.broadcast %mul3A_230 : i32 to vector<16xi32>
      %mul3A_232 = arith.muli %shift_right_logical3A_229, %mul3A_231 : vector<16xi32>
      %shift_right_logical3A_233 = arith.constant 7 : i32
      %shift_right_logical3A_234 = vector.broadcast %shift_right_logical3A_233 : i32 to vector<16xi32>
      %shift_right_logical3A_235 = arith.shrui %sub3A_221, %shift_right_logical3A_234 : vector<16xi32>
      %add3A_236 = arith.addi %mul3A_232, %shift_right_logical3A_235 : vector<16xi32>
      %mul3A_237 = arith.constant 1024 : i32
      %mul3A_238 = vector.broadcast %mul3A_237 : i32 to vector<16xi32>
      %mul3A_239 = arith.muli %add3A_236, %mul3A_238 : vector<16xi32>
      %add3A_240 = arith.addi %mul3A_226, %mul3A_239 : vector<16xi32>
      %and3A = arith.constant 7 : i32
      %and3A_241 = vector.broadcast %and3A : i32 to vector<16xi32>
      %and3A_242 = arith.andi %sub3A, %and3A_241 : vector<16xi32>
      %mul3A_243 = arith.constant 128 : i32
      %mul3A_244 = vector.broadcast %mul3A_243 : i32 to vector<16xi32>
      %mul3A_245 = arith.muli %and3A_242, %mul3A_244 : vector<16xi32>
      %add3A_246 = arith.addi %add3A_240, %mul3A_245 : vector<16xi32>
      %and3A_247 = arith.constant 127 : i32
      %and3A_248 = vector.broadcast %and3A_247 : i32 to vector<16xi32>
      %and3A_249 = arith.andi %sub3A_221, %and3A_248 : vector<16xi32>
      %add3A_250 = arith.addi %add3A_246, %and3A_249 : vector<16xi32>
      %add3A_251 = vector.broadcast %add3A_204 : i32 to vector<16xi32>
      %add3A_252 = arith.addi %add3A_251, %iota3A_110 : vector<16xi32>
      %lt3A = arith.constant 2000 : i32
      %lt3A_253 = vector.broadcast %lt3A : i32 to vector<16xi32>
      %lt3A_254 = arith.cmpi slt, %add3A_252, %lt3A_253 : vector<16xi32>
      %jit3A = arith.constant 516096 : i32
      %broadcast_in_dim3A_255 = vector.broadcast %jit3A : i32 to vector<16xi32>
      %select_n3A = arith.select %lt3A_254, %add3A_250, %broadcast_in_dim3A_255 : vector<16xi1>, vector<16xi32>
      %swap3A_256 = arith.constant 0 : index
      %swap3A_257 = tpu.vector_load %arg9[%swap3A_256] {strides = array<i32>} : memref<128xi32, #tpu.memory_space<vmem>>, vector<16xi32>,
      %swap3A_258 = vector.shape_cast %swap3A_257 : vector<16xi32> to vector<16xi32>
      %swap3A_259 = vector.shape_cast %select_n3A : vector<16xi32> to vector<16xi32>
      tpu.vector_store %arg9[%swap3A_256], %swap3A_259 {strides = array<i32>} : memref<128xi32, #tpu.memory_space<vmem>>, vector<16xi32>,
      %mul3A_260 = arith.constant 128 : i32
      %mul3A_261 = arith.muli %scan3A_199, %mul3A_260 : i32
      %add3A_262 = arith.constant 16 : i32
      %add3A_263 = arith.addi %mul3A_261, %add3A_262 : i32
      %get3A_264 = arith.index_cast %add3A_263 : i32 to index
      %get3A_265 = tpu.vector_load %arg7[%get3A_264] {strides = array<i32>} : memref<2048xi32, #tpu.memory_space<vmem>>, vector<16xi32>,
      %get3A_266 = vector.shape_cast %get3A_265 : vector<16xi32> to vector<16xi32>
      %get3A_267 = arith.index_cast %add3A_263 : i32 to index
      %get3A_268 = tpu.vector_load %arg8[%get3A_267] {strides = array<i32>} : memref<2048xi32, #tpu.memory_space<vmem>>, vector<16xi32>,
      %get3A_269 = vector.shape_cast %get3A_268 : vector<16xi32> to vector<16xi32>
      %mul3A_270 = arith.constant 16778 : i32
      %mul3A_271 = vector.broadcast %mul3A_270 : i32 to vector<16xi32>
      %mul3A_272 = arith.muli %get3A_269, %mul3A_271 : vector<16xi32>
      %shift_right_logical3A_273 = arith.constant 23 : i32
      %shift_right_logical3A_274 = vector.broadcast %shift_right_logical3A_273 : i32 to vector<16xi32>
      %shift_right_logical3A_275 = arith.shrui %mul3A_272, %shift_right_logical3A_274 : vector<16xi32>
      %mul3A_276 = arith.constant 500 : i32
      %mul3A_277 = vector.broadcast %mul3A_276 : i32 to vector<16xi32>
      %mul3A_278 = arith.muli %shift_right_logical3A_275, %mul3A_277 : vector<16xi32>
      %sub3A_279 = arith.subi %get3A_269, %mul3A_278 : vector<16xi32>
      %mul3A_280 = arith.constant 500 : i32
      %mul3A_281 = vector.broadcast %mul3A_280 : i32 to vector<16xi32>
      %mul3A_282 = arith.muli %shift_right_logical3A_275, %mul3A_281 : vector<16xi32>
      %sub3A_283 = arith.subi %get3A_266, %mul3A_282 : vector<16xi32>
      %sub3A_284 = vector.broadcast %add3A_101 : i32 to vector<16xi32>
      %sub3A_285 = arith.subi %shift_right_logical3A_275, %sub3A_284 : vector<16xi32>
      %mul3A_286 = arith.constant 258048 : i32
      %mul3A_287 = vector.broadcast %mul3A_286 : i32 to vector<16xi32>
      %mul3A_288 = arith.muli %sub3A_285, %mul3A_287 : vector<16xi32>
      %shift_right_logical3A_289 = arith.constant 3 : i32
      %shift_right_logical3A_290 = vector.broadcast %shift_right_logical3A_289 : i32 to vector<16xi32>
      %shift_right_logical3A_291 = arith.shrui %sub3A_279, %shift_right_logical3A_290 : vector<16xi32>
      %mul3A_292 = arith.constant 4 : i32
      %mul3A_293 = vector.broadcast %mul3A_292 : i32 to vector<16xi32>
      %mul3A_294 = arith.muli %shift_right_logical3A_291, %mul3A_293 : vector<16xi32>
      %shift_right_logical3A_295 = arith.constant 7 : i32
      %shift_right_logical3A_296 = vector.broadcast %shift_right_logical3A_295 : i32 to vector<16xi32>
      %shift_right_logical3A_297 = arith.shrui %sub3A_283, %shift_right_logical3A_296 : vector<16xi32>
      %add3A_298 = arith.addi %mul3A_294, %shift_right_logical3A_297 : vector<16xi32>
      %mul3A_299 = arith.constant 1024 : i32
      %mul3A_300 = vector.broadcast %mul3A_299 : i32 to vector<16xi32>
      %mul3A_301 = arith.muli %add3A_298, %mul3A_300 : vector<16xi32>
      %add3A_302 = arith.addi %mul3A_288, %mul3A_301 : vector<16xi32>
      %and3A_303 = arith.constant 7 : i32
      %and3A_304 = vector.broadcast %and3A_303 : i32 to vector<16xi32>
      %and3A_305 = arith.andi %sub3A_279, %and3A_304 : vector<16xi32>
      %mul3A_306 = arith.constant 128 : i32
      %mul3A_307 = vector.broadcast %mul3A_306 : i32 to vector<16xi32>
      %mul3A_308 = arith.muli %and3A_305, %mul3A_307 : vector<16xi32>
      %add3A_309 = arith.addi %add3A_302, %mul3A_308 : vector<16xi32>
      %and3A_310 = arith.constant 127 : i32
      %and3A_311 = vector.broadcast %and3A_310 : i32 to vector<16xi32>
      %and3A_312 = arith.andi %sub3A_283, %and3A_311 : vector<16xi32>
      %add3A_313 = arith.addi %add3A_309, %and3A_312 : vector<16xi32>
      %add3A_314 = vector.broadcast %add3A_263 : i32 to vector<16xi32>
      %add3A_315 = arith.addi %add3A_314, %iota3A_110 : vector<16xi32>
      %lt3A_316 = arith.constant 2000 : i32
      %lt3A_317 = vector.broadcast %lt3A_316 : i32 to vector<16xi32>
      %lt3A_318 = arith.cmpi slt, %add3A_315, %lt3A_317 : vector<16xi32>
      %jit3A_319 = arith.constant 516096 : i32
      %broadcast_in_dim3A_320 = vector.broadcast %jit3A_319 : i32 to vector<16xi32>
      %select_n3A_321 = arith.select %lt3A_318, %add3A_313, %broadcast_in_dim3A_320 : vector<16xi1>, vector<16xi32>
      %swap3A_322 = arith.constant 16 : index
      %swap3A_323 = tpu.vector_load %arg9[%swap3A_322] {strides = array<i32>} : memref<128xi32, #tpu.memory_space<vmem>>, vector<16xi32>,
      %swap3A_324 = vector.shape_cast %swap3A_323 : vector<16xi32> to vector<16xi32>
      %swap3A_325 = vector.shape_cast %select_n3A_321 : vector<16xi32> to vector<16xi32>
      tpu.vector_store %arg9[%swap3A_322], %swap3A_325 {strides = array<i32>} : memref<128xi32, #tpu.memory_space<vmem>>, vector<16xi32>,
      %mul3A_326 = arith.constant 128 : i32
      %mul3A_327 = arith.muli %scan3A_199, %mul3A_326 : i32
      %add3A_328 = arith.constant 32 : i32
      %add3A_329 = arith.addi %mul3A_327, %add3A_328 : i32
      %get3A_330 = arith.index_cast %add3A_329 : i32 to index
      %get3A_331 = tpu.vector_load %arg7[%get3A_330] {strides = array<i32>} : memref<2048xi32, #tpu.memory_space<vmem>>, vector<16xi32>,
      %get3A_332 = vector.shape_cast %get3A_331 : vector<16xi32> to vector<16xi32>
      %get3A_333 = arith.index_cast %add3A_329 : i32 to index
      %get3A_334 = tpu.vector_load %arg8[%get3A_333] {strides = array<i32>} : memref<2048xi32, #tpu.memory_space<vmem>>, vector<16xi32>,
      %get3A_335 = vector.shape_cast %get3A_334 : vector<16xi32> to vector<16xi32>
      %mul3A_336 = arith.constant 16778 : i32
      %mul3A_337 = vector.broadcast %mul3A_336 : i32 to vector<16xi32>
      %mul3A_338 = arith.muli %get3A_335, %mul3A_337 : vector<16xi32>
      %shift_right_logical3A_339 = arith.constant 23 : i32
      %shift_right_logical3A_340 = vector.broadcast %shift_right_logical3A_339 : i32 to vector<16xi32>
      %shift_right_logical3A_341 = arith.shrui %mul3A_338, %shift_right_logical3A_340 : vector<16xi32>
      %mul3A_342 = arith.constant 500 : i32
      %mul3A_343 = vector.broadcast %mul3A_342 : i32 to vector<16xi32>
      %mul3A_344 = arith.muli %shift_right_logical3A_341, %mul3A_343 : vector<16xi32>
      %sub3A_345 = arith.subi %get3A_335, %mul3A_344 : vector<16xi32>
      %mul3A_346 = arith.constant 500 : i32
      %mul3A_347 = vector.broadcast %mul3A_346 : i32 to vector<16xi32>
      %mul3A_348 = arith.muli %shift_right_logical3A_341, %mul3A_347 : vector<16xi32>
      %sub3A_349 = arith.subi %get3A_332, %mul3A_348 : vector<16xi32>
      %sub3A_350 = vector.broadcast %add3A_101 : i32 to vector<16xi32>
      %sub3A_351 = arith.subi %shift_right_logical3A_341, %sub3A_350 : vector<16xi32>
      %mul3A_352 = arith.constant 258048 : i32
      %mul3A_353 = vector.broadcast %mul3A_352 : i32 to vector<16xi32>
      %mul3A_354 = arith.muli %sub3A_351, %mul3A_353 : vector<16xi32>
      %shift_right_logical3A_355 = arith.constant 3 : i32
      %shift_right_logical3A_356 = vector.broadcast %shift_right_logical3A_355 : i32 to vector<16xi32>
      %shift_right_logical3A_357 = arith.shrui %sub3A_345, %shift_right_logical3A_356 : vector<16xi32>
      %mul3A_358 = arith.constant 4 : i32
      %mul3A_359 = vector.broadcast %mul3A_358 : i32 to vector<16xi32>
      %mul3A_360 = arith.muli %shift_right_logical3A_357, %mul3A_359 : vector<16xi32>
      %shift_right_logical3A_361 = arith.constant 7 : i32
      %shift_right_logical3A_362 = vector.broadcast %shift_right_logical3A_361 : i32 to vector<16xi32>
      %shift_right_logical3A_363 = arith.shrui %sub3A_349, %shift_right_logical3A_362 : vector<16xi32>
      %add3A_364 = arith.addi %mul3A_360, %shift_right_logical3A_363 : vector<16xi32>
      %mul3A_365 = arith.constant 1024 : i32
      %mul3A_366 = vector.broadcast %mul3A_365 : i32 to vector<16xi32>
      %mul3A_367 = arith.muli %add3A_364, %mul3A_366 : vector<16xi32>
      %add3A_368 = arith.addi %mul3A_354, %mul3A_367 : vector<16xi32>
      %and3A_369 = arith.constant 7 : i32
      %and3A_370 = vector.broadcast %and3A_369 : i32 to vector<16xi32>
      %and3A_371 = arith.andi %sub3A_345, %and3A_370 : vector<16xi32>
      %mul3A_372 = arith.constant 128 : i32
      %mul3A_373 = vector.broadcast %mul3A_372 : i32 to vector<16xi32>
      %mul3A_374 = arith.muli %and3A_371, %mul3A_373 : vector<16xi32>
      %add3A_375 = arith.addi %add3A_368, %mul3A_374 : vector<16xi32>
      %and3A_376 = arith.constant 127 : i32
      %and3A_377 = vector.broadcast %and3A_376 : i32 to vector<16xi32>
      %and3A_378 = arith.andi %sub3A_349, %and3A_377 : vector<16xi32>
      %add3A_379 = arith.addi %add3A_375, %and3A_378 : vector<16xi32>
      %add3A_380 = vector.broadcast %add3A_329 : i32 to vector<16xi32>
      %add3A_381 = arith.addi %add3A_380, %iota3A_110 : vector<16xi32>
      %lt3A_382 = arith.constant 2000 : i32
      %lt3A_383 = vector.broadcast %lt3A_382 : i32 to vector<16xi32>
      %lt3A_384 = arith.cmpi slt, %add3A_381, %lt3A_383 : vector<16xi32>
      %jit3A_385 = arith.constant 516096 : i32
      %broadcast_in_dim3A_386 = vector.broadcast %jit3A_385 : i32 to vector<16xi32>
      %select_n3A_387 = arith.select %lt3A_384, %add3A_379, %broadcast_in_dim3A_386 : vector<16xi1>, vector<16xi32>
      %swap3A_388 = arith.constant 32 : index
      %swap3A_389 = tpu.vector_load %arg9[%swap3A_388] {strides = array<i32>} : memref<128xi32, #tpu.memory_space<vmem>>, vector<16xi32>,
      %swap3A_390 = vector.shape_cast %swap3A_389 : vector<16xi32> to vector<16xi32>
      %swap3A_391 = vector.shape_cast %select_n3A_387 : vector<16xi32> to vector<16xi32>
      tpu.vector_store %arg9[%swap3A_388], %swap3A_391 {strides = array<i32>} : memref<128xi32, #tpu.memory_space<vmem>>, vector<16xi32>,
      %mul3A_392 = arith.constant 128 : i32
      %mul3A_393 = arith.muli %scan3A_199, %mul3A_392 : i32
      %add3A_394 = arith.constant 48 : i32
      %add3A_395 = arith.addi %mul3A_393, %add3A_394 : i32
      %get3A_396 = arith.index_cast %add3A_395 : i32 to index
      %get3A_397 = tpu.vector_load %arg7[%get3A_396] {strides = array<i32>} : memref<2048xi32, #tpu.memory_space<vmem>>, vector<16xi32>,
      %get3A_398 = vector.shape_cast %get3A_397 : vector<16xi32> to vector<16xi32>
      %get3A_399 = arith.index_cast %add3A_395 : i32 to index
      %get3A_400 = tpu.vector_load %arg8[%get3A_399] {strides = array<i32>} : memref<2048xi32, #tpu.memory_space<vmem>>, vector<16xi32>,
      %get3A_401 = vector.shape_cast %get3A_400 : vector<16xi32> to vector<16xi32>
      %mul3A_402 = arith.constant 16778 : i32
      %mul3A_403 = vector.broadcast %mul3A_402 : i32 to vector<16xi32>
      %mul3A_404 = arith.muli %get3A_401, %mul3A_403 : vector<16xi32>
      %shift_right_logical3A_405 = arith.constant 23 : i32
      %shift_right_logical3A_406 = vector.broadcast %shift_right_logical3A_405 : i32 to vector<16xi32>
      %shift_right_logical3A_407 = arith.shrui %mul3A_404, %shift_right_logical3A_406 : vector<16xi32>
      %mul3A_408 = arith.constant 500 : i32
      %mul3A_409 = vector.broadcast %mul3A_408 : i32 to vector<16xi32>
      %mul3A_410 = arith.muli %shift_right_logical3A_407, %mul3A_409 : vector<16xi32>
      %sub3A_411 = arith.subi %get3A_401, %mul3A_410 : vector<16xi32>
      %mul3A_412 = arith.constant 500 : i32
      %mul3A_413 = vector.broadcast %mul3A_412 : i32 to vector<16xi32>
      %mul3A_414 = arith.muli %shift_right_logical3A_407, %mul3A_413 : vector<16xi32>
      %sub3A_415 = arith.subi %get3A_398, %mul3A_414 : vector<16xi32>
      %sub3A_416 = vector.broadcast %add3A_101 : i32 to vector<16xi32>
      %sub3A_417 = arith.subi %shift_right_logical3A_407, %sub3A_416 : vector<16xi32>
      %mul3A_418 = arith.constant 258048 : i32
      %mul3A_419 = vector.broadcast %mul3A_418 : i32 to vector<16xi32>
      %mul3A_420 = arith.muli %sub3A_417, %mul3A_419 : vector<16xi32>
      %shift_right_logical3A_421 = arith.constant 3 : i32
      %shift_right_logical3A_422 = vector.broadcast %shift_right_logical3A_421 : i32 to vector<16xi32>
      %shift_right_logical3A_423 = arith.shrui %sub3A_411, %shift_right_logical3A_422 : vector<16xi32>
      %mul3A_424 = arith.constant 4 : i32
      %mul3A_425 = vector.broadcast %mul3A_424 : i32 to vector<16xi32>
      %mul3A_426 = arith.muli %shift_right_logical3A_423, %mul3A_425 : vector<16xi32>
      %shift_right_logical3A_427 = arith.constant 7 : i32
      %shift_right_logical3A_428 = vector.broadcast %shift_right_logical3A_427 : i32 to vector<16xi32>
      %shift_right_logical3A_429 = arith.shrui %sub3A_415, %shift_right_logical3A_428 : vector<16xi32>
      %add3A_430 = arith.addi %mul3A_426, %shift_right_logical3A_429 : vector<16xi32>
      %mul3A_431 = arith.constant 1024 : i32
      %mul3A_432 = vector.broadcast %mul3A_431 : i32 to vector<16xi32>
      %mul3A_433 = arith.muli %add3A_430, %mul3A_432 : vector<16xi32>
      %add3A_434 = arith.addi %mul3A_420, %mul3A_433 : vector<16xi32>
      %and3A_435 = arith.constant 7 : i32
      %and3A_436 = vector.broadcast %and3A_435 : i32 to vector<16xi32>
      %and3A_437 = arith.andi %sub3A_411, %and3A_436 : vector<16xi32>
      %mul3A_438 = arith.constant 128 : i32
      %mul3A_439 = vector.broadcast %mul3A_438 : i32 to vector<16xi32>
      %mul3A_440 = arith.muli %and3A_437, %mul3A_439 : vector<16xi32>
      %add3A_441 = arith.addi %add3A_434, %mul3A_440 : vector<16xi32>
      %and3A_442 = arith.constant 127 : i32
      %and3A_443 = vector.broadcast %and3A_442 : i32 to vector<16xi32>
      %and3A_444 = arith.andi %sub3A_415, %and3A_443 : vector<16xi32>
      %add3A_445 = arith.addi %add3A_441, %and3A_444 : vector<16xi32>
      %add3A_446 = vector.broadcast %add3A_395 : i32 to vector<16xi32>
      %add3A_447 = arith.addi %add3A_446, %iota3A_110 : vector<16xi32>
      %lt3A_448 = arith.constant 2000 : i32
      %lt3A_449 = vector.broadcast %lt3A_448 : i32 to vector<16xi32>
      %lt3A_450 = arith.cmpi slt, %add3A_447, %lt3A_449 : vector<16xi32>
      %jit3A_451 = arith.constant 516096 : i32
      %broadcast_in_dim3A_452 = vector.broadcast %jit3A_451 : i32 to vector<16xi32>
      %select_n3A_453 = arith.select %lt3A_450, %add3A_445, %broadcast_in_dim3A_452 : vector<16xi1>, vector<16xi32>
      %swap3A_454 = arith.constant 48 : index
      %swap3A_455 = tpu.vector_load %arg9[%swap3A_454] {strides = array<i32>} : memref<128xi32, #tpu.memory_space<vmem>>, vector<16xi32>,
      %swap3A_456 = vector.shape_cast %swap3A_455 : vector<16xi32> to vector<16xi32>
      %swap3A_457 = vector.shape_cast %select_n3A_453 : vector<16xi32> to vector<16xi32>
      tpu.vector_store %arg9[%swap3A_454], %swap3A_457 {strides = array<i32>} : memref<128xi32, #tpu.memory_space<vmem>>, vector<16xi32>,
      %mul3A_458 = arith.constant 128 : i32
      %mul3A_459 = arith.muli %scan3A_199, %mul3A_458 : i32
      %add3A_460 = arith.constant 64 : i32
      %add3A_461 = arith.addi %mul3A_459, %add3A_460 : i32
      %get3A_462 = arith.index_cast %add3A_461 : i32 to index
      %get3A_463 = tpu.vector_load %arg7[%get3A_462] {strides = array<i32>} : memref<2048xi32, #tpu.memory_space<vmem>>, vector<16xi32>,
      %get3A_464 = vector.shape_cast %get3A_463 : vector<16xi32> to vector<16xi32>
      %get3A_465 = arith.index_cast %add3A_461 : i32 to index
      %get3A_466 = tpu.vector_load %arg8[%get3A_465] {strides = array<i32>} : memref<2048xi32, #tpu.memory_space<vmem>>, vector<16xi32>,
      %get3A_467 = vector.shape_cast %get3A_466 : vector<16xi32> to vector<16xi32>
      %mul3A_468 = arith.constant 16778 : i32
      %mul3A_469 = vector.broadcast %mul3A_468 : i32 to vector<16xi32>
      %mul3A_470 = arith.muli %get3A_467, %mul3A_469 : vector<16xi32>
      %shift_right_logical3A_471 = arith.constant 23 : i32
      %shift_right_logical3A_472 = vector.broadcast %shift_right_logical3A_471 : i32 to vector<16xi32>
      %shift_right_logical3A_473 = arith.shrui %mul3A_470, %shift_right_logical3A_472 : vector<16xi32>
      %mul3A_474 = arith.constant 500 : i32
      %mul3A_475 = vector.broadcast %mul3A_474 : i32 to vector<16xi32>
      %mul3A_476 = arith.muli %shift_right_logical3A_473, %mul3A_475 : vector<16xi32>
      %sub3A_477 = arith.subi %get3A_467, %mul3A_476 : vector<16xi32>
      %mul3A_478 = arith.constant 500 : i32
      %mul3A_479 = vector.broadcast %mul3A_478 : i32 to vector<16xi32>
      %mul3A_480 = arith.muli %shift_right_logical3A_473, %mul3A_479 : vector<16xi32>
      %sub3A_481 = arith.subi %get3A_464, %mul3A_480 : vector<16xi32>
      %sub3A_482 = vector.broadcast %add3A_101 : i32 to vector<16xi32>
      %sub3A_483 = arith.subi %shift_right_logical3A_473, %sub3A_482 : vector<16xi32>
      %mul3A_484 = arith.constant 258048 : i32
      %mul3A_485 = vector.broadcast %mul3A_484 : i32 to vector<16xi32>
      %mul3A_486 = arith.muli %sub3A_483, %mul3A_485 : vector<16xi32>
      %shift_right_logical3A_487 = arith.constant 3 : i32
      %shift_right_logical3A_488 = vector.broadcast %shift_right_logical3A_487 : i32 to vector<16xi32>
      %shift_right_logical3A_489 = arith.shrui %sub3A_477, %shift_right_logical3A_488 : vector<16xi32>
      %mul3A_490 = arith.constant 4 : i32
      %mul3A_491 = vector.broadcast %mul3A_490 : i32 to vector<16xi32>
      %mul3A_492 = arith.muli %shift_right_logical3A_489, %mul3A_491 : vector<16xi32>
      %shift_right_logical3A_493 = arith.constant 7 : i32
      %shift_right_logical3A_494 = vector.broadcast %shift_right_logical3A_493 : i32 to vector<16xi32>
      %shift_right_logical3A_495 = arith.shrui %sub3A_481, %shift_right_logical3A_494 : vector<16xi32>
      %add3A_496 = arith.addi %mul3A_492, %shift_right_logical3A_495 : vector<16xi32>
      %mul3A_497 = arith.constant 1024 : i32
      %mul3A_498 = vector.broadcast %mul3A_497 : i32 to vector<16xi32>
      %mul3A_499 = arith.muli %add3A_496, %mul3A_498 : vector<16xi32>
      %add3A_500 = arith.addi %mul3A_486, %mul3A_499 : vector<16xi32>
      %and3A_501 = arith.constant 7 : i32
      %and3A_502 = vector.broadcast %and3A_501 : i32 to vector<16xi32>
      %and3A_503 = arith.andi %sub3A_477, %and3A_502 : vector<16xi32>
      %mul3A_504 = arith.constant 128 : i32
      %mul3A_505 = vector.broadcast %mul3A_504 : i32 to vector<16xi32>
      %mul3A_506 = arith.muli %and3A_503, %mul3A_505 : vector<16xi32>
      %add3A_507 = arith.addi %add3A_500, %mul3A_506 : vector<16xi32>
      %and3A_508 = arith.constant 127 : i32
      %and3A_509 = vector.broadcast %and3A_508 : i32 to vector<16xi32>
      %and3A_510 = arith.andi %sub3A_481, %and3A_509 : vector<16xi32>
      %add3A_511 = arith.addi %add3A_507, %and3A_510 : vector<16xi32>
      %add3A_512 = vector.broadcast %add3A_461 : i32 to vector<16xi32>
      %add3A_513 = arith.addi %add3A_512, %iota3A_110 : vector<16xi32>
      %lt3A_514 = arith.constant 2000 : i32
      %lt3A_515 = vector.broadcast %lt3A_514 : i32 to vector<16xi32>
      %lt3A_516 = arith.cmpi slt, %add3A_513, %lt3A_515 : vector<16xi32>
      %jit3A_517 = arith.constant 516096 : i32
      %broadcast_in_dim3A_518 = vector.broadcast %jit3A_517 : i32 to vector<16xi32>
      %select_n3A_519 = arith.select %lt3A_516, %add3A_511, %broadcast_in_dim3A_518 : vector<16xi1>, vector<16xi32>
      %swap3A_520 = arith.constant 64 : index
      %swap3A_521 = tpu.vector_load %arg9[%swap3A_520] {strides = array<i32>} : memref<128xi32, #tpu.memory_space<vmem>>, vector<16xi32>,
      %swap3A_522 = vector.shape_cast %swap3A_521 : vector<16xi32> to vector<16xi32>
      %swap3A_523 = vector.shape_cast %select_n3A_519 : vector<16xi32> to vector<16xi32>
      tpu.vector_store %arg9[%swap3A_520], %swap3A_523 {strides = array<i32>} : memref<128xi32, #tpu.memory_space<vmem>>, vector<16xi32>,
      %mul3A_524 = arith.constant 128 : i32
      %mul3A_525 = arith.muli %scan3A_199, %mul3A_524 : i32
      %add3A_526 = arith.constant 80 : i32
      %add3A_527 = arith.addi %mul3A_525, %add3A_526 : i32
      %get3A_528 = arith.index_cast %add3A_527 : i32 to index
      %get3A_529 = tpu.vector_load %arg7[%get3A_528] {strides = array<i32>} : memref<2048xi32, #tpu.memory_space<vmem>>, vector<16xi32>,
      %get3A_530 = vector.shape_cast %get3A_529 : vector<16xi32> to vector<16xi32>
      %get3A_531 = arith.index_cast %add3A_527 : i32 to index
      %get3A_532 = tpu.vector_load %arg8[%get3A_531] {strides = array<i32>} : memref<2048xi32, #tpu.memory_space<vmem>>, vector<16xi32>,
      %get3A_533 = vector.shape_cast %get3A_532 : vector<16xi32> to vector<16xi32>
      %mul3A_534 = arith.constant 16778 : i32
      %mul3A_535 = vector.broadcast %mul3A_534 : i32 to vector<16xi32>
      %mul3A_536 = arith.muli %get3A_533, %mul3A_535 : vector<16xi32>
      %shift_right_logical3A_537 = arith.constant 23 : i32
      %shift_right_logical3A_538 = vector.broadcast %shift_right_logical3A_537 : i32 to vector<16xi32>
      %shift_right_logical3A_539 = arith.shrui %mul3A_536, %shift_right_logical3A_538 : vector<16xi32>
      %mul3A_540 = arith.constant 500 : i32
      %mul3A_541 = vector.broadcast %mul3A_540 : i32 to vector<16xi32>
      %mul3A_542 = arith.muli %shift_right_logical3A_539, %mul3A_541 : vector<16xi32>
      %sub3A_543 = arith.subi %get3A_533, %mul3A_542 : vector<16xi32>
      %mul3A_544 = arith.constant 500 : i32
      %mul3A_545 = vector.broadcast %mul3A_544 : i32 to vector<16xi32>
      %mul3A_546 = arith.muli %shift_right_logical3A_539, %mul3A_545 : vector<16xi32>
      %sub3A_547 = arith.subi %get3A_530, %mul3A_546 : vector<16xi32>
      %sub3A_548 = vector.broadcast %add3A_101 : i32 to vector<16xi32>
      %sub3A_549 = arith.subi %shift_right_logical3A_539, %sub3A_548 : vector<16xi32>
      %mul3A_550 = arith.constant 258048 : i32
      %mul3A_551 = vector.broadcast %mul3A_550 : i32 to vector<16xi32>
      %mul3A_552 = arith.muli %sub3A_549, %mul3A_551 : vector<16xi32>
      %shift_right_logical3A_553 = arith.constant 3 : i32
      %shift_right_logical3A_554 = vector.broadcast %shift_right_logical3A_553 : i32 to vector<16xi32>
      %shift_right_logical3A_555 = arith.shrui %sub3A_543, %shift_right_logical3A_554 : vector<16xi32>
      %mul3A_556 = arith.constant 4 : i32
      %mul3A_557 = vector.broadcast %mul3A_556 : i32 to vector<16xi32>
      %mul3A_558 = arith.muli %shift_right_logical3A_555, %mul3A_557 : vector<16xi32>
      %shift_right_logical3A_559 = arith.constant 7 : i32
      %shift_right_logical3A_560 = vector.broadcast %shift_right_logical3A_559 : i32 to vector<16xi32>
      %shift_right_logical3A_561 = arith.shrui %sub3A_547, %shift_right_logical3A_560 : vector<16xi32>
      %add3A_562 = arith.addi %mul3A_558, %shift_right_logical3A_561 : vector<16xi32>
      %mul3A_563 = arith.constant 1024 : i32
      %mul3A_564 = vector.broadcast %mul3A_563 : i32 to vector<16xi32>
      %mul3A_565 = arith.muli %add3A_562, %mul3A_564 : vector<16xi32>
      %add3A_566 = arith.addi %mul3A_552, %mul3A_565 : vector<16xi32>
      %and3A_567 = arith.constant 7 : i32
      %and3A_568 = vector.broadcast %and3A_567 : i32 to vector<16xi32>
      %and3A_569 = arith.andi %sub3A_543, %and3A_568 : vector<16xi32>
      %mul3A_570 = arith.constant 128 : i32
      %mul3A_571 = vector.broadcast %mul3A_570 : i32 to vector<16xi32>
      %mul3A_572 = arith.muli %and3A_569, %mul3A_571 : vector<16xi32>
      %add3A_573 = arith.addi %add3A_566, %mul3A_572 : vector<16xi32>
      %and3A_574 = arith.constant 127 : i32
      %and3A_575 = vector.broadcast %and3A_574 : i32 to vector<16xi32>
      %and3A_576 = arith.andi %sub3A_547, %and3A_575 : vector<16xi32>
      %add3A_577 = arith.addi %add3A_573, %and3A_576 : vector<16xi32>
      %add3A_578 = vector.broadcast %add3A_527 : i32 to vector<16xi32>
      %add3A_579 = arith.addi %add3A_578, %iota3A_110 : vector<16xi32>
      %lt3A_580 = arith.constant 2000 : i32
      %lt3A_581 = vector.broadcast %lt3A_580 : i32 to vector<16xi32>
      %lt3A_582 = arith.cmpi slt, %add3A_579, %lt3A_581 : vector<16xi32>
      %jit3A_583 = arith.constant 516096 : i32
      %broadcast_in_dim3A_584 = vector.broadcast %jit3A_583 : i32 to vector<16xi32>
      %select_n3A_585 = arith.select %lt3A_582, %add3A_577, %broadcast_in_dim3A_584 : vector<16xi1>, vector<16xi32>
      %swap3A_586 = arith.constant 80 : index
      %swap3A_587 = tpu.vector_load %arg9[%swap3A_586] {strides = array<i32>} : memref<128xi32, #tpu.memory_space<vmem>>, vector<16xi32>,
      %swap3A_588 = vector.shape_cast %swap3A_587 : vector<16xi32> to vector<16xi32>
      %swap3A_589 = vector.shape_cast %select_n3A_585 : vector<16xi32> to vector<16xi32>
      tpu.vector_store %arg9[%swap3A_586], %swap3A_589 {strides = array<i32>} : memref<128xi32, #tpu.memory_space<vmem>>, vector<16xi32>,
      %mul3A_590 = arith.constant 128 : i32
      %mul3A_591 = arith.muli %scan3A_199, %mul3A_590 : i32
      %add3A_592 = arith.constant 96 : i32
      %add3A_593 = arith.addi %mul3A_591, %add3A_592 : i32
      %get3A_594 = arith.index_cast %add3A_593 : i32 to index
      %get3A_595 = tpu.vector_load %arg7[%get3A_594] {strides = array<i32>} : memref<2048xi32, #tpu.memory_space<vmem>>, vector<16xi32>,
      %get3A_596 = vector.shape_cast %get3A_595 : vector<16xi32> to vector<16xi32>
      %get3A_597 = arith.index_cast %add3A_593 : i32 to index
      %get3A_598 = tpu.vector_load %arg8[%get3A_597] {strides = array<i32>} : memref<2048xi32, #tpu.memory_space<vmem>>, vector<16xi32>,
      %get3A_599 = vector.shape_cast %get3A_598 : vector<16xi32> to vector<16xi32>
      %mul3A_600 = arith.constant 16778 : i32
      %mul3A_601 = vector.broadcast %mul3A_600 : i32 to vector<16xi32>
      %mul3A_602 = arith.muli %get3A_599, %mul3A_601 : vector<16xi32>
      %shift_right_logical3A_603 = arith.constant 23 : i32
      %shift_right_logical3A_604 = vector.broadcast %shift_right_logical3A_603 : i32 to vector<16xi32>
      %shift_right_logical3A_605 = arith.shrui %mul3A_602, %shift_right_logical3A_604 : vector<16xi32>
      %mul3A_606 = arith.constant 500 : i32
      %mul3A_607 = vector.broadcast %mul3A_606 : i32 to vector<16xi32>
      %mul3A_608 = arith.muli %shift_right_logical3A_605, %mul3A_607 : vector<16xi32>
      %sub3A_609 = arith.subi %get3A_599, %mul3A_608 : vector<16xi32>
      %mul3A_610 = arith.constant 500 : i32
      %mul3A_611 = vector.broadcast %mul3A_610 : i32 to vector<16xi32>
      %mul3A_612 = arith.muli %shift_right_logical3A_605, %mul3A_611 : vector<16xi32>
      %sub3A_613 = arith.subi %get3A_596, %mul3A_612 : vector<16xi32>
      %sub3A_614 = vector.broadcast %add3A_101 : i32 to vector<16xi32>
      %sub3A_615 = arith.subi %shift_right_logical3A_605, %sub3A_614 : vector<16xi32>
      %mul3A_616 = arith.constant 258048 : i32
      %mul3A_617 = vector.broadcast %mul3A_616 : i32 to vector<16xi32>
      %mul3A_618 = arith.muli %sub3A_615, %mul3A_617 : vector<16xi32>
      %shift_right_logical3A_619 = arith.constant 3 : i32
      %shift_right_logical3A_620 = vector.broadcast %shift_right_logical3A_619 : i32 to vector<16xi32>
      %shift_right_logical3A_621 = arith.shrui %sub3A_609, %shift_right_logical3A_620 : vector<16xi32>
      %mul3A_622 = arith.constant 4 : i32
      %mul3A_623 = vector.broadcast %mul3A_622 : i32 to vector<16xi32>
      %mul3A_624 = arith.muli %shift_right_logical3A_621, %mul3A_623 : vector<16xi32>
      %shift_right_logical3A_625 = arith.constant 7 : i32
      %shift_right_logical3A_626 = vector.broadcast %shift_right_logical3A_625 : i32 to vector<16xi32>
      %shift_right_logical3A_627 = arith.shrui %sub3A_613, %shift_right_logical3A_626 : vector<16xi32>
      %add3A_628 = arith.addi %mul3A_624, %shift_right_logical3A_627 : vector<16xi32>
      %mul3A_629 = arith.constant 1024 : i32
      %mul3A_630 = vector.broadcast %mul3A_629 : i32 to vector<16xi32>
      %mul3A_631 = arith.muli %add3A_628, %mul3A_630 : vector<16xi32>
      %add3A_632 = arith.addi %mul3A_618, %mul3A_631 : vector<16xi32>
      %and3A_633 = arith.constant 7 : i32
      %and3A_634 = vector.broadcast %and3A_633 : i32 to vector<16xi32>
      %and3A_635 = arith.andi %sub3A_609, %and3A_634 : vector<16xi32>
      %mul3A_636 = arith.constant 128 : i32
      %mul3A_637 = vector.broadcast %mul3A_636 : i32 to vector<16xi32>
      %mul3A_638 = arith.muli %and3A_635, %mul3A_637 : vector<16xi32>
      %add3A_639 = arith.addi %add3A_632, %mul3A_638 : vector<16xi32>
      %and3A_640 = arith.constant 127 : i32
      %and3A_641 = vector.broadcast %and3A_640 : i32 to vector<16xi32>
      %and3A_642 = arith.andi %sub3A_613, %and3A_641 : vector<16xi32>
      %add3A_643 = arith.addi %add3A_639, %and3A_642 : vector<16xi32>
      %add3A_644 = vector.broadcast %add3A_593 : i32 to vector<16xi32>
      %add3A_645 = arith.addi %add3A_644, %iota3A_110 : vector<16xi32>
      %lt3A_646 = arith.constant 2000 : i32
      %lt3A_647 = vector.broadcast %lt3A_646 : i32 to vector<16xi32>
      %lt3A_648 = arith.cmpi slt, %add3A_645, %lt3A_647 : vector<16xi32>
      %jit3A_649 = arith.constant 516096 : i32
      %broadcast_in_dim3A_650 = vector.broadcast %jit3A_649 : i32 to vector<16xi32>
      %select_n3A_651 = arith.select %lt3A_648, %add3A_643, %broadcast_in_dim3A_650 : vector<16xi1>, vector<16xi32>
      %swap3A_652 = arith.constant 96 : index
      %swap3A_653 = tpu.vector_load %arg9[%swap3A_652] {strides = array<i32>} : memref<128xi32, #tpu.memory_space<vmem>>, vector<16xi32>,
      %swap3A_654 = vector.shape_cast %swap3A_653 : vector<16xi32> to vector<16xi32>
      %swap3A_655 = vector.shape_cast %select_n3A_651 : vector<16xi32> to vector<16xi32>
      tpu.vector_store %arg9[%swap3A_652], %swap3A_655 {strides = array<i32>} : memref<128xi32, #tpu.memory_space<vmem>>, vector<16xi32>,
      %mul3A_656 = arith.constant 128 : i32
      %mul3A_657 = arith.muli %scan3A_199, %mul3A_656 : i32
      %add3A_658 = arith.constant 112 : i32
      %add3A_659 = arith.addi %mul3A_657, %add3A_658 : i32
      %get3A_660 = arith.index_cast %add3A_659 : i32 to index
      %get3A_661 = tpu.vector_load %arg7[%get3A_660] {strides = array<i32>} : memref<2048xi32, #tpu.memory_space<vmem>>, vector<16xi32>,
      %get3A_662 = vector.shape_cast %get3A_661 : vector<16xi32> to vector<16xi32>
      %get3A_663 = arith.index_cast %add3A_659 : i32 to index
      %get3A_664 = tpu.vector_load %arg8[%get3A_663] {strides = array<i32>} : memref<2048xi32, #tpu.memory_space<vmem>>, vector<16xi32>,
      %get3A_665 = vector.shape_cast %get3A_664 : vector<16xi32> to vector<16xi32>
      %mul3A_666 = arith.constant 16778 : i32
      %mul3A_667 = vector.broadcast %mul3A_666 : i32 to vector<16xi32>
      %mul3A_668 = arith.muli %get3A_665, %mul3A_667 : vector<16xi32>
      %shift_right_logical3A_669 = arith.constant 23 : i32
      %shift_right_logical3A_670 = vector.broadcast %shift_right_logical3A_669 : i32 to vector<16xi32>
      %shift_right_logical3A_671 = arith.shrui %mul3A_668, %shift_right_logical3A_670 : vector<16xi32>
      %mul3A_672 = arith.constant 500 : i32
      %mul3A_673 = vector.broadcast %mul3A_672 : i32 to vector<16xi32>
      %mul3A_674 = arith.muli %shift_right_logical3A_671, %mul3A_673 : vector<16xi32>
      %sub3A_675 = arith.subi %get3A_665, %mul3A_674 : vector<16xi32>
      %mul3A_676 = arith.constant 500 : i32
      %mul3A_677 = vector.broadcast %mul3A_676 : i32 to vector<16xi32>
      %mul3A_678 = arith.muli %shift_right_logical3A_671, %mul3A_677 : vector<16xi32>
      %sub3A_679 = arith.subi %get3A_662, %mul3A_678 : vector<16xi32>
      %sub3A_680 = vector.broadcast %add3A_101 : i32 to vector<16xi32>
      %sub3A_681 = arith.subi %shift_right_logical3A_671, %sub3A_680 : vector<16xi32>
      %mul3A_682 = arith.constant 258048 : i32
      %mul3A_683 = vector.broadcast %mul3A_682 : i32 to vector<16xi32>
      %mul3A_684 = arith.muli %sub3A_681, %mul3A_683 : vector<16xi32>
      %shift_right_logical3A_685 = arith.constant 3 : i32
      %shift_right_logical3A_686 = vector.broadcast %shift_right_logical3A_685 : i32 to vector<16xi32>
      %shift_right_logical3A_687 = arith.shrui %sub3A_675, %shift_right_logical3A_686 : vector<16xi32>
      %mul3A_688 = arith.constant 4 : i32
      %mul3A_689 = vector.broadcast %mul3A_688 : i32 to vector<16xi32>
      %mul3A_690 = arith.muli %shift_right_logical3A_687, %mul3A_689 : vector<16xi32>
      %shift_right_logical3A_691 = arith.constant 7 : i32
      %shift_right_logical3A_692 = vector.broadcast %shift_right_logical3A_691 : i32 to vector<16xi32>
      %shift_right_logical3A_693 = arith.shrui %sub3A_679, %shift_right_logical3A_692 : vector<16xi32>
      %add3A_694 = arith.addi %mul3A_690, %shift_right_logical3A_693 : vector<16xi32>
      %mul3A_695 = arith.constant 1024 : i32
      %mul3A_696 = vector.broadcast %mul3A_695 : i32 to vector<16xi32>
      %mul3A_697 = arith.muli %add3A_694, %mul3A_696 : vector<16xi32>
      %add3A_698 = arith.addi %mul3A_684, %mul3A_697 : vector<16xi32>
      %and3A_699 = arith.constant 7 : i32
      %and3A_700 = vector.broadcast %and3A_699 : i32 to vector<16xi32>
      %and3A_701 = arith.andi %sub3A_675, %and3A_700 : vector<16xi32>
      %mul3A_702 = arith.constant 128 : i32
      %mul3A_703 = vector.broadcast %mul3A_702 : i32 to vector<16xi32>
      %mul3A_704 = arith.muli %and3A_701, %mul3A_703 : vector<16xi32>
      %add3A_705 = arith.addi %add3A_698, %mul3A_704 : vector<16xi32>
      %and3A_706 = arith.constant 127 : i32
      %and3A_707 = vector.broadcast %and3A_706 : i32 to vector<16xi32>
      %and3A_708 = arith.andi %sub3A_679, %and3A_707 : vector<16xi32>
      %add3A_709 = arith.addi %add3A_705, %and3A_708 : vector<16xi32>
      %add3A_710 = vector.broadcast %add3A_659 : i32 to vector<16xi32>
      %add3A_711 = arith.addi %add3A_710, %iota3A_110 : vector<16xi32>
      %lt3A_712 = arith.constant 2000 : i32
      %lt3A_713 = vector.broadcast %lt3A_712 : i32 to vector<16xi32>
      %lt3A_714 = arith.cmpi slt, %add3A_711, %lt3A_713 : vector<16xi32>
      %jit3A_715 = arith.constant 516096 : i32
      %broadcast_in_dim3A_716 = vector.broadcast %jit3A_715 : i32 to vector<16xi32>
      %select_n3A_717 = arith.select %lt3A_714, %add3A_709, %broadcast_in_dim3A_716 : vector<16xi1>, vector<16xi32>
      %swap3A_718 = arith.constant 112 : index
      %swap3A_719 = tpu.vector_load %arg9[%swap3A_718] {strides = array<i32>} : memref<128xi32, #tpu.memory_space<vmem>>, vector<16xi32>,
      %swap3A_720 = vector.shape_cast %swap3A_719 : vector<16xi32> to vector<16xi32>
      %swap3A_721 = vector.shape_cast %select_n3A_717 : vector<16xi32> to vector<16xi32>
      tpu.vector_store %arg9[%swap3A_718], %swap3A_721 {strides = array<i32>} : memref<128xi32, #tpu.memory_space<vmem>>, vector<16xi32>,
      "tpu.region"() ({
        %run_scoped3A = tpu.sem_alloc : memref<!tpu.dma_semaphore, #tpu.memory_space<semaphore_mem>>
        %dma_start3A_723 = arith.constant 0 : i32
        %dma_start3A_724 = tpu.memref_slice %arg11[%dma_start3A_723] : memref<516104xf32, #tpu.memory_space<vmem_shared>> -> memref<516104xf32, #tpu.memory_space<vmem_shared>>
        tpu.enqueue_indirect_dma source(%arg10 : memref<128xf32, #tpu.memory_space<vmem>>) target(%dma_start3A_724 : memref<516104xf32, #tpu.memory_space<vmem_shared>>) offsets(%arg9 : memref<128xi32, #tpu.memory_space<vmem>>) semaphore(%run_scoped3A : memref<!tpu.dma_semaphore, #tpu.memory_space<semaphore_mem>>) {add = true}
        %dma_wait3A_725 = arith.constant 0 : i32
        %dma_wait3A_726 = tpu.memref_slice %arg11[%dma_wait3A_725] : memref<516104xf32, #tpu.memory_space<vmem_shared>> -> memref<516104xf32, #tpu.memory_space<vmem_shared>>
        tpu.wait_indirect_dma semaphore(%run_scoped3A : memref<!tpu.dma_semaphore, #tpu.memory_space<semaphore_mem>>) src(%arg10 : memref<128xf32, #tpu.memory_space<vmem>>) dst(%dma_wait3A_726 : memref<516104xf32, #tpu.memory_space<vmem_shared>>)
        tpu.yield
      }) : () -> ()
      %scan3A_722 = arith.constant 0 : i32
      scf.yield %scan3A_722 : i32
    }
    %scan3A_117 = arith.constant 16 : i32
    %barrier3A_118 = arith.constant 0 : index
    tpu.barrier barrier_id(%barrier3A_118)
    %dma_wait3A_119 = tpu.memref_slice %arg4[%add3A_95] : memref<5160960xf32, #tpu.memory_space<hbm>> -> memref<32256xf32, #tpu.memory_space<hbm>>
    %dma_wait3A_120 = tpu.memref_slice %arg4[%add3A_95] : memref<5160960xf32, #tpu.memory_space<hbm>> -> memref<32256xf32, #tpu.memory_space<hbm>>
    tpu.wait_dma2 semaphore(%arg12 : memref<!tpu.dma_semaphore, #tpu.memory_space<semaphore_mem>>) src(%arg6 : memref<32256xf32, #tpu.memory_space<vmem>>) dst(%dma_wait3A_120 : memref<32256xf32, #tpu.memory_space<hbm>>)
    %mul3A_121 = arith.constant 258048 : i32
    %mul3A_122 = arith.muli %add3A_101, %mul3A_121 : i32
    %mul3A_123 = arith.constant 32256 : i32
    %mul3A_124 = arith.muli %arg1, %mul3A_123 : i32
    "tpu.region"() ({
      %run_scoped3A = tpu.sem_alloc : memref<!tpu.dma_semaphore, #tpu.memory_space<semaphore_mem>>
      %dma_start3A_199 = tpu.memref_slice %arg11[%mul3A_124] : memref<516104xf32, #tpu.memory_space<vmem_shared>> -> memref<32256xf32, #tpu.memory_space<vmem_shared>>
      %dma_start3A_200 = tpu.memref_slice %arg11[%mul3A_124] : memref<516104xf32, #tpu.memory_space<vmem_shared>> -> memref<32256xf32, #tpu.memory_space<vmem_shared>>
      tpu.enqueue_dma source(%dma_start3A_200 : memref<32256xf32, #tpu.memory_space<vmem_shared>>) target(%arg6 : memref<32256xf32, #tpu.memory_space<vmem>>) target_semaphore(%run_scoped3A : memref<!tpu.dma_semaphore, #tpu.memory_space<semaphore_mem>>)
      %dma_wait3A_201 = tpu.memref_slice %arg11[%mul3A_124] : memref<516104xf32, #tpu.memory_space<vmem_shared>> -> memref<32256xf32, #tpu.memory_space<vmem_shared>>
      %dma_wait3A_202 = tpu.memref_slice %arg11[%mul3A_124] : memref<516104xf32, #tpu.memory_space<vmem_shared>> -> memref<32256xf32, #tpu.memory_space<vmem_shared>>
      tpu.wait_dma2 semaphore(%run_scoped3A : memref<!tpu.dma_semaphore, #tpu.memory_space<semaphore_mem>>) src(%dma_wait3A_202 : memref<32256xf32, #tpu.memory_space<vmem_shared>>) dst(%arg6 : memref<32256xf32, #tpu.memory_space<vmem>>)
      tpu.yield
    }) : () -> ()
    %barrier3A_125 = arith.constant 0 : index
    tpu.barrier barrier_id(%barrier3A_125)
    %mul3A_126 = arith.constant 32256 : i32
    %mul3A_127 = arith.muli %arg1, %mul3A_126 : i32
    %add3A_128 = arith.addi %mul3A_122, %mul3A_127 : i32
    %dma_start3A_129 = tpu.memref_slice %arg4[%add3A_128] : memref<5160960xf32, #tpu.memory_space<hbm>> -> memref<32256xf32, #tpu.memory_space<hbm>>
    %dma_start3A_130 = tpu.memref_slice %arg4[%add3A_128] : memref<5160960xf32, #tpu.memory_space<hbm>> -> memref<32256xf32, #tpu.memory_space<hbm>>
    tpu.enqueue_dma source(%arg6 : memref<32256xf32, #tpu.memory_space<vmem>>) target(%dma_start3A_130 : memref<32256xf32, #tpu.memory_space<hbm>>) target_semaphore(%arg12 : memref<!tpu.dma_semaphore, #tpu.memory_space<semaphore_mem>>)
    %mul3A_131 = arith.constant 10 : i32
    %mul3A_132 = arith.muli %arg0, %mul3A_131 : i32
    %add3A_133 = arith.constant 6 : i32
    %add3A_134 = arith.addi %mul3A_132, %add3A_133 : i32
    %mul3A_135 = arith.constant 32256 : i32
    %mul3A_136 = arith.muli %arg1, %mul3A_135 : i32
    "tpu.region"() ({
      %run_scoped3A = tpu.sem_alloc : memref<!tpu.dma_semaphore, #tpu.memory_space<semaphore_mem>>
      %dma_start3A_199 = tpu.memref_slice %arg11[%mul3A_136] : memref<516104xf32, #tpu.memory_space<vmem_shared>> -> memref<32256xf32, #tpu.memory_space<vmem_shared>>
      %dma_start3A_200 = tpu.memref_slice %arg11[%mul3A_136] : memref<516104xf32, #tpu.memory_space<vmem_shared>> -> memref<32256xf32, #tpu.memory_space<vmem_shared>>
      tpu.enqueue_dma source(%arg5 : memref<32256xf32, #tpu.memory_space<vmem>>) target(%dma_start3A_200 : memref<32256xf32, #tpu.memory_space<vmem_shared>>) target_semaphore(%run_scoped3A : memref<!tpu.dma_semaphore, #tpu.memory_space<semaphore_mem>>)
      %dma_wait3A_201 = tpu.memref_slice %arg11[%mul3A_136] : memref<516104xf32, #tpu.memory_space<vmem_shared>> -> memref<32256xf32, #tpu.memory_space<vmem_shared>>
      %dma_wait3A_202 = tpu.memref_slice %arg11[%mul3A_136] : memref<516104xf32, #tpu.memory_space<vmem_shared>> -> memref<32256xf32, #tpu.memory_space<vmem_shared>>
      tpu.wait_dma2 semaphore(%run_scoped3A : memref<!tpu.dma_semaphore, #tpu.memory_space<semaphore_mem>>) src(%arg5 : memref<32256xf32, #tpu.memory_space<vmem>>) dst(%dma_wait3A_202 : memref<32256xf32, #tpu.memory_space<vmem_shared>>)
      tpu.yield
    }) : () -> ()
    %mul3A_137 = arith.constant 16000 : i32
    %mul3A_138 = arith.muli %add3A_134, %mul3A_137 : i32
    %mul3A_139 = arith.constant 2000 : i32
    %mul3A_140 = arith.muli %arg1, %mul3A_139 : i32
    %add3A_141 = arith.addi %mul3A_138, %mul3A_140 : i32
    "tpu.region"() ({
      %run_scoped3A = tpu.sem_alloc : memref<!tpu.dma_semaphore, #tpu.memory_space<semaphore_mem>>
      %dma_start3A_199 = arith.constant 0 : i32
      %dma_start3A_200 = tpu.memref_slice %arg7[%dma_start3A_199] : memref<2048xi32, #tpu.memory_space<vmem>> -> memref<2000xi32, #tpu.memory_space<vmem>>
      %dma_start3A_201 = tpu.memref_slice %arg2[%add3A_141] : memref<320000xi32, #tpu.memory_space<hbm>> -> memref<2000xi32, #tpu.memory_space<hbm>>
      %dma_start3A_202 = arith.constant 0 : i32
      %dma_start3A_203 = tpu.memref_slice %arg7[%dma_start3A_202] : memref<2048xi32, #tpu.memory_space<vmem>> -> memref<2000xi32, #tpu.memory_space<vmem>>
      %dma_start3A_204 = tpu.memref_slice %arg2[%add3A_141] : memref<320000xi32, #tpu.memory_space<hbm>> -> memref<2000xi32, #tpu.memory_space<hbm>>
      tpu.enqueue_dma source(%dma_start3A_204 : memref<2000xi32, #tpu.memory_space<hbm>>) target(%dma_start3A_203 : memref<2000xi32, #tpu.memory_space<vmem>>) target_semaphore(%run_scoped3A : memref<!tpu.dma_semaphore, #tpu.memory_space<semaphore_mem>>)
      %dma_wait3A_205 = arith.constant 0 : i32
      %dma_wait3A_206 = tpu.memref_slice %arg7[%dma_wait3A_205] : memref<2048xi32, #tpu.memory_space<vmem>> -> memref<2000xi32, #tpu.memory_space<vmem>>
      %dma_wait3A_207 = tpu.memref_slice %arg2[%add3A_141] : memref<320000xi32, #tpu.memory_space<hbm>> -> memref<2000xi32, #tpu.memory_space<hbm>>
      %dma_wait3A_208 = arith.constant 0 : i32
      %dma_wait3A_209 = tpu.memref_slice %arg7[%dma_wait3A_208] : memref<2048xi32, #tpu.memory_space<vmem>> -> memref<2000xi32, #tpu.memory_space<vmem>>
      %dma_wait3A_210 = tpu.memref_slice %arg2[%add3A_141] : memref<320000xi32, #tpu.memory_space<hbm>> -> memref<2000xi32, #tpu.memory_space<hbm>>
      tpu.wait_dma2 semaphore(%run_scoped3A : memref<!tpu.dma_semaphore, #tpu.memory_space<semaphore_mem>>) src(%dma_wait3A_210 : memref<2000xi32, #tpu.memory_space<hbm>>) dst(%dma_wait3A_209 : memref<2000xi32, #tpu.memory_space<vmem>>)
      tpu.yield
    }) : () -> ()
    "tpu.region"() ({
      %run_scoped3A = tpu.sem_alloc : memref<!tpu.dma_semaphore, #tpu.memory_space<semaphore_mem>>
      %dma_start3A_199 = arith.constant 0 : i32
      %dma_start3A_200 = tpu.memref_slice %arg8[%dma_start3A_199] : memref<2048xi32, #tpu.memory_space<vmem>> -> memref<2000xi32, #tpu.memory_space<vmem>>
      %dma_start3A_201 = tpu.memref_slice %arg3[%add3A_141] : memref<320000xi32, #tpu.memory_space<hbm>> -> memref<2000xi32, #tpu.memory_space<hbm>>
      %dma_start3A_202 = arith.constant 0 : i32
      %dma_start3A_203 = tpu.memref_slice %arg8[%dma_start3A_202] : memref<2048xi32, #tpu.memory_space<vmem>> -> memref<2000xi32, #tpu.memory_space<vmem>>
      %dma_start3A_204 = tpu.memref_slice %arg3[%add3A_141] : memref<320000xi32, #tpu.memory_space<hbm>> -> memref<2000xi32, #tpu.memory_space<hbm>>
      tpu.enqueue_dma source(%dma_start3A_204 : memref<2000xi32, #tpu.memory_space<hbm>>) target(%dma_start3A_203 : memref<2000xi32, #tpu.memory_space<vmem>>) target_semaphore(%run_scoped3A : memref<!tpu.dma_semaphore, #tpu.memory_space<semaphore_mem>>)
      %dma_wait3A_205 = arith.constant 0 : i32
      %dma_wait3A_206 = tpu.memref_slice %arg8[%dma_wait3A_205] : memref<2048xi32, #tpu.memory_space<vmem>> -> memref<2000xi32, #tpu.memory_space<vmem>>
      %dma_wait3A_207 = tpu.memref_slice %arg3[%add3A_141] : memref<320000xi32, #tpu.memory_space<hbm>> -> memref<2000xi32, #tpu.memory_space<hbm>>
      %dma_wait3A_208 = arith.constant 0 : i32
      %dma_wait3A_209 = tpu.memref_slice %arg8[%dma_wait3A_208] : memref<2048xi32, #tpu.memory_space<vmem>> -> memref<2000xi32, #tpu.memory_space<vmem>>
      %dma_wait3A_210 = tpu.memref_slice %arg3[%add3A_141] : memref<320000xi32, #tpu.memory_space<hbm>> -> memref<2000xi32, #tpu.memory_space<hbm>>
      tpu.wait_dma2 semaphore(%run_scoped3A : memref<!tpu.dma_semaphore, #tpu.memory_space<semaphore_mem>>) src(%dma_wait3A_210 : memref<2000xi32, #tpu.memory_space<hbm>>) dst(%dma_wait3A_209 : memref<2000xi32, #tpu.memory_space<vmem>>)
      tpu.yield
    }) : () -> ()
    %barrier3A_142 = arith.constant 0 : index
    tpu.barrier barrier_id(%barrier3A_142)
    %iota3A_143 = tpu.iota {dimensions = array<i32: 0>} : vector<16xi32>
    %scan3A_144 = arith.constant 0 : i32
    %scan3A_145 = arith.constant 0 : i32
    %scan3A_146 = arith.constant 16 : i32
    %scan3A_147 = arith.addi %scan3A_145, %scan3A_146 : i32
    %scan3A_148 = arith.constant 1 : i32
    %scan3A_149 = scf.for %scan3A_199 = %scan3A_145 to %scan3A_147 step %scan3A_148 iter_args(%scan3A_200 = %scan3A_144) -> (i32)  : i32 {
      %mul3A_201 = arith.constant 128 : i32
      %mul3A_202 = arith.muli %scan3A_199, %mul3A_201 : i32
      %add3A_203 = arith.constant 0 : i32
      %add3A_204 = arith.addi %mul3A_202, %add3A_203 : i32
      %get3A = arith.index_cast %add3A_204 : i32 to index
      %get3A_205 = tpu.vector_load %arg7[%get3A] {strides = array<i32>} : memref<2048xi32, #tpu.memory_space<vmem>>, vector<16xi32>,
      %get3A_206 = vector.shape_cast %get3A_205 : vector<16xi32> to vector<16xi32>
      %get3A_207 = arith.index_cast %add3A_204 : i32 to index
      %get3A_208 = tpu.vector_load %arg8[%get3A_207] {strides = array<i32>} : memref<2048xi32, #tpu.memory_space<vmem>>, vector<16xi32>,
      %get3A_209 = vector.shape_cast %get3A_208 : vector<16xi32> to vector<16xi32>
      %mul3A_210 = arith.constant 16778 : i32
      %mul3A_211 = vector.broadcast %mul3A_210 : i32 to vector<16xi32>
      %mul3A_212 = arith.muli %get3A_209, %mul3A_211 : vector<16xi32>
      %shift_right_logical3A = arith.constant 23 : i32
      %shift_right_logical3A_213 = vector.broadcast %shift_right_logical3A : i32 to vector<16xi32>
      %shift_right_logical3A_214 = arith.shrui %mul3A_212, %shift_right_logical3A_213 : vector<16xi32>
      %mul3A_215 = arith.constant 500 : i32
      %mul3A_216 = vector.broadcast %mul3A_215 : i32 to vector<16xi32>
      %mul3A_217 = arith.muli %shift_right_logical3A_214, %mul3A_216 : vector<16xi32>
      %sub3A = arith.subi %get3A_209, %mul3A_217 : vector<16xi32>
      %mul3A_218 = arith.constant 500 : i32
      %mul3A_219 = vector.broadcast %mul3A_218 : i32 to vector<16xi32>
      %mul3A_220 = arith.muli %shift_right_logical3A_214, %mul3A_219 : vector<16xi32>
      %sub3A_221 = arith.subi %get3A_206, %mul3A_220 : vector<16xi32>
      %sub3A_222 = vector.broadcast %add3A_134 : i32 to vector<16xi32>
      %sub3A_223 = arith.subi %shift_right_logical3A_214, %sub3A_222 : vector<16xi32>
      %mul3A_224 = arith.constant 258048 : i32
      %mul3A_225 = vector.broadcast %mul3A_224 : i32 to vector<16xi32>
      %mul3A_226 = arith.muli %sub3A_223, %mul3A_225 : vector<16xi32>
      %shift_right_logical3A_227 = arith.constant 3 : i32
      %shift_right_logical3A_228 = vector.broadcast %shift_right_logical3A_227 : i32 to vector<16xi32>
      %shift_right_logical3A_229 = arith.shrui %sub3A, %shift_right_logical3A_228 : vector<16xi32>
      %mul3A_230 = arith.constant 4 : i32
      %mul3A_231 = vector.broadcast %mul3A_230 : i32 to vector<16xi32>
      %mul3A_232 = arith.muli %shift_right_logical3A_229, %mul3A_231 : vector<16xi32>
      %shift_right_logical3A_233 = arith.constant 7 : i32
      %shift_right_logical3A_234 = vector.broadcast %shift_right_logical3A_233 : i32 to vector<16xi32>
      %shift_right_logical3A_235 = arith.shrui %sub3A_221, %shift_right_logical3A_234 : vector<16xi32>
      %add3A_236 = arith.addi %mul3A_232, %shift_right_logical3A_235 : vector<16xi32>
      %mul3A_237 = arith.constant 1024 : i32
      %mul3A_238 = vector.broadcast %mul3A_237 : i32 to vector<16xi32>
      %mul3A_239 = arith.muli %add3A_236, %mul3A_238 : vector<16xi32>
      %add3A_240 = arith.addi %mul3A_226, %mul3A_239 : vector<16xi32>
      %and3A = arith.constant 7 : i32
      %and3A_241 = vector.broadcast %and3A : i32 to vector<16xi32>
      %and3A_242 = arith.andi %sub3A, %and3A_241 : vector<16xi32>
      %mul3A_243 = arith.constant 128 : i32
      %mul3A_244 = vector.broadcast %mul3A_243 : i32 to vector<16xi32>
      %mul3A_245 = arith.muli %and3A_242, %mul3A_244 : vector<16xi32>
      %add3A_246 = arith.addi %add3A_240, %mul3A_245 : vector<16xi32>
      %and3A_247 = arith.constant 127 : i32
      %and3A_248 = vector.broadcast %and3A_247 : i32 to vector<16xi32>
      %and3A_249 = arith.andi %sub3A_221, %and3A_248 : vector<16xi32>
      %add3A_250 = arith.addi %add3A_246, %and3A_249 : vector<16xi32>
      %add3A_251 = vector.broadcast %add3A_204 : i32 to vector<16xi32>
      %add3A_252 = arith.addi %add3A_251, %iota3A_143 : vector<16xi32>
      %lt3A = arith.constant 2000 : i32
      %lt3A_253 = vector.broadcast %lt3A : i32 to vector<16xi32>
      %lt3A_254 = arith.cmpi slt, %add3A_252, %lt3A_253 : vector<16xi32>
      %jit3A = arith.constant 516096 : i32
      %broadcast_in_dim3A_255 = vector.broadcast %jit3A : i32 to vector<16xi32>
      %select_n3A = arith.select %lt3A_254, %add3A_250, %broadcast_in_dim3A_255 : vector<16xi1>, vector<16xi32>
      %swap3A_256 = arith.constant 0 : index
      %swap3A_257 = tpu.vector_load %arg9[%swap3A_256] {strides = array<i32>} : memref<128xi32, #tpu.memory_space<vmem>>, vector<16xi32>,
      %swap3A_258 = vector.shape_cast %swap3A_257 : vector<16xi32> to vector<16xi32>
      %swap3A_259 = vector.shape_cast %select_n3A : vector<16xi32> to vector<16xi32>
      tpu.vector_store %arg9[%swap3A_256], %swap3A_259 {strides = array<i32>} : memref<128xi32, #tpu.memory_space<vmem>>, vector<16xi32>,
      %mul3A_260 = arith.constant 128 : i32
      %mul3A_261 = arith.muli %scan3A_199, %mul3A_260 : i32
      %add3A_262 = arith.constant 16 : i32
      %add3A_263 = arith.addi %mul3A_261, %add3A_262 : i32
      %get3A_264 = arith.index_cast %add3A_263 : i32 to index
      %get3A_265 = tpu.vector_load %arg7[%get3A_264] {strides = array<i32>} : memref<2048xi32, #tpu.memory_space<vmem>>, vector<16xi32>,
      %get3A_266 = vector.shape_cast %get3A_265 : vector<16xi32> to vector<16xi32>
      %get3A_267 = arith.index_cast %add3A_263 : i32 to index
      %get3A_268 = tpu.vector_load %arg8[%get3A_267] {strides = array<i32>} : memref<2048xi32, #tpu.memory_space<vmem>>, vector<16xi32>,
      %get3A_269 = vector.shape_cast %get3A_268 : vector<16xi32> to vector<16xi32>
      %mul3A_270 = arith.constant 16778 : i32
      %mul3A_271 = vector.broadcast %mul3A_270 : i32 to vector<16xi32>
      %mul3A_272 = arith.muli %get3A_269, %mul3A_271 : vector<16xi32>
      %shift_right_logical3A_273 = arith.constant 23 : i32
      %shift_right_logical3A_274 = vector.broadcast %shift_right_logical3A_273 : i32 to vector<16xi32>
      %shift_right_logical3A_275 = arith.shrui %mul3A_272, %shift_right_logical3A_274 : vector<16xi32>
      %mul3A_276 = arith.constant 500 : i32
      %mul3A_277 = vector.broadcast %mul3A_276 : i32 to vector<16xi32>
      %mul3A_278 = arith.muli %shift_right_logical3A_275, %mul3A_277 : vector<16xi32>
      %sub3A_279 = arith.subi %get3A_269, %mul3A_278 : vector<16xi32>
      %mul3A_280 = arith.constant 500 : i32
      %mul3A_281 = vector.broadcast %mul3A_280 : i32 to vector<16xi32>
      %mul3A_282 = arith.muli %shift_right_logical3A_275, %mul3A_281 : vector<16xi32>
      %sub3A_283 = arith.subi %get3A_266, %mul3A_282 : vector<16xi32>
      %sub3A_284 = vector.broadcast %add3A_134 : i32 to vector<16xi32>
      %sub3A_285 = arith.subi %shift_right_logical3A_275, %sub3A_284 : vector<16xi32>
      %mul3A_286 = arith.constant 258048 : i32
      %mul3A_287 = vector.broadcast %mul3A_286 : i32 to vector<16xi32>
      %mul3A_288 = arith.muli %sub3A_285, %mul3A_287 : vector<16xi32>
      %shift_right_logical3A_289 = arith.constant 3 : i32
      %shift_right_logical3A_290 = vector.broadcast %shift_right_logical3A_289 : i32 to vector<16xi32>
      %shift_right_logical3A_291 = arith.shrui %sub3A_279, %shift_right_logical3A_290 : vector<16xi32>
      %mul3A_292 = arith.constant 4 : i32
      %mul3A_293 = vector.broadcast %mul3A_292 : i32 to vector<16xi32>
      %mul3A_294 = arith.muli %shift_right_logical3A_291, %mul3A_293 : vector<16xi32>
      %shift_right_logical3A_295 = arith.constant 7 : i32
      %shift_right_logical3A_296 = vector.broadcast %shift_right_logical3A_295 : i32 to vector<16xi32>
      %shift_right_logical3A_297 = arith.shrui %sub3A_283, %shift_right_logical3A_296 : vector<16xi32>
      %add3A_298 = arith.addi %mul3A_294, %shift_right_logical3A_297 : vector<16xi32>
      %mul3A_299 = arith.constant 1024 : i32
      %mul3A_300 = vector.broadcast %mul3A_299 : i32 to vector<16xi32>
      %mul3A_301 = arith.muli %add3A_298, %mul3A_300 : vector<16xi32>
      %add3A_302 = arith.addi %mul3A_288, %mul3A_301 : vector<16xi32>
      %and3A_303 = arith.constant 7 : i32
      %and3A_304 = vector.broadcast %and3A_303 : i32 to vector<16xi32>
      %and3A_305 = arith.andi %sub3A_279, %and3A_304 : vector<16xi32>
      %mul3A_306 = arith.constant 128 : i32
      %mul3A_307 = vector.broadcast %mul3A_306 : i32 to vector<16xi32>
      %mul3A_308 = arith.muli %and3A_305, %mul3A_307 : vector<16xi32>
      %add3A_309 = arith.addi %add3A_302, %mul3A_308 : vector<16xi32>
      %and3A_310 = arith.constant 127 : i32
      %and3A_311 = vector.broadcast %and3A_310 : i32 to vector<16xi32>
      %and3A_312 = arith.andi %sub3A_283, %and3A_311 : vector<16xi32>
      %add3A_313 = arith.addi %add3A_309, %and3A_312 : vector<16xi32>
      %add3A_314 = vector.broadcast %add3A_263 : i32 to vector<16xi32>
      %add3A_315 = arith.addi %add3A_314, %iota3A_143 : vector<16xi32>
      %lt3A_316 = arith.constant 2000 : i32
      %lt3A_317 = vector.broadcast %lt3A_316 : i32 to vector<16xi32>
      %lt3A_318 = arith.cmpi slt, %add3A_315, %lt3A_317 : vector<16xi32>
      %jit3A_319 = arith.constant 516096 : i32
      %broadcast_in_dim3A_320 = vector.broadcast %jit3A_319 : i32 to vector<16xi32>
      %select_n3A_321 = arith.select %lt3A_318, %add3A_313, %broadcast_in_dim3A_320 : vector<16xi1>, vector<16xi32>
      %swap3A_322 = arith.constant 16 : index
      %swap3A_323 = tpu.vector_load %arg9[%swap3A_322] {strides = array<i32>} : memref<128xi32, #tpu.memory_space<vmem>>, vector<16xi32>,
      %swap3A_324 = vector.shape_cast %swap3A_323 : vector<16xi32> to vector<16xi32>
      %swap3A_325 = vector.shape_cast %select_n3A_321 : vector<16xi32> to vector<16xi32>
      tpu.vector_store %arg9[%swap3A_322], %swap3A_325 {strides = array<i32>} : memref<128xi32, #tpu.memory_space<vmem>>, vector<16xi32>,
      %mul3A_326 = arith.constant 128 : i32
      %mul3A_327 = arith.muli %scan3A_199, %mul3A_326 : i32
      %add3A_328 = arith.constant 32 : i32
      %add3A_329 = arith.addi %mul3A_327, %add3A_328 : i32
      %get3A_330 = arith.index_cast %add3A_329 : i32 to index
      %get3A_331 = tpu.vector_load %arg7[%get3A_330] {strides = array<i32>} : memref<2048xi32, #tpu.memory_space<vmem>>, vector<16xi32>,
      %get3A_332 = vector.shape_cast %get3A_331 : vector<16xi32> to vector<16xi32>
      %get3A_333 = arith.index_cast %add3A_329 : i32 to index
      %get3A_334 = tpu.vector_load %arg8[%get3A_333] {strides = array<i32>} : memref<2048xi32, #tpu.memory_space<vmem>>, vector<16xi32>,
      %get3A_335 = vector.shape_cast %get3A_334 : vector<16xi32> to vector<16xi32>
      %mul3A_336 = arith.constant 16778 : i32
      %mul3A_337 = vector.broadcast %mul3A_336 : i32 to vector<16xi32>
      %mul3A_338 = arith.muli %get3A_335, %mul3A_337 : vector<16xi32>
      %shift_right_logical3A_339 = arith.constant 23 : i32
      %shift_right_logical3A_340 = vector.broadcast %shift_right_logical3A_339 : i32 to vector<16xi32>
      %shift_right_logical3A_341 = arith.shrui %mul3A_338, %shift_right_logical3A_340 : vector<16xi32>
      %mul3A_342 = arith.constant 500 : i32
      %mul3A_343 = vector.broadcast %mul3A_342 : i32 to vector<16xi32>
      %mul3A_344 = arith.muli %shift_right_logical3A_341, %mul3A_343 : vector<16xi32>
      %sub3A_345 = arith.subi %get3A_335, %mul3A_344 : vector<16xi32>
      %mul3A_346 = arith.constant 500 : i32
      %mul3A_347 = vector.broadcast %mul3A_346 : i32 to vector<16xi32>
      %mul3A_348 = arith.muli %shift_right_logical3A_341, %mul3A_347 : vector<16xi32>
      %sub3A_349 = arith.subi %get3A_332, %mul3A_348 : vector<16xi32>
      %sub3A_350 = vector.broadcast %add3A_134 : i32 to vector<16xi32>
      %sub3A_351 = arith.subi %shift_right_logical3A_341, %sub3A_350 : vector<16xi32>
      %mul3A_352 = arith.constant 258048 : i32
      %mul3A_353 = vector.broadcast %mul3A_352 : i32 to vector<16xi32>
      %mul3A_354 = arith.muli %sub3A_351, %mul3A_353 : vector<16xi32>
      %shift_right_logical3A_355 = arith.constant 3 : i32
      %shift_right_logical3A_356 = vector.broadcast %shift_right_logical3A_355 : i32 to vector<16xi32>
      %shift_right_logical3A_357 = arith.shrui %sub3A_345, %shift_right_logical3A_356 : vector<16xi32>
      %mul3A_358 = arith.constant 4 : i32
      %mul3A_359 = vector.broadcast %mul3A_358 : i32 to vector<16xi32>
      %mul3A_360 = arith.muli %shift_right_logical3A_357, %mul3A_359 : vector<16xi32>
      %shift_right_logical3A_361 = arith.constant 7 : i32
      %shift_right_logical3A_362 = vector.broadcast %shift_right_logical3A_361 : i32 to vector<16xi32>
      %shift_right_logical3A_363 = arith.shrui %sub3A_349, %shift_right_logical3A_362 : vector<16xi32>
      %add3A_364 = arith.addi %mul3A_360, %shift_right_logical3A_363 : vector<16xi32>
      %mul3A_365 = arith.constant 1024 : i32
      %mul3A_366 = vector.broadcast %mul3A_365 : i32 to vector<16xi32>
      %mul3A_367 = arith.muli %add3A_364, %mul3A_366 : vector<16xi32>
      %add3A_368 = arith.addi %mul3A_354, %mul3A_367 : vector<16xi32>
      %and3A_369 = arith.constant 7 : i32
      %and3A_370 = vector.broadcast %and3A_369 : i32 to vector<16xi32>
      %and3A_371 = arith.andi %sub3A_345, %and3A_370 : vector<16xi32>
      %mul3A_372 = arith.constant 128 : i32
      %mul3A_373 = vector.broadcast %mul3A_372 : i32 to vector<16xi32>
      %mul3A_374 = arith.muli %and3A_371, %mul3A_373 : vector<16xi32>
      %add3A_375 = arith.addi %add3A_368, %mul3A_374 : vector<16xi32>
      %and3A_376 = arith.constant 127 : i32
      %and3A_377 = vector.broadcast %and3A_376 : i32 to vector<16xi32>
      %and3A_378 = arith.andi %sub3A_349, %and3A_377 : vector<16xi32>
      %add3A_379 = arith.addi %add3A_375, %and3A_378 : vector<16xi32>
      %add3A_380 = vector.broadcast %add3A_329 : i32 to vector<16xi32>
      %add3A_381 = arith.addi %add3A_380, %iota3A_143 : vector<16xi32>
      %lt3A_382 = arith.constant 2000 : i32
      %lt3A_383 = vector.broadcast %lt3A_382 : i32 to vector<16xi32>
      %lt3A_384 = arith.cmpi slt, %add3A_381, %lt3A_383 : vector<16xi32>
      %jit3A_385 = arith.constant 516096 : i32
      %broadcast_in_dim3A_386 = vector.broadcast %jit3A_385 : i32 to vector<16xi32>
      %select_n3A_387 = arith.select %lt3A_384, %add3A_379, %broadcast_in_dim3A_386 : vector<16xi1>, vector<16xi32>
      %swap3A_388 = arith.constant 32 : index
      %swap3A_389 = tpu.vector_load %arg9[%swap3A_388] {strides = array<i32>} : memref<128xi32, #tpu.memory_space<vmem>>, vector<16xi32>,
      %swap3A_390 = vector.shape_cast %swap3A_389 : vector<16xi32> to vector<16xi32>
      %swap3A_391 = vector.shape_cast %select_n3A_387 : vector<16xi32> to vector<16xi32>
      tpu.vector_store %arg9[%swap3A_388], %swap3A_391 {strides = array<i32>} : memref<128xi32, #tpu.memory_space<vmem>>, vector<16xi32>,
      %mul3A_392 = arith.constant 128 : i32
      %mul3A_393 = arith.muli %scan3A_199, %mul3A_392 : i32
      %add3A_394 = arith.constant 48 : i32
      %add3A_395 = arith.addi %mul3A_393, %add3A_394 : i32
      %get3A_396 = arith.index_cast %add3A_395 : i32 to index
      %get3A_397 = tpu.vector_load %arg7[%get3A_396] {strides = array<i32>} : memref<2048xi32, #tpu.memory_space<vmem>>, vector<16xi32>,
      %get3A_398 = vector.shape_cast %get3A_397 : vector<16xi32> to vector<16xi32>
      %get3A_399 = arith.index_cast %add3A_395 : i32 to index
      %get3A_400 = tpu.vector_load %arg8[%get3A_399] {strides = array<i32>} : memref<2048xi32, #tpu.memory_space<vmem>>, vector<16xi32>,
      %get3A_401 = vector.shape_cast %get3A_400 : vector<16xi32> to vector<16xi32>
      %mul3A_402 = arith.constant 16778 : i32
      %mul3A_403 = vector.broadcast %mul3A_402 : i32 to vector<16xi32>
      %mul3A_404 = arith.muli %get3A_401, %mul3A_403 : vector<16xi32>
      %shift_right_logical3A_405 = arith.constant 23 : i32
      %shift_right_logical3A_406 = vector.broadcast %shift_right_logical3A_405 : i32 to vector<16xi32>
      %shift_right_logical3A_407 = arith.shrui %mul3A_404, %shift_right_logical3A_406 : vector<16xi32>
      %mul3A_408 = arith.constant 500 : i32
      %mul3A_409 = vector.broadcast %mul3A_408 : i32 to vector<16xi32>
      %mul3A_410 = arith.muli %shift_right_logical3A_407, %mul3A_409 : vector<16xi32>
      %sub3A_411 = arith.subi %get3A_401, %mul3A_410 : vector<16xi32>
      %mul3A_412 = arith.constant 500 : i32
      %mul3A_413 = vector.broadcast %mul3A_412 : i32 to vector<16xi32>
      %mul3A_414 = arith.muli %shift_right_logical3A_407, %mul3A_413 : vector<16xi32>
      %sub3A_415 = arith.subi %get3A_398, %mul3A_414 : vector<16xi32>
      %sub3A_416 = vector.broadcast %add3A_134 : i32 to vector<16xi32>
      %sub3A_417 = arith.subi %shift_right_logical3A_407, %sub3A_416 : vector<16xi32>
      %mul3A_418 = arith.constant 258048 : i32
      %mul3A_419 = vector.broadcast %mul3A_418 : i32 to vector<16xi32>
      %mul3A_420 = arith.muli %sub3A_417, %mul3A_419 : vector<16xi32>
      %shift_right_logical3A_421 = arith.constant 3 : i32
      %shift_right_logical3A_422 = vector.broadcast %shift_right_logical3A_421 : i32 to vector<16xi32>
      %shift_right_logical3A_423 = arith.shrui %sub3A_411, %shift_right_logical3A_422 : vector<16xi32>
      %mul3A_424 = arith.constant 4 : i32
      %mul3A_425 = vector.broadcast %mul3A_424 : i32 to vector<16xi32>
      %mul3A_426 = arith.muli %shift_right_logical3A_423, %mul3A_425 : vector<16xi32>
      %shift_right_logical3A_427 = arith.constant 7 : i32
      %shift_right_logical3A_428 = vector.broadcast %shift_right_logical3A_427 : i32 to vector<16xi32>
      %shift_right_logical3A_429 = arith.shrui %sub3A_415, %shift_right_logical3A_428 : vector<16xi32>
      %add3A_430 = arith.addi %mul3A_426, %shift_right_logical3A_429 : vector<16xi32>
      %mul3A_431 = arith.constant 1024 : i32
      %mul3A_432 = vector.broadcast %mul3A_431 : i32 to vector<16xi32>
      %mul3A_433 = arith.muli %add3A_430, %mul3A_432 : vector<16xi32>
      %add3A_434 = arith.addi %mul3A_420, %mul3A_433 : vector<16xi32>
      %and3A_435 = arith.constant 7 : i32
      %and3A_436 = vector.broadcast %and3A_435 : i32 to vector<16xi32>
      %and3A_437 = arith.andi %sub3A_411, %and3A_436 : vector<16xi32>
      %mul3A_438 = arith.constant 128 : i32
      %mul3A_439 = vector.broadcast %mul3A_438 : i32 to vector<16xi32>
      %mul3A_440 = arith.muli %and3A_437, %mul3A_439 : vector<16xi32>
      %add3A_441 = arith.addi %add3A_434, %mul3A_440 : vector<16xi32>
      %and3A_442 = arith.constant 127 : i32
      %and3A_443 = vector.broadcast %and3A_442 : i32 to vector<16xi32>
      %and3A_444 = arith.andi %sub3A_415, %and3A_443 : vector<16xi32>
      %add3A_445 = arith.addi %add3A_441, %and3A_444 : vector<16xi32>
      %add3A_446 = vector.broadcast %add3A_395 : i32 to vector<16xi32>
      %add3A_447 = arith.addi %add3A_446, %iota3A_143 : vector<16xi32>
      %lt3A_448 = arith.constant 2000 : i32
      %lt3A_449 = vector.broadcast %lt3A_448 : i32 to vector<16xi32>
      %lt3A_450 = arith.cmpi slt, %add3A_447, %lt3A_449 : vector<16xi32>
      %jit3A_451 = arith.constant 516096 : i32
      %broadcast_in_dim3A_452 = vector.broadcast %jit3A_451 : i32 to vector<16xi32>
      %select_n3A_453 = arith.select %lt3A_450, %add3A_445, %broadcast_in_dim3A_452 : vector<16xi1>, vector<16xi32>
      %swap3A_454 = arith.constant 48 : index
      %swap3A_455 = tpu.vector_load %arg9[%swap3A_454] {strides = array<i32>} : memref<128xi32, #tpu.memory_space<vmem>>, vector<16xi32>,
      %swap3A_456 = vector.shape_cast %swap3A_455 : vector<16xi32> to vector<16xi32>
      %swap3A_457 = vector.shape_cast %select_n3A_453 : vector<16xi32> to vector<16xi32>
      tpu.vector_store %arg9[%swap3A_454], %swap3A_457 {strides = array<i32>} : memref<128xi32, #tpu.memory_space<vmem>>, vector<16xi32>,
      %mul3A_458 = arith.constant 128 : i32
      %mul3A_459 = arith.muli %scan3A_199, %mul3A_458 : i32
      %add3A_460 = arith.constant 64 : i32
      %add3A_461 = arith.addi %mul3A_459, %add3A_460 : i32
      %get3A_462 = arith.index_cast %add3A_461 : i32 to index
      %get3A_463 = tpu.vector_load %arg7[%get3A_462] {strides = array<i32>} : memref<2048xi32, #tpu.memory_space<vmem>>, vector<16xi32>,
      %get3A_464 = vector.shape_cast %get3A_463 : vector<16xi32> to vector<16xi32>
      %get3A_465 = arith.index_cast %add3A_461 : i32 to index
      %get3A_466 = tpu.vector_load %arg8[%get3A_465] {strides = array<i32>} : memref<2048xi32, #tpu.memory_space<vmem>>, vector<16xi32>,
      %get3A_467 = vector.shape_cast %get3A_466 : vector<16xi32> to vector<16xi32>
      %mul3A_468 = arith.constant 16778 : i32
      %mul3A_469 = vector.broadcast %mul3A_468 : i32 to vector<16xi32>
      %mul3A_470 = arith.muli %get3A_467, %mul3A_469 : vector<16xi32>
      %shift_right_logical3A_471 = arith.constant 23 : i32
      %shift_right_logical3A_472 = vector.broadcast %shift_right_logical3A_471 : i32 to vector<16xi32>
      %shift_right_logical3A_473 = arith.shrui %mul3A_470, %shift_right_logical3A_472 : vector<16xi32>
      %mul3A_474 = arith.constant 500 : i32
      %mul3A_475 = vector.broadcast %mul3A_474 : i32 to vector<16xi32>
      %mul3A_476 = arith.muli %shift_right_logical3A_473, %mul3A_475 : vector<16xi32>
      %sub3A_477 = arith.subi %get3A_467, %mul3A_476 : vector<16xi32>
      %mul3A_478 = arith.constant 500 : i32
      %mul3A_479 = vector.broadcast %mul3A_478 : i32 to vector<16xi32>
      %mul3A_480 = arith.muli %shift_right_logical3A_473, %mul3A_479 : vector<16xi32>
      %sub3A_481 = arith.subi %get3A_464, %mul3A_480 : vector<16xi32>
      %sub3A_482 = vector.broadcast %add3A_134 : i32 to vector<16xi32>
      %sub3A_483 = arith.subi %shift_right_logical3A_473, %sub3A_482 : vector<16xi32>
      %mul3A_484 = arith.constant 258048 : i32
      %mul3A_485 = vector.broadcast %mul3A_484 : i32 to vector<16xi32>
      %mul3A_486 = arith.muli %sub3A_483, %mul3A_485 : vector<16xi32>
      %shift_right_logical3A_487 = arith.constant 3 : i32
      %shift_right_logical3A_488 = vector.broadcast %shift_right_logical3A_487 : i32 to vector<16xi32>
      %shift_right_logical3A_489 = arith.shrui %sub3A_477, %shift_right_logical3A_488 : vector<16xi32>
      %mul3A_490 = arith.constant 4 : i32
      %mul3A_491 = vector.broadcast %mul3A_490 : i32 to vector<16xi32>
      %mul3A_492 = arith.muli %shift_right_logical3A_489, %mul3A_491 : vector<16xi32>
      %shift_right_logical3A_493 = arith.constant 7 : i32
      %shift_right_logical3A_494 = vector.broadcast %shift_right_logical3A_493 : i32 to vector<16xi32>
      %shift_right_logical3A_495 = arith.shrui %sub3A_481, %shift_right_logical3A_494 : vector<16xi32>
      %add3A_496 = arith.addi %mul3A_492, %shift_right_logical3A_495 : vector<16xi32>
      %mul3A_497 = arith.constant 1024 : i32
      %mul3A_498 = vector.broadcast %mul3A_497 : i32 to vector<16xi32>
      %mul3A_499 = arith.muli %add3A_496, %mul3A_498 : vector<16xi32>
      %add3A_500 = arith.addi %mul3A_486, %mul3A_499 : vector<16xi32>
      %and3A_501 = arith.constant 7 : i32
      %and3A_502 = vector.broadcast %and3A_501 : i32 to vector<16xi32>
      %and3A_503 = arith.andi %sub3A_477, %and3A_502 : vector<16xi32>
      %mul3A_504 = arith.constant 128 : i32
      %mul3A_505 = vector.broadcast %mul3A_504 : i32 to vector<16xi32>
      %mul3A_506 = arith.muli %and3A_503, %mul3A_505 : vector<16xi32>
      %add3A_507 = arith.addi %add3A_500, %mul3A_506 : vector<16xi32>
      %and3A_508 = arith.constant 127 : i32
      %and3A_509 = vector.broadcast %and3A_508 : i32 to vector<16xi32>
      %and3A_510 = arith.andi %sub3A_481, %and3A_509 : vector<16xi32>
      %add3A_511 = arith.addi %add3A_507, %and3A_510 : vector<16xi32>
      %add3A_512 = vector.broadcast %add3A_461 : i32 to vector<16xi32>
      %add3A_513 = arith.addi %add3A_512, %iota3A_143 : vector<16xi32>
      %lt3A_514 = arith.constant 2000 : i32
      %lt3A_515 = vector.broadcast %lt3A_514 : i32 to vector<16xi32>
      %lt3A_516 = arith.cmpi slt, %add3A_513, %lt3A_515 : vector<16xi32>
      %jit3A_517 = arith.constant 516096 : i32
      %broadcast_in_dim3A_518 = vector.broadcast %jit3A_517 : i32 to vector<16xi32>
      %select_n3A_519 = arith.select %lt3A_516, %add3A_511, %broadcast_in_dim3A_518 : vector<16xi1>, vector<16xi32>
      %swap3A_520 = arith.constant 64 : index
      %swap3A_521 = tpu.vector_load %arg9[%swap3A_520] {strides = array<i32>} : memref<128xi32, #tpu.memory_space<vmem>>, vector<16xi32>,
      %swap3A_522 = vector.shape_cast %swap3A_521 : vector<16xi32> to vector<16xi32>
      %swap3A_523 = vector.shape_cast %select_n3A_519 : vector<16xi32> to vector<16xi32>
      tpu.vector_store %arg9[%swap3A_520], %swap3A_523 {strides = array<i32>} : memref<128xi32, #tpu.memory_space<vmem>>, vector<16xi32>,
      %mul3A_524 = arith.constant 128 : i32
      %mul3A_525 = arith.muli %scan3A_199, %mul3A_524 : i32
      %add3A_526 = arith.constant 80 : i32
      %add3A_527 = arith.addi %mul3A_525, %add3A_526 : i32
      %get3A_528 = arith.index_cast %add3A_527 : i32 to index
      %get3A_529 = tpu.vector_load %arg7[%get3A_528] {strides = array<i32>} : memref<2048xi32, #tpu.memory_space<vmem>>, vector<16xi32>,
      %get3A_530 = vector.shape_cast %get3A_529 : vector<16xi32> to vector<16xi32>
      %get3A_531 = arith.index_cast %add3A_527 : i32 to index
      %get3A_532 = tpu.vector_load %arg8[%get3A_531] {strides = array<i32>} : memref<2048xi32, #tpu.memory_space<vmem>>, vector<16xi32>,
      %get3A_533 = vector.shape_cast %get3A_532 : vector<16xi32> to vector<16xi32>
      %mul3A_534 = arith.constant 16778 : i32
      %mul3A_535 = vector.broadcast %mul3A_534 : i32 to vector<16xi32>
      %mul3A_536 = arith.muli %get3A_533, %mul3A_535 : vector<16xi32>
      %shift_right_logical3A_537 = arith.constant 23 : i32
      %shift_right_logical3A_538 = vector.broadcast %shift_right_logical3A_537 : i32 to vector<16xi32>
      %shift_right_logical3A_539 = arith.shrui %mul3A_536, %shift_right_logical3A_538 : vector<16xi32>
      %mul3A_540 = arith.constant 500 : i32
      %mul3A_541 = vector.broadcast %mul3A_540 : i32 to vector<16xi32>
      %mul3A_542 = arith.muli %shift_right_logical3A_539, %mul3A_541 : vector<16xi32>
      %sub3A_543 = arith.subi %get3A_533, %mul3A_542 : vector<16xi32>
      %mul3A_544 = arith.constant 500 : i32
      %mul3A_545 = vector.broadcast %mul3A_544 : i32 to vector<16xi32>
      %mul3A_546 = arith.muli %shift_right_logical3A_539, %mul3A_545 : vector<16xi32>
      %sub3A_547 = arith.subi %get3A_530, %mul3A_546 : vector<16xi32>
      %sub3A_548 = vector.broadcast %add3A_134 : i32 to vector<16xi32>
      %sub3A_549 = arith.subi %shift_right_logical3A_539, %sub3A_548 : vector<16xi32>
      %mul3A_550 = arith.constant 258048 : i32
      %mul3A_551 = vector.broadcast %mul3A_550 : i32 to vector<16xi32>
      %mul3A_552 = arith.muli %sub3A_549, %mul3A_551 : vector<16xi32>
      %shift_right_logical3A_553 = arith.constant 3 : i32
      %shift_right_logical3A_554 = vector.broadcast %shift_right_logical3A_553 : i32 to vector<16xi32>
      %shift_right_logical3A_555 = arith.shrui %sub3A_543, %shift_right_logical3A_554 : vector<16xi32>
      %mul3A_556 = arith.constant 4 : i32
      %mul3A_557 = vector.broadcast %mul3A_556 : i32 to vector<16xi32>
      %mul3A_558 = arith.muli %shift_right_logical3A_555, %mul3A_557 : vector<16xi32>
      %shift_right_logical3A_559 = arith.constant 7 : i32
      %shift_right_logical3A_560 = vector.broadcast %shift_right_logical3A_559 : i32 to vector<16xi32>
      %shift_right_logical3A_561 = arith.shrui %sub3A_547, %shift_right_logical3A_560 : vector<16xi32>
      %add3A_562 = arith.addi %mul3A_558, %shift_right_logical3A_561 : vector<16xi32>
      %mul3A_563 = arith.constant 1024 : i32
      %mul3A_564 = vector.broadcast %mul3A_563 : i32 to vector<16xi32>
      %mul3A_565 = arith.muli %add3A_562, %mul3A_564 : vector<16xi32>
      %add3A_566 = arith.addi %mul3A_552, %mul3A_565 : vector<16xi32>
      %and3A_567 = arith.constant 7 : i32
      %and3A_568 = vector.broadcast %and3A_567 : i32 to vector<16xi32>
      %and3A_569 = arith.andi %sub3A_543, %and3A_568 : vector<16xi32>
      %mul3A_570 = arith.constant 128 : i32
      %mul3A_571 = vector.broadcast %mul3A_570 : i32 to vector<16xi32>
      %mul3A_572 = arith.muli %and3A_569, %mul3A_571 : vector<16xi32>
      %add3A_573 = arith.addi %add3A_566, %mul3A_572 : vector<16xi32>
      %and3A_574 = arith.constant 127 : i32
      %and3A_575 = vector.broadcast %and3A_574 : i32 to vector<16xi32>
      %and3A_576 = arith.andi %sub3A_547, %and3A_575 : vector<16xi32>
      %add3A_577 = arith.addi %add3A_573, %and3A_576 : vector<16xi32>
      %add3A_578 = vector.broadcast %add3A_527 : i32 to vector<16xi32>
      %add3A_579 = arith.addi %add3A_578, %iota3A_143 : vector<16xi32>
      %lt3A_580 = arith.constant 2000 : i32
      %lt3A_581 = vector.broadcast %lt3A_580 : i32 to vector<16xi32>
      %lt3A_582 = arith.cmpi slt, %add3A_579, %lt3A_581 : vector<16xi32>
      %jit3A_583 = arith.constant 516096 : i32
      %broadcast_in_dim3A_584 = vector.broadcast %jit3A_583 : i32 to vector<16xi32>
      %select_n3A_585 = arith.select %lt3A_582, %add3A_577, %broadcast_in_dim3A_584 : vector<16xi1>, vector<16xi32>
      %swap3A_586 = arith.constant 80 : index
      %swap3A_587 = tpu.vector_load %arg9[%swap3A_586] {strides = array<i32>} : memref<128xi32, #tpu.memory_space<vmem>>, vector<16xi32>,
      %swap3A_588 = vector.shape_cast %swap3A_587 : vector<16xi32> to vector<16xi32>
      %swap3A_589 = vector.shape_cast %select_n3A_585 : vector<16xi32> to vector<16xi32>
      tpu.vector_store %arg9[%swap3A_586], %swap3A_589 {strides = array<i32>} : memref<128xi32, #tpu.memory_space<vmem>>, vector<16xi32>,
      %mul3A_590 = arith.constant 128 : i32
      %mul3A_591 = arith.muli %scan3A_199, %mul3A_590 : i32
      %add3A_592 = arith.constant 96 : i32
      %add3A_593 = arith.addi %mul3A_591, %add3A_592 : i32
      %get3A_594 = arith.index_cast %add3A_593 : i32 to index
      %get3A_595 = tpu.vector_load %arg7[%get3A_594] {strides = array<i32>} : memref<2048xi32, #tpu.memory_space<vmem>>, vector<16xi32>,
      %get3A_596 = vector.shape_cast %get3A_595 : vector<16xi32> to vector<16xi32>
      %get3A_597 = arith.index_cast %add3A_593 : i32 to index
      %get3A_598 = tpu.vector_load %arg8[%get3A_597] {strides = array<i32>} : memref<2048xi32, #tpu.memory_space<vmem>>, vector<16xi32>,
      %get3A_599 = vector.shape_cast %get3A_598 : vector<16xi32> to vector<16xi32>
      %mul3A_600 = arith.constant 16778 : i32
      %mul3A_601 = vector.broadcast %mul3A_600 : i32 to vector<16xi32>
      %mul3A_602 = arith.muli %get3A_599, %mul3A_601 : vector<16xi32>
      %shift_right_logical3A_603 = arith.constant 23 : i32
      %shift_right_logical3A_604 = vector.broadcast %shift_right_logical3A_603 : i32 to vector<16xi32>
      %shift_right_logical3A_605 = arith.shrui %mul3A_602, %shift_right_logical3A_604 : vector<16xi32>
      %mul3A_606 = arith.constant 500 : i32
      %mul3A_607 = vector.broadcast %mul3A_606 : i32 to vector<16xi32>
      %mul3A_608 = arith.muli %shift_right_logical3A_605, %mul3A_607 : vector<16xi32>
      %sub3A_609 = arith.subi %get3A_599, %mul3A_608 : vector<16xi32>
      %mul3A_610 = arith.constant 500 : i32
      %mul3A_611 = vector.broadcast %mul3A_610 : i32 to vector<16xi32>
      %mul3A_612 = arith.muli %shift_right_logical3A_605, %mul3A_611 : vector<16xi32>
      %sub3A_613 = arith.subi %get3A_596, %mul3A_612 : vector<16xi32>
      %sub3A_614 = vector.broadcast %add3A_134 : i32 to vector<16xi32>
      %sub3A_615 = arith.subi %shift_right_logical3A_605, %sub3A_614 : vector<16xi32>
      %mul3A_616 = arith.constant 258048 : i32
      %mul3A_617 = vector.broadcast %mul3A_616 : i32 to vector<16xi32>
      %mul3A_618 = arith.muli %sub3A_615, %mul3A_617 : vector<16xi32>
      %shift_right_logical3A_619 = arith.constant 3 : i32
      %shift_right_logical3A_620 = vector.broadcast %shift_right_logical3A_619 : i32 to vector<16xi32>
      %shift_right_logical3A_621 = arith.shrui %sub3A_609, %shift_right_logical3A_620 : vector<16xi32>
      %mul3A_622 = arith.constant 4 : i32
      %mul3A_623 = vector.broadcast %mul3A_622 : i32 to vector<16xi32>
      %mul3A_624 = arith.muli %shift_right_logical3A_621, %mul3A_623 : vector<16xi32>
      %shift_right_logical3A_625 = arith.constant 7 : i32
      %shift_right_logical3A_626 = vector.broadcast %shift_right_logical3A_625 : i32 to vector<16xi32>
      %shift_right_logical3A_627 = arith.shrui %sub3A_613, %shift_right_logical3A_626 : vector<16xi32>
      %add3A_628 = arith.addi %mul3A_624, %shift_right_logical3A_627 : vector<16xi32>
      %mul3A_629 = arith.constant 1024 : i32
      %mul3A_630 = vector.broadcast %mul3A_629 : i32 to vector<16xi32>
      %mul3A_631 = arith.muli %add3A_628, %mul3A_630 : vector<16xi32>
      %add3A_632 = arith.addi %mul3A_618, %mul3A_631 : vector<16xi32>
      %and3A_633 = arith.constant 7 : i32
      %and3A_634 = vector.broadcast %and3A_633 : i32 to vector<16xi32>
      %and3A_635 = arith.andi %sub3A_609, %and3A_634 : vector<16xi32>
      %mul3A_636 = arith.constant 128 : i32
      %mul3A_637 = vector.broadcast %mul3A_636 : i32 to vector<16xi32>
      %mul3A_638 = arith.muli %and3A_635, %mul3A_637 : vector<16xi32>
      %add3A_639 = arith.addi %add3A_632, %mul3A_638 : vector<16xi32>
      %and3A_640 = arith.constant 127 : i32
      %and3A_641 = vector.broadcast %and3A_640 : i32 to vector<16xi32>
      %and3A_642 = arith.andi %sub3A_613, %and3A_641 : vector<16xi32>
      %add3A_643 = arith.addi %add3A_639, %and3A_642 : vector<16xi32>
      %add3A_644 = vector.broadcast %add3A_593 : i32 to vector<16xi32>
      %add3A_645 = arith.addi %add3A_644, %iota3A_143 : vector<16xi32>
      %lt3A_646 = arith.constant 2000 : i32
      %lt3A_647 = vector.broadcast %lt3A_646 : i32 to vector<16xi32>
      %lt3A_648 = arith.cmpi slt, %add3A_645, %lt3A_647 : vector<16xi32>
      %jit3A_649 = arith.constant 516096 : i32
      %broadcast_in_dim3A_650 = vector.broadcast %jit3A_649 : i32 to vector<16xi32>
      %select_n3A_651 = arith.select %lt3A_648, %add3A_643, %broadcast_in_dim3A_650 : vector<16xi1>, vector<16xi32>
      %swap3A_652 = arith.constant 96 : index
      %swap3A_653 = tpu.vector_load %arg9[%swap3A_652] {strides = array<i32>} : memref<128xi32, #tpu.memory_space<vmem>>, vector<16xi32>,
      %swap3A_654 = vector.shape_cast %swap3A_653 : vector<16xi32> to vector<16xi32>
      %swap3A_655 = vector.shape_cast %select_n3A_651 : vector<16xi32> to vector<16xi32>
      tpu.vector_store %arg9[%swap3A_652], %swap3A_655 {strides = array<i32>} : memref<128xi32, #tpu.memory_space<vmem>>, vector<16xi32>,
      %mul3A_656 = arith.constant 128 : i32
      %mul3A_657 = arith.muli %scan3A_199, %mul3A_656 : i32
      %add3A_658 = arith.constant 112 : i32
      %add3A_659 = arith.addi %mul3A_657, %add3A_658 : i32
      %get3A_660 = arith.index_cast %add3A_659 : i32 to index
      %get3A_661 = tpu.vector_load %arg7[%get3A_660] {strides = array<i32>} : memref<2048xi32, #tpu.memory_space<vmem>>, vector<16xi32>,
      %get3A_662 = vector.shape_cast %get3A_661 : vector<16xi32> to vector<16xi32>
      %get3A_663 = arith.index_cast %add3A_659 : i32 to index
      %get3A_664 = tpu.vector_load %arg8[%get3A_663] {strides = array<i32>} : memref<2048xi32, #tpu.memory_space<vmem>>, vector<16xi32>,
      %get3A_665 = vector.shape_cast %get3A_664 : vector<16xi32> to vector<16xi32>
      %mul3A_666 = arith.constant 16778 : i32
      %mul3A_667 = vector.broadcast %mul3A_666 : i32 to vector<16xi32>
      %mul3A_668 = arith.muli %get3A_665, %mul3A_667 : vector<16xi32>
      %shift_right_logical3A_669 = arith.constant 23 : i32
      %shift_right_logical3A_670 = vector.broadcast %shift_right_logical3A_669 : i32 to vector<16xi32>
      %shift_right_logical3A_671 = arith.shrui %mul3A_668, %shift_right_logical3A_670 : vector<16xi32>
      %mul3A_672 = arith.constant 500 : i32
      %mul3A_673 = vector.broadcast %mul3A_672 : i32 to vector<16xi32>
      %mul3A_674 = arith.muli %shift_right_logical3A_671, %mul3A_673 : vector<16xi32>
      %sub3A_675 = arith.subi %get3A_665, %mul3A_674 : vector<16xi32>
      %mul3A_676 = arith.constant 500 : i32
      %mul3A_677 = vector.broadcast %mul3A_676 : i32 to vector<16xi32>
      %mul3A_678 = arith.muli %shift_right_logical3A_671, %mul3A_677 : vector<16xi32>
      %sub3A_679 = arith.subi %get3A_662, %mul3A_678 : vector<16xi32>
      %sub3A_680 = vector.broadcast %add3A_134 : i32 to vector<16xi32>
      %sub3A_681 = arith.subi %shift_right_logical3A_671, %sub3A_680 : vector<16xi32>
      %mul3A_682 = arith.constant 258048 : i32
      %mul3A_683 = vector.broadcast %mul3A_682 : i32 to vector<16xi32>
      %mul3A_684 = arith.muli %sub3A_681, %mul3A_683 : vector<16xi32>
      %shift_right_logical3A_685 = arith.constant 3 : i32
      %shift_right_logical3A_686 = vector.broadcast %shift_right_logical3A_685 : i32 to vector<16xi32>
      %shift_right_logical3A_687 = arith.shrui %sub3A_675, %shift_right_logical3A_686 : vector<16xi32>
      %mul3A_688 = arith.constant 4 : i32
      %mul3A_689 = vector.broadcast %mul3A_688 : i32 to vector<16xi32>
      %mul3A_690 = arith.muli %shift_right_logical3A_687, %mul3A_689 : vector<16xi32>
      %shift_right_logical3A_691 = arith.constant 7 : i32
      %shift_right_logical3A_692 = vector.broadcast %shift_right_logical3A_691 : i32 to vector<16xi32>
      %shift_right_logical3A_693 = arith.shrui %sub3A_679, %shift_right_logical3A_692 : vector<16xi32>
      %add3A_694 = arith.addi %mul3A_690, %shift_right_logical3A_693 : vector<16xi32>
      %mul3A_695 = arith.constant 1024 : i32
      %mul3A_696 = vector.broadcast %mul3A_695 : i32 to vector<16xi32>
      %mul3A_697 = arith.muli %add3A_694, %mul3A_696 : vector<16xi32>
      %add3A_698 = arith.addi %mul3A_684, %mul3A_697 : vector<16xi32>
      %and3A_699 = arith.constant 7 : i32
      %and3A_700 = vector.broadcast %and3A_699 : i32 to vector<16xi32>
      %and3A_701 = arith.andi %sub3A_675, %and3A_700 : vector<16xi32>
      %mul3A_702 = arith.constant 128 : i32
      %mul3A_703 = vector.broadcast %mul3A_702 : i32 to vector<16xi32>
      %mul3A_704 = arith.muli %and3A_701, %mul3A_703 : vector<16xi32>
      %add3A_705 = arith.addi %add3A_698, %mul3A_704 : vector<16xi32>
      %and3A_706 = arith.constant 127 : i32
      %and3A_707 = vector.broadcast %and3A_706 : i32 to vector<16xi32>
      %and3A_708 = arith.andi %sub3A_679, %and3A_707 : vector<16xi32>
      %add3A_709 = arith.addi %add3A_705, %and3A_708 : vector<16xi32>
      %add3A_710 = vector.broadcast %add3A_659 : i32 to vector<16xi32>
      %add3A_711 = arith.addi %add3A_710, %iota3A_143 : vector<16xi32>
      %lt3A_712 = arith.constant 2000 : i32
      %lt3A_713 = vector.broadcast %lt3A_712 : i32 to vector<16xi32>
      %lt3A_714 = arith.cmpi slt, %add3A_711, %lt3A_713 : vector<16xi32>
      %jit3A_715 = arith.constant 516096 : i32
      %broadcast_in_dim3A_716 = vector.broadcast %jit3A_715 : i32 to vector<16xi32>
      %select_n3A_717 = arith.select %lt3A_714, %add3A_709, %broadcast_in_dim3A_716 : vector<16xi1>, vector<16xi32>
      %swap3A_718 = arith.constant 112 : index
      %swap3A_719 = tpu.vector_load %arg9[%swap3A_718] {strides = array<i32>} : memref<128xi32, #tpu.memory_space<vmem>>, vector<16xi32>,
      %swap3A_720 = vector.shape_cast %swap3A_719 : vector<16xi32> to vector<16xi32>
      %swap3A_721 = vector.shape_cast %select_n3A_717 : vector<16xi32> to vector<16xi32>
      tpu.vector_store %arg9[%swap3A_718], %swap3A_721 {strides = array<i32>} : memref<128xi32, #tpu.memory_space<vmem>>, vector<16xi32>,
      "tpu.region"() ({
        %run_scoped3A = tpu.sem_alloc : memref<!tpu.dma_semaphore, #tpu.memory_space<semaphore_mem>>
        %dma_start3A_723 = arith.constant 0 : i32
        %dma_start3A_724 = tpu.memref_slice %arg11[%dma_start3A_723] : memref<516104xf32, #tpu.memory_space<vmem_shared>> -> memref<516104xf32, #tpu.memory_space<vmem_shared>>
        tpu.enqueue_indirect_dma source(%arg10 : memref<128xf32, #tpu.memory_space<vmem>>) target(%dma_start3A_724 : memref<516104xf32, #tpu.memory_space<vmem_shared>>) offsets(%arg9 : memref<128xi32, #tpu.memory_space<vmem>>) semaphore(%run_scoped3A : memref<!tpu.dma_semaphore, #tpu.memory_space<semaphore_mem>>) {add = true}
        %dma_wait3A_725 = arith.constant 0 : i32
        %dma_wait3A_726 = tpu.memref_slice %arg11[%dma_wait3A_725] : memref<516104xf32, #tpu.memory_space<vmem_shared>> -> memref<516104xf32, #tpu.memory_space<vmem_shared>>
        tpu.wait_indirect_dma semaphore(%run_scoped3A : memref<!tpu.dma_semaphore, #tpu.memory_space<semaphore_mem>>) src(%arg10 : memref<128xf32, #tpu.memory_space<vmem>>) dst(%dma_wait3A_726 : memref<516104xf32, #tpu.memory_space<vmem_shared>>)
        tpu.yield
      }) : () -> ()
      %scan3A_722 = arith.constant 0 : i32
      scf.yield %scan3A_722 : i32
    }
    %scan3A_150 = arith.constant 16 : i32
    %barrier3A_151 = arith.constant 0 : index
    tpu.barrier barrier_id(%barrier3A_151)
    %dma_wait3A_152 = tpu.memref_slice %arg4[%add3A_128] : memref<5160960xf32, #tpu.memory_space<hbm>> -> memref<32256xf32, #tpu.memory_space<hbm>>
    %dma_wait3A_153 = tpu.memref_slice %arg4[%add3A_128] : memref<5160960xf32, #tpu.memory_space<hbm>> -> memref<32256xf32, #tpu.memory_space<hbm>>
    tpu.wait_dma2 semaphore(%arg12 : memref<!tpu.dma_semaphore, #tpu.memory_space<semaphore_mem>>) src(%arg6 : memref<32256xf32, #tpu.memory_space<vmem>>) dst(%dma_wait3A_153 : memref<32256xf32, #tpu.memory_space<hbm>>)
    %mul3A_154 = arith.constant 258048 : i32
    %mul3A_155 = arith.muli %add3A_134, %mul3A_154 : i32
    %mul3A_156 = arith.constant 32256 : i32
    %mul3A_157 = arith.muli %arg1, %mul3A_156 : i32
    "tpu.region"() ({
      %run_scoped3A = tpu.sem_alloc : memref<!tpu.dma_semaphore, #tpu.memory_space<semaphore_mem>>
      %dma_start3A_199 = tpu.memref_slice %arg11[%mul3A_157] : memref<516104xf32, #tpu.memory_space<vmem_shared>> -> memref<32256xf32, #tpu.memory_space<vmem_shared>>
      %dma_start3A_200 = tpu.memref_slice %arg11[%mul3A_157] : memref<516104xf32, #tpu.memory_space<vmem_shared>> -> memref<32256xf32, #tpu.memory_space<vmem_shared>>
      tpu.enqueue_dma source(%dma_start3A_200 : memref<32256xf32, #tpu.memory_space<vmem_shared>>) target(%arg6 : memref<32256xf32, #tpu.memory_space<vmem>>) target_semaphore(%run_scoped3A : memref<!tpu.dma_semaphore, #tpu.memory_space<semaphore_mem>>)
      %dma_wait3A_201 = tpu.memref_slice %arg11[%mul3A_157] : memref<516104xf32, #tpu.memory_space<vmem_shared>> -> memref<32256xf32, #tpu.memory_space<vmem_shared>>
      %dma_wait3A_202 = tpu.memref_slice %arg11[%mul3A_157] : memref<516104xf32, #tpu.memory_space<vmem_shared>> -> memref<32256xf32, #tpu.memory_space<vmem_shared>>
      tpu.wait_dma2 semaphore(%run_scoped3A : memref<!tpu.dma_semaphore, #tpu.memory_space<semaphore_mem>>) src(%dma_wait3A_202 : memref<32256xf32, #tpu.memory_space<vmem_shared>>) dst(%arg6 : memref<32256xf32, #tpu.memory_space<vmem>>)
      tpu.yield
    }) : () -> ()
    %barrier3A_158 = arith.constant 0 : index
    tpu.barrier barrier_id(%barrier3A_158)
    %mul3A_159 = arith.constant 32256 : i32
    %mul3A_160 = arith.muli %arg1, %mul3A_159 : i32
    %add3A_161 = arith.addi %mul3A_155, %mul3A_160 : i32
    %dma_start3A_162 = tpu.memref_slice %arg4[%add3A_161] : memref<5160960xf32, #tpu.memory_space<hbm>> -> memref<32256xf32, #tpu.memory_space<hbm>>
    %dma_start3A_163 = tpu.memref_slice %arg4[%add3A_161] : memref<5160960xf32, #tpu.memory_space<hbm>> -> memref<32256xf32, #tpu.memory_space<hbm>>
    tpu.enqueue_dma source(%arg6 : memref<32256xf32, #tpu.memory_space<vmem>>) target(%dma_start3A_163 : memref<32256xf32, #tpu.memory_space<hbm>>) target_semaphore(%arg12 : memref<!tpu.dma_semaphore, #tpu.memory_space<semaphore_mem>>)
    %mul3A_164 = arith.constant 10 : i32
    %mul3A_165 = arith.muli %arg0, %mul3A_164 : i32
    %add3A_166 = arith.constant 8 : i32
    %add3A_167 = arith.addi %mul3A_165, %add3A_166 : i32
    %mul3A_168 = arith.constant 32256 : i32
    %mul3A_169 = arith.muli %arg1, %mul3A_168 : i32
    "tpu.region"() ({
      %run_scoped3A = tpu.sem_alloc : memref<!tpu.dma_semaphore, #tpu.memory_space<semaphore_mem>>
      %dma_start3A_199 = tpu.memref_slice %arg11[%mul3A_169] : memref<516104xf32, #tpu.memory_space<vmem_shared>> -> memref<32256xf32, #tpu.memory_space<vmem_shared>>
      %dma_start3A_200 = tpu.memref_slice %arg11[%mul3A_169] : memref<516104xf32, #tpu.memory_space<vmem_shared>> -> memref<32256xf32, #tpu.memory_space<vmem_shared>>
      tpu.enqueue_dma source(%arg5 : memref<32256xf32, #tpu.memory_space<vmem>>) target(%dma_start3A_200 : memref<32256xf32, #tpu.memory_space<vmem_shared>>) target_semaphore(%run_scoped3A : memref<!tpu.dma_semaphore, #tpu.memory_space<semaphore_mem>>)
      %dma_wait3A_201 = tpu.memref_slice %arg11[%mul3A_169] : memref<516104xf32, #tpu.memory_space<vmem_shared>> -> memref<32256xf32, #tpu.memory_space<vmem_shared>>
      %dma_wait3A_202 = tpu.memref_slice %arg11[%mul3A_169] : memref<516104xf32, #tpu.memory_space<vmem_shared>> -> memref<32256xf32, #tpu.memory_space<vmem_shared>>
      tpu.wait_dma2 semaphore(%run_scoped3A : memref<!tpu.dma_semaphore, #tpu.memory_space<semaphore_mem>>) src(%arg5 : memref<32256xf32, #tpu.memory_space<vmem>>) dst(%dma_wait3A_202 : memref<32256xf32, #tpu.memory_space<vmem_shared>>)
      tpu.yield
    }) : () -> ()
    %mul3A_170 = arith.constant 16000 : i32
    %mul3A_171 = arith.muli %add3A_167, %mul3A_170 : i32
    %mul3A_172 = arith.constant 2000 : i32
    %mul3A_173 = arith.muli %arg1, %mul3A_172 : i32
    %add3A_174 = arith.addi %mul3A_171, %mul3A_173 : i32
    "tpu.region"() ({
      %run_scoped3A = tpu.sem_alloc : memref<!tpu.dma_semaphore, #tpu.memory_space<semaphore_mem>>
      %dma_start3A_199 = arith.constant 0 : i32
      %dma_start3A_200 = tpu.memref_slice %arg7[%dma_start3A_199] : memref<2048xi32, #tpu.memory_space<vmem>> -> memref<2000xi32, #tpu.memory_space<vmem>>
      %dma_start3A_201 = tpu.memref_slice %arg2[%add3A_174] : memref<320000xi32, #tpu.memory_space<hbm>> -> memref<2000xi32, #tpu.memory_space<hbm>>
      %dma_start3A_202 = arith.constant 0 : i32
      %dma_start3A_203 = tpu.memref_slice %arg7[%dma_start3A_202] : memref<2048xi32, #tpu.memory_space<vmem>> -> memref<2000xi32, #tpu.memory_space<vmem>>
      %dma_start3A_204 = tpu.memref_slice %arg2[%add3A_174] : memref<320000xi32, #tpu.memory_space<hbm>> -> memref<2000xi32, #tpu.memory_space<hbm>>
      tpu.enqueue_dma source(%dma_start3A_204 : memref<2000xi32, #tpu.memory_space<hbm>>) target(%dma_start3A_203 : memref<2000xi32, #tpu.memory_space<vmem>>) target_semaphore(%run_scoped3A : memref<!tpu.dma_semaphore, #tpu.memory_space<semaphore_mem>>)
      %dma_wait3A_205 = arith.constant 0 : i32
      %dma_wait3A_206 = tpu.memref_slice %arg7[%dma_wait3A_205] : memref<2048xi32, #tpu.memory_space<vmem>> -> memref<2000xi32, #tpu.memory_space<vmem>>
      %dma_wait3A_207 = tpu.memref_slice %arg2[%add3A_174] : memref<320000xi32, #tpu.memory_space<hbm>> -> memref<2000xi32, #tpu.memory_space<hbm>>
      %dma_wait3A_208 = arith.constant 0 : i32
      %dma_wait3A_209 = tpu.memref_slice %arg7[%dma_wait3A_208] : memref<2048xi32, #tpu.memory_space<vmem>> -> memref<2000xi32, #tpu.memory_space<vmem>>
      %dma_wait3A_210 = tpu.memref_slice %arg2[%add3A_174] : memref<320000xi32, #tpu.memory_space<hbm>> -> memref<2000xi32, #tpu.memory_space<hbm>>
      tpu.wait_dma2 semaphore(%run_scoped3A : memref<!tpu.dma_semaphore, #tpu.memory_space<semaphore_mem>>) src(%dma_wait3A_210 : memref<2000xi32, #tpu.memory_space<hbm>>) dst(%dma_wait3A_209 : memref<2000xi32, #tpu.memory_space<vmem>>)
      tpu.yield
    }) : () -> ()
    "tpu.region"() ({
      %run_scoped3A = tpu.sem_alloc : memref<!tpu.dma_semaphore, #tpu.memory_space<semaphore_mem>>
      %dma_start3A_199 = arith.constant 0 : i32
      %dma_start3A_200 = tpu.memref_slice %arg8[%dma_start3A_199] : memref<2048xi32, #tpu.memory_space<vmem>> -> memref<2000xi32, #tpu.memory_space<vmem>>
      %dma_start3A_201 = tpu.memref_slice %arg3[%add3A_174] : memref<320000xi32, #tpu.memory_space<hbm>> -> memref<2000xi32, #tpu.memory_space<hbm>>
      %dma_start3A_202 = arith.constant 0 : i32
      %dma_start3A_203 = tpu.memref_slice %arg8[%dma_start3A_202] : memref<2048xi32, #tpu.memory_space<vmem>> -> memref<2000xi32, #tpu.memory_space<vmem>>
      %dma_start3A_204 = tpu.memref_slice %arg3[%add3A_174] : memref<320000xi32, #tpu.memory_space<hbm>> -> memref<2000xi32, #tpu.memory_space<hbm>>
      tpu.enqueue_dma source(%dma_start3A_204 : memref<2000xi32, #tpu.memory_space<hbm>>) target(%dma_start3A_203 : memref<2000xi32, #tpu.memory_space<vmem>>) target_semaphore(%run_scoped3A : memref<!tpu.dma_semaphore, #tpu.memory_space<semaphore_mem>>)
      %dma_wait3A_205 = arith.constant 0 : i32
      %dma_wait3A_206 = tpu.memref_slice %arg8[%dma_wait3A_205] : memref<2048xi32, #tpu.memory_space<vmem>> -> memref<2000xi32, #tpu.memory_space<vmem>>
      %dma_wait3A_207 = tpu.memref_slice %arg3[%add3A_174] : memref<320000xi32, #tpu.memory_space<hbm>> -> memref<2000xi32, #tpu.memory_space<hbm>>
      %dma_wait3A_208 = arith.constant 0 : i32
      %dma_wait3A_209 = tpu.memref_slice %arg8[%dma_wait3A_208] : memref<2048xi32, #tpu.memory_space<vmem>> -> memref<2000xi32, #tpu.memory_space<vmem>>
      %dma_wait3A_210 = tpu.memref_slice %arg3[%add3A_174] : memref<320000xi32, #tpu.memory_space<hbm>> -> memref<2000xi32, #tpu.memory_space<hbm>>
      tpu.wait_dma2 semaphore(%run_scoped3A : memref<!tpu.dma_semaphore, #tpu.memory_space<semaphore_mem>>) src(%dma_wait3A_210 : memref<2000xi32, #tpu.memory_space<hbm>>) dst(%dma_wait3A_209 : memref<2000xi32, #tpu.memory_space<vmem>>)
      tpu.yield
    }) : () -> ()
    %barrier3A_175 = arith.constant 0 : index
    tpu.barrier barrier_id(%barrier3A_175)
    %iota3A_176 = tpu.iota {dimensions = array<i32: 0>} : vector<16xi32>
    %scan3A_177 = arith.constant 0 : i32
    %scan3A_178 = arith.constant 0 : i32
    %scan3A_179 = arith.constant 16 : i32
    %scan3A_180 = arith.addi %scan3A_178, %scan3A_179 : i32
    %scan3A_181 = arith.constant 1 : i32
    %scan3A_182 = scf.for %scan3A_199 = %scan3A_178 to %scan3A_180 step %scan3A_181 iter_args(%scan3A_200 = %scan3A_177) -> (i32)  : i32 {
      %mul3A_201 = arith.constant 128 : i32
      %mul3A_202 = arith.muli %scan3A_199, %mul3A_201 : i32
      %add3A_203 = arith.constant 0 : i32
      %add3A_204 = arith.addi %mul3A_202, %add3A_203 : i32
      %get3A = arith.index_cast %add3A_204 : i32 to index
      %get3A_205 = tpu.vector_load %arg7[%get3A] {strides = array<i32>} : memref<2048xi32, #tpu.memory_space<vmem>>, vector<16xi32>,
      %get3A_206 = vector.shape_cast %get3A_205 : vector<16xi32> to vector<16xi32>
      %get3A_207 = arith.index_cast %add3A_204 : i32 to index
      %get3A_208 = tpu.vector_load %arg8[%get3A_207] {strides = array<i32>} : memref<2048xi32, #tpu.memory_space<vmem>>, vector<16xi32>,
      %get3A_209 = vector.shape_cast %get3A_208 : vector<16xi32> to vector<16xi32>
      %mul3A_210 = arith.constant 16778 : i32
      %mul3A_211 = vector.broadcast %mul3A_210 : i32 to vector<16xi32>
      %mul3A_212 = arith.muli %get3A_209, %mul3A_211 : vector<16xi32>
      %shift_right_logical3A = arith.constant 23 : i32
      %shift_right_logical3A_213 = vector.broadcast %shift_right_logical3A : i32 to vector<16xi32>
      %shift_right_logical3A_214 = arith.shrui %mul3A_212, %shift_right_logical3A_213 : vector<16xi32>
      %mul3A_215 = arith.constant 500 : i32
      %mul3A_216 = vector.broadcast %mul3A_215 : i32 to vector<16xi32>
      %mul3A_217 = arith.muli %shift_right_logical3A_214, %mul3A_216 : vector<16xi32>
      %sub3A = arith.subi %get3A_209, %mul3A_217 : vector<16xi32>
      %mul3A_218 = arith.constant 500 : i32
      %mul3A_219 = vector.broadcast %mul3A_218 : i32 to vector<16xi32>
      %mul3A_220 = arith.muli %shift_right_logical3A_214, %mul3A_219 : vector<16xi32>
      %sub3A_221 = arith.subi %get3A_206, %mul3A_220 : vector<16xi32>
      %sub3A_222 = vector.broadcast %add3A_167 : i32 to vector<16xi32>
      %sub3A_223 = arith.subi %shift_right_logical3A_214, %sub3A_222 : vector<16xi32>
      %mul3A_224 = arith.constant 258048 : i32
      %mul3A_225 = vector.broadcast %mul3A_224 : i32 to vector<16xi32>
      %mul3A_226 = arith.muli %sub3A_223, %mul3A_225 : vector<16xi32>
      %shift_right_logical3A_227 = arith.constant 3 : i32
      %shift_right_logical3A_228 = vector.broadcast %shift_right_logical3A_227 : i32 to vector<16xi32>
      %shift_right_logical3A_229 = arith.shrui %sub3A, %shift_right_logical3A_228 : vector<16xi32>
      %mul3A_230 = arith.constant 4 : i32
      %mul3A_231 = vector.broadcast %mul3A_230 : i32 to vector<16xi32>
      %mul3A_232 = arith.muli %shift_right_logical3A_229, %mul3A_231 : vector<16xi32>
      %shift_right_logical3A_233 = arith.constant 7 : i32
      %shift_right_logical3A_234 = vector.broadcast %shift_right_logical3A_233 : i32 to vector<16xi32>
      %shift_right_logical3A_235 = arith.shrui %sub3A_221, %shift_right_logical3A_234 : vector<16xi32>
      %add3A_236 = arith.addi %mul3A_232, %shift_right_logical3A_235 : vector<16xi32>
      %mul3A_237 = arith.constant 1024 : i32
      %mul3A_238 = vector.broadcast %mul3A_237 : i32 to vector<16xi32>
      %mul3A_239 = arith.muli %add3A_236, %mul3A_238 : vector<16xi32>
      %add3A_240 = arith.addi %mul3A_226, %mul3A_239 : vector<16xi32>
      %and3A = arith.constant 7 : i32
      %and3A_241 = vector.broadcast %and3A : i32 to vector<16xi32>
      %and3A_242 = arith.andi %sub3A, %and3A_241 : vector<16xi32>
      %mul3A_243 = arith.constant 128 : i32
      %mul3A_244 = vector.broadcast %mul3A_243 : i32 to vector<16xi32>
      %mul3A_245 = arith.muli %and3A_242, %mul3A_244 : vector<16xi32>
      %add3A_246 = arith.addi %add3A_240, %mul3A_245 : vector<16xi32>
      %and3A_247 = arith.constant 127 : i32
      %and3A_248 = vector.broadcast %and3A_247 : i32 to vector<16xi32>
      %and3A_249 = arith.andi %sub3A_221, %and3A_248 : vector<16xi32>
      %add3A_250 = arith.addi %add3A_246, %and3A_249 : vector<16xi32>
      %add3A_251 = vector.broadcast %add3A_204 : i32 to vector<16xi32>
      %add3A_252 = arith.addi %add3A_251, %iota3A_176 : vector<16xi32>
      %lt3A = arith.constant 2000 : i32
      %lt3A_253 = vector.broadcast %lt3A : i32 to vector<16xi32>
      %lt3A_254 = arith.cmpi slt, %add3A_252, %lt3A_253 : vector<16xi32>
      %jit3A = arith.constant 516096 : i32
      %broadcast_in_dim3A_255 = vector.broadcast %jit3A : i32 to vector<16xi32>
      %select_n3A = arith.select %lt3A_254, %add3A_250, %broadcast_in_dim3A_255 : vector<16xi1>, vector<16xi32>
      %swap3A_256 = arith.constant 0 : index
      %swap3A_257 = tpu.vector_load %arg9[%swap3A_256] {strides = array<i32>} : memref<128xi32, #tpu.memory_space<vmem>>, vector<16xi32>,
      %swap3A_258 = vector.shape_cast %swap3A_257 : vector<16xi32> to vector<16xi32>
      %swap3A_259 = vector.shape_cast %select_n3A : vector<16xi32> to vector<16xi32>
      tpu.vector_store %arg9[%swap3A_256], %swap3A_259 {strides = array<i32>} : memref<128xi32, #tpu.memory_space<vmem>>, vector<16xi32>,
      %mul3A_260 = arith.constant 128 : i32
      %mul3A_261 = arith.muli %scan3A_199, %mul3A_260 : i32
      %add3A_262 = arith.constant 16 : i32
      %add3A_263 = arith.addi %mul3A_261, %add3A_262 : i32
      %get3A_264 = arith.index_cast %add3A_263 : i32 to index
      %get3A_265 = tpu.vector_load %arg7[%get3A_264] {strides = array<i32>} : memref<2048xi32, #tpu.memory_space<vmem>>, vector<16xi32>,
      %get3A_266 = vector.shape_cast %get3A_265 : vector<16xi32> to vector<16xi32>
      %get3A_267 = arith.index_cast %add3A_263 : i32 to index
      %get3A_268 = tpu.vector_load %arg8[%get3A_267] {strides = array<i32>} : memref<2048xi32, #tpu.memory_space<vmem>>, vector<16xi32>,
      %get3A_269 = vector.shape_cast %get3A_268 : vector<16xi32> to vector<16xi32>
      %mul3A_270 = arith.constant 16778 : i32
      %mul3A_271 = vector.broadcast %mul3A_270 : i32 to vector<16xi32>
      %mul3A_272 = arith.muli %get3A_269, %mul3A_271 : vector<16xi32>
      %shift_right_logical3A_273 = arith.constant 23 : i32
      %shift_right_logical3A_274 = vector.broadcast %shift_right_logical3A_273 : i32 to vector<16xi32>
      %shift_right_logical3A_275 = arith.shrui %mul3A_272, %shift_right_logical3A_274 : vector<16xi32>
      %mul3A_276 = arith.constant 500 : i32
      %mul3A_277 = vector.broadcast %mul3A_276 : i32 to vector<16xi32>
      %mul3A_278 = arith.muli %shift_right_logical3A_275, %mul3A_277 : vector<16xi32>
      %sub3A_279 = arith.subi %get3A_269, %mul3A_278 : vector<16xi32>
      %mul3A_280 = arith.constant 500 : i32
      %mul3A_281 = vector.broadcast %mul3A_280 : i32 to vector<16xi32>
      %mul3A_282 = arith.muli %shift_right_logical3A_275, %mul3A_281 : vector<16xi32>
      %sub3A_283 = arith.subi %get3A_266, %mul3A_282 : vector<16xi32>
      %sub3A_284 = vector.broadcast %add3A_167 : i32 to vector<16xi32>
      %sub3A_285 = arith.subi %shift_right_logical3A_275, %sub3A_284 : vector<16xi32>
      %mul3A_286 = arith.constant 258048 : i32
      %mul3A_287 = vector.broadcast %mul3A_286 : i32 to vector<16xi32>
      %mul3A_288 = arith.muli %sub3A_285, %mul3A_287 : vector<16xi32>
      %shift_right_logical3A_289 = arith.constant 3 : i32
      %shift_right_logical3A_290 = vector.broadcast %shift_right_logical3A_289 : i32 to vector<16xi32>
      %shift_right_logical3A_291 = arith.shrui %sub3A_279, %shift_right_logical3A_290 : vector<16xi32>
      %mul3A_292 = arith.constant 4 : i32
      %mul3A_293 = vector.broadcast %mul3A_292 : i32 to vector<16xi32>
      %mul3A_294 = arith.muli %shift_right_logical3A_291, %mul3A_293 : vector<16xi32>
      %shift_right_logical3A_295 = arith.constant 7 : i32
      %shift_right_logical3A_296 = vector.broadcast %shift_right_logical3A_295 : i32 to vector<16xi32>
      %shift_right_logical3A_297 = arith.shrui %sub3A_283, %shift_right_logical3A_296 : vector<16xi32>
      %add3A_298 = arith.addi %mul3A_294, %shift_right_logical3A_297 : vector<16xi32>
      %mul3A_299 = arith.constant 1024 : i32
      %mul3A_300 = vector.broadcast %mul3A_299 : i32 to vector<16xi32>
      %mul3A_301 = arith.muli %add3A_298, %mul3A_300 : vector<16xi32>
      %add3A_302 = arith.addi %mul3A_288, %mul3A_301 : vector<16xi32>
      %and3A_303 = arith.constant 7 : i32
      %and3A_304 = vector.broadcast %and3A_303 : i32 to vector<16xi32>
      %and3A_305 = arith.andi %sub3A_279, %and3A_304 : vector<16xi32>
      %mul3A_306 = arith.constant 128 : i32
      %mul3A_307 = vector.broadcast %mul3A_306 : i32 to vector<16xi32>
      %mul3A_308 = arith.muli %and3A_305, %mul3A_307 : vector<16xi32>
      %add3A_309 = arith.addi %add3A_302, %mul3A_308 : vector<16xi32>
      %and3A_310 = arith.constant 127 : i32
      %and3A_311 = vector.broadcast %and3A_310 : i32 to vector<16xi32>
      %and3A_312 = arith.andi %sub3A_283, %and3A_311 : vector<16xi32>
      %add3A_313 = arith.addi %add3A_309, %and3A_312 : vector<16xi32>
      %add3A_314 = vector.broadcast %add3A_263 : i32 to vector<16xi32>
      %add3A_315 = arith.addi %add3A_314, %iota3A_176 : vector<16xi32>
      %lt3A_316 = arith.constant 2000 : i32
      %lt3A_317 = vector.broadcast %lt3A_316 : i32 to vector<16xi32>
      %lt3A_318 = arith.cmpi slt, %add3A_315, %lt3A_317 : vector<16xi32>
      %jit3A_319 = arith.constant 516096 : i32
      %broadcast_in_dim3A_320 = vector.broadcast %jit3A_319 : i32 to vector<16xi32>
      %select_n3A_321 = arith.select %lt3A_318, %add3A_313, %broadcast_in_dim3A_320 : vector<16xi1>, vector<16xi32>
      %swap3A_322 = arith.constant 16 : index
      %swap3A_323 = tpu.vector_load %arg9[%swap3A_322] {strides = array<i32>} : memref<128xi32, #tpu.memory_space<vmem>>, vector<16xi32>,
      %swap3A_324 = vector.shape_cast %swap3A_323 : vector<16xi32> to vector<16xi32>
      %swap3A_325 = vector.shape_cast %select_n3A_321 : vector<16xi32> to vector<16xi32>
      tpu.vector_store %arg9[%swap3A_322], %swap3A_325 {strides = array<i32>} : memref<128xi32, #tpu.memory_space<vmem>>, vector<16xi32>,
      %mul3A_326 = arith.constant 128 : i32
      %mul3A_327 = arith.muli %scan3A_199, %mul3A_326 : i32
      %add3A_328 = arith.constant 32 : i32
      %add3A_329 = arith.addi %mul3A_327, %add3A_328 : i32
      %get3A_330 = arith.index_cast %add3A_329 : i32 to index
      %get3A_331 = tpu.vector_load %arg7[%get3A_330] {strides = array<i32>} : memref<2048xi32, #tpu.memory_space<vmem>>, vector<16xi32>,
      %get3A_332 = vector.shape_cast %get3A_331 : vector<16xi32> to vector<16xi32>
      %get3A_333 = arith.index_cast %add3A_329 : i32 to index
      %get3A_334 = tpu.vector_load %arg8[%get3A_333] {strides = array<i32>} : memref<2048xi32, #tpu.memory_space<vmem>>, vector<16xi32>,
      %get3A_335 = vector.shape_cast %get3A_334 : vector<16xi32> to vector<16xi32>
      %mul3A_336 = arith.constant 16778 : i32
      %mul3A_337 = vector.broadcast %mul3A_336 : i32 to vector<16xi32>
      %mul3A_338 = arith.muli %get3A_335, %mul3A_337 : vector<16xi32>
      %shift_right_logical3A_339 = arith.constant 23 : i32
      %shift_right_logical3A_340 = vector.broadcast %shift_right_logical3A_339 : i32 to vector<16xi32>
      %shift_right_logical3A_341 = arith.shrui %mul3A_338, %shift_right_logical3A_340 : vector<16xi32>
      %mul3A_342 = arith.constant 500 : i32
      %mul3A_343 = vector.broadcast %mul3A_342 : i32 to vector<16xi32>
      %mul3A_344 = arith.muli %shift_right_logical3A_341, %mul3A_343 : vector<16xi32>
      %sub3A_345 = arith.subi %get3A_335, %mul3A_344 : vector<16xi32>
      %mul3A_346 = arith.constant 500 : i32
      %mul3A_347 = vector.broadcast %mul3A_346 : i32 to vector<16xi32>
      %mul3A_348 = arith.muli %shift_right_logical3A_341, %mul3A_347 : vector<16xi32>
      %sub3A_349 = arith.subi %get3A_332, %mul3A_348 : vector<16xi32>
      %sub3A_350 = vector.broadcast %add3A_167 : i32 to vector<16xi32>
      %sub3A_351 = arith.subi %shift_right_logical3A_341, %sub3A_350 : vector<16xi32>
      %mul3A_352 = arith.constant 258048 : i32
      %mul3A_353 = vector.broadcast %mul3A_352 : i32 to vector<16xi32>
      %mul3A_354 = arith.muli %sub3A_351, %mul3A_353 : vector<16xi32>
      %shift_right_logical3A_355 = arith.constant 3 : i32
      %shift_right_logical3A_356 = vector.broadcast %shift_right_logical3A_355 : i32 to vector<16xi32>
      %shift_right_logical3A_357 = arith.shrui %sub3A_345, %shift_right_logical3A_356 : vector<16xi32>
      %mul3A_358 = arith.constant 4 : i32
      %mul3A_359 = vector.broadcast %mul3A_358 : i32 to vector<16xi32>
      %mul3A_360 = arith.muli %shift_right_logical3A_357, %mul3A_359 : vector<16xi32>
      %shift_right_logical3A_361 = arith.constant 7 : i32
      %shift_right_logical3A_362 = vector.broadcast %shift_right_logical3A_361 : i32 to vector<16xi32>
      %shift_right_logical3A_363 = arith.shrui %sub3A_349, %shift_right_logical3A_362 : vector<16xi32>
      %add3A_364 = arith.addi %mul3A_360, %shift_right_logical3A_363 : vector<16xi32>
      %mul3A_365 = arith.constant 1024 : i32
      %mul3A_366 = vector.broadcast %mul3A_365 : i32 to vector<16xi32>
      %mul3A_367 = arith.muli %add3A_364, %mul3A_366 : vector<16xi32>
      %add3A_368 = arith.addi %mul3A_354, %mul3A_367 : vector<16xi32>
      %and3A_369 = arith.constant 7 : i32
      %and3A_370 = vector.broadcast %and3A_369 : i32 to vector<16xi32>
      %and3A_371 = arith.andi %sub3A_345, %and3A_370 : vector<16xi32>
      %mul3A_372 = arith.constant 128 : i32
      %mul3A_373 = vector.broadcast %mul3A_372 : i32 to vector<16xi32>
      %mul3A_374 = arith.muli %and3A_371, %mul3A_373 : vector<16xi32>
      %add3A_375 = arith.addi %add3A_368, %mul3A_374 : vector<16xi32>
      %and3A_376 = arith.constant 127 : i32
      %and3A_377 = vector.broadcast %and3A_376 : i32 to vector<16xi32>
      %and3A_378 = arith.andi %sub3A_349, %and3A_377 : vector<16xi32>
      %add3A_379 = arith.addi %add3A_375, %and3A_378 : vector<16xi32>
      %add3A_380 = vector.broadcast %add3A_329 : i32 to vector<16xi32>
      %add3A_381 = arith.addi %add3A_380, %iota3A_176 : vector<16xi32>
      %lt3A_382 = arith.constant 2000 : i32
      %lt3A_383 = vector.broadcast %lt3A_382 : i32 to vector<16xi32>
      %lt3A_384 = arith.cmpi slt, %add3A_381, %lt3A_383 : vector<16xi32>
      %jit3A_385 = arith.constant 516096 : i32
      %broadcast_in_dim3A_386 = vector.broadcast %jit3A_385 : i32 to vector<16xi32>
      %select_n3A_387 = arith.select %lt3A_384, %add3A_379, %broadcast_in_dim3A_386 : vector<16xi1>, vector<16xi32>
      %swap3A_388 = arith.constant 32 : index
      %swap3A_389 = tpu.vector_load %arg9[%swap3A_388] {strides = array<i32>} : memref<128xi32, #tpu.memory_space<vmem>>, vector<16xi32>,
      %swap3A_390 = vector.shape_cast %swap3A_389 : vector<16xi32> to vector<16xi32>
      %swap3A_391 = vector.shape_cast %select_n3A_387 : vector<16xi32> to vector<16xi32>
      tpu.vector_store %arg9[%swap3A_388], %swap3A_391 {strides = array<i32>} : memref<128xi32, #tpu.memory_space<vmem>>, vector<16xi32>,
      %mul3A_392 = arith.constant 128 : i32
      %mul3A_393 = arith.muli %scan3A_199, %mul3A_392 : i32
      %add3A_394 = arith.constant 48 : i32
      %add3A_395 = arith.addi %mul3A_393, %add3A_394 : i32
      %get3A_396 = arith.index_cast %add3A_395 : i32 to index
      %get3A_397 = tpu.vector_load %arg7[%get3A_396] {strides = array<i32>} : memref<2048xi32, #tpu.memory_space<vmem>>, vector<16xi32>,
      %get3A_398 = vector.shape_cast %get3A_397 : vector<16xi32> to vector<16xi32>
      %get3A_399 = arith.index_cast %add3A_395 : i32 to index
      %get3A_400 = tpu.vector_load %arg8[%get3A_399] {strides = array<i32>} : memref<2048xi32, #tpu.memory_space<vmem>>, vector<16xi32>,
      %get3A_401 = vector.shape_cast %get3A_400 : vector<16xi32> to vector<16xi32>
      %mul3A_402 = arith.constant 16778 : i32
      %mul3A_403 = vector.broadcast %mul3A_402 : i32 to vector<16xi32>
      %mul3A_404 = arith.muli %get3A_401, %mul3A_403 : vector<16xi32>
      %shift_right_logical3A_405 = arith.constant 23 : i32
      %shift_right_logical3A_406 = vector.broadcast %shift_right_logical3A_405 : i32 to vector<16xi32>
      %shift_right_logical3A_407 = arith.shrui %mul3A_404, %shift_right_logical3A_406 : vector<16xi32>
      %mul3A_408 = arith.constant 500 : i32
      %mul3A_409 = vector.broadcast %mul3A_408 : i32 to vector<16xi32>
      %mul3A_410 = arith.muli %shift_right_logical3A_407, %mul3A_409 : vector<16xi32>
      %sub3A_411 = arith.subi %get3A_401, %mul3A_410 : vector<16xi32>
      %mul3A_412 = arith.constant 500 : i32
      %mul3A_413 = vector.broadcast %mul3A_412 : i32 to vector<16xi32>
      %mul3A_414 = arith.muli %shift_right_logical3A_407, %mul3A_413 : vector<16xi32>
      %sub3A_415 = arith.subi %get3A_398, %mul3A_414 : vector<16xi32>
      %sub3A_416 = vector.broadcast %add3A_167 : i32 to vector<16xi32>
      %sub3A_417 = arith.subi %shift_right_logical3A_407, %sub3A_416 : vector<16xi32>
      %mul3A_418 = arith.constant 258048 : i32
      %mul3A_419 = vector.broadcast %mul3A_418 : i32 to vector<16xi32>
      %mul3A_420 = arith.muli %sub3A_417, %mul3A_419 : vector<16xi32>
      %shift_right_logical3A_421 = arith.constant 3 : i32
      %shift_right_logical3A_422 = vector.broadcast %shift_right_logical3A_421 : i32 to vector<16xi32>
      %shift_right_logical3A_423 = arith.shrui %sub3A_411, %shift_right_logical3A_422 : vector<16xi32>
      %mul3A_424 = arith.constant 4 : i32
      %mul3A_425 = vector.broadcast %mul3A_424 : i32 to vector<16xi32>
      %mul3A_426 = arith.muli %shift_right_logical3A_423, %mul3A_425 : vector<16xi32>
      %shift_right_logical3A_427 = arith.constant 7 : i32
      %shift_right_logical3A_428 = vector.broadcast %shift_right_logical3A_427 : i32 to vector<16xi32>
      %shift_right_logical3A_429 = arith.shrui %sub3A_415, %shift_right_logical3A_428 : vector<16xi32>
      %add3A_430 = arith.addi %mul3A_426, %shift_right_logical3A_429 : vector<16xi32>
      %mul3A_431 = arith.constant 1024 : i32
      %mul3A_432 = vector.broadcast %mul3A_431 : i32 to vector<16xi32>
      %mul3A_433 = arith.muli %add3A_430, %mul3A_432 : vector<16xi32>
      %add3A_434 = arith.addi %mul3A_420, %mul3A_433 : vector<16xi32>
      %and3A_435 = arith.constant 7 : i32
      %and3A_436 = vector.broadcast %and3A_435 : i32 to vector<16xi32>
      %and3A_437 = arith.andi %sub3A_411, %and3A_436 : vector<16xi32>
      %mul3A_438 = arith.constant 128 : i32
      %mul3A_439 = vector.broadcast %mul3A_438 : i32 to vector<16xi32>
      %mul3A_440 = arith.muli %and3A_437, %mul3A_439 : vector<16xi32>
      %add3A_441 = arith.addi %add3A_434, %mul3A_440 : vector<16xi32>
      %and3A_442 = arith.constant 127 : i32
      %and3A_443 = vector.broadcast %and3A_442 : i32 to vector<16xi32>
      %and3A_444 = arith.andi %sub3A_415, %and3A_443 : vector<16xi32>
      %add3A_445 = arith.addi %add3A_441, %and3A_444 : vector<16xi32>
      %add3A_446 = vector.broadcast %add3A_395 : i32 to vector<16xi32>
      %add3A_447 = arith.addi %add3A_446, %iota3A_176 : vector<16xi32>
      %lt3A_448 = arith.constant 2000 : i32
      %lt3A_449 = vector.broadcast %lt3A_448 : i32 to vector<16xi32>
      %lt3A_450 = arith.cmpi slt, %add3A_447, %lt3A_449 : vector<16xi32>
      %jit3A_451 = arith.constant 516096 : i32
      %broadcast_in_dim3A_452 = vector.broadcast %jit3A_451 : i32 to vector<16xi32>
      %select_n3A_453 = arith.select %lt3A_450, %add3A_445, %broadcast_in_dim3A_452 : vector<16xi1>, vector<16xi32>
      %swap3A_454 = arith.constant 48 : index
      %swap3A_455 = tpu.vector_load %arg9[%swap3A_454] {strides = array<i32>} : memref<128xi32, #tpu.memory_space<vmem>>, vector<16xi32>,
      %swap3A_456 = vector.shape_cast %swap3A_455 : vector<16xi32> to vector<16xi32>
      %swap3A_457 = vector.shape_cast %select_n3A_453 : vector<16xi32> to vector<16xi32>
      tpu.vector_store %arg9[%swap3A_454], %swap3A_457 {strides = array<i32>} : memref<128xi32, #tpu.memory_space<vmem>>, vector<16xi32>,
      %mul3A_458 = arith.constant 128 : i32
      %mul3A_459 = arith.muli %scan3A_199, %mul3A_458 : i32
      %add3A_460 = arith.constant 64 : i32
      %add3A_461 = arith.addi %mul3A_459, %add3A_460 : i32
      %get3A_462 = arith.index_cast %add3A_461 : i32 to index
      %get3A_463 = tpu.vector_load %arg7[%get3A_462] {strides = array<i32>} : memref<2048xi32, #tpu.memory_space<vmem>>, vector<16xi32>,
      %get3A_464 = vector.shape_cast %get3A_463 : vector<16xi32> to vector<16xi32>
      %get3A_465 = arith.index_cast %add3A_461 : i32 to index
      %get3A_466 = tpu.vector_load %arg8[%get3A_465] {strides = array<i32>} : memref<2048xi32, #tpu.memory_space<vmem>>, vector<16xi32>,
      %get3A_467 = vector.shape_cast %get3A_466 : vector<16xi32> to vector<16xi32>
      %mul3A_468 = arith.constant 16778 : i32
      %mul3A_469 = vector.broadcast %mul3A_468 : i32 to vector<16xi32>
      %mul3A_470 = arith.muli %get3A_467, %mul3A_469 : vector<16xi32>
      %shift_right_logical3A_471 = arith.constant 23 : i32
      %shift_right_logical3A_472 = vector.broadcast %shift_right_logical3A_471 : i32 to vector<16xi32>
      %shift_right_logical3A_473 = arith.shrui %mul3A_470, %shift_right_logical3A_472 : vector<16xi32>
      %mul3A_474 = arith.constant 500 : i32
      %mul3A_475 = vector.broadcast %mul3A_474 : i32 to vector<16xi32>
      %mul3A_476 = arith.muli %shift_right_logical3A_473, %mul3A_475 : vector<16xi32>
      %sub3A_477 = arith.subi %get3A_467, %mul3A_476 : vector<16xi32>
      %mul3A_478 = arith.constant 500 : i32
      %mul3A_479 = vector.broadcast %mul3A_478 : i32 to vector<16xi32>
      %mul3A_480 = arith.muli %shift_right_logical3A_473, %mul3A_479 : vector<16xi32>
      %sub3A_481 = arith.subi %get3A_464, %mul3A_480 : vector<16xi32>
      %sub3A_482 = vector.broadcast %add3A_167 : i32 to vector<16xi32>
      %sub3A_483 = arith.subi %shift_right_logical3A_473, %sub3A_482 : vector<16xi32>
      %mul3A_484 = arith.constant 258048 : i32
      %mul3A_485 = vector.broadcast %mul3A_484 : i32 to vector<16xi32>
      %mul3A_486 = arith.muli %sub3A_483, %mul3A_485 : vector<16xi32>
      %shift_right_logical3A_487 = arith.constant 3 : i32
      %shift_right_logical3A_488 = vector.broadcast %shift_right_logical3A_487 : i32 to vector<16xi32>
      %shift_right_logical3A_489 = arith.shrui %sub3A_477, %shift_right_logical3A_488 : vector<16xi32>
      %mul3A_490 = arith.constant 4 : i32
      %mul3A_491 = vector.broadcast %mul3A_490 : i32 to vector<16xi32>
      %mul3A_492 = arith.muli %shift_right_logical3A_489, %mul3A_491 : vector<16xi32>
      %shift_right_logical3A_493 = arith.constant 7 : i32
      %shift_right_logical3A_494 = vector.broadcast %shift_right_logical3A_493 : i32 to vector<16xi32>
      %shift_right_logical3A_495 = arith.shrui %sub3A_481, %shift_right_logical3A_494 : vector<16xi32>
      %add3A_496 = arith.addi %mul3A_492, %shift_right_logical3A_495 : vector<16xi32>
      %mul3A_497 = arith.constant 1024 : i32
      %mul3A_498 = vector.broadcast %mul3A_497 : i32 to vector<16xi32>
      %mul3A_499 = arith.muli %add3A_496, %mul3A_498 : vector<16xi32>
      %add3A_500 = arith.addi %mul3A_486, %mul3A_499 : vector<16xi32>
      %and3A_501 = arith.constant 7 : i32
      %and3A_502 = vector.broadcast %and3A_501 : i32 to vector<16xi32>
      %and3A_503 = arith.andi %sub3A_477, %and3A_502 : vector<16xi32>
      %mul3A_504 = arith.constant 128 : i32
      %mul3A_505 = vector.broadcast %mul3A_504 : i32 to vector<16xi32>
      %mul3A_506 = arith.muli %and3A_503, %mul3A_505 : vector<16xi32>
      %add3A_507 = arith.addi %add3A_500, %mul3A_506 : vector<16xi32>
      %and3A_508 = arith.constant 127 : i32
      %and3A_509 = vector.broadcast %and3A_508 : i32 to vector<16xi32>
      %and3A_510 = arith.andi %sub3A_481, %and3A_509 : vector<16xi32>
      %add3A_511 = arith.addi %add3A_507, %and3A_510 : vector<16xi32>
      %add3A_512 = vector.broadcast %add3A_461 : i32 to vector<16xi32>
      %add3A_513 = arith.addi %add3A_512, %iota3A_176 : vector<16xi32>
      %lt3A_514 = arith.constant 2000 : i32
      %lt3A_515 = vector.broadcast %lt3A_514 : i32 to vector<16xi32>
      %lt3A_516 = arith.cmpi slt, %add3A_513, %lt3A_515 : vector<16xi32>
      %jit3A_517 = arith.constant 516096 : i32
      %broadcast_in_dim3A_518 = vector.broadcast %jit3A_517 : i32 to vector<16xi32>
      %select_n3A_519 = arith.select %lt3A_516, %add3A_511, %broadcast_in_dim3A_518 : vector<16xi1>, vector<16xi32>
      %swap3A_520 = arith.constant 64 : index
      %swap3A_521 = tpu.vector_load %arg9[%swap3A_520] {strides = array<i32>} : memref<128xi32, #tpu.memory_space<vmem>>, vector<16xi32>,
      %swap3A_522 = vector.shape_cast %swap3A_521 : vector<16xi32> to vector<16xi32>
      %swap3A_523 = vector.shape_cast %select_n3A_519 : vector<16xi32> to vector<16xi32>
      tpu.vector_store %arg9[%swap3A_520], %swap3A_523 {strides = array<i32>} : memref<128xi32, #tpu.memory_space<vmem>>, vector<16xi32>,
      %mul3A_524 = arith.constant 128 : i32
      %mul3A_525 = arith.muli %scan3A_199, %mul3A_524 : i32
      %add3A_526 = arith.constant 80 : i32
      %add3A_527 = arith.addi %mul3A_525, %add3A_526 : i32
      %get3A_528 = arith.index_cast %add3A_527 : i32 to index
      %get3A_529 = tpu.vector_load %arg7[%get3A_528] {strides = array<i32>} : memref<2048xi32, #tpu.memory_space<vmem>>, vector<16xi32>,
      %get3A_530 = vector.shape_cast %get3A_529 : vector<16xi32> to vector<16xi32>
      %get3A_531 = arith.index_cast %add3A_527 : i32 to index
      %get3A_532 = tpu.vector_load %arg8[%get3A_531] {strides = array<i32>} : memref<2048xi32, #tpu.memory_space<vmem>>, vector<16xi32>,
      %get3A_533 = vector.shape_cast %get3A_532 : vector<16xi32> to vector<16xi32>
      %mul3A_534 = arith.constant 16778 : i32
      %mul3A_535 = vector.broadcast %mul3A_534 : i32 to vector<16xi32>
      %mul3A_536 = arith.muli %get3A_533, %mul3A_535 : vector<16xi32>
      %shift_right_logical3A_537 = arith.constant 23 : i32
      %shift_right_logical3A_538 = vector.broadcast %shift_right_logical3A_537 : i32 to vector<16xi32>
      %shift_right_logical3A_539 = arith.shrui %mul3A_536, %shift_right_logical3A_538 : vector<16xi32>
      %mul3A_540 = arith.constant 500 : i32
      %mul3A_541 = vector.broadcast %mul3A_540 : i32 to vector<16xi32>
      %mul3A_542 = arith.muli %shift_right_logical3A_539, %mul3A_541 : vector<16xi32>
      %sub3A_543 = arith.subi %get3A_533, %mul3A_542 : vector<16xi32>
      %mul3A_544 = arith.constant 500 : i32
      %mul3A_545 = vector.broadcast %mul3A_544 : i32 to vector<16xi32>
      %mul3A_546 = arith.muli %shift_right_logical3A_539, %mul3A_545 : vector<16xi32>
      %sub3A_547 = arith.subi %get3A_530, %mul3A_546 : vector<16xi32>
      %sub3A_548 = vector.broadcast %add3A_167 : i32 to vector<16xi32>
      %sub3A_549 = arith.subi %shift_right_logical3A_539, %sub3A_548 : vector<16xi32>
      %mul3A_550 = arith.constant 258048 : i32
      %mul3A_551 = vector.broadcast %mul3A_550 : i32 to vector<16xi32>
      %mul3A_552 = arith.muli %sub3A_549, %mul3A_551 : vector<16xi32>
      %shift_right_logical3A_553 = arith.constant 3 : i32
      %shift_right_logical3A_554 = vector.broadcast %shift_right_logical3A_553 : i32 to vector<16xi32>
      %shift_right_logical3A_555 = arith.shrui %sub3A_543, %shift_right_logical3A_554 : vector<16xi32>
      %mul3A_556 = arith.constant 4 : i32
      %mul3A_557 = vector.broadcast %mul3A_556 : i32 to vector<16xi32>
      %mul3A_558 = arith.muli %shift_right_logical3A_555, %mul3A_557 : vector<16xi32>
      %shift_right_logical3A_559 = arith.constant 7 : i32
      %shift_right_logical3A_560 = vector.broadcast %shift_right_logical3A_559 : i32 to vector<16xi32>
      %shift_right_logical3A_561 = arith.shrui %sub3A_547, %shift_right_logical3A_560 : vector<16xi32>
      %add3A_562 = arith.addi %mul3A_558, %shift_right_logical3A_561 : vector<16xi32>
      %mul3A_563 = arith.constant 1024 : i32
      %mul3A_564 = vector.broadcast %mul3A_563 : i32 to vector<16xi32>
      %mul3A_565 = arith.muli %add3A_562, %mul3A_564 : vector<16xi32>
      %add3A_566 = arith.addi %mul3A_552, %mul3A_565 : vector<16xi32>
      %and3A_567 = arith.constant 7 : i32
      %and3A_568 = vector.broadcast %and3A_567 : i32 to vector<16xi32>
      %and3A_569 = arith.andi %sub3A_543, %and3A_568 : vector<16xi32>
      %mul3A_570 = arith.constant 128 : i32
      %mul3A_571 = vector.broadcast %mul3A_570 : i32 to vector<16xi32>
      %mul3A_572 = arith.muli %and3A_569, %mul3A_571 : vector<16xi32>
      %add3A_573 = arith.addi %add3A_566, %mul3A_572 : vector<16xi32>
      %and3A_574 = arith.constant 127 : i32
      %and3A_575 = vector.broadcast %and3A_574 : i32 to vector<16xi32>
      %and3A_576 = arith.andi %sub3A_547, %and3A_575 : vector<16xi32>
      %add3A_577 = arith.addi %add3A_573, %and3A_576 : vector<16xi32>
      %add3A_578 = vector.broadcast %add3A_527 : i32 to vector<16xi32>
      %add3A_579 = arith.addi %add3A_578, %iota3A_176 : vector<16xi32>
      %lt3A_580 = arith.constant 2000 : i32
      %lt3A_581 = vector.broadcast %lt3A_580 : i32 to vector<16xi32>
      %lt3A_582 = arith.cmpi slt, %add3A_579, %lt3A_581 : vector<16xi32>
      %jit3A_583 = arith.constant 516096 : i32
      %broadcast_in_dim3A_584 = vector.broadcast %jit3A_583 : i32 to vector<16xi32>
      %select_n3A_585 = arith.select %lt3A_582, %add3A_577, %broadcast_in_dim3A_584 : vector<16xi1>, vector<16xi32>
      %swap3A_586 = arith.constant 80 : index
      %swap3A_587 = tpu.vector_load %arg9[%swap3A_586] {strides = array<i32>} : memref<128xi32, #tpu.memory_space<vmem>>, vector<16xi32>,
      %swap3A_588 = vector.shape_cast %swap3A_587 : vector<16xi32> to vector<16xi32>
      %swap3A_589 = vector.shape_cast %select_n3A_585 : vector<16xi32> to vector<16xi32>
      tpu.vector_store %arg9[%swap3A_586], %swap3A_589 {strides = array<i32>} : memref<128xi32, #tpu.memory_space<vmem>>, vector<16xi32>,
      %mul3A_590 = arith.constant 128 : i32
      %mul3A_591 = arith.muli %scan3A_199, %mul3A_590 : i32
      %add3A_592 = arith.constant 96 : i32
      %add3A_593 = arith.addi %mul3A_591, %add3A_592 : i32
      %get3A_594 = arith.index_cast %add3A_593 : i32 to index
      %get3A_595 = tpu.vector_load %arg7[%get3A_594] {strides = array<i32>} : memref<2048xi32, #tpu.memory_space<vmem>>, vector<16xi32>,
      %get3A_596 = vector.shape_cast %get3A_595 : vector<16xi32> to vector<16xi32>
      %get3A_597 = arith.index_cast %add3A_593 : i32 to index
      %get3A_598 = tpu.vector_load %arg8[%get3A_597] {strides = array<i32>} : memref<2048xi32, #tpu.memory_space<vmem>>, vector<16xi32>,
      %get3A_599 = vector.shape_cast %get3A_598 : vector<16xi32> to vector<16xi32>
      %mul3A_600 = arith.constant 16778 : i32
      %mul3A_601 = vector.broadcast %mul3A_600 : i32 to vector<16xi32>
      %mul3A_602 = arith.muli %get3A_599, %mul3A_601 : vector<16xi32>
      %shift_right_logical3A_603 = arith.constant 23 : i32
      %shift_right_logical3A_604 = vector.broadcast %shift_right_logical3A_603 : i32 to vector<16xi32>
      %shift_right_logical3A_605 = arith.shrui %mul3A_602, %shift_right_logical3A_604 : vector<16xi32>
      %mul3A_606 = arith.constant 500 : i32
      %mul3A_607 = vector.broadcast %mul3A_606 : i32 to vector<16xi32>
      %mul3A_608 = arith.muli %shift_right_logical3A_605, %mul3A_607 : vector<16xi32>
      %sub3A_609 = arith.subi %get3A_599, %mul3A_608 : vector<16xi32>
      %mul3A_610 = arith.constant 500 : i32
      %mul3A_611 = vector.broadcast %mul3A_610 : i32 to vector<16xi32>
      %mul3A_612 = arith.muli %shift_right_logical3A_605, %mul3A_611 : vector<16xi32>
      %sub3A_613 = arith.subi %get3A_596, %mul3A_612 : vector<16xi32>
      %sub3A_614 = vector.broadcast %add3A_167 : i32 to vector<16xi32>
      %sub3A_615 = arith.subi %shift_right_logical3A_605, %sub3A_614 : vector<16xi32>
      %mul3A_616 = arith.constant 258048 : i32
      %mul3A_617 = vector.broadcast %mul3A_616 : i32 to vector<16xi32>
      %mul3A_618 = arith.muli %sub3A_615, %mul3A_617 : vector<16xi32>
      %shift_right_logical3A_619 = arith.constant 3 : i32
      %shift_right_logical3A_620 = vector.broadcast %shift_right_logical3A_619 : i32 to vector<16xi32>
      %shift_right_logical3A_621 = arith.shrui %sub3A_609, %shift_right_logical3A_620 : vector<16xi32>
      %mul3A_622 = arith.constant 4 : i32
      %mul3A_623 = vector.broadcast %mul3A_622 : i32 to vector<16xi32>
      %mul3A_624 = arith.muli %shift_right_logical3A_621, %mul3A_623 : vector<16xi32>
      %shift_right_logical3A_625 = arith.constant 7 : i32
      %shift_right_logical3A_626 = vector.broadcast %shift_right_logical3A_625 : i32 to vector<16xi32>
      %shift_right_logical3A_627 = arith.shrui %sub3A_613, %shift_right_logical3A_626 : vector<16xi32>
      %add3A_628 = arith.addi %mul3A_624, %shift_right_logical3A_627 : vector<16xi32>
      %mul3A_629 = arith.constant 1024 : i32
      %mul3A_630 = vector.broadcast %mul3A_629 : i32 to vector<16xi32>
      %mul3A_631 = arith.muli %add3A_628, %mul3A_630 : vector<16xi32>
      %add3A_632 = arith.addi %mul3A_618, %mul3A_631 : vector<16xi32>
      %and3A_633 = arith.constant 7 : i32
      %and3A_634 = vector.broadcast %and3A_633 : i32 to vector<16xi32>
      %and3A_635 = arith.andi %sub3A_609, %and3A_634 : vector<16xi32>
      %mul3A_636 = arith.constant 128 : i32
      %mul3A_637 = vector.broadcast %mul3A_636 : i32 to vector<16xi32>
      %mul3A_638 = arith.muli %and3A_635, %mul3A_637 : vector<16xi32>
      %add3A_639 = arith.addi %add3A_632, %mul3A_638 : vector<16xi32>
      %and3A_640 = arith.constant 127 : i32
      %and3A_641 = vector.broadcast %and3A_640 : i32 to vector<16xi32>
      %and3A_642 = arith.andi %sub3A_613, %and3A_641 : vector<16xi32>
      %add3A_643 = arith.addi %add3A_639, %and3A_642 : vector<16xi32>
      %add3A_644 = vector.broadcast %add3A_593 : i32 to vector<16xi32>
      %add3A_645 = arith.addi %add3A_644, %iota3A_176 : vector<16xi32>
      %lt3A_646 = arith.constant 2000 : i32
      %lt3A_647 = vector.broadcast %lt3A_646 : i32 to vector<16xi32>
      %lt3A_648 = arith.cmpi slt, %add3A_645, %lt3A_647 : vector<16xi32>
      %jit3A_649 = arith.constant 516096 : i32
      %broadcast_in_dim3A_650 = vector.broadcast %jit3A_649 : i32 to vector<16xi32>
      %select_n3A_651 = arith.select %lt3A_648, %add3A_643, %broadcast_in_dim3A_650 : vector<16xi1>, vector<16xi32>
      %swap3A_652 = arith.constant 96 : index
      %swap3A_653 = tpu.vector_load %arg9[%swap3A_652] {strides = array<i32>} : memref<128xi32, #tpu.memory_space<vmem>>, vector<16xi32>,
      %swap3A_654 = vector.shape_cast %swap3A_653 : vector<16xi32> to vector<16xi32>
      %swap3A_655 = vector.shape_cast %select_n3A_651 : vector<16xi32> to vector<16xi32>
      tpu.vector_store %arg9[%swap3A_652], %swap3A_655 {strides = array<i32>} : memref<128xi32, #tpu.memory_space<vmem>>, vector<16xi32>,
      %mul3A_656 = arith.constant 128 : i32
      %mul3A_657 = arith.muli %scan3A_199, %mul3A_656 : i32
      %add3A_658 = arith.constant 112 : i32
      %add3A_659 = arith.addi %mul3A_657, %add3A_658 : i32
      %get3A_660 = arith.index_cast %add3A_659 : i32 to index
      %get3A_661 = tpu.vector_load %arg7[%get3A_660] {strides = array<i32>} : memref<2048xi32, #tpu.memory_space<vmem>>, vector<16xi32>,
      %get3A_662 = vector.shape_cast %get3A_661 : vector<16xi32> to vector<16xi32>
      %get3A_663 = arith.index_cast %add3A_659 : i32 to index
      %get3A_664 = tpu.vector_load %arg8[%get3A_663] {strides = array<i32>} : memref<2048xi32, #tpu.memory_space<vmem>>, vector<16xi32>,
      %get3A_665 = vector.shape_cast %get3A_664 : vector<16xi32> to vector<16xi32>
      %mul3A_666 = arith.constant 16778 : i32
      %mul3A_667 = vector.broadcast %mul3A_666 : i32 to vector<16xi32>
      %mul3A_668 = arith.muli %get3A_665, %mul3A_667 : vector<16xi32>
      %shift_right_logical3A_669 = arith.constant 23 : i32
      %shift_right_logical3A_670 = vector.broadcast %shift_right_logical3A_669 : i32 to vector<16xi32>
      %shift_right_logical3A_671 = arith.shrui %mul3A_668, %shift_right_logical3A_670 : vector<16xi32>
      %mul3A_672 = arith.constant 500 : i32
      %mul3A_673 = vector.broadcast %mul3A_672 : i32 to vector<16xi32>
      %mul3A_674 = arith.muli %shift_right_logical3A_671, %mul3A_673 : vector<16xi32>
      %sub3A_675 = arith.subi %get3A_665, %mul3A_674 : vector<16xi32>
      %mul3A_676 = arith.constant 500 : i32
      %mul3A_677 = vector.broadcast %mul3A_676 : i32 to vector<16xi32>
      %mul3A_678 = arith.muli %shift_right_logical3A_671, %mul3A_677 : vector<16xi32>
      %sub3A_679 = arith.subi %get3A_662, %mul3A_678 : vector<16xi32>
      %sub3A_680 = vector.broadcast %add3A_167 : i32 to vector<16xi32>
      %sub3A_681 = arith.subi %shift_right_logical3A_671, %sub3A_680 : vector<16xi32>
      %mul3A_682 = arith.constant 258048 : i32
      %mul3A_683 = vector.broadcast %mul3A_682 : i32 to vector<16xi32>
      %mul3A_684 = arith.muli %sub3A_681, %mul3A_683 : vector<16xi32>
      %shift_right_logical3A_685 = arith.constant 3 : i32
      %shift_right_logical3A_686 = vector.broadcast %shift_right_logical3A_685 : i32 to vector<16xi32>
      %shift_right_logical3A_687 = arith.shrui %sub3A_675, %shift_right_logical3A_686 : vector<16xi32>
      %mul3A_688 = arith.constant 4 : i32
      %mul3A_689 = vector.broadcast %mul3A_688 : i32 to vector<16xi32>
      %mul3A_690 = arith.muli %shift_right_logical3A_687, %mul3A_689 : vector<16xi32>
      %shift_right_logical3A_691 = arith.constant 7 : i32
      %shift_right_logical3A_692 = vector.broadcast %shift_right_logical3A_691 : i32 to vector<16xi32>
      %shift_right_logical3A_693 = arith.shrui %sub3A_679, %shift_right_logical3A_692 : vector<16xi32>
      %add3A_694 = arith.addi %mul3A_690, %shift_right_logical3A_693 : vector<16xi32>
      %mul3A_695 = arith.constant 1024 : i32
      %mul3A_696 = vector.broadcast %mul3A_695 : i32 to vector<16xi32>
      %mul3A_697 = arith.muli %add3A_694, %mul3A_696 : vector<16xi32>
      %add3A_698 = arith.addi %mul3A_684, %mul3A_697 : vector<16xi32>
      %and3A_699 = arith.constant 7 : i32
      %and3A_700 = vector.broadcast %and3A_699 : i32 to vector<16xi32>
      %and3A_701 = arith.andi %sub3A_675, %and3A_700 : vector<16xi32>
      %mul3A_702 = arith.constant 128 : i32
      %mul3A_703 = vector.broadcast %mul3A_702 : i32 to vector<16xi32>
      %mul3A_704 = arith.muli %and3A_701, %mul3A_703 : vector<16xi32>
      %add3A_705 = arith.addi %add3A_698, %mul3A_704 : vector<16xi32>
      %and3A_706 = arith.constant 127 : i32
      %and3A_707 = vector.broadcast %and3A_706 : i32 to vector<16xi32>
      %and3A_708 = arith.andi %sub3A_679, %and3A_707 : vector<16xi32>
      %add3A_709 = arith.addi %add3A_705, %and3A_708 : vector<16xi32>
      %add3A_710 = vector.broadcast %add3A_659 : i32 to vector<16xi32>
      %add3A_711 = arith.addi %add3A_710, %iota3A_176 : vector<16xi32>
      %lt3A_712 = arith.constant 2000 : i32
      %lt3A_713 = vector.broadcast %lt3A_712 : i32 to vector<16xi32>
      %lt3A_714 = arith.cmpi slt, %add3A_711, %lt3A_713 : vector<16xi32>
      %jit3A_715 = arith.constant 516096 : i32
      %broadcast_in_dim3A_716 = vector.broadcast %jit3A_715 : i32 to vector<16xi32>
      %select_n3A_717 = arith.select %lt3A_714, %add3A_709, %broadcast_in_dim3A_716 : vector<16xi1>, vector<16xi32>
      %swap3A_718 = arith.constant 112 : index
      %swap3A_719 = tpu.vector_load %arg9[%swap3A_718] {strides = array<i32>} : memref<128xi32, #tpu.memory_space<vmem>>, vector<16xi32>,
      %swap3A_720 = vector.shape_cast %swap3A_719 : vector<16xi32> to vector<16xi32>
      %swap3A_721 = vector.shape_cast %select_n3A_717 : vector<16xi32> to vector<16xi32>
      tpu.vector_store %arg9[%swap3A_718], %swap3A_721 {strides = array<i32>} : memref<128xi32, #tpu.memory_space<vmem>>, vector<16xi32>,
      "tpu.region"() ({
        %run_scoped3A = tpu.sem_alloc : memref<!tpu.dma_semaphore, #tpu.memory_space<semaphore_mem>>
        %dma_start3A_723 = arith.constant 0 : i32
        %dma_start3A_724 = tpu.memref_slice %arg11[%dma_start3A_723] : memref<516104xf32, #tpu.memory_space<vmem_shared>> -> memref<516104xf32, #tpu.memory_space<vmem_shared>>
        tpu.enqueue_indirect_dma source(%arg10 : memref<128xf32, #tpu.memory_space<vmem>>) target(%dma_start3A_724 : memref<516104xf32, #tpu.memory_space<vmem_shared>>) offsets(%arg9 : memref<128xi32, #tpu.memory_space<vmem>>) semaphore(%run_scoped3A : memref<!tpu.dma_semaphore, #tpu.memory_space<semaphore_mem>>) {add = true}
        %dma_wait3A_725 = arith.constant 0 : i32
        %dma_wait3A_726 = tpu.memref_slice %arg11[%dma_wait3A_725] : memref<516104xf32, #tpu.memory_space<vmem_shared>> -> memref<516104xf32, #tpu.memory_space<vmem_shared>>
        tpu.wait_indirect_dma semaphore(%run_scoped3A : memref<!tpu.dma_semaphore, #tpu.memory_space<semaphore_mem>>) src(%arg10 : memref<128xf32, #tpu.memory_space<vmem>>) dst(%dma_wait3A_726 : memref<516104xf32, #tpu.memory_space<vmem_shared>>)
        tpu.yield
      }) : () -> ()
      %scan3A_722 = arith.constant 0 : i32
      scf.yield %scan3A_722 : i32
    }
    %scan3A_183 = arith.constant 16 : i32
    %barrier3A_184 = arith.constant 0 : index
    tpu.barrier barrier_id(%barrier3A_184)
    %dma_wait3A_185 = tpu.memref_slice %arg4[%add3A_161] : memref<5160960xf32, #tpu.memory_space<hbm>> -> memref<32256xf32, #tpu.memory_space<hbm>>
    %dma_wait3A_186 = tpu.memref_slice %arg4[%add3A_161] : memref<5160960xf32, #tpu.memory_space<hbm>> -> memref<32256xf32, #tpu.memory_space<hbm>>
    tpu.wait_dma2 semaphore(%arg12 : memref<!tpu.dma_semaphore, #tpu.memory_space<semaphore_mem>>) src(%arg6 : memref<32256xf32, #tpu.memory_space<vmem>>) dst(%dma_wait3A_186 : memref<32256xf32, #tpu.memory_space<hbm>>)
    %mul3A_187 = arith.constant 258048 : i32
    %mul3A_188 = arith.muli %add3A_167, %mul3A_187 : i32
    %mul3A_189 = arith.constant 32256 : i32
    %mul3A_190 = arith.muli %arg1, %mul3A_189 : i32
    "tpu.region"() ({
      %run_scoped3A = tpu.sem_alloc : memref<!tpu.dma_semaphore, #tpu.memory_space<semaphore_mem>>
      %dma_start3A_199 = tpu.memref_slice %arg11[%mul3A_190] : memref<516104xf32, #tpu.memory_space<vmem_shared>> -> memref<32256xf32, #tpu.memory_space<vmem_shared>>
      %dma_start3A_200 = tpu.memref_slice %arg11[%mul3A_190] : memref<516104xf32, #tpu.memory_space<vmem_shared>> -> memref<32256xf32, #tpu.memory_space<vmem_shared>>
      tpu.enqueue_dma source(%dma_start3A_200 : memref<32256xf32, #tpu.memory_space<vmem_shared>>) target(%arg6 : memref<32256xf32, #tpu.memory_space<vmem>>) target_semaphore(%run_scoped3A : memref<!tpu.dma_semaphore, #tpu.memory_space<semaphore_mem>>)
      %dma_wait3A_201 = tpu.memref_slice %arg11[%mul3A_190] : memref<516104xf32, #tpu.memory_space<vmem_shared>> -> memref<32256xf32, #tpu.memory_space<vmem_shared>>
      %dma_wait3A_202 = tpu.memref_slice %arg11[%mul3A_190] : memref<516104xf32, #tpu.memory_space<vmem_shared>> -> memref<32256xf32, #tpu.memory_space<vmem_shared>>
      tpu.wait_dma2 semaphore(%run_scoped3A : memref<!tpu.dma_semaphore, #tpu.memory_space<semaphore_mem>>) src(%dma_wait3A_202 : memref<32256xf32, #tpu.memory_space<vmem_shared>>) dst(%arg6 : memref<32256xf32, #tpu.memory_space<vmem>>)
      tpu.yield
    }) : () -> ()
    %barrier3A_191 = arith.constant 0 : index
    tpu.barrier barrier_id(%barrier3A_191)
    %mul3A_192 = arith.constant 32256 : i32
    %mul3A_193 = arith.muli %arg1, %mul3A_192 : i32
    %add3A_194 = arith.addi %mul3A_188, %mul3A_193 : i32
    %dma_start3A_195 = tpu.memref_slice %arg4[%add3A_194] : memref<5160960xf32, #tpu.memory_space<hbm>> -> memref<32256xf32, #tpu.memory_space<hbm>>
    %dma_start3A_196 = tpu.memref_slice %arg4[%add3A_194] : memref<5160960xf32, #tpu.memory_space<hbm>> -> memref<32256xf32, #tpu.memory_space<hbm>>
    tpu.enqueue_dma source(%arg6 : memref<32256xf32, #tpu.memory_space<vmem>>) target(%dma_start3A_196 : memref<32256xf32, #tpu.memory_space<hbm>>) target_semaphore(%arg12 : memref<!tpu.dma_semaphore, #tpu.memory_space<semaphore_mem>>)
    %dma_wait3A_197 = tpu.memref_slice %arg4[%add3A_194] : memref<5160960xf32, #tpu.memory_space<hbm>> -> memref<32256xf32, #tpu.memory_space<hbm>>
    %dma_wait3A_198 = tpu.memref_slice %arg4[%add3A_194] : memref<5160960xf32, #tpu.memory_space<hbm>> -> memref<32256xf32, #tpu.memory_space<hbm>>
    tpu.wait_dma2 semaphore(%arg12 : memref<!tpu.dma_semaphore, #tpu.memory_space<semaphore_mem>>) src(%arg6 : memref<32256xf32, #tpu.memory_space<vmem>>) dst(%dma_wait3A_198 : memref<32256xf32, #tpu.memory_space<hbm>>)
    return
  }
}

module attributes {stable_mosaic.version = 14 : i64} {
  func.func @_layer_mid_body(%arg0: i32, %arg1: memref<1x500x128xf32, #tpu.memory_space<vmem>>, %arg2: memref<1x500x128xf32, #tpu.memory_space<vmem>>, %arg3: memref<20x1x128xf32, #tpu.memory_space<vmem>>, %arg4: memref<20x1x128xf32, #tpu.memory_space<vmem>>, %arg5: memref<1x63x4x8x128xf32, #tpu.memory_space<vmem>>, %arg6: memref<1x128xf32, #tpu.memory_space<vmem>>, %arg7: memref<1x128xf32, #tpu.memory_space<vmem>>, %arg8: memref<128x128xf32, #tpu.memory_space<vmem>>, %arg9: memref<128x128xf32, #tpu.memory_space<vmem>>, %arg10: memref<256x128xf32, #tpu.memory_space<vmem>>, %arg11: memref<1x128xf32, #tpu.memory_space<vmem>>, %arg12: memref<128x256xf32, #tpu.memory_space<vmem>>, %arg13: memref<1x256xf32, #tpu.memory_space<vmem>>, %arg14: memref<256x128xf32, #tpu.memory_space<vmem>>, %arg15: memref<1x128xf32, #tpu.memory_space<vmem>>, %arg16: memref<1x500x128xf32, #tpu.memory_space<vmem>>, %arg17: memref<1x500x128xf32, #tpu.memory_space<vmem>>, %arg18: memref<1x1x128xf32, #tpu.memory_space<vmem>>, %arg19: memref<1x1x128xf32, #tpu.memory_space<vmem>>) attributes {dimension_semantics = [#tpu.dimension_semantics<arbitrary>], iteration_bounds = array<i64: 20>, scalar_prefetch = 0 : i64, scratch_operands = 0 : i64, tpu.core_type = #tpu.core_type<tc>, window_params = [{transform_indices = @transform_0, window_bounds = array<i64: 1, 500, 128>}, {transform_indices = @transform_1, window_bounds = array<i64: 1, 500, 128>}, {pipeline_mode = #tpu.pipeline_mode<synchronous>, transform_indices = @transform_2, window_bounds = array<i64: 20, 1, 128>}, {pipeline_mode = #tpu.pipeline_mode<synchronous>, transform_indices = @transform_3, window_bounds = array<i64: 20, 1, 128>}, {transform_indices = @transform_4, window_bounds = array<i64: 1, 63, 4, 8, 128>}, {pipeline_mode = #tpu.pipeline_mode<synchronous>, transform_indices = @transform_5, window_bounds = array<i64: 1, 128>}, {pipeline_mode = #tpu.pipeline_mode<synchronous>, transform_indices = @transform_6, window_bounds = array<i64: 1, 128>}, {pipeline_mode = #tpu.pipeline_mode<synchronous>, transform_indices = @transform_7, window_bounds = array<i64: 128, 128>}, {pipeline_mode = #tpu.pipeline_mode<synchronous>, transform_indices = @transform_8, window_bounds = array<i64: 128, 128>}, {pipeline_mode = #tpu.pipeline_mode<synchronous>, transform_indices = @transform_9, window_bounds = array<i64: 256, 128>}, {pipeline_mode = #tpu.pipeline_mode<synchronous>, transform_indices = @transform_10, window_bounds = array<i64: 1, 128>}, {pipeline_mode = #tpu.pipeline_mode<synchronous>, transform_indices = @transform_11, window_bounds = array<i64: 128, 256>}, {pipeline_mode = #tpu.pipeline_mode<synchronous>, transform_indices = @transform_12, window_bounds = array<i64: 1, 256>}, {pipeline_mode = #tpu.pipeline_mode<synchronous>, transform_indices = @transform_13, window_bounds = array<i64: 256, 128>}, {pipeline_mode = #tpu.pipeline_mode<synchronous>, transform_indices = @transform_14, window_bounds = array<i64: 1, 128>}, {transform_indices = @transform_15, window_bounds = array<i64: 1, 500, 128>}, {transform_indices = @transform_16, window_bounds = array<i64: 1, 500, 128>}, {transform_indices = @transform_17, window_bounds = array<i64: 1, 1, 128>}, {transform_indices = @transform_18, window_bounds = array<i64: 1, 1, 128>}]} {
    %get3A = arith.constant 0 : index
    %get3A_0 = arith.constant 0 : index
    %get3A_1 = arith.constant 0 : index
    %get3A_2 = vector.load %arg1[%get3A, %get3A_0, %get3A_1] : memref<1x500x128xf32, #tpu.memory_space<vmem>>, vector<1x500x128xf32>
    %get3A_3 = vector.shape_cast %get3A_2 : vector<1x500x128xf32> to vector<500x128xf32>
    %get3A_4 = arith.constant 0 : index
    %get3A_5 = arith.constant 0 : index
    %get3A_6 = arith.constant 0 : index
    %get3A_7 = vector.load %arg2[%get3A_4, %get3A_5, %get3A_6] : memref<1x500x128xf32, #tpu.memory_space<vmem>>, vector<1x500x128xf32>
    %get3A_8 = vector.shape_cast %get3A_7 : vector<1x500x128xf32> to vector<500x128xf32>
    %get3A_9 = arith.constant 0 : index
    %get3A_10 = arith.constant 0 : index
    %get3A_11 = arith.constant 0 : index
    %get3A_12 = arith.constant 0 : index
    %get3A_13 = arith.constant 0 : index
    %get3A_14 = vector.load %arg5[%get3A_9, %get3A_10, %get3A_11, %get3A_12, %get3A_13] : memref<1x63x4x8x128xf32, #tpu.memory_space<vmem>>, vector<1x63x4x8x128xf32>
    %get3A_15 = vector.shape_cast %get3A_14 : vector<1x63x4x8x128xf32> to vector<63x4x8x128xf32>
    %get3A_16 = arith.constant 0 : index
    %get3A_17 = arith.constant 0 : index
    %get3A_18 = arith.constant 0 : index
    %get3A_19 = vector.load %arg3[%get3A_16, %get3A_17, %get3A_18] : memref<20x1x128xf32, #tpu.memory_space<vmem>>, vector<20x1x128xf32>
    %get3A_20 = arith.constant 0 : index
    %get3A_21 = arith.constant 0 : index
    %get3A_22 = arith.constant 0 : index
    %get3A_23 = vector.load %arg4[%get3A_20, %get3A_21, %get3A_22] : memref<20x1x128xf32, #tpu.memory_space<vmem>>, vector<20x1x128xf32>
    %get3A_24 = arith.constant 0 : index
    %get3A_25 = arith.constant 0 : index
    %get3A_26 = vector.load %arg6[%get3A_24, %get3A_25] : memref<1x128xf32, #tpu.memory_space<vmem>>, vector<1x128xf32>
    %get3A_27 = arith.constant 0 : index
    %get3A_28 = arith.constant 0 : index
    %get3A_29 = vector.load %arg7[%get3A_27, %get3A_28] : memref<1x128xf32, #tpu.memory_space<vmem>>, vector<1x128xf32>
    %get3A_30 = arith.constant 0 : index
    %get3A_31 = arith.constant 0 : index
    %get3A_32 = vector.load %arg8[%get3A_30, %get3A_31] : memref<128x128xf32, #tpu.memory_space<vmem>>, vector<128x128xf32>
    %get3A_33 = arith.constant 0 : index
    %get3A_34 = arith.constant 0 : index
    %get3A_35 = vector.load %arg9[%get3A_33, %get3A_34] : memref<128x128xf32, #tpu.memory_space<vmem>>, vector<128x128xf32>
    %get3A_36 = arith.constant 0 : index
    %get3A_37 = arith.constant 0 : index
    %get3A_38 = vector.load %arg10[%get3A_36, %get3A_37] : memref<256x128xf32, #tpu.memory_space<vmem>>, vector<256x128xf32>
    %get3A_39 = arith.constant 0 : index
    %get3A_40 = arith.constant 0 : index
    %get3A_41 = vector.load %arg11[%get3A_39, %get3A_40] : memref<1x128xf32, #tpu.memory_space<vmem>>, vector<1x128xf32>
    %reduce_sum3A = arith.constant dense<0.000000e+00> : vector<1x128xf32>
    %reduce_sum3A_42 = vector.multi_reduction <add>, %get3A_19, %reduce_sum3A [0] : vector<20x1x128xf32> to vector<1x128xf32>
    %mul3A = arith.constant 9.99999974E-5 : f32
    %mul3A_43 = vector.broadcast %mul3A : f32 to vector<1x128xf32>
    %mul3A_44 = arith.mulf %reduce_sum3A_42, %mul3A_43 : vector<1x128xf32>
    %reduce_sum3A_45 = arith.constant dense<0.000000e+00> : vector<1x128xf32>
    %reduce_sum3A_46 = vector.multi_reduction <add>, %get3A_23, %reduce_sum3A_45 [0] : vector<20x1x128xf32> to vector<1x128xf32>
    %mul3A_47 = arith.constant 9.99999974E-5 : f32
    %mul3A_48 = vector.broadcast %mul3A_47 : f32 to vector<1x128xf32>
    %mul3A_49 = arith.mulf %reduce_sum3A_46, %mul3A_48 : vector<1x128xf32>
    %mul3A_50 = arith.mulf %mul3A_44, %mul3A_44 : vector<1x128xf32>
    %sub3A = arith.subf %mul3A_49, %mul3A_50 : vector<1x128xf32>
    %sub3A_51 = vector.broadcast %mul3A_44 : vector<1x128xf32> to vector<500x128xf32>
    %sub3A_52 = arith.subf %get3A_3, %sub3A_51 : vector<500x128xf32>
    %add3A = arith.constant 9.99999974E-6 : f32
    %add3A_53 = vector.broadcast %add3A : f32 to vector<1x128xf32>
    %add3A_54 = arith.addf %sub3A, %add3A_53 : vector<1x128xf32>
    %sqrt3A = math.sqrt %add3A_54 : vector<1x128xf32>
    %div3A = vector.broadcast %sqrt3A : vector<1x128xf32> to vector<500x128xf32>
    %div3A_55 = arith.divf %sub3A_52, %div3A : vector<500x128xf32>
    %mul3A_56 = vector.broadcast %get3A_26 : vector<1x128xf32> to vector<500x128xf32>
    %mul3A_57 = arith.mulf %div3A_55, %mul3A_56 : vector<500x128xf32>
    %add3A_58 = vector.broadcast %get3A_29 : vector<1x128xf32> to vector<500x128xf32>
    %add3A_59 = arith.addf %mul3A_57, %add3A_58 : vector<500x128xf32>
    %dot_general3A = arith.constant dense<0.000000e+00> : vector<500x128xf32>
    %dot_general3A_60 = tpu.matmul %add3A_59, %get3A_32, %dot_general3A {dimension_numbers = #tpu.dot_dimension_numbers<[1], [0], [0], [1], [0, 0, 1, 1], [], []>, transpose_lhs_hint = false} : vector<500x128xf32>, vector<128x128xf32>, vector<500x128xf32> -> vector<500x128xf32>
    %dot_general3A_61 = arith.constant dense<0.000000e+00> : vector<500x128xf32>
    %dot_general3A_62 = tpu.matmul %add3A_59, %get3A_35, %dot_general3A_61 {dimension_numbers = #tpu.dot_dimension_numbers<[1], [0], [0], [1], [0, 0, 1, 1], [], []>, transpose_lhs_hint = false} : vector<500x128xf32>, vector<128x128xf32>, vector<500x128xf32> -> vector<500x128xf32>
    %dot_general3A_63 = arith.constant dense<0.000000e+00> : vector<500x500xf32>
    %dot_general3A_64 = tpu.matmul %dot_general3A_60, %dot_general3A_62, %dot_general3A_63 {dimension_numbers = #tpu.dot_dimension_numbers<[1], [1], [0], [0], [0, 0, 1, 0], [], []>, transpose_lhs_hint = false} : vector<500x128xf32>, vector<500x128xf32>, vector<500x500xf32> -> vector<500x500xf32>
    %mul3A_65 = arith.constant 0.0883883461 : f32
    %mul3A_66 = vector.broadcast %mul3A_65 : f32 to vector<500x500xf32>
    %mul3A_67 = arith.mulf %dot_general3A_64, %mul3A_66 : vector<500x500xf32>
    %broadcast_in_dim3A = arith.constant -3.000000e+38 : f32
    %broadcast_in_dim3A_68 = vector.broadcast %broadcast_in_dim3A : f32 to vector<500x12xf32>
    %slice3A = vector.extract_strided_slice %mul3A_67 {offsets = [0, 0], sizes = [500, 128], strides = [1, 1]} : vector<500x500xf32> to vector<500x128xf32>
    %slice3A_69 = vector.extract_strided_slice %mul3A_67 {offsets = [0, 128], sizes = [500, 128], strides = [1, 1]} : vector<500x500xf32> to vector<500x128xf32>
    %slice3A_70 = vector.extract_strided_slice %mul3A_67 {offsets = [0, 256], sizes = [500, 128], strides = [1, 1]} : vector<500x500xf32> to vector<500x128xf32>
    %slice3A_71 = vector.extract_strided_slice %mul3A_67 {offsets = [0, 384], sizes = [500, 116], strides = [1, 1]} : vector<500x500xf32> to vector<500x116xf32>
    %concatenate3A = tpu.concatenate %slice3A_71, %broadcast_in_dim3A_68 in 1 : vector<500x116xf32>, vector<500x12xf32> -> vector<500x128xf32>
    %max3A = arith.maximumf %slice3A, %slice3A_69 : vector<500x128xf32>
    %min3A = arith.minimumf %slice3A, %slice3A_69 : vector<500x128xf32>
    %max3A_72 = arith.maximumf %slice3A_70, %concatenate3A : vector<500x128xf32>
    %min3A_73 = arith.minimumf %slice3A_70, %concatenate3A : vector<500x128xf32>
    %max3A_74 = arith.maximumf %max3A, %max3A_72 : vector<500x128xf32>
    %min3A_75 = arith.minimumf %max3A, %max3A_72 : vector<500x128xf32>
    %max3A_76 = arith.maximumf %min3A, %min3A_73 : vector<500x128xf32>
    %min3A_77 = arith.minimumf %min3A, %min3A_73 : vector<500x128xf32>
    %max3A_78 = arith.maximumf %min3A_75, %max3A_76 : vector<500x128xf32>
    %min3A_79 = arith.minimumf %min3A_75, %max3A_76 : vector<500x128xf32>
    %reduce_max3A = arith.constant dense<0xFF800000> : vector<500xf32>
    %reduce_max3A_80 = vector.multi_reduction <maximumf>, %max3A_74, %reduce_max3A [1] : vector<500x128xf32> to vector<500xf32>
    %broadcast_in_dim3A_81 = vector.shape_cast %reduce_max3A_80 : vector<500xf32> to vector<500x1xf32>
    %eq3A = vector.broadcast %broadcast_in_dim3A_81 : vector<500x1xf32> to vector<500x128xf32>
    %eq3A_82 = arith.cmpf oeq, %max3A_74, %eq3A : vector<500x128xf32>
    %select_n3A = arith.select %eq3A_82, %max3A_78, %max3A_74 : vector<500x128xi1>, vector<500x128xf32>
    %select_n3A_83 = arith.select %eq3A_82, %min3A_79, %max3A_78 : vector<500x128xi1>, vector<500x128xf32>
    %select_n3A_84 = arith.select %eq3A_82, %min3A_77, %min3A_79 : vector<500x128xi1>, vector<500x128xf32>
    %jit3A = arith.constant -3.000000e+38 : f32
    %broadcast_in_dim3A_85 = vector.broadcast %jit3A : f32 to vector<500x128xf32>
    %select_n3A_86 = arith.select %eq3A_82, %broadcast_in_dim3A_85, %min3A_77 : vector<500x128xi1>, vector<500x128xf32>
    %reduce_max3A_87 = arith.constant dense<0xFF800000> : vector<500xf32>
    %reduce_max3A_88 = vector.multi_reduction <maximumf>, %select_n3A, %reduce_max3A_87 [1] : vector<500x128xf32> to vector<500xf32>
    %broadcast_in_dim3A_89 = vector.shape_cast %reduce_max3A_88 : vector<500xf32> to vector<500x1xf32>
    %eq3A_90 = vector.broadcast %broadcast_in_dim3A_89 : vector<500x1xf32> to vector<500x128xf32>
    %eq3A_91 = arith.cmpf oeq, %select_n3A, %eq3A_90 : vector<500x128xf32>
    %select_n3A_92 = arith.select %eq3A_91, %select_n3A_83, %select_n3A : vector<500x128xi1>, vector<500x128xf32>
    %select_n3A_93 = arith.select %eq3A_91, %select_n3A_84, %select_n3A_83 : vector<500x128xi1>, vector<500x128xf32>
    %select_n3A_94 = arith.select %eq3A_91, %select_n3A_86, %select_n3A_84 : vector<500x128xi1>, vector<500x128xf32>
    %jit3A_95 = arith.constant -3.000000e+38 : f32
    %broadcast_in_dim3A_96 = vector.broadcast %jit3A_95 : f32 to vector<500x128xf32>
    %select_n3A_97 = arith.select %eq3A_91, %broadcast_in_dim3A_96, %select_n3A_86 : vector<500x128xi1>, vector<500x128xf32>
    %reduce_max3A_98 = arith.constant dense<0xFF800000> : vector<500xf32>
    %reduce_max3A_99 = vector.multi_reduction <maximumf>, %select_n3A_92, %reduce_max3A_98 [1] : vector<500x128xf32> to vector<500xf32>
    %broadcast_in_dim3A_100 = vector.shape_cast %reduce_max3A_99 : vector<500xf32> to vector<500x1xf32>
    %eq3A_101 = vector.broadcast %broadcast_in_dim3A_100 : vector<500x1xf32> to vector<500x128xf32>
    %eq3A_102 = arith.cmpf oeq, %select_n3A_92, %eq3A_101 : vector<500x128xf32>
    %select_n3A_103 = arith.select %eq3A_102, %select_n3A_93, %select_n3A_92 : vector<500x128xi1>, vector<500x128xf32>
    %select_n3A_104 = arith.select %eq3A_102, %select_n3A_94, %select_n3A_93 : vector<500x128xi1>, vector<500x128xf32>
    %select_n3A_105 = arith.select %eq3A_102, %select_n3A_97, %select_n3A_94 : vector<500x128xi1>, vector<500x128xf32>
    %jit3A_106 = arith.constant -3.000000e+38 : f32
    %broadcast_in_dim3A_107 = vector.broadcast %jit3A_106 : f32 to vector<500x128xf32>
    %select_n3A_108 = arith.select %eq3A_102, %broadcast_in_dim3A_107, %select_n3A_97 : vector<500x128xi1>, vector<500x128xf32>
    %reduce_max3A_109 = arith.constant dense<0xFF800000> : vector<500xf32>
    %reduce_max3A_110 = vector.multi_reduction <maximumf>, %select_n3A_103, %reduce_max3A_109 [1] : vector<500x128xf32> to vector<500xf32>
    %broadcast_in_dim3A_111 = vector.shape_cast %reduce_max3A_110 : vector<500xf32> to vector<500x1xf32>
    %eq3A_112 = vector.broadcast %broadcast_in_dim3A_111 : vector<500x1xf32> to vector<500x128xf32>
    %eq3A_113 = arith.cmpf oeq, %select_n3A_103, %eq3A_112 : vector<500x128xf32>
    %select_n3A_114 = arith.select %eq3A_113, %select_n3A_104, %select_n3A_103 : vector<500x128xi1>, vector<500x128xf32>
    %select_n3A_115 = arith.select %eq3A_113, %select_n3A_105, %select_n3A_104 : vector<500x128xi1>, vector<500x128xf32>
    %select_n3A_116 = arith.select %eq3A_113, %select_n3A_108, %select_n3A_105 : vector<500x128xi1>, vector<500x128xf32>
    %jit3A_117 = arith.constant -3.000000e+38 : f32
    %broadcast_in_dim3A_118 = vector.broadcast %jit3A_117 : f32 to vector<500x128xf32>
    %select_n3A_119 = arith.select %eq3A_113, %broadcast_in_dim3A_118, %select_n3A_108 : vector<500x128xi1>, vector<500x128xf32>
    %reduce_max3A_120 = arith.constant dense<0xFF800000> : vector<500xf32>
    %reduce_max3A_121 = vector.multi_reduction <maximumf>, %select_n3A_114, %reduce_max3A_120 [1] : vector<500x128xf32> to vector<500xf32>
    %broadcast_in_dim3A_122 = vector.shape_cast %reduce_max3A_121 : vector<500xf32> to vector<500x1xf32>
    %eq3A_123 = vector.broadcast %broadcast_in_dim3A_122 : vector<500x1xf32> to vector<500x128xf32>
    %eq3A_124 = arith.cmpf oeq, %select_n3A_114, %eq3A_123 : vector<500x128xf32>
    %select_n3A_125 = arith.select %eq3A_124, %select_n3A_115, %select_n3A_114 : vector<500x128xi1>, vector<500x128xf32>
    %select_n3A_126 = arith.select %eq3A_124, %select_n3A_116, %select_n3A_115 : vector<500x128xi1>, vector<500x128xf32>
    %select_n3A_127 = arith.select %eq3A_124, %select_n3A_119, %select_n3A_116 : vector<500x128xi1>, vector<500x128xf32>
    %jit3A_128 = arith.constant -3.000000e+38 : f32
    %broadcast_in_dim3A_129 = vector.broadcast %jit3A_128 : f32 to vector<500x128xf32>
    %select_n3A_130 = arith.select %eq3A_124, %broadcast_in_dim3A_129, %select_n3A_119 : vector<500x128xi1>, vector<500x128xf32>
    %reduce_max3A_131 = arith.constant dense<0xFF800000> : vector<500xf32>
    %reduce_max3A_132 = vector.multi_reduction <maximumf>, %select_n3A_125, %reduce_max3A_131 [1] : vector<500x128xf32> to vector<500xf32>
    %broadcast_in_dim3A_133 = vector.shape_cast %reduce_max3A_132 : vector<500xf32> to vector<500x1xf32>
    %eq3A_134 = vector.broadcast %broadcast_in_dim3A_133 : vector<500x1xf32> to vector<500x128xf32>
    %eq3A_135 = arith.cmpf oeq, %select_n3A_125, %eq3A_134 : vector<500x128xf32>
    %select_n3A_136 = arith.select %eq3A_135, %select_n3A_126, %select_n3A_125 : vector<500x128xi1>, vector<500x128xf32>
    %select_n3A_137 = arith.select %eq3A_135, %select_n3A_127, %select_n3A_126 : vector<500x128xi1>, vector<500x128xf32>
    %select_n3A_138 = arith.select %eq3A_135, %select_n3A_130, %select_n3A_127 : vector<500x128xi1>, vector<500x128xf32>
    %jit3A_139 = arith.constant -3.000000e+38 : f32
    %broadcast_in_dim3A_140 = vector.broadcast %jit3A_139 : f32 to vector<500x128xf32>
    %select_n3A_141 = arith.select %eq3A_135, %broadcast_in_dim3A_140, %select_n3A_130 : vector<500x128xi1>, vector<500x128xf32>
    %reduce_max3A_142 = arith.constant dense<0xFF800000> : vector<500xf32>
    %reduce_max3A_143 = vector.multi_reduction <maximumf>, %select_n3A_136, %reduce_max3A_142 [1] : vector<500x128xf32> to vector<500xf32>
    %broadcast_in_dim3A_144 = vector.shape_cast %reduce_max3A_143 : vector<500xf32> to vector<500x1xf32>
    %eq3A_145 = vector.broadcast %broadcast_in_dim3A_144 : vector<500x1xf32> to vector<500x128xf32>
    %eq3A_146 = arith.cmpf oeq, %select_n3A_136, %eq3A_145 : vector<500x128xf32>
    %select_n3A_147 = arith.select %eq3A_146, %select_n3A_137, %select_n3A_136 : vector<500x128xi1>, vector<500x128xf32>
    %select_n3A_148 = arith.select %eq3A_146, %select_n3A_138, %select_n3A_137 : vector<500x128xi1>, vector<500x128xf32>
    %select_n3A_149 = arith.select %eq3A_146, %select_n3A_141, %select_n3A_138 : vector<500x128xi1>, vector<500x128xf32>
    %jit3A_150 = arith.constant -3.000000e+38 : f32
    %broadcast_in_dim3A_151 = vector.broadcast %jit3A_150 : f32 to vector<500x128xf32>
    %select_n3A_152 = arith.select %eq3A_146, %broadcast_in_dim3A_151, %select_n3A_141 : vector<500x128xi1>, vector<500x128xf32>
    %reduce_max3A_153 = arith.constant dense<0xFF800000> : vector<500xf32>
    %reduce_max3A_154 = vector.multi_reduction <maximumf>, %select_n3A_147, %reduce_max3A_153 [1] : vector<500x128xf32> to vector<500xf32>
    %broadcast_in_dim3A_155 = vector.shape_cast %reduce_max3A_154 : vector<500xf32> to vector<500x1xf32>
    %eq3A_156 = vector.broadcast %broadcast_in_dim3A_155 : vector<500x1xf32> to vector<500x128xf32>
    %eq3A_157 = arith.cmpf oeq, %select_n3A_147, %eq3A_156 : vector<500x128xf32>
    %select_n3A_158 = arith.select %eq3A_157, %select_n3A_148, %select_n3A_147 : vector<500x128xi1>, vector<500x128xf32>
    %select_n3A_159 = arith.select %eq3A_157, %select_n3A_149, %select_n3A_148 : vector<500x128xi1>, vector<500x128xf32>
    %select_n3A_160 = arith.select %eq3A_157, %select_n3A_152, %select_n3A_149 : vector<500x128xi1>, vector<500x128xf32>
    %jit3A_161 = arith.constant -3.000000e+38 : f32
    %broadcast_in_dim3A_162 = vector.broadcast %jit3A_161 : f32 to vector<500x128xf32>
    %select_n3A_163 = arith.select %eq3A_157, %broadcast_in_dim3A_162, %select_n3A_152 : vector<500x128xi1>, vector<500x128xf32>
    %reduce_max3A_164 = arith.constant dense<0xFF800000> : vector<500xf32>
    %reduce_max3A_165 = vector.multi_reduction <maximumf>, %select_n3A_158, %reduce_max3A_164 [1] : vector<500x128xf32> to vector<500xf32>
    %broadcast_in_dim3A_166 = vector.shape_cast %reduce_max3A_165 : vector<500xf32> to vector<500x1xf32>
    %eq3A_167 = vector.broadcast %broadcast_in_dim3A_166 : vector<500x1xf32> to vector<500x128xf32>
    %eq3A_168 = arith.cmpf oeq, %select_n3A_158, %eq3A_167 : vector<500x128xf32>
    %select_n3A_169 = arith.select %eq3A_168, %select_n3A_159, %select_n3A_158 : vector<500x128xi1>, vector<500x128xf32>
    %select_n3A_170 = arith.select %eq3A_168, %select_n3A_160, %select_n3A_159 : vector<500x128xi1>, vector<500x128xf32>
    %select_n3A_171 = arith.select %eq3A_168, %select_n3A_163, %select_n3A_160 : vector<500x128xi1>, vector<500x128xf32>
    %jit3A_172 = arith.constant -3.000000e+38 : f32
    %broadcast_in_dim3A_173 = vector.broadcast %jit3A_172 : f32 to vector<500x128xf32>
    %select_n3A_174 = arith.select %eq3A_168, %broadcast_in_dim3A_173, %select_n3A_163 : vector<500x128xi1>, vector<500x128xf32>
    %reduce_max3A_175 = arith.constant dense<0xFF800000> : vector<500xf32>
    %reduce_max3A_176 = vector.multi_reduction <maximumf>, %select_n3A_169, %reduce_max3A_175 [1] : vector<500x128xf32> to vector<500xf32>
    %broadcast_in_dim3A_177 = vector.shape_cast %reduce_max3A_176 : vector<500xf32> to vector<500x1xf32>
    %eq3A_178 = vector.broadcast %broadcast_in_dim3A_177 : vector<500x1xf32> to vector<500x128xf32>
    %eq3A_179 = arith.cmpf oeq, %select_n3A_169, %eq3A_178 : vector<500x128xf32>
    %select_n3A_180 = arith.select %eq3A_179, %select_n3A_170, %select_n3A_169 : vector<500x128xi1>, vector<500x128xf32>
    %select_n3A_181 = arith.select %eq3A_179, %select_n3A_171, %select_n3A_170 : vector<500x128xi1>, vector<500x128xf32>
    %select_n3A_182 = arith.select %eq3A_179, %select_n3A_174, %select_n3A_171 : vector<500x128xi1>, vector<500x128xf32>
    %jit3A_183 = arith.constant -3.000000e+38 : f32
    %broadcast_in_dim3A_184 = vector.broadcast %jit3A_183 : f32 to vector<500x128xf32>
    %select_n3A_185 = arith.select %eq3A_179, %broadcast_in_dim3A_184, %select_n3A_174 : vector<500x128xi1>, vector<500x128xf32>
    %reduce_max3A_186 = arith.constant dense<0xFF800000> : vector<500xf32>
    %reduce_max3A_187 = vector.multi_reduction <maximumf>, %select_n3A_180, %reduce_max3A_186 [1] : vector<500x128xf32> to vector<500xf32>
    %broadcast_in_dim3A_188 = vector.shape_cast %reduce_max3A_187 : vector<500xf32> to vector<500x1xf32>
    %eq3A_189 = vector.broadcast %broadcast_in_dim3A_188 : vector<500x1xf32> to vector<500x128xf32>
    %eq3A_190 = arith.cmpf oeq, %select_n3A_180, %eq3A_189 : vector<500x128xf32>
    %select_n3A_191 = arith.select %eq3A_190, %select_n3A_181, %select_n3A_180 : vector<500x128xi1>, vector<500x128xf32>
    %select_n3A_192 = arith.select %eq3A_190, %select_n3A_182, %select_n3A_181 : vector<500x128xi1>, vector<500x128xf32>
    %select_n3A_193 = arith.select %eq3A_190, %select_n3A_185, %select_n3A_182 : vector<500x128xi1>, vector<500x128xf32>
    %jit3A_194 = arith.constant -3.000000e+38 : f32
    %broadcast_in_dim3A_195 = vector.broadcast %jit3A_194 : f32 to vector<500x128xf32>
    %select_n3A_196 = arith.select %eq3A_190, %broadcast_in_dim3A_195, %select_n3A_185 : vector<500x128xi1>, vector<500x128xf32>
    %reduce_max3A_197 = arith.constant dense<0xFF800000> : vector<500xf32>
    %reduce_max3A_198 = vector.multi_reduction <maximumf>, %select_n3A_191, %reduce_max3A_197 [1] : vector<500x128xf32> to vector<500xf32>
    %broadcast_in_dim3A_199 = vector.shape_cast %reduce_max3A_198 : vector<500xf32> to vector<500x1xf32>
    %eq3A_200 = vector.broadcast %broadcast_in_dim3A_199 : vector<500x1xf32> to vector<500x128xf32>
    %eq3A_201 = arith.cmpf oeq, %select_n3A_191, %eq3A_200 : vector<500x128xf32>
    %select_n3A_202 = arith.select %eq3A_201, %select_n3A_192, %select_n3A_191 : vector<500x128xi1>, vector<500x128xf32>
    %select_n3A_203 = arith.select %eq3A_201, %select_n3A_193, %select_n3A_192 : vector<500x128xi1>, vector<500x128xf32>
    %select_n3A_204 = arith.select %eq3A_201, %select_n3A_196, %select_n3A_193 : vector<500x128xi1>, vector<500x128xf32>
    %jit3A_205 = arith.constant -3.000000e+38 : f32
    %broadcast_in_dim3A_206 = vector.broadcast %jit3A_205 : f32 to vector<500x128xf32>
    %select_n3A_207 = arith.select %eq3A_201, %broadcast_in_dim3A_206, %select_n3A_196 : vector<500x128xi1>, vector<500x128xf32>
    %reduce_max3A_208 = arith.constant dense<0xFF800000> : vector<500xf32>
    %reduce_max3A_209 = vector.multi_reduction <maximumf>, %select_n3A_202, %reduce_max3A_208 [1] : vector<500x128xf32> to vector<500xf32>
    %broadcast_in_dim3A_210 = vector.shape_cast %reduce_max3A_209 : vector<500xf32> to vector<500x1xf32>
    %eq3A_211 = vector.broadcast %broadcast_in_dim3A_210 : vector<500x1xf32> to vector<500x128xf32>
    %eq3A_212 = arith.cmpf oeq, %select_n3A_202, %eq3A_211 : vector<500x128xf32>
    %select_n3A_213 = arith.select %eq3A_212, %select_n3A_203, %select_n3A_202 : vector<500x128xi1>, vector<500x128xf32>
    %select_n3A_214 = arith.select %eq3A_212, %select_n3A_204, %select_n3A_203 : vector<500x128xi1>, vector<500x128xf32>
    %select_n3A_215 = arith.select %eq3A_212, %select_n3A_207, %select_n3A_204 : vector<500x128xi1>, vector<500x128xf32>
    %reduce_max3A_216 = arith.constant dense<0xFF800000> : vector<500xf32>
    %reduce_max3A_217 = vector.multi_reduction <maximumf>, %select_n3A_213, %reduce_max3A_216 [1] : vector<500x128xf32> to vector<500xf32>
    %broadcast_in_dim3A_218 = vector.shape_cast %reduce_max3A_217 : vector<500xf32> to vector<500x1xf32>
    %eq3A_219 = vector.broadcast %broadcast_in_dim3A_218 : vector<500x1xf32> to vector<500x128xf32>
    %eq3A_220 = arith.cmpf oeq, %select_n3A_213, %eq3A_219 : vector<500x128xf32>
    %select_n3A_221 = arith.select %eq3A_220, %select_n3A_214, %select_n3A_213 : vector<500x128xi1>, vector<500x128xf32>
    %select_n3A_222 = arith.select %eq3A_220, %select_n3A_215, %select_n3A_214 : vector<500x128xi1>, vector<500x128xf32>
    %reduce_max3A_223 = arith.constant dense<0xFF800000> : vector<500xf32>
    %reduce_max3A_224 = vector.multi_reduction <maximumf>, %select_n3A_221, %reduce_max3A_223 [1] : vector<500x128xf32> to vector<500xf32>
    %broadcast_in_dim3A_225 = vector.shape_cast %reduce_max3A_224 : vector<500xf32> to vector<500x1xf32>
    %eq3A_226 = vector.broadcast %broadcast_in_dim3A_225 : vector<500x1xf32> to vector<500x128xf32>
    %eq3A_227 = arith.cmpf oeq, %select_n3A_221, %eq3A_226 : vector<500x128xf32>
    %select_n3A_228 = arith.select %eq3A_227, %select_n3A_222, %select_n3A_221 : vector<500x128xi1>, vector<500x128xf32>
    %reduce_max3A_229 = arith.constant dense<0xFF800000> : vector<500xf32>
    %reduce_max3A_230 = vector.multi_reduction <maximumf>, %select_n3A_228, %reduce_max3A_229 [1] : vector<500x128xf32> to vector<500xf32>
    %broadcast_in_dim3A_231 = vector.shape_cast %reduce_max3A_230 : vector<500xf32> to vector<500x1xf32>
    %sub3A_232 = vector.broadcast %broadcast_in_dim3A_81 : vector<500x1xf32> to vector<500x500xf32>
    %sub3A_233 = arith.subf %mul3A_67, %sub3A_232 : vector<500x500xf32>
    %exp3A = math.exp %sub3A_233 : vector<500x500xf32>
    %reduce_sum3A_234 = arith.constant dense<0.000000e+00> : vector<500xf32>
    %reduce_sum3A_235 = vector.multi_reduction <add>, %exp3A, %reduce_sum3A_234 [1] : vector<500x500xf32> to vector<500xf32>
    %broadcast_in_dim3A_236 = vector.shape_cast %reduce_sum3A_235 : vector<500xf32> to vector<500x1xf32>
    %ge3A = vector.broadcast %broadcast_in_dim3A_231 : vector<500x1xf32> to vector<500x500xf32>
    %ge3A_237 = arith.cmpf oge, %mul3A_67, %ge3A : vector<500x500xf32>
    %jit3A_238 = arith.constant 0.000000e+00 : f32
    %broadcast_in_dim3A_239 = vector.broadcast %jit3A_238 : f32 to vector<500x500xf32>
    %select_n3A_240 = arith.select %ge3A_237, %exp3A, %broadcast_in_dim3A_239 : vector<500x500xi1>, vector<500x500xf32>
    %reduce_sum3A_241 = arith.constant dense<0.000000e+00> : vector<500xf32>
    %reduce_sum3A_242 = vector.multi_reduction <add>, %select_n3A_240, %reduce_sum3A_241 [1] : vector<500x500xf32> to vector<500xf32>
    %broadcast_in_dim3A_243 = vector.shape_cast %reduce_sum3A_242 : vector<500xf32> to vector<500x1xf32>
    %mul3A_244 = arith.constant 9.99999971E-10 : f32
    %mul3A_245 = vector.broadcast %mul3A_244 : f32 to vector<500x1xf32>
    %mul3A_246 = arith.mulf %broadcast_in_dim3A_236, %mul3A_245 : vector<500x1xf32>
    %add3A_247 = arith.addf %broadcast_in_dim3A_243, %mul3A_246 : vector<500x1xf32>
    %div3A_248 = vector.broadcast %add3A_247 : vector<500x1xf32> to vector<500x500xf32>
    %div3A_249 = arith.divf %select_n3A_240, %div3A_248 : vector<500x500xf32>
    %dot_general3A_250 = arith.constant dense<0.000000e+00> : vector<500x128xf32>
    %dot_general3A_251 = tpu.matmul %div3A_249, %get3A_8, %dot_general3A_250 {dimension_numbers = #tpu.dot_dimension_numbers<[1], [0], [0], [1], [0, 0, 1, 1], [], []>, transpose_lhs_hint = false} : vector<500x500xf32>, vector<500x128xf32>, vector<500x128xf32> -> vector<500x128xf32>
    %slice3A_252 = vector.extract_strided_slice %get3A_8 {offsets = [384, 0], sizes = [116, 128], strides = [1, 1]} : vector<500x128xf32> to vector<116x128xf32>
    %broadcast_in_dim3A_253 = arith.constant 0.000000e+00 : f32
    %broadcast_in_dim3A_254 = vector.broadcast %broadcast_in_dim3A_253 : f32 to vector<12x128xf32>
    %concatenate3A_255 = tpu.concatenate %slice3A_252, %broadcast_in_dim3A_254 in 0 : vector<116x128xf32>, vector<12x128xf32> -> vector<128x128xf32>
    %broadcast_in_dim3A_256 = arith.constant 0.000000e+00 : f32
    %broadcast_in_dim3A_257 = vector.broadcast %broadcast_in_dim3A_256 : f32 to vector<504x128xf32>
    %broadcast_in_dim3A_258 = arith.constant 0.000000e+00 : f32
    %broadcast_in_dim3A_259 = vector.broadcast %broadcast_in_dim3A_258 : f32 to vector<504x1xf32>
    %slice3A_260 = vector.extract_strided_slice %get3A_15 {offsets = [0, 0, 0, 0], sizes = [63, 1, 8, 128], strides = [1, 1, 1, 1]} : vector<63x4x8x128xf32> to vector<63x1x8x128xf32>
    %squeeze3A = vector.shape_cast %slice3A_260 : vector<63x1x8x128xf32> to vector<63x8x128xf32>
    %reshape3A = vector.shape_cast %squeeze3A : vector<63x8x128xf32> to vector<504x128xf32>
    %slice3A_261 = vector.extract_strided_slice %get3A_8 {offsets = [0, 0], sizes = [128, 128], strides = [1, 1]} : vector<500x128xf32> to vector<128x128xf32>
    %dot_general3A_262 = arith.constant dense<0.000000e+00> : vector<504x128xf32>
    %dot_general3A_263 = tpu.matmul %reshape3A, %slice3A_261, %dot_general3A_262 {dimension_numbers = #tpu.dot_dimension_numbers<[1], [0], [0], [1], [0, 0, 1, 1], [], []>, transpose_lhs_hint = false} : vector<504x128xf32>, vector<128x128xf32>, vector<504x128xf32> -> vector<504x128xf32>
    %add3A_264 = arith.addf %broadcast_in_dim3A_257, %dot_general3A_263 : vector<504x128xf32>
    %reduce_sum3A_265 = arith.constant dense<0.000000e+00> : vector<504xf32>
    %reduce_sum3A_266 = vector.multi_reduction <add>, %reshape3A, %reduce_sum3A_265 [1] : vector<504x128xf32> to vector<504xf32>
    %broadcast_in_dim3A_267 = vector.shape_cast %reduce_sum3A_266 : vector<504xf32> to vector<504x1xf32>
    %add3A_268 = arith.addf %broadcast_in_dim3A_259, %broadcast_in_dim3A_267 : vector<504x1xf32>
    %slice3A_269 = vector.extract_strided_slice %get3A_15 {offsets = [0, 1, 0, 0], sizes = [63, 1, 8, 128], strides = [1, 1, 1, 1]} : vector<63x4x8x128xf32> to vector<63x1x8x128xf32>
    %squeeze3A_270 = vector.shape_cast %slice3A_269 : vector<63x1x8x128xf32> to vector<63x8x128xf32>
    %reshape3A_271 = vector.shape_cast %squeeze3A_270 : vector<63x8x128xf32> to vector<504x128xf32>
    %slice3A_272 = vector.extract_strided_slice %get3A_8 {offsets = [128, 0], sizes = [128, 128], strides = [1, 1]} : vector<500x128xf32> to vector<128x128xf32>
    %dot_general3A_273 = arith.constant dense<0.000000e+00> : vector<504x128xf32>
    %dot_general3A_274 = tpu.matmul %reshape3A_271, %slice3A_272, %dot_general3A_273 {dimension_numbers = #tpu.dot_dimension_numbers<[1], [0], [0], [1], [0, 0, 1, 1], [], []>, transpose_lhs_hint = false} : vector<504x128xf32>, vector<128x128xf32>, vector<504x128xf32> -> vector<504x128xf32>
    %add3A_275 = arith.addf %add3A_264, %dot_general3A_274 : vector<504x128xf32>
    %reduce_sum3A_276 = arith.constant dense<0.000000e+00> : vector<504xf32>
    %reduce_sum3A_277 = vector.multi_reduction <add>, %reshape3A_271, %reduce_sum3A_276 [1] : vector<504x128xf32> to vector<504xf32>
    %broadcast_in_dim3A_278 = vector.shape_cast %reduce_sum3A_277 : vector<504xf32> to vector<504x1xf32>
    %add3A_279 = arith.addf %add3A_268, %broadcast_in_dim3A_278 : vector<504x1xf32>
    %slice3A_280 = vector.extract_strided_slice %get3A_15 {offsets = [0, 2, 0, 0], sizes = [63, 1, 8, 128], strides = [1, 1, 1, 1]} : vector<63x4x8x128xf32> to vector<63x1x8x128xf32>
    %squeeze3A_281 = vector.shape_cast %slice3A_280 : vector<63x1x8x128xf32> to vector<63x8x128xf32>
    %reshape3A_282 = vector.shape_cast %squeeze3A_281 : vector<63x8x128xf32> to vector<504x128xf32>
    %slice3A_283 = vector.extract_strided_slice %get3A_8 {offsets = [256, 0], sizes = [128, 128], strides = [1, 1]} : vector<500x128xf32> to vector<128x128xf32>
    %dot_general3A_284 = arith.constant dense<0.000000e+00> : vector<504x128xf32>
    %dot_general3A_285 = tpu.matmul %reshape3A_282, %slice3A_283, %dot_general3A_284 {dimension_numbers = #tpu.dot_dimension_numbers<[1], [0], [0], [1], [0, 0, 1, 1], [], []>, transpose_lhs_hint = false} : vector<504x128xf32>, vector<128x128xf32>, vector<504x128xf32> -> vector<504x128xf32>
    %add3A_286 = arith.addf %add3A_275, %dot_general3A_285 : vector<504x128xf32>
    %reduce_sum3A_287 = arith.constant dense<0.000000e+00> : vector<504xf32>
    %reduce_sum3A_288 = vector.multi_reduction <add>, %reshape3A_282, %reduce_sum3A_287 [1] : vector<504x128xf32> to vector<504xf32>
    %broadcast_in_dim3A_289 = vector.shape_cast %reduce_sum3A_288 : vector<504xf32> to vector<504x1xf32>
    %add3A_290 = arith.addf %add3A_279, %broadcast_in_dim3A_289 : vector<504x1xf32>
    %slice3A_291 = vector.extract_strided_slice %get3A_15 {offsets = [0, 3, 0, 0], sizes = [63, 1, 8, 128], strides = [1, 1, 1, 1]} : vector<63x4x8x128xf32> to vector<63x1x8x128xf32>
    %squeeze3A_292 = vector.shape_cast %slice3A_291 : vector<63x1x8x128xf32> to vector<63x8x128xf32>
    %reshape3A_293 = vector.shape_cast %squeeze3A_292 : vector<63x8x128xf32> to vector<504x128xf32>
    %dot_general3A_294 = arith.constant dense<0.000000e+00> : vector<504x128xf32>
    %dot_general3A_295 = tpu.matmul %reshape3A_293, %concatenate3A_255, %dot_general3A_294 {dimension_numbers = #tpu.dot_dimension_numbers<[1], [0], [0], [1], [0, 0, 1, 1], [], []>, transpose_lhs_hint = false} : vector<504x128xf32>, vector<128x128xf32>, vector<504x128xf32> -> vector<504x128xf32>
    %add3A_296 = arith.addf %add3A_286, %dot_general3A_295 : vector<504x128xf32>
    %reduce_sum3A_297 = arith.constant dense<0.000000e+00> : vector<504xf32>
    %reduce_sum3A_298 = vector.multi_reduction <add>, %reshape3A_293, %reduce_sum3A_297 [1] : vector<504x128xf32> to vector<504xf32>
    %broadcast_in_dim3A_299 = vector.shape_cast %reduce_sum3A_298 : vector<504xf32> to vector<504x1xf32>
    %add3A_300 = arith.addf %add3A_290, %broadcast_in_dim3A_299 : vector<504x1xf32>
    %slice3A_301 = vector.extract_strided_slice %add3A_296 {offsets = [0, 0], sizes = [500, 128], strides = [1, 1]} : vector<504x128xf32> to vector<500x128xf32>
    %slice3A_302 = vector.extract_strided_slice %add3A_300 {offsets = [0, 0], sizes = [500, 1], strides = [1, 1]} : vector<504x1xf32> to vector<500x1xf32>
    %max3A_303 = arith.constant 1.000000e+00 : f32
    %max3A_304 = vector.broadcast %max3A_303 : f32 to vector<500x1xf32>
    %max3A_305 = arith.maximumf %slice3A_302, %max3A_304 : vector<500x1xf32>
    %div3A_306 = vector.broadcast %max3A_305 : vector<500x1xf32> to vector<500x128xf32>
    %div3A_307 = arith.divf %slice3A_301, %div3A_306 : vector<500x128xf32>
    %slice3A_308 = vector.extract_strided_slice %get3A_38 {offsets = [0, 0], sizes = [128, 128], strides = [1, 1]} : vector<256x128xf32> to vector<128x128xf32>
    %dot_general3A_309 = arith.constant dense<0.000000e+00> : vector<500x128xf32>
    %dot_general3A_310 = tpu.matmul %div3A_307, %slice3A_308, %dot_general3A_309 {dimension_numbers = #tpu.dot_dimension_numbers<[1], [0], [0], [1], [0, 0, 1, 1], [], []>, transpose_lhs_hint = false} : vector<500x128xf32>, vector<128x128xf32>, vector<500x128xf32> -> vector<500x128xf32>
    %slice3A_311 = vector.extract_strided_slice %get3A_38 {offsets = [128, 0], sizes = [128, 128], strides = [1, 1]} : vector<256x128xf32> to vector<128x128xf32>
    %dot_general3A_312 = arith.constant dense<0.000000e+00> : vector<500x128xf32>
    %dot_general3A_313 = tpu.matmul %dot_general3A_251, %slice3A_311, %dot_general3A_312 {dimension_numbers = #tpu.dot_dimension_numbers<[1], [0], [0], [1], [0, 0, 1, 1], [], []>, transpose_lhs_hint = false} : vector<500x128xf32>, vector<128x128xf32>, vector<500x128xf32> -> vector<500x128xf32>
    %add3A_314 = arith.addf %dot_general3A_310, %dot_general3A_313 : vector<500x128xf32>
    %add3A_315 = vector.broadcast %get3A_41 : vector<1x128xf32> to vector<500x128xf32>
    %add3A_316 = arith.addf %add3A_314, %add3A_315 : vector<500x128xf32>
    %max3A_317 = arith.constant 0.000000e+00 : f32
    %max3A_318 = vector.broadcast %max3A_317 : f32 to vector<500x128xf32>
    %max3A_319 = arith.maximumf %add3A_316, %max3A_318 : vector<500x128xf32>
    %add3A_320 = arith.addf %get3A_8, %max3A_319 : vector<500x128xf32>
    %swap3A = arith.constant 0 : index
    %swap3A_321 = arith.constant 0 : index
    %swap3A_322 = arith.constant 0 : index
    %swap3A_323 = vector.load %arg16[%swap3A, %swap3A_321, %swap3A_322] : memref<1x500x128xf32, #tpu.memory_space<vmem>>, vector<1x500x128xf32>
    %swap3A_324 = vector.shape_cast %swap3A_323 : vector<1x500x128xf32> to vector<500x128xf32>
    %swap3A_325 = vector.shape_cast %add3A_320 : vector<500x128xf32> to vector<1x500x128xf32>
    tpu.vector_store %arg16[%swap3A, %swap3A_321, %swap3A_322], %swap3A_325 {strides = array<i32>} : memref<1x500x128xf32, #tpu.memory_space<vmem>>, vector<1x500x128xf32>,
    %get3A_326 = arith.constant 0 : index
    %get3A_327 = arith.constant 0 : index
    %get3A_328 = vector.load %arg12[%get3A_326, %get3A_327] : memref<128x256xf32, #tpu.memory_space<vmem>>, vector<128x256xf32>
    %dot_general3A_329 = arith.constant dense<0.000000e+00> : vector<500x256xf32>
    %dot_general3A_330 = tpu.matmul %add3A_59, %get3A_328, %dot_general3A_329 {dimension_numbers = #tpu.dot_dimension_numbers<[1], [0], [0], [1], [0, 0, 1, 1], [], []>, transpose_lhs_hint = false} : vector<500x128xf32>, vector<128x256xf32>, vector<500x256xf32> -> vector<500x256xf32>
    %get3A_331 = arith.constant 0 : index
    %get3A_332 = arith.constant 0 : index
    %get3A_333 = vector.load %arg13[%get3A_331, %get3A_332] : memref<1x256xf32, #tpu.memory_space<vmem>>, vector<1x256xf32>
    %add3A_334 = vector.broadcast %get3A_333 : vector<1x256xf32> to vector<500x256xf32>
    %add3A_335 = arith.addf %dot_general3A_330, %add3A_334 : vector<500x256xf32>
    %max3A_336 = arith.constant 0.000000e+00 : f32
    %max3A_337 = vector.broadcast %max3A_336 : f32 to vector<500x256xf32>
    %max3A_338 = arith.maximumf %add3A_335, %max3A_337 : vector<500x256xf32>
    %get3A_339 = arith.constant 0 : index
    %get3A_340 = arith.constant 0 : index
    %get3A_341 = vector.load %arg14[%get3A_339, %get3A_340] : memref<256x128xf32, #tpu.memory_space<vmem>>, vector<256x128xf32>
    %dot_general3A_342 = arith.constant dense<0.000000e+00> : vector<500x128xf32>
    %dot_general3A_343 = tpu.matmul %max3A_338, %get3A_341, %dot_general3A_342 {dimension_numbers = #tpu.dot_dimension_numbers<[1], [0], [0], [1], [0, 0, 1, 1], [], []>, transpose_lhs_hint = false} : vector<500x256xf32>, vector<256x128xf32>, vector<500x128xf32> -> vector<500x128xf32>
    %add3A_344 = arith.addf %add3A_59, %dot_general3A_343 : vector<500x128xf32>
    %get3A_345 = arith.constant 0 : index
    %get3A_346 = arith.constant 0 : index
    %get3A_347 = vector.load %arg15[%get3A_345, %get3A_346] : memref<1x128xf32, #tpu.memory_space<vmem>>, vector<1x128xf32>
    %add3A_348 = vector.broadcast %get3A_347 : vector<1x128xf32> to vector<500x128xf32>
    %add3A_349 = arith.addf %add3A_344, %add3A_348 : vector<500x128xf32>
    %swap3A_350 = arith.constant 0 : index
    %swap3A_351 = arith.constant 0 : index
    %swap3A_352 = arith.constant 0 : index
    %swap3A_353 = vector.load %arg17[%swap3A_350, %swap3A_351, %swap3A_352] : memref<1x500x128xf32, #tpu.memory_space<vmem>>, vector<1x500x128xf32>
    %swap3A_354 = vector.shape_cast %swap3A_353 : vector<1x500x128xf32> to vector<500x128xf32>
    %swap3A_355 = vector.shape_cast %add3A_349 : vector<500x128xf32> to vector<1x500x128xf32>
    tpu.vector_store %arg17[%swap3A_350, %swap3A_351, %swap3A_352], %swap3A_355 {strides = array<i32>} : memref<1x500x128xf32, #tpu.memory_space<vmem>>, vector<1x500x128xf32>,
    %reduce_sum3A_356 = arith.constant dense<0.000000e+00> : vector<128xf32>
    %reduce_sum3A_357 = vector.multi_reduction <add>, %add3A_349, %reduce_sum3A_356 [0] : vector<500x128xf32> to vector<128xf32>
    %broadcast_in_dim3A_358 = vector.shape_cast %reduce_sum3A_357 : vector<128xf32> to vector<1x128xf32>
    %swap3A_359 = arith.constant 0 : index
    %swap3A_360 = arith.constant 0 : index
    %swap3A_361 = arith.constant 0 : index
    %swap3A_362 = vector.load %arg18[%swap3A_359, %swap3A_360, %swap3A_361] : memref<1x1x128xf32, #tpu.memory_space<vmem>>, vector<1x1x128xf32>
    %swap3A_363 = vector.shape_cast %swap3A_362 : vector<1x1x128xf32> to vector<1x128xf32>
    %swap3A_364 = vector.shape_cast %broadcast_in_dim3A_358 : vector<1x128xf32> to vector<1x1x128xf32>
    tpu.vector_store %arg18[%swap3A_359, %swap3A_360, %swap3A_361], %swap3A_364 {strides = array<i32>} : memref<1x1x128xf32, #tpu.memory_space<vmem>>, vector<1x1x128xf32>,
    %mul3A_365 = arith.mulf %add3A_349, %add3A_349 : vector<500x128xf32>
    %reduce_sum3A_366 = arith.constant dense<0.000000e+00> : vector<128xf32>
    %reduce_sum3A_367 = vector.multi_reduction <add>, %mul3A_365, %reduce_sum3A_366 [0] : vector<500x128xf32> to vector<128xf32>
    %broadcast_in_dim3A_368 = vector.shape_cast %reduce_sum3A_367 : vector<128xf32> to vector<1x128xf32>
    %swap3A_369 = arith.constant 0 : index
    %swap3A_370 = arith.constant 0 : index
    %swap3A_371 = arith.constant 0 : index
    %swap3A_372 = vector.load %arg19[%swap3A_369, %swap3A_370, %swap3A_371] : memref<1x1x128xf32, #tpu.memory_space<vmem>>, vector<1x1x128xf32>
    %swap3A_373 = vector.shape_cast %swap3A_372 : vector<1x1x128xf32> to vector<1x128xf32>
    %swap3A_374 = vector.shape_cast %broadcast_in_dim3A_368 : vector<1x128xf32> to vector<1x1x128xf32>
    tpu.vector_store %arg19[%swap3A_369, %swap3A_370, %swap3A_371], %swap3A_374 {strides = array<i32>} : memref<1x1x128xf32, #tpu.memory_space<vmem>>, vector<1x1x128xf32>,
    return
  }
  func.func @transform_0(%arg0: i32) -> (i32, i32, i32) {
    %c0_i32 = arith.constant 0 : i32
    %c0_i32_0 = arith.constant 0 : i32
    %c0_i32_1 = arith.constant 0 : i32
    return %arg0, %c0_i32, %c0_i32_0 : i32, i32, i32
  }
  func.func @transform_1(%arg0: i32) -> (i32, i32, i32) {
    %c0_i32 = arith.constant 0 : i32
    %c0_i32_0 = arith.constant 0 : i32
    %c0_i32_1 = arith.constant 0 : i32
    return %arg0, %c0_i32, %c0_i32_0 : i32, i32, i32
  }
  func.func @transform_2(%arg0: i32) -> (i32, i32, i32) {
    %c0_i32 = arith.constant 0 : i32
    %c0_i32_0 = arith.constant 0 : i32
    %c0_i32_1 = arith.constant 0 : i32
    %c0_i32_2 = arith.constant 0 : i32
    return %c0_i32, %c0_i32_0, %c0_i32_1 : i32, i32, i32
  }
  func.func @transform_3(%arg0: i32) -> (i32, i32, i32) {
    %c0_i32 = arith.constant 0 : i32
    %c0_i32_0 = arith.constant 0 : i32
    %c0_i32_1 = arith.constant 0 : i32
    %c0_i32_2 = arith.constant 0 : i32
    return %c0_i32, %c0_i32_0, %c0_i32_1 : i32, i32, i32
  }
  func.func @transform_4(%arg0: i32) -> (i32, i32, i32, i32, i32) {
    %c0_i32 = arith.constant 0 : i32
    %c0_i32_0 = arith.constant 0 : i32
    %c0_i32_1 = arith.constant 0 : i32
    %c0_i32_2 = arith.constant 0 : i32
    %c0_i32_3 = arith.constant 0 : i32
    return %arg0, %c0_i32, %c0_i32_0, %c0_i32_1, %c0_i32_2 : i32, i32, i32, i32, i32
  }
  func.func @transform_5(%arg0: i32) -> (i32, i32) {
    %c0_i32 = arith.constant 0 : i32
    %c0_i32_0 = arith.constant 0 : i32
    %c0_i32_1 = arith.constant 0 : i32
    return %c0_i32, %c0_i32_0 : i32, i32
  }
  func.func @transform_6(%arg0: i32) -> (i32, i32) {
    %c0_i32 = arith.constant 0 : i32
    %c0_i32_0 = arith.constant 0 : i32
    %c0_i32_1 = arith.constant 0 : i32
    return %c0_i32, %c0_i32_0 : i32, i32
  }
  func.func @transform_7(%arg0: i32) -> (i32, i32) {
    %c0_i32 = arith.constant 0 : i32
    %c0_i32_0 = arith.constant 0 : i32
    %c0_i32_1 = arith.constant 0 : i32
    return %c0_i32, %c0_i32_0 : i32, i32
  }
  func.func @transform_8(%arg0: i32) -> (i32, i32) {
    %c0_i32 = arith.constant 0 : i32
    %c0_i32_0 = arith.constant 0 : i32
    %c0_i32_1 = arith.constant 0 : i32
    return %c0_i32, %c0_i32_0 : i32, i32
  }
  func.func @transform_9(%arg0: i32) -> (i32, i32) {
    %c0_i32 = arith.constant 0 : i32
    %c0_i32_0 = arith.constant 0 : i32
    %c0_i32_1 = arith.constant 0 : i32
    return %c0_i32, %c0_i32_0 : i32, i32
  }
  func.func @transform_10(%arg0: i32) -> (i32, i32) {
    %c0_i32 = arith.constant 0 : i32
    %c0_i32_0 = arith.constant 0 : i32
    %c0_i32_1 = arith.constant 0 : i32
    return %c0_i32, %c0_i32_0 : i32, i32
  }
  func.func @transform_11(%arg0: i32) -> (i32, i32) {
    %c0_i32 = arith.constant 0 : i32
    %c0_i32_0 = arith.constant 0 : i32
    %c0_i32_1 = arith.constant 0 : i32
    return %c0_i32, %c0_i32_0 : i32, i32
  }
  func.func @transform_12(%arg0: i32) -> (i32, i32) {
    %c0_i32 = arith.constant 0 : i32
    %c0_i32_0 = arith.constant 0 : i32
    %c0_i32_1 = arith.constant 0 : i32
    return %c0_i32, %c0_i32_0 : i32, i32
  }
  func.func @transform_13(%arg0: i32) -> (i32, i32) {
    %c0_i32 = arith.constant 0 : i32
    %c0_i32_0 = arith.constant 0 : i32
    %c0_i32_1 = arith.constant 0 : i32
    return %c0_i32, %c0_i32_0 : i32, i32
  }
  func.func @transform_14(%arg0: i32) -> (i32, i32) {
    %c0_i32 = arith.constant 0 : i32
    %c0_i32_0 = arith.constant 0 : i32
    %c0_i32_1 = arith.constant 0 : i32
    return %c0_i32, %c0_i32_0 : i32, i32
  }
  func.func @transform_15(%arg0: i32) -> (i32, i32, i32) {
    %c0_i32 = arith.constant 0 : i32
    %c0_i32_0 = arith.constant 0 : i32
    %c0_i32_1 = arith.constant 0 : i32
    return %arg0, %c0_i32, %c0_i32_0 : i32, i32, i32
  }
  func.func @transform_16(%arg0: i32) -> (i32, i32, i32) {
    %c0_i32 = arith.constant 0 : i32
    %c0_i32_0 = arith.constant 0 : i32
    %c0_i32_1 = arith.constant 0 : i32
    return %arg0, %c0_i32, %c0_i32_0 : i32, i32, i32
  }
  func.func @transform_17(%arg0: i32) -> (i32, i32, i32) {
    %c0_i32 = arith.constant 0 : i32
    %c0_i32_0 = arith.constant 0 : i32
    %c0_i32_1 = arith.constant 0 : i32
    return %arg0, %c0_i32, %c0_i32_0 : i32, i32, i32
  }
  func.func @transform_18(%arg0: i32) -> (i32, i32, i32) {
    %c0_i32 = arith.constant 0 : i32
    %c0_i32_0 = arith.constant 0 : i32
    %c0_i32_1 = arith.constant 0 : i32
    return %arg0, %c0_i32, %c0_i32_0 : i32, i32, i32
  }
}

module attributes {stable_mosaic.version = 14 : i64} {
  func.func @_enc_body(%arg0: i32, %arg1: memref<1x500x128xf32, #tpu.memory_space<vmem>>, %arg2: memref<128x128xf32, #tpu.memory_space<vmem>>, %arg3: memref<1x128xf32, #tpu.memory_space<vmem>>, %arg4: memref<128x256xf32, #tpu.memory_space<vmem>>, %arg5: memref<1x256xf32, #tpu.memory_space<vmem>>, %arg6: memref<256x128xf32, #tpu.memory_space<vmem>>, %arg7: memref<1x128xf32, #tpu.memory_space<vmem>>, %arg8: memref<1x500x128xf32, #tpu.memory_space<vmem>>, %arg9: memref<1x500x128xf32, #tpu.memory_space<vmem>>, %arg10: memref<1x1x128xf32, #tpu.memory_space<vmem>>, %arg11: memref<1x1x128xf32, #tpu.memory_space<vmem>>) attributes {dimension_semantics = [#tpu.dimension_semantics<arbitrary>], iteration_bounds = array<i64: 20>, scalar_prefetch = 0 : i64, scratch_operands = 0 : i64, tpu.core_type = #tpu.core_type<tc>, window_params = [{transform_indices = @transform_0, window_bounds = array<i64: 1, 500, 128>}, {pipeline_mode = #tpu.pipeline_mode<synchronous>, transform_indices = @transform_1, window_bounds = array<i64: 128, 128>}, {pipeline_mode = #tpu.pipeline_mode<synchronous>, transform_indices = @transform_2, window_bounds = array<i64: 1, 128>}, {pipeline_mode = #tpu.pipeline_mode<synchronous>, transform_indices = @transform_3, window_bounds = array<i64: 128, 256>}, {pipeline_mode = #tpu.pipeline_mode<synchronous>, transform_indices = @transform_4, window_bounds = array<i64: 1, 256>}, {pipeline_mode = #tpu.pipeline_mode<synchronous>, transform_indices = @transform_5, window_bounds = array<i64: 256, 128>}, {pipeline_mode = #tpu.pipeline_mode<synchronous>, transform_indices = @transform_6, window_bounds = array<i64: 1, 128>}, {transform_indices = @transform_7, window_bounds = array<i64: 1, 500, 128>}, {transform_indices = @transform_8, window_bounds = array<i64: 1, 500, 128>}, {transform_indices = @transform_9, window_bounds = array<i64: 1, 1, 128>}, {transform_indices = @transform_10, window_bounds = array<i64: 1, 1, 128>}]} {
    %get3A = arith.constant 0 : index
    %get3A_0 = arith.constant 0 : index
    %get3A_1 = arith.constant 0 : index
    %get3A_2 = vector.load %arg1[%get3A, %get3A_0, %get3A_1] : memref<1x500x128xf32, #tpu.memory_space<vmem>>, vector<1x500x128xf32>
    %get3A_3 = vector.shape_cast %get3A_2 : vector<1x500x128xf32> to vector<500x128xf32>
    %get3A_4 = arith.constant 0 : index
    %get3A_5 = arith.constant 0 : index
    %get3A_6 = vector.load %arg2[%get3A_4, %get3A_5] : memref<128x128xf32, #tpu.memory_space<vmem>>, vector<128x128xf32>
    %dot_general3A = arith.constant dense<0.000000e+00> : vector<500x128xf32>
    %dot_general3A_7 = tpu.matmul %get3A_3, %get3A_6, %dot_general3A {dimension_numbers = #tpu.dot_dimension_numbers<[1], [0], [0], [1], [0, 0, 1, 1], [], []>, transpose_lhs_hint = false} : vector<500x128xf32>, vector<128x128xf32>, vector<500x128xf32> -> vector<500x128xf32>
    %get3A_8 = arith.constant 0 : index
    %get3A_9 = arith.constant 0 : index
    %get3A_10 = vector.load %arg3[%get3A_8, %get3A_9] : memref<1x128xf32, #tpu.memory_space<vmem>>, vector<1x128xf32>
    %add3A = vector.broadcast %get3A_10 : vector<1x128xf32> to vector<500x128xf32>
    %add3A_11 = arith.addf %dot_general3A_7, %add3A : vector<500x128xf32>
    %get3A_12 = arith.constant 0 : index
    %get3A_13 = arith.constant 0 : index
    %get3A_14 = vector.load %arg4[%get3A_12, %get3A_13] : memref<128x256xf32, #tpu.memory_space<vmem>>, vector<128x256xf32>
    %dot_general3A_15 = arith.constant dense<0.000000e+00> : vector<500x256xf32>
    %dot_general3A_16 = tpu.matmul %add3A_11, %get3A_14, %dot_general3A_15 {dimension_numbers = #tpu.dot_dimension_numbers<[1], [0], [0], [1], [0, 0, 1, 1], [], []>, transpose_lhs_hint = false} : vector<500x128xf32>, vector<128x256xf32>, vector<500x256xf32> -> vector<500x256xf32>
    %get3A_17 = arith.constant 0 : index
    %get3A_18 = arith.constant 0 : index
    %get3A_19 = vector.load %arg5[%get3A_17, %get3A_18] : memref<1x256xf32, #tpu.memory_space<vmem>>, vector<1x256xf32>
    %add3A_20 = vector.broadcast %get3A_19 : vector<1x256xf32> to vector<500x256xf32>
    %add3A_21 = arith.addf %dot_general3A_16, %add3A_20 : vector<500x256xf32>
    %max3A = arith.constant 0.000000e+00 : f32
    %max3A_22 = vector.broadcast %max3A : f32 to vector<500x256xf32>
    %max3A_23 = arith.maximumf %add3A_21, %max3A_22 : vector<500x256xf32>
    %get3A_24 = arith.constant 0 : index
    %get3A_25 = arith.constant 0 : index
    %get3A_26 = vector.load %arg6[%get3A_24, %get3A_25] : memref<256x128xf32, #tpu.memory_space<vmem>>, vector<256x128xf32>
    %dot_general3A_27 = arith.constant dense<0.000000e+00> : vector<500x128xf32>
    %dot_general3A_28 = tpu.matmul %max3A_23, %get3A_26, %dot_general3A_27 {dimension_numbers = #tpu.dot_dimension_numbers<[1], [0], [0], [1], [0, 0, 1, 1], [], []>, transpose_lhs_hint = false} : vector<500x256xf32>, vector<256x128xf32>, vector<500x128xf32> -> vector<500x128xf32>
    %add3A_29 = arith.addf %add3A_11, %dot_general3A_28 : vector<500x128xf32>
    %get3A_30 = arith.constant 0 : index
    %get3A_31 = arith.constant 0 : index
    %get3A_32 = vector.load %arg7[%get3A_30, %get3A_31] : memref<1x128xf32, #tpu.memory_space<vmem>>, vector<1x128xf32>
    %add3A_33 = vector.broadcast %get3A_32 : vector<1x128xf32> to vector<500x128xf32>
    %add3A_34 = arith.addf %add3A_29, %add3A_33 : vector<500x128xf32>
    %swap3A = arith.constant 0 : index
    %swap3A_35 = arith.constant 0 : index
    %swap3A_36 = arith.constant 0 : index
    %swap3A_37 = vector.load %arg8[%swap3A, %swap3A_35, %swap3A_36] : memref<1x500x128xf32, #tpu.memory_space<vmem>>, vector<1x500x128xf32>
    %swap3A_38 = vector.shape_cast %swap3A_37 : vector<1x500x128xf32> to vector<500x128xf32>
    %swap3A_39 = vector.shape_cast %add3A_11 : vector<500x128xf32> to vector<1x500x128xf32>
    tpu.vector_store %arg8[%swap3A, %swap3A_35, %swap3A_36], %swap3A_39 {strides = array<i32>} : memref<1x500x128xf32, #tpu.memory_space<vmem>>, vector<1x500x128xf32>,
    %swap3A_40 = arith.constant 0 : index
    %swap3A_41 = arith.constant 0 : index
    %swap3A_42 = arith.constant 0 : index
    %swap3A_43 = vector.load %arg9[%swap3A_40, %swap3A_41, %swap3A_42] : memref<1x500x128xf32, #tpu.memory_space<vmem>>, vector<1x500x128xf32>
    %swap3A_44 = vector.shape_cast %swap3A_43 : vector<1x500x128xf32> to vector<500x128xf32>
    %swap3A_45 = vector.shape_cast %add3A_34 : vector<500x128xf32> to vector<1x500x128xf32>
    tpu.vector_store %arg9[%swap3A_40, %swap3A_41, %swap3A_42], %swap3A_45 {strides = array<i32>} : memref<1x500x128xf32, #tpu.memory_space<vmem>>, vector<1x500x128xf32>,
    %reduce_sum3A = arith.constant dense<0.000000e+00> : vector<128xf32>
    %reduce_sum3A_46 = vector.multi_reduction <add>, %add3A_34, %reduce_sum3A [0] : vector<500x128xf32> to vector<128xf32>
    %broadcast_in_dim3A = vector.shape_cast %reduce_sum3A_46 : vector<128xf32> to vector<1x128xf32>
    %swap3A_47 = arith.constant 0 : index
    %swap3A_48 = arith.constant 0 : index
    %swap3A_49 = arith.constant 0 : index
    %swap3A_50 = vector.load %arg10[%swap3A_47, %swap3A_48, %swap3A_49] : memref<1x1x128xf32, #tpu.memory_space<vmem>>, vector<1x1x128xf32>
    %swap3A_51 = vector.shape_cast %swap3A_50 : vector<1x1x128xf32> to vector<1x128xf32>
    %swap3A_52 = vector.shape_cast %broadcast_in_dim3A : vector<1x128xf32> to vector<1x1x128xf32>
    tpu.vector_store %arg10[%swap3A_47, %swap3A_48, %swap3A_49], %swap3A_52 {strides = array<i32>} : memref<1x1x128xf32, #tpu.memory_space<vmem>>, vector<1x1x128xf32>,
    %mul3A = arith.mulf %add3A_34, %add3A_34 : vector<500x128xf32>
    %reduce_sum3A_53 = arith.constant dense<0.000000e+00> : vector<128xf32>
    %reduce_sum3A_54 = vector.multi_reduction <add>, %mul3A, %reduce_sum3A_53 [0] : vector<500x128xf32> to vector<128xf32>
    %broadcast_in_dim3A_55 = vector.shape_cast %reduce_sum3A_54 : vector<128xf32> to vector<1x128xf32>
    %swap3A_56 = arith.constant 0 : index
    %swap3A_57 = arith.constant 0 : index
    %swap3A_58 = arith.constant 0 : index
    %swap3A_59 = vector.load %arg11[%swap3A_56, %swap3A_57, %swap3A_58] : memref<1x1x128xf32, #tpu.memory_space<vmem>>, vector<1x1x128xf32>
    %swap3A_60 = vector.shape_cast %swap3A_59 : vector<1x1x128xf32> to vector<1x128xf32>
    %swap3A_61 = vector.shape_cast %broadcast_in_dim3A_55 : vector<1x128xf32> to vector<1x1x128xf32>
    tpu.vector_store %arg11[%swap3A_56, %swap3A_57, %swap3A_58], %swap3A_61 {strides = array<i32>} : memref<1x1x128xf32, #tpu.memory_space<vmem>>, vector<1x1x128xf32>,
    return
  }
  func.func @transform_0(%arg0: i32) -> (i32, i32, i32) {
    %c0_i32 = arith.constant 0 : i32
    %c0_i32_0 = arith.constant 0 : i32
    %c0_i32_1 = arith.constant 0 : i32
    return %arg0, %c0_i32, %c0_i32_0 : i32, i32, i32
  }
  func.func @transform_1(%arg0: i32) -> (i32, i32) {
    %c0_i32 = arith.constant 0 : i32
    %c0_i32_0 = arith.constant 0 : i32
    %c0_i32_1 = arith.constant 0 : i32
    return %c0_i32, %c0_i32_0 : i32, i32
  }
  func.func @transform_2(%arg0: i32) -> (i32, i32) {
    %c0_i32 = arith.constant 0 : i32
    %c0_i32_0 = arith.constant 0 : i32
    %c0_i32_1 = arith.constant 0 : i32
    return %c0_i32, %c0_i32_0 : i32, i32
  }
  func.func @transform_3(%arg0: i32) -> (i32, i32) {
    %c0_i32 = arith.constant 0 : i32
    %c0_i32_0 = arith.constant 0 : i32
    %c0_i32_1 = arith.constant 0 : i32
    return %c0_i32, %c0_i32_0 : i32, i32
  }
  func.func @transform_4(%arg0: i32) -> (i32, i32) {
    %c0_i32 = arith.constant 0 : i32
    %c0_i32_0 = arith.constant 0 : i32
    %c0_i32_1 = arith.constant 0 : i32
    return %c0_i32, %c0_i32_0 : i32, i32
  }
  func.func @transform_5(%arg0: i32) -> (i32, i32) {
    %c0_i32 = arith.constant 0 : i32
    %c0_i32_0 = arith.constant 0 : i32
    %c0_i32_1 = arith.constant 0 : i32
    return %c0_i32, %c0_i32_0 : i32, i32
  }
  func.func @transform_6(%arg0: i32) -> (i32, i32) {
    %c0_i32 = arith.constant 0 : i32
    %c0_i32_0 = arith.constant 0 : i32
    %c0_i32_1 = arith.constant 0 : i32
    return %c0_i32, %c0_i32_0 : i32, i32
  }
  func.func @transform_7(%arg0: i32) -> (i32, i32, i32) {
    %c0_i32 = arith.constant 0 : i32
    %c0_i32_0 = arith.constant 0 : i32
    %c0_i32_1 = arith.constant 0 : i32
    return %arg0, %c0_i32, %c0_i32_0 : i32, i32, i32
  }
  func.func @transform_8(%arg0: i32) -> (i32, i32, i32) {
    %c0_i32 = arith.constant 0 : i32
    %c0_i32_0 = arith.constant 0 : i32
    %c0_i32_1 = arith.constant 0 : i32
    return %arg0, %c0_i32, %c0_i32_0 : i32, i32, i32
  }
  func.func @transform_9(%arg0: i32) -> (i32, i32, i32) {
    %c0_i32 = arith.constant 0 : i32
    %c0_i32_0 = arith.constant 0 : i32
    %c0_i32_1 = arith.constant 0 : i32
    return %arg0, %c0_i32, %c0_i32_0 : i32, i32, i32
  }
  func.func @transform_10(%arg0: i32) -> (i32, i32, i32) {
    %c0_i32 = arith.constant 0 : i32
    %c0_i32_0 = arith.constant 0 : i32
    %c0_i32_1 = arith.constant 0 : i32
    return %arg0, %c0_i32, %c0_i32_0 : i32, i32, i32
  }
}

module attributes {stable_mosaic.version = 14 : i64} {
  func.func @_layer_last_body(%arg0: i32, %arg1: memref<1x500x128xf32, #tpu.memory_space<vmem>>, %arg2: memref<1x500x128xf32, #tpu.memory_space<vmem>>, %arg3: memref<20x1x128xf32, #tpu.memory_space<vmem>>, %arg4: memref<20x1x128xf32, #tpu.memory_space<vmem>>, %arg5: memref<1x63x4x8x128xf32, #tpu.memory_space<vmem>>, %arg6: memref<1x128xf32, #tpu.memory_space<vmem>>, %arg7: memref<1x128xf32, #tpu.memory_space<vmem>>, %arg8: memref<128x128xf32, #tpu.memory_space<vmem>>, %arg9: memref<128x128xf32, #tpu.memory_space<vmem>>, %arg10: memref<256x128xf32, #tpu.memory_space<vmem>>, %arg11: memref<1x128xf32, #tpu.memory_space<vmem>>, %arg12: memref<1x1x128xf32, #tpu.memory_space<vmem>>) attributes {dimension_semantics = [#tpu.dimension_semantics<arbitrary>], iteration_bounds = array<i64: 20>, scalar_prefetch = 0 : i64, scratch_operands = 0 : i64, tpu.core_type = #tpu.core_type<tc>, window_params = [{transform_indices = @transform_0, window_bounds = array<i64: 1, 500, 128>}, {transform_indices = @transform_1, window_bounds = array<i64: 1, 500, 128>}, {pipeline_mode = #tpu.pipeline_mode<synchronous>, transform_indices = @transform_2, window_bounds = array<i64: 20, 1, 128>}, {pipeline_mode = #tpu.pipeline_mode<synchronous>, transform_indices = @transform_3, window_bounds = array<i64: 20, 1, 128>}, {transform_indices = @transform_4, window_bounds = array<i64: 1, 63, 4, 8, 128>}, {pipeline_mode = #tpu.pipeline_mode<synchronous>, transform_indices = @transform_5, window_bounds = array<i64: 1, 128>}, {pipeline_mode = #tpu.pipeline_mode<synchronous>, transform_indices = @transform_6, window_bounds = array<i64: 1, 128>}, {pipeline_mode = #tpu.pipeline_mode<synchronous>, transform_indices = @transform_7, window_bounds = array<i64: 128, 128>}, {pipeline_mode = #tpu.pipeline_mode<synchronous>, transform_indices = @transform_8, window_bounds = array<i64: 128, 128>}, {pipeline_mode = #tpu.pipeline_mode<synchronous>, transform_indices = @transform_9, window_bounds = array<i64: 256, 128>}, {pipeline_mode = #tpu.pipeline_mode<synchronous>, transform_indices = @transform_10, window_bounds = array<i64: 1, 128>}, {transform_indices = @transform_11, window_bounds = array<i64: 1, 1, 128>}]} {
    %get3A = arith.constant 0 : index
    %get3A_0 = arith.constant 0 : index
    %get3A_1 = arith.constant 0 : index
    %get3A_2 = vector.load %arg1[%get3A, %get3A_0, %get3A_1] : memref<1x500x128xf32, #tpu.memory_space<vmem>>, vector<1x500x128xf32>
    %get3A_3 = vector.shape_cast %get3A_2 : vector<1x500x128xf32> to vector<500x128xf32>
    %get3A_4 = arith.constant 0 : index
    %get3A_5 = arith.constant 0 : index
    %get3A_6 = arith.constant 0 : index
    %get3A_7 = vector.load %arg2[%get3A_4, %get3A_5, %get3A_6] : memref<1x500x128xf32, #tpu.memory_space<vmem>>, vector<1x500x128xf32>
    %get3A_8 = vector.shape_cast %get3A_7 : vector<1x500x128xf32> to vector<500x128xf32>
    %get3A_9 = arith.constant 0 : index
    %get3A_10 = arith.constant 0 : index
    %get3A_11 = arith.constant 0 : index
    %get3A_12 = arith.constant 0 : index
    %get3A_13 = arith.constant 0 : index
    %get3A_14 = vector.load %arg5[%get3A_9, %get3A_10, %get3A_11, %get3A_12, %get3A_13] : memref<1x63x4x8x128xf32, #tpu.memory_space<vmem>>, vector<1x63x4x8x128xf32>
    %get3A_15 = vector.shape_cast %get3A_14 : vector<1x63x4x8x128xf32> to vector<63x4x8x128xf32>
    %get3A_16 = arith.constant 0 : index
    %get3A_17 = arith.constant 0 : index
    %get3A_18 = arith.constant 0 : index
    %get3A_19 = vector.load %arg3[%get3A_16, %get3A_17, %get3A_18] : memref<20x1x128xf32, #tpu.memory_space<vmem>>, vector<20x1x128xf32>
    %get3A_20 = arith.constant 0 : index
    %get3A_21 = arith.constant 0 : index
    %get3A_22 = arith.constant 0 : index
    %get3A_23 = vector.load %arg4[%get3A_20, %get3A_21, %get3A_22] : memref<20x1x128xf32, #tpu.memory_space<vmem>>, vector<20x1x128xf32>
    %get3A_24 = arith.constant 0 : index
    %get3A_25 = arith.constant 0 : index
    %get3A_26 = vector.load %arg6[%get3A_24, %get3A_25] : memref<1x128xf32, #tpu.memory_space<vmem>>, vector<1x128xf32>
    %get3A_27 = arith.constant 0 : index
    %get3A_28 = arith.constant 0 : index
    %get3A_29 = vector.load %arg7[%get3A_27, %get3A_28] : memref<1x128xf32, #tpu.memory_space<vmem>>, vector<1x128xf32>
    %get3A_30 = arith.constant 0 : index
    %get3A_31 = arith.constant 0 : index
    %get3A_32 = vector.load %arg8[%get3A_30, %get3A_31] : memref<128x128xf32, #tpu.memory_space<vmem>>, vector<128x128xf32>
    %get3A_33 = arith.constant 0 : index
    %get3A_34 = arith.constant 0 : index
    %get3A_35 = vector.load %arg9[%get3A_33, %get3A_34] : memref<128x128xf32, #tpu.memory_space<vmem>>, vector<128x128xf32>
    %get3A_36 = arith.constant 0 : index
    %get3A_37 = arith.constant 0 : index
    %get3A_38 = vector.load %arg10[%get3A_36, %get3A_37] : memref<256x128xf32, #tpu.memory_space<vmem>>, vector<256x128xf32>
    %get3A_39 = arith.constant 0 : index
    %get3A_40 = arith.constant 0 : index
    %get3A_41 = vector.load %arg11[%get3A_39, %get3A_40] : memref<1x128xf32, #tpu.memory_space<vmem>>, vector<1x128xf32>
    %reduce_sum3A = arith.constant dense<0.000000e+00> : vector<1x128xf32>
    %reduce_sum3A_42 = vector.multi_reduction <add>, %get3A_19, %reduce_sum3A [0] : vector<20x1x128xf32> to vector<1x128xf32>
    %mul3A = arith.constant 9.99999974E-5 : f32
    %mul3A_43 = vector.broadcast %mul3A : f32 to vector<1x128xf32>
    %mul3A_44 = arith.mulf %reduce_sum3A_42, %mul3A_43 : vector<1x128xf32>
    %reduce_sum3A_45 = arith.constant dense<0.000000e+00> : vector<1x128xf32>
    %reduce_sum3A_46 = vector.multi_reduction <add>, %get3A_23, %reduce_sum3A_45 [0] : vector<20x1x128xf32> to vector<1x128xf32>
    %mul3A_47 = arith.constant 9.99999974E-5 : f32
    %mul3A_48 = vector.broadcast %mul3A_47 : f32 to vector<1x128xf32>
    %mul3A_49 = arith.mulf %reduce_sum3A_46, %mul3A_48 : vector<1x128xf32>
    %mul3A_50 = arith.mulf %mul3A_44, %mul3A_44 : vector<1x128xf32>
    %sub3A = arith.subf %mul3A_49, %mul3A_50 : vector<1x128xf32>
    %sub3A_51 = vector.broadcast %mul3A_44 : vector<1x128xf32> to vector<500x128xf32>
    %sub3A_52 = arith.subf %get3A_3, %sub3A_51 : vector<500x128xf32>
    %add3A = arith.constant 9.99999974E-6 : f32
    %add3A_53 = vector.broadcast %add3A : f32 to vector<1x128xf32>
    %add3A_54 = arith.addf %sub3A, %add3A_53 : vector<1x128xf32>
    %sqrt3A = math.sqrt %add3A_54 : vector<1x128xf32>
    %div3A = vector.broadcast %sqrt3A : vector<1x128xf32> to vector<500x128xf32>
    %div3A_55 = arith.divf %sub3A_52, %div3A : vector<500x128xf32>
    %mul3A_56 = vector.broadcast %get3A_26 : vector<1x128xf32> to vector<500x128xf32>
    %mul3A_57 = arith.mulf %div3A_55, %mul3A_56 : vector<500x128xf32>
    %add3A_58 = vector.broadcast %get3A_29 : vector<1x128xf32> to vector<500x128xf32>
    %add3A_59 = arith.addf %mul3A_57, %add3A_58 : vector<500x128xf32>
    %dot_general3A = arith.constant dense<0.000000e+00> : vector<500x128xf32>
    %dot_general3A_60 = tpu.matmul %add3A_59, %get3A_32, %dot_general3A {dimension_numbers = #tpu.dot_dimension_numbers<[1], [0], [0], [1], [0, 0, 1, 1], [], []>, transpose_lhs_hint = false} : vector<500x128xf32>, vector<128x128xf32>, vector<500x128xf32> -> vector<500x128xf32>
    %dot_general3A_61 = arith.constant dense<0.000000e+00> : vector<500x128xf32>
    %dot_general3A_62 = tpu.matmul %add3A_59, %get3A_35, %dot_general3A_61 {dimension_numbers = #tpu.dot_dimension_numbers<[1], [0], [0], [1], [0, 0, 1, 1], [], []>, transpose_lhs_hint = false} : vector<500x128xf32>, vector<128x128xf32>, vector<500x128xf32> -> vector<500x128xf32>
    %dot_general3A_63 = arith.constant dense<0.000000e+00> : vector<500x500xf32>
    %dot_general3A_64 = tpu.matmul %dot_general3A_60, %dot_general3A_62, %dot_general3A_63 {dimension_numbers = #tpu.dot_dimension_numbers<[1], [1], [0], [0], [0, 0, 1, 0], [], []>, transpose_lhs_hint = false} : vector<500x128xf32>, vector<500x128xf32>, vector<500x500xf32> -> vector<500x500xf32>
    %mul3A_65 = arith.constant 0.0883883461 : f32
    %mul3A_66 = vector.broadcast %mul3A_65 : f32 to vector<500x500xf32>
    %mul3A_67 = arith.mulf %dot_general3A_64, %mul3A_66 : vector<500x500xf32>
    %broadcast_in_dim3A = arith.constant -3.000000e+38 : f32
    %broadcast_in_dim3A_68 = vector.broadcast %broadcast_in_dim3A : f32 to vector<500x12xf32>
    %slice3A = vector.extract_strided_slice %mul3A_67 {offsets = [0, 0], sizes = [500, 128], strides = [1, 1]} : vector<500x500xf32> to vector<500x128xf32>
    %slice3A_69 = vector.extract_strided_slice %mul3A_67 {offsets = [0, 128], sizes = [500, 128], strides = [1, 1]} : vector<500x500xf32> to vector<500x128xf32>
    %slice3A_70 = vector.extract_strided_slice %mul3A_67 {offsets = [0, 256], sizes = [500, 128], strides = [1, 1]} : vector<500x500xf32> to vector<500x128xf32>
    %slice3A_71 = vector.extract_strided_slice %mul3A_67 {offsets = [0, 384], sizes = [500, 116], strides = [1, 1]} : vector<500x500xf32> to vector<500x116xf32>
    %concatenate3A = tpu.concatenate %slice3A_71, %broadcast_in_dim3A_68 in 1 : vector<500x116xf32>, vector<500x12xf32> -> vector<500x128xf32>
    %max3A = arith.maximumf %slice3A, %slice3A_69 : vector<500x128xf32>
    %min3A = arith.minimumf %slice3A, %slice3A_69 : vector<500x128xf32>
    %max3A_72 = arith.maximumf %slice3A_70, %concatenate3A : vector<500x128xf32>
    %min3A_73 = arith.minimumf %slice3A_70, %concatenate3A : vector<500x128xf32>
    %max3A_74 = arith.maximumf %max3A, %max3A_72 : vector<500x128xf32>
    %min3A_75 = arith.minimumf %max3A, %max3A_72 : vector<500x128xf32>
    %max3A_76 = arith.maximumf %min3A, %min3A_73 : vector<500x128xf32>
    %min3A_77 = arith.minimumf %min3A, %min3A_73 : vector<500x128xf32>
    %max3A_78 = arith.maximumf %min3A_75, %max3A_76 : vector<500x128xf32>
    %min3A_79 = arith.minimumf %min3A_75, %max3A_76 : vector<500x128xf32>
    %reduce_max3A = arith.constant dense<0xFF800000> : vector<500xf32>
    %reduce_max3A_80 = vector.multi_reduction <maximumf>, %max3A_74, %reduce_max3A [1] : vector<500x128xf32> to vector<500xf32>
    %broadcast_in_dim3A_81 = vector.shape_cast %reduce_max3A_80 : vector<500xf32> to vector<500x1xf32>
    %eq3A = vector.broadcast %broadcast_in_dim3A_81 : vector<500x1xf32> to vector<500x128xf32>
    %eq3A_82 = arith.cmpf oeq, %max3A_74, %eq3A : vector<500x128xf32>
    %select_n3A = arith.select %eq3A_82, %max3A_78, %max3A_74 : vector<500x128xi1>, vector<500x128xf32>
    %select_n3A_83 = arith.select %eq3A_82, %min3A_79, %max3A_78 : vector<500x128xi1>, vector<500x128xf32>
    %select_n3A_84 = arith.select %eq3A_82, %min3A_77, %min3A_79 : vector<500x128xi1>, vector<500x128xf32>
    %jit3A = arith.constant -3.000000e+38 : f32
    %broadcast_in_dim3A_85 = vector.broadcast %jit3A : f32 to vector<500x128xf32>
    %select_n3A_86 = arith.select %eq3A_82, %broadcast_in_dim3A_85, %min3A_77 : vector<500x128xi1>, vector<500x128xf32>
    %reduce_max3A_87 = arith.constant dense<0xFF800000> : vector<500xf32>
    %reduce_max3A_88 = vector.multi_reduction <maximumf>, %select_n3A, %reduce_max3A_87 [1] : vector<500x128xf32> to vector<500xf32>
    %broadcast_in_dim3A_89 = vector.shape_cast %reduce_max3A_88 : vector<500xf32> to vector<500x1xf32>
    %eq3A_90 = vector.broadcast %broadcast_in_dim3A_89 : vector<500x1xf32> to vector<500x128xf32>
    %eq3A_91 = arith.cmpf oeq, %select_n3A, %eq3A_90 : vector<500x128xf32>
    %select_n3A_92 = arith.select %eq3A_91, %select_n3A_83, %select_n3A : vector<500x128xi1>, vector<500x128xf32>
    %select_n3A_93 = arith.select %eq3A_91, %select_n3A_84, %select_n3A_83 : vector<500x128xi1>, vector<500x128xf32>
    %select_n3A_94 = arith.select %eq3A_91, %select_n3A_86, %select_n3A_84 : vector<500x128xi1>, vector<500x128xf32>
    %jit3A_95 = arith.constant -3.000000e+38 : f32
    %broadcast_in_dim3A_96 = vector.broadcast %jit3A_95 : f32 to vector<500x128xf32>
    %select_n3A_97 = arith.select %eq3A_91, %broadcast_in_dim3A_96, %select_n3A_86 : vector<500x128xi1>, vector<500x128xf32>
    %reduce_max3A_98 = arith.constant dense<0xFF800000> : vector<500xf32>
    %reduce_max3A_99 = vector.multi_reduction <maximumf>, %select_n3A_92, %reduce_max3A_98 [1] : vector<500x128xf32> to vector<500xf32>
    %broadcast_in_dim3A_100 = vector.shape_cast %reduce_max3A_99 : vector<500xf32> to vector<500x1xf32>
    %eq3A_101 = vector.broadcast %broadcast_in_dim3A_100 : vector<500x1xf32> to vector<500x128xf32>
    %eq3A_102 = arith.cmpf oeq, %select_n3A_92, %eq3A_101 : vector<500x128xf32>
    %select_n3A_103 = arith.select %eq3A_102, %select_n3A_93, %select_n3A_92 : vector<500x128xi1>, vector<500x128xf32>
    %select_n3A_104 = arith.select %eq3A_102, %select_n3A_94, %select_n3A_93 : vector<500x128xi1>, vector<500x128xf32>
    %select_n3A_105 = arith.select %eq3A_102, %select_n3A_97, %select_n3A_94 : vector<500x128xi1>, vector<500x128xf32>
    %jit3A_106 = arith.constant -3.000000e+38 : f32
    %broadcast_in_dim3A_107 = vector.broadcast %jit3A_106 : f32 to vector<500x128xf32>
    %select_n3A_108 = arith.select %eq3A_102, %broadcast_in_dim3A_107, %select_n3A_97 : vector<500x128xi1>, vector<500x128xf32>
    %reduce_max3A_109 = arith.constant dense<0xFF800000> : vector<500xf32>
    %reduce_max3A_110 = vector.multi_reduction <maximumf>, %select_n3A_103, %reduce_max3A_109 [1] : vector<500x128xf32> to vector<500xf32>
    %broadcast_in_dim3A_111 = vector.shape_cast %reduce_max3A_110 : vector<500xf32> to vector<500x1xf32>
    %eq3A_112 = vector.broadcast %broadcast_in_dim3A_111 : vector<500x1xf32> to vector<500x128xf32>
    %eq3A_113 = arith.cmpf oeq, %select_n3A_103, %eq3A_112 : vector<500x128xf32>
    %select_n3A_114 = arith.select %eq3A_113, %select_n3A_104, %select_n3A_103 : vector<500x128xi1>, vector<500x128xf32>
    %select_n3A_115 = arith.select %eq3A_113, %select_n3A_105, %select_n3A_104 : vector<500x128xi1>, vector<500x128xf32>
    %select_n3A_116 = arith.select %eq3A_113, %select_n3A_108, %select_n3A_105 : vector<500x128xi1>, vector<500x128xf32>
    %jit3A_117 = arith.constant -3.000000e+38 : f32
    %broadcast_in_dim3A_118 = vector.broadcast %jit3A_117 : f32 to vector<500x128xf32>
    %select_n3A_119 = arith.select %eq3A_113, %broadcast_in_dim3A_118, %select_n3A_108 : vector<500x128xi1>, vector<500x128xf32>
    %reduce_max3A_120 = arith.constant dense<0xFF800000> : vector<500xf32>
    %reduce_max3A_121 = vector.multi_reduction <maximumf>, %select_n3A_114, %reduce_max3A_120 [1] : vector<500x128xf32> to vector<500xf32>
    %broadcast_in_dim3A_122 = vector.shape_cast %reduce_max3A_121 : vector<500xf32> to vector<500x1xf32>
    %eq3A_123 = vector.broadcast %broadcast_in_dim3A_122 : vector<500x1xf32> to vector<500x128xf32>
    %eq3A_124 = arith.cmpf oeq, %select_n3A_114, %eq3A_123 : vector<500x128xf32>
    %select_n3A_125 = arith.select %eq3A_124, %select_n3A_115, %select_n3A_114 : vector<500x128xi1>, vector<500x128xf32>
    %select_n3A_126 = arith.select %eq3A_124, %select_n3A_116, %select_n3A_115 : vector<500x128xi1>, vector<500x128xf32>
    %select_n3A_127 = arith.select %eq3A_124, %select_n3A_119, %select_n3A_116 : vector<500x128xi1>, vector<500x128xf32>
    %jit3A_128 = arith.constant -3.000000e+38 : f32
    %broadcast_in_dim3A_129 = vector.broadcast %jit3A_128 : f32 to vector<500x128xf32>
    %select_n3A_130 = arith.select %eq3A_124, %broadcast_in_dim3A_129, %select_n3A_119 : vector<500x128xi1>, vector<500x128xf32>
    %reduce_max3A_131 = arith.constant dense<0xFF800000> : vector<500xf32>
    %reduce_max3A_132 = vector.multi_reduction <maximumf>, %select_n3A_125, %reduce_max3A_131 [1] : vector<500x128xf32> to vector<500xf32>
    %broadcast_in_dim3A_133 = vector.shape_cast %reduce_max3A_132 : vector<500xf32> to vector<500x1xf32>
    %eq3A_134 = vector.broadcast %broadcast_in_dim3A_133 : vector<500x1xf32> to vector<500x128xf32>
    %eq3A_135 = arith.cmpf oeq, %select_n3A_125, %eq3A_134 : vector<500x128xf32>
    %select_n3A_136 = arith.select %eq3A_135, %select_n3A_126, %select_n3A_125 : vector<500x128xi1>, vector<500x128xf32>
    %select_n3A_137 = arith.select %eq3A_135, %select_n3A_127, %select_n3A_126 : vector<500x128xi1>, vector<500x128xf32>
    %select_n3A_138 = arith.select %eq3A_135, %select_n3A_130, %select_n3A_127 : vector<500x128xi1>, vector<500x128xf32>
    %jit3A_139 = arith.constant -3.000000e+38 : f32
    %broadcast_in_dim3A_140 = vector.broadcast %jit3A_139 : f32 to vector<500x128xf32>
    %select_n3A_141 = arith.select %eq3A_135, %broadcast_in_dim3A_140, %select_n3A_130 : vector<500x128xi1>, vector<500x128xf32>
    %reduce_max3A_142 = arith.constant dense<0xFF800000> : vector<500xf32>
    %reduce_max3A_143 = vector.multi_reduction <maximumf>, %select_n3A_136, %reduce_max3A_142 [1] : vector<500x128xf32> to vector<500xf32>
    %broadcast_in_dim3A_144 = vector.shape_cast %reduce_max3A_143 : vector<500xf32> to vector<500x1xf32>
    %eq3A_145 = vector.broadcast %broadcast_in_dim3A_144 : vector<500x1xf32> to vector<500x128xf32>
    %eq3A_146 = arith.cmpf oeq, %select_n3A_136, %eq3A_145 : vector<500x128xf32>
    %select_n3A_147 = arith.select %eq3A_146, %select_n3A_137, %select_n3A_136 : vector<500x128xi1>, vector<500x128xf32>
    %select_n3A_148 = arith.select %eq3A_146, %select_n3A_138, %select_n3A_137 : vector<500x128xi1>, vector<500x128xf32>
    %select_n3A_149 = arith.select %eq3A_146, %select_n3A_141, %select_n3A_138 : vector<500x128xi1>, vector<500x128xf32>
    %jit3A_150 = arith.constant -3.000000e+38 : f32
    %broadcast_in_dim3A_151 = vector.broadcast %jit3A_150 : f32 to vector<500x128xf32>
    %select_n3A_152 = arith.select %eq3A_146, %broadcast_in_dim3A_151, %select_n3A_141 : vector<500x128xi1>, vector<500x128xf32>
    %reduce_max3A_153 = arith.constant dense<0xFF800000> : vector<500xf32>
    %reduce_max3A_154 = vector.multi_reduction <maximumf>, %select_n3A_147, %reduce_max3A_153 [1] : vector<500x128xf32> to vector<500xf32>
    %broadcast_in_dim3A_155 = vector.shape_cast %reduce_max3A_154 : vector<500xf32> to vector<500x1xf32>
    %eq3A_156 = vector.broadcast %broadcast_in_dim3A_155 : vector<500x1xf32> to vector<500x128xf32>
    %eq3A_157 = arith.cmpf oeq, %select_n3A_147, %eq3A_156 : vector<500x128xf32>
    %select_n3A_158 = arith.select %eq3A_157, %select_n3A_148, %select_n3A_147 : vector<500x128xi1>, vector<500x128xf32>
    %select_n3A_159 = arith.select %eq3A_157, %select_n3A_149, %select_n3A_148 : vector<500x128xi1>, vector<500x128xf32>
    %select_n3A_160 = arith.select %eq3A_157, %select_n3A_152, %select_n3A_149 : vector<500x128xi1>, vector<500x128xf32>
    %jit3A_161 = arith.constant -3.000000e+38 : f32
    %broadcast_in_dim3A_162 = vector.broadcast %jit3A_161 : f32 to vector<500x128xf32>
    %select_n3A_163 = arith.select %eq3A_157, %broadcast_in_dim3A_162, %select_n3A_152 : vector<500x128xi1>, vector<500x128xf32>
    %reduce_max3A_164 = arith.constant dense<0xFF800000> : vector<500xf32>
    %reduce_max3A_165 = vector.multi_reduction <maximumf>, %select_n3A_158, %reduce_max3A_164 [1] : vector<500x128xf32> to vector<500xf32>
    %broadcast_in_dim3A_166 = vector.shape_cast %reduce_max3A_165 : vector<500xf32> to vector<500x1xf32>
    %eq3A_167 = vector.broadcast %broadcast_in_dim3A_166 : vector<500x1xf32> to vector<500x128xf32>
    %eq3A_168 = arith.cmpf oeq, %select_n3A_158, %eq3A_167 : vector<500x128xf32>
    %select_n3A_169 = arith.select %eq3A_168, %select_n3A_159, %select_n3A_158 : vector<500x128xi1>, vector<500x128xf32>
    %select_n3A_170 = arith.select %eq3A_168, %select_n3A_160, %select_n3A_159 : vector<500x128xi1>, vector<500x128xf32>
    %select_n3A_171 = arith.select %eq3A_168, %select_n3A_163, %select_n3A_160 : vector<500x128xi1>, vector<500x128xf32>
    %jit3A_172 = arith.constant -3.000000e+38 : f32
    %broadcast_in_dim3A_173 = vector.broadcast %jit3A_172 : f32 to vector<500x128xf32>
    %select_n3A_174 = arith.select %eq3A_168, %broadcast_in_dim3A_173, %select_n3A_163 : vector<500x128xi1>, vector<500x128xf32>
    %reduce_max3A_175 = arith.constant dense<0xFF800000> : vector<500xf32>
    %reduce_max3A_176 = vector.multi_reduction <maximumf>, %select_n3A_169, %reduce_max3A_175 [1] : vector<500x128xf32> to vector<500xf32>
    %broadcast_in_dim3A_177 = vector.shape_cast %reduce_max3A_176 : vector<500xf32> to vector<500x1xf32>
    %eq3A_178 = vector.broadcast %broadcast_in_dim3A_177 : vector<500x1xf32> to vector<500x128xf32>
    %eq3A_179 = arith.cmpf oeq, %select_n3A_169, %eq3A_178 : vector<500x128xf32>
    %select_n3A_180 = arith.select %eq3A_179, %select_n3A_170, %select_n3A_169 : vector<500x128xi1>, vector<500x128xf32>
    %select_n3A_181 = arith.select %eq3A_179, %select_n3A_171, %select_n3A_170 : vector<500x128xi1>, vector<500x128xf32>
    %select_n3A_182 = arith.select %eq3A_179, %select_n3A_174, %select_n3A_171 : vector<500x128xi1>, vector<500x128xf32>
    %jit3A_183 = arith.constant -3.000000e+38 : f32
    %broadcast_in_dim3A_184 = vector.broadcast %jit3A_183 : f32 to vector<500x128xf32>
    %select_n3A_185 = arith.select %eq3A_179, %broadcast_in_dim3A_184, %select_n3A_174 : vector<500x128xi1>, vector<500x128xf32>
    %reduce_max3A_186 = arith.constant dense<0xFF800000> : vector<500xf32>
    %reduce_max3A_187 = vector.multi_reduction <maximumf>, %select_n3A_180, %reduce_max3A_186 [1] : vector<500x128xf32> to vector<500xf32>
    %broadcast_in_dim3A_188 = vector.shape_cast %reduce_max3A_187 : vector<500xf32> to vector<500x1xf32>
    %eq3A_189 = vector.broadcast %broadcast_in_dim3A_188 : vector<500x1xf32> to vector<500x128xf32>
    %eq3A_190 = arith.cmpf oeq, %select_n3A_180, %eq3A_189 : vector<500x128xf32>
    %select_n3A_191 = arith.select %eq3A_190, %select_n3A_181, %select_n3A_180 : vector<500x128xi1>, vector<500x128xf32>
    %select_n3A_192 = arith.select %eq3A_190, %select_n3A_182, %select_n3A_181 : vector<500x128xi1>, vector<500x128xf32>
    %select_n3A_193 = arith.select %eq3A_190, %select_n3A_185, %select_n3A_182 : vector<500x128xi1>, vector<500x128xf32>
    %jit3A_194 = arith.constant -3.000000e+38 : f32
    %broadcast_in_dim3A_195 = vector.broadcast %jit3A_194 : f32 to vector<500x128xf32>
    %select_n3A_196 = arith.select %eq3A_190, %broadcast_in_dim3A_195, %select_n3A_185 : vector<500x128xi1>, vector<500x128xf32>
    %reduce_max3A_197 = arith.constant dense<0xFF800000> : vector<500xf32>
    %reduce_max3A_198 = vector.multi_reduction <maximumf>, %select_n3A_191, %reduce_max3A_197 [1] : vector<500x128xf32> to vector<500xf32>
    %broadcast_in_dim3A_199 = vector.shape_cast %reduce_max3A_198 : vector<500xf32> to vector<500x1xf32>
    %eq3A_200 = vector.broadcast %broadcast_in_dim3A_199 : vector<500x1xf32> to vector<500x128xf32>
    %eq3A_201 = arith.cmpf oeq, %select_n3A_191, %eq3A_200 : vector<500x128xf32>
    %select_n3A_202 = arith.select %eq3A_201, %select_n3A_192, %select_n3A_191 : vector<500x128xi1>, vector<500x128xf32>
    %select_n3A_203 = arith.select %eq3A_201, %select_n3A_193, %select_n3A_192 : vector<500x128xi1>, vector<500x128xf32>
    %select_n3A_204 = arith.select %eq3A_201, %select_n3A_196, %select_n3A_193 : vector<500x128xi1>, vector<500x128xf32>
    %jit3A_205 = arith.constant -3.000000e+38 : f32
    %broadcast_in_dim3A_206 = vector.broadcast %jit3A_205 : f32 to vector<500x128xf32>
    %select_n3A_207 = arith.select %eq3A_201, %broadcast_in_dim3A_206, %select_n3A_196 : vector<500x128xi1>, vector<500x128xf32>
    %reduce_max3A_208 = arith.constant dense<0xFF800000> : vector<500xf32>
    %reduce_max3A_209 = vector.multi_reduction <maximumf>, %select_n3A_202, %reduce_max3A_208 [1] : vector<500x128xf32> to vector<500xf32>
    %broadcast_in_dim3A_210 = vector.shape_cast %reduce_max3A_209 : vector<500xf32> to vector<500x1xf32>
    %eq3A_211 = vector.broadcast %broadcast_in_dim3A_210 : vector<500x1xf32> to vector<500x128xf32>
    %eq3A_212 = arith.cmpf oeq, %select_n3A_202, %eq3A_211 : vector<500x128xf32>
    %select_n3A_213 = arith.select %eq3A_212, %select_n3A_203, %select_n3A_202 : vector<500x128xi1>, vector<500x128xf32>
    %select_n3A_214 = arith.select %eq3A_212, %select_n3A_204, %select_n3A_203 : vector<500x128xi1>, vector<500x128xf32>
    %select_n3A_215 = arith.select %eq3A_212, %select_n3A_207, %select_n3A_204 : vector<500x128xi1>, vector<500x128xf32>
    %reduce_max3A_216 = arith.constant dense<0xFF800000> : vector<500xf32>
    %reduce_max3A_217 = vector.multi_reduction <maximumf>, %select_n3A_213, %reduce_max3A_216 [1] : vector<500x128xf32> to vector<500xf32>
    %broadcast_in_dim3A_218 = vector.shape_cast %reduce_max3A_217 : vector<500xf32> to vector<500x1xf32>
    %eq3A_219 = vector.broadcast %broadcast_in_dim3A_218 : vector<500x1xf32> to vector<500x128xf32>
    %eq3A_220 = arith.cmpf oeq, %select_n3A_213, %eq3A_219 : vector<500x128xf32>
    %select_n3A_221 = arith.select %eq3A_220, %select_n3A_214, %select_n3A_213 : vector<500x128xi1>, vector<500x128xf32>
    %select_n3A_222 = arith.select %eq3A_220, %select_n3A_215, %select_n3A_214 : vector<500x128xi1>, vector<500x128xf32>
    %reduce_max3A_223 = arith.constant dense<0xFF800000> : vector<500xf32>
    %reduce_max3A_224 = vector.multi_reduction <maximumf>, %select_n3A_221, %reduce_max3A_223 [1] : vector<500x128xf32> to vector<500xf32>
    %broadcast_in_dim3A_225 = vector.shape_cast %reduce_max3A_224 : vector<500xf32> to vector<500x1xf32>
    %eq3A_226 = vector.broadcast %broadcast_in_dim3A_225 : vector<500x1xf32> to vector<500x128xf32>
    %eq3A_227 = arith.cmpf oeq, %select_n3A_221, %eq3A_226 : vector<500x128xf32>
    %select_n3A_228 = arith.select %eq3A_227, %select_n3A_222, %select_n3A_221 : vector<500x128xi1>, vector<500x128xf32>
    %reduce_max3A_229 = arith.constant dense<0xFF800000> : vector<500xf32>
    %reduce_max3A_230 = vector.multi_reduction <maximumf>, %select_n3A_228, %reduce_max3A_229 [1] : vector<500x128xf32> to vector<500xf32>
    %broadcast_in_dim3A_231 = vector.shape_cast %reduce_max3A_230 : vector<500xf32> to vector<500x1xf32>
    %sub3A_232 = vector.broadcast %broadcast_in_dim3A_81 : vector<500x1xf32> to vector<500x500xf32>
    %sub3A_233 = arith.subf %mul3A_67, %sub3A_232 : vector<500x500xf32>
    %exp3A = math.exp %sub3A_233 : vector<500x500xf32>
    %reduce_sum3A_234 = arith.constant dense<0.000000e+00> : vector<500xf32>
    %reduce_sum3A_235 = vector.multi_reduction <add>, %exp3A, %reduce_sum3A_234 [1] : vector<500x500xf32> to vector<500xf32>
    %broadcast_in_dim3A_236 = vector.shape_cast %reduce_sum3A_235 : vector<500xf32> to vector<500x1xf32>
    %ge3A = vector.broadcast %broadcast_in_dim3A_231 : vector<500x1xf32> to vector<500x500xf32>
    %ge3A_237 = arith.cmpf oge, %mul3A_67, %ge3A : vector<500x500xf32>
    %jit3A_238 = arith.constant 0.000000e+00 : f32
    %broadcast_in_dim3A_239 = vector.broadcast %jit3A_238 : f32 to vector<500x500xf32>
    %select_n3A_240 = arith.select %ge3A_237, %exp3A, %broadcast_in_dim3A_239 : vector<500x500xi1>, vector<500x500xf32>
    %reduce_sum3A_241 = arith.constant dense<0.000000e+00> : vector<500xf32>
    %reduce_sum3A_242 = vector.multi_reduction <add>, %select_n3A_240, %reduce_sum3A_241 [1] : vector<500x500xf32> to vector<500xf32>
    %broadcast_in_dim3A_243 = vector.shape_cast %reduce_sum3A_242 : vector<500xf32> to vector<500x1xf32>
    %mul3A_244 = arith.constant 9.99999971E-10 : f32
    %mul3A_245 = vector.broadcast %mul3A_244 : f32 to vector<500x1xf32>
    %mul3A_246 = arith.mulf %broadcast_in_dim3A_236, %mul3A_245 : vector<500x1xf32>
    %add3A_247 = arith.addf %broadcast_in_dim3A_243, %mul3A_246 : vector<500x1xf32>
    %div3A_248 = vector.broadcast %add3A_247 : vector<500x1xf32> to vector<500x500xf32>
    %div3A_249 = arith.divf %select_n3A_240, %div3A_248 : vector<500x500xf32>
    %dot_general3A_250 = arith.constant dense<0.000000e+00> : vector<500x128xf32>
    %dot_general3A_251 = tpu.matmul %div3A_249, %get3A_8, %dot_general3A_250 {dimension_numbers = #tpu.dot_dimension_numbers<[1], [0], [0], [1], [0, 0, 1, 1], [], []>, transpose_lhs_hint = false} : vector<500x500xf32>, vector<500x128xf32>, vector<500x128xf32> -> vector<500x128xf32>
    %slice3A_252 = vector.extract_strided_slice %get3A_8 {offsets = [384, 0], sizes = [116, 128], strides = [1, 1]} : vector<500x128xf32> to vector<116x128xf32>
    %broadcast_in_dim3A_253 = arith.constant 0.000000e+00 : f32
    %broadcast_in_dim3A_254 = vector.broadcast %broadcast_in_dim3A_253 : f32 to vector<12x128xf32>
    %concatenate3A_255 = tpu.concatenate %slice3A_252, %broadcast_in_dim3A_254 in 0 : vector<116x128xf32>, vector<12x128xf32> -> vector<128x128xf32>
    %broadcast_in_dim3A_256 = arith.constant 0.000000e+00 : f32
    %broadcast_in_dim3A_257 = vector.broadcast %broadcast_in_dim3A_256 : f32 to vector<504x128xf32>
    %broadcast_in_dim3A_258 = arith.constant 0.000000e+00 : f32
    %broadcast_in_dim3A_259 = vector.broadcast %broadcast_in_dim3A_258 : f32 to vector<504x1xf32>
    %slice3A_260 = vector.extract_strided_slice %get3A_15 {offsets = [0, 0, 0, 0], sizes = [63, 1, 8, 128], strides = [1, 1, 1, 1]} : vector<63x4x8x128xf32> to vector<63x1x8x128xf32>
    %squeeze3A = vector.shape_cast %slice3A_260 : vector<63x1x8x128xf32> to vector<63x8x128xf32>
    %reshape3A = vector.shape_cast %squeeze3A : vector<63x8x128xf32> to vector<504x128xf32>
    %slice3A_261 = vector.extract_strided_slice %get3A_8 {offsets = [0, 0], sizes = [128, 128], strides = [1, 1]} : vector<500x128xf32> to vector<128x128xf32>
    %dot_general3A_262 = arith.constant dense<0.000000e+00> : vector<504x128xf32>
    %dot_general3A_263 = tpu.matmul %reshape3A, %slice3A_261, %dot_general3A_262 {dimension_numbers = #tpu.dot_dimension_numbers<[1], [0], [0], [1], [0, 0, 1, 1], [], []>, transpose_lhs_hint = false} : vector<504x128xf32>, vector<128x128xf32>, vector<504x128xf32> -> vector<504x128xf32>
    %add3A_264 = arith.addf %broadcast_in_dim3A_257, %dot_general3A_263 : vector<504x128xf32>
    %reduce_sum3A_265 = arith.constant dense<0.000000e+00> : vector<504xf32>
    %reduce_sum3A_266 = vector.multi_reduction <add>, %reshape3A, %reduce_sum3A_265 [1] : vector<504x128xf32> to vector<504xf32>
    %broadcast_in_dim3A_267 = vector.shape_cast %reduce_sum3A_266 : vector<504xf32> to vector<504x1xf32>
    %add3A_268 = arith.addf %broadcast_in_dim3A_259, %broadcast_in_dim3A_267 : vector<504x1xf32>
    %slice3A_269 = vector.extract_strided_slice %get3A_15 {offsets = [0, 1, 0, 0], sizes = [63, 1, 8, 128], strides = [1, 1, 1, 1]} : vector<63x4x8x128xf32> to vector<63x1x8x128xf32>
    %squeeze3A_270 = vector.shape_cast %slice3A_269 : vector<63x1x8x128xf32> to vector<63x8x128xf32>
    %reshape3A_271 = vector.shape_cast %squeeze3A_270 : vector<63x8x128xf32> to vector<504x128xf32>
    %slice3A_272 = vector.extract_strided_slice %get3A_8 {offsets = [128, 0], sizes = [128, 128], strides = [1, 1]} : vector<500x128xf32> to vector<128x128xf32>
    %dot_general3A_273 = arith.constant dense<0.000000e+00> : vector<504x128xf32>
    %dot_general3A_274 = tpu.matmul %reshape3A_271, %slice3A_272, %dot_general3A_273 {dimension_numbers = #tpu.dot_dimension_numbers<[1], [0], [0], [1], [0, 0, 1, 1], [], []>, transpose_lhs_hint = false} : vector<504x128xf32>, vector<128x128xf32>, vector<504x128xf32> -> vector<504x128xf32>
    %add3A_275 = arith.addf %add3A_264, %dot_general3A_274 : vector<504x128xf32>
    %reduce_sum3A_276 = arith.constant dense<0.000000e+00> : vector<504xf32>
    %reduce_sum3A_277 = vector.multi_reduction <add>, %reshape3A_271, %reduce_sum3A_276 [1] : vector<504x128xf32> to vector<504xf32>
    %broadcast_in_dim3A_278 = vector.shape_cast %reduce_sum3A_277 : vector<504xf32> to vector<504x1xf32>
    %add3A_279 = arith.addf %add3A_268, %broadcast_in_dim3A_278 : vector<504x1xf32>
    %slice3A_280 = vector.extract_strided_slice %get3A_15 {offsets = [0, 2, 0, 0], sizes = [63, 1, 8, 128], strides = [1, 1, 1, 1]} : vector<63x4x8x128xf32> to vector<63x1x8x128xf32>
    %squeeze3A_281 = vector.shape_cast %slice3A_280 : vector<63x1x8x128xf32> to vector<63x8x128xf32>
    %reshape3A_282 = vector.shape_cast %squeeze3A_281 : vector<63x8x128xf32> to vector<504x128xf32>
    %slice3A_283 = vector.extract_strided_slice %get3A_8 {offsets = [256, 0], sizes = [128, 128], strides = [1, 1]} : vector<500x128xf32> to vector<128x128xf32>
    %dot_general3A_284 = arith.constant dense<0.000000e+00> : vector<504x128xf32>
    %dot_general3A_285 = tpu.matmul %reshape3A_282, %slice3A_283, %dot_general3A_284 {dimension_numbers = #tpu.dot_dimension_numbers<[1], [0], [0], [1], [0, 0, 1, 1], [], []>, transpose_lhs_hint = false} : vector<504x128xf32>, vector<128x128xf32>, vector<504x128xf32> -> vector<504x128xf32>
    %add3A_286 = arith.addf %add3A_275, %dot_general3A_285 : vector<504x128xf32>
    %reduce_sum3A_287 = arith.constant dense<0.000000e+00> : vector<504xf32>
    %reduce_sum3A_288 = vector.multi_reduction <add>, %reshape3A_282, %reduce_sum3A_287 [1] : vector<504x128xf32> to vector<504xf32>
    %broadcast_in_dim3A_289 = vector.shape_cast %reduce_sum3A_288 : vector<504xf32> to vector<504x1xf32>
    %add3A_290 = arith.addf %add3A_279, %broadcast_in_dim3A_289 : vector<504x1xf32>
    %slice3A_291 = vector.extract_strided_slice %get3A_15 {offsets = [0, 3, 0, 0], sizes = [63, 1, 8, 128], strides = [1, 1, 1, 1]} : vector<63x4x8x128xf32> to vector<63x1x8x128xf32>
    %squeeze3A_292 = vector.shape_cast %slice3A_291 : vector<63x1x8x128xf32> to vector<63x8x128xf32>
    %reshape3A_293 = vector.shape_cast %squeeze3A_292 : vector<63x8x128xf32> to vector<504x128xf32>
    %dot_general3A_294 = arith.constant dense<0.000000e+00> : vector<504x128xf32>
    %dot_general3A_295 = tpu.matmul %reshape3A_293, %concatenate3A_255, %dot_general3A_294 {dimension_numbers = #tpu.dot_dimension_numbers<[1], [0], [0], [1], [0, 0, 1, 1], [], []>, transpose_lhs_hint = false} : vector<504x128xf32>, vector<128x128xf32>, vector<504x128xf32> -> vector<504x128xf32>
    %add3A_296 = arith.addf %add3A_286, %dot_general3A_295 : vector<504x128xf32>
    %reduce_sum3A_297 = arith.constant dense<0.000000e+00> : vector<504xf32>
    %reduce_sum3A_298 = vector.multi_reduction <add>, %reshape3A_293, %reduce_sum3A_297 [1] : vector<504x128xf32> to vector<504xf32>
    %broadcast_in_dim3A_299 = vector.shape_cast %reduce_sum3A_298 : vector<504xf32> to vector<504x1xf32>
    %add3A_300 = arith.addf %add3A_290, %broadcast_in_dim3A_299 : vector<504x1xf32>
    %slice3A_301 = vector.extract_strided_slice %add3A_296 {offsets = [0, 0], sizes = [500, 128], strides = [1, 1]} : vector<504x128xf32> to vector<500x128xf32>
    %slice3A_302 = vector.extract_strided_slice %add3A_300 {offsets = [0, 0], sizes = [500, 1], strides = [1, 1]} : vector<504x1xf32> to vector<500x1xf32>
    %max3A_303 = arith.constant 1.000000e+00 : f32
    %max3A_304 = vector.broadcast %max3A_303 : f32 to vector<500x1xf32>
    %max3A_305 = arith.maximumf %slice3A_302, %max3A_304 : vector<500x1xf32>
    %div3A_306 = vector.broadcast %max3A_305 : vector<500x1xf32> to vector<500x128xf32>
    %div3A_307 = arith.divf %slice3A_301, %div3A_306 : vector<500x128xf32>
    %slice3A_308 = vector.extract_strided_slice %get3A_38 {offsets = [0, 0], sizes = [128, 128], strides = [1, 1]} : vector<256x128xf32> to vector<128x128xf32>
    %dot_general3A_309 = arith.constant dense<0.000000e+00> : vector<500x128xf32>
    %dot_general3A_310 = tpu.matmul %div3A_307, %slice3A_308, %dot_general3A_309 {dimension_numbers = #tpu.dot_dimension_numbers<[1], [0], [0], [1], [0, 0, 1, 1], [], []>, transpose_lhs_hint = false} : vector<500x128xf32>, vector<128x128xf32>, vector<500x128xf32> -> vector<500x128xf32>
    %slice3A_311 = vector.extract_strided_slice %get3A_38 {offsets = [128, 0], sizes = [128, 128], strides = [1, 1]} : vector<256x128xf32> to vector<128x128xf32>
    %dot_general3A_312 = arith.constant dense<0.000000e+00> : vector<500x128xf32>
    %dot_general3A_313 = tpu.matmul %dot_general3A_251, %slice3A_311, %dot_general3A_312 {dimension_numbers = #tpu.dot_dimension_numbers<[1], [0], [0], [1], [0, 0, 1, 1], [], []>, transpose_lhs_hint = false} : vector<500x128xf32>, vector<128x128xf32>, vector<500x128xf32> -> vector<500x128xf32>
    %add3A_314 = arith.addf %dot_general3A_310, %dot_general3A_313 : vector<500x128xf32>
    %add3A_315 = vector.broadcast %get3A_41 : vector<1x128xf32> to vector<500x128xf32>
    %add3A_316 = arith.addf %add3A_314, %add3A_315 : vector<500x128xf32>
    %max3A_317 = arith.constant 0.000000e+00 : f32
    %max3A_318 = vector.broadcast %max3A_317 : f32 to vector<500x128xf32>
    %max3A_319 = arith.maximumf %add3A_316, %max3A_318 : vector<500x128xf32>
    %add3A_320 = arith.addf %get3A_8, %max3A_319 : vector<500x128xf32>
    %reduce_sum3A_321 = arith.constant dense<0.000000e+00> : vector<128xf32>
    %reduce_sum3A_322 = vector.multi_reduction <add>, %add3A_320, %reduce_sum3A_321 [0] : vector<500x128xf32> to vector<128xf32>
    %broadcast_in_dim3A_323 = vector.shape_cast %reduce_sum3A_322 : vector<128xf32> to vector<1x128xf32>
    %mul3A_324 = arith.constant 2.000000e-03 : f32
    %mul3A_325 = vector.broadcast %mul3A_324 : f32 to vector<1x128xf32>
    %mul3A_326 = arith.mulf %broadcast_in_dim3A_323, %mul3A_325 : vector<1x128xf32>
    %swap3A = arith.constant 0 : index
    %swap3A_327 = arith.constant 0 : index
    %swap3A_328 = arith.constant 0 : index
    %swap3A_329 = vector.load %arg12[%swap3A, %swap3A_327, %swap3A_328] : memref<1x1x128xf32, #tpu.memory_space<vmem>>, vector<1x1x128xf32>
    %swap3A_330 = vector.shape_cast %swap3A_329 : vector<1x1x128xf32> to vector<1x128xf32>
    %swap3A_331 = vector.shape_cast %mul3A_326 : vector<1x128xf32> to vector<1x1x128xf32>
    tpu.vector_store %arg12[%swap3A, %swap3A_327, %swap3A_328], %swap3A_331 {strides = array<i32>} : memref<1x1x128xf32, #tpu.memory_space<vmem>>, vector<1x1x128xf32>,
    return
  }
  func.func @transform_0(%arg0: i32) -> (i32, i32, i32) {
    %c0_i32 = arith.constant 0 : i32
    %c0_i32_0 = arith.constant 0 : i32
    %c0_i32_1 = arith.constant 0 : i32
    return %arg0, %c0_i32, %c0_i32_0 : i32, i32, i32
  }
  func.func @transform_1(%arg0: i32) -> (i32, i32, i32) {
    %c0_i32 = arith.constant 0 : i32
    %c0_i32_0 = arith.constant 0 : i32
    %c0_i32_1 = arith.constant 0 : i32
    return %arg0, %c0_i32, %c0_i32_0 : i32, i32, i32
  }
  func.func @transform_2(%arg0: i32) -> (i32, i32, i32) {
    %c0_i32 = arith.constant 0 : i32
    %c0_i32_0 = arith.constant 0 : i32
    %c0_i32_1 = arith.constant 0 : i32
    %c0_i32_2 = arith.constant 0 : i32
    return %c0_i32, %c0_i32_0, %c0_i32_1 : i32, i32, i32
  }
  func.func @transform_3(%arg0: i32) -> (i32, i32, i32) {
    %c0_i32 = arith.constant 0 : i32
    %c0_i32_0 = arith.constant 0 : i32
    %c0_i32_1 = arith.constant 0 : i32
    %c0_i32_2 = arith.constant 0 : i32
    return %c0_i32, %c0_i32_0, %c0_i32_1 : i32, i32, i32
  }
  func.func @transform_4(%arg0: i32) -> (i32, i32, i32, i32, i32) {
    %c0_i32 = arith.constant 0 : i32
    %c0_i32_0 = arith.constant 0 : i32
    %c0_i32_1 = arith.constant 0 : i32
    %c0_i32_2 = arith.constant 0 : i32
    %c0_i32_3 = arith.constant 0 : i32
    return %arg0, %c0_i32, %c0_i32_0, %c0_i32_1, %c0_i32_2 : i32, i32, i32, i32, i32
  }
  func.func @transform_5(%arg0: i32) -> (i32, i32) {
    %c0_i32 = arith.constant 0 : i32
    %c0_i32_0 = arith.constant 0 : i32
    %c0_i32_1 = arith.constant 0 : i32
    return %c0_i32, %c0_i32_0 : i32, i32
  }
  func.func @transform_6(%arg0: i32) -> (i32, i32) {
    %c0_i32 = arith.constant 0 : i32
    %c0_i32_0 = arith.constant 0 : i32
    %c0_i32_1 = arith.constant 0 : i32
    return %c0_i32, %c0_i32_0 : i32, i32
  }
  func.func @transform_7(%arg0: i32) -> (i32, i32) {
    %c0_i32 = arith.constant 0 : i32
    %c0_i32_0 = arith.constant 0 : i32
    %c0_i32_1 = arith.constant 0 : i32
    return %c0_i32, %c0_i32_0 : i32, i32
  }
  func.func @transform_8(%arg0: i32) -> (i32, i32) {
    %c0_i32 = arith.constant 0 : i32
    %c0_i32_0 = arith.constant 0 : i32
    %c0_i32_1 = arith.constant 0 : i32
    return %c0_i32, %c0_i32_0 : i32, i32
  }
  func.func @transform_9(%arg0: i32) -> (i32, i32) {
    %c0_i32 = arith.constant 0 : i32
    %c0_i32_0 = arith.constant 0 : i32
    %c0_i32_1 = arith.constant 0 : i32
    return %c0_i32, %c0_i32_0 : i32, i32
  }
  func.func @transform_10(%arg0: i32) -> (i32, i32) {
    %c0_i32 = arith.constant 0 : i32
    %c0_i32_0 = arith.constant 0 : i32
    %c0_i32_1 = arith.constant 0 : i32
    return %c0_i32, %c0_i32_0 : i32, i32
  }
  func.func @transform_11(%arg0: i32) -> (i32, i32, i32) {
    %c0_i32 = arith.constant 0 : i32
    %c0_i32_0 = arith.constant 0 : i32
    %c0_i32_1 = arith.constant 0 : i32
    return %arg0, %c0_i32, %c0_i32_0 : i32, i32, i32
  }
}

module attributes {stable_mosaic.version = 14 : i64} {
  func.func @_head_body(%arg0: memref<20x128xf32, #tpu.memory_space<vmem>>, %arg1: memref<128x128xf32, #tpu.memory_space<vmem>>, %arg2: memref<1x128xf32, #tpu.memory_space<vmem>>, %arg3: memref<128x10xf32, #tpu.memory_space<vmem>>, %arg4: memref<1x10xf32, #tpu.memory_space<vmem>>, %arg5: memref<20x10xf32, #tpu.memory_space<vmem>>) attributes {dimension_semantics = [], scalar_prefetch = 0 : i64, scratch_operands = 0 : i64, tpu.core_type = #tpu.core_type<tc>} {
    %get3A = arith.constant 0 : index
    %get3A_0 = arith.constant 0 : index
    %get3A_1 = vector.load %arg0[%get3A, %get3A_0] : memref<20x128xf32, #tpu.memory_space<vmem>>, vector<20x128xf32>
    %get3A_2 = arith.constant 0 : index
    %get3A_3 = arith.constant 0 : index
    %get3A_4 = vector.load %arg1[%get3A_2, %get3A_3] : memref<128x128xf32, #tpu.memory_space<vmem>>, vector<128x128xf32>
    %dot_general3A = arith.constant dense<0.000000e+00> : vector<20x128xf32>
    %dot_general3A_5 = tpu.matmul %get3A_1, %get3A_4, %dot_general3A {dimension_numbers = #tpu.dot_dimension_numbers<[1], [0], [0], [1], [0, 0, 1, 1], [], []>, transpose_lhs_hint = false} : vector<20x128xf32>, vector<128x128xf32>, vector<20x128xf32> -> vector<20x128xf32>
    %get3A_6 = arith.constant 0 : index
    %get3A_7 = arith.constant 0 : index
    %get3A_8 = vector.load %arg2[%get3A_6, %get3A_7] : memref<1x128xf32, #tpu.memory_space<vmem>>, vector<1x128xf32>
    %add3A = vector.broadcast %get3A_8 : vector<1x128xf32> to vector<20x128xf32>
    %add3A_9 = arith.addf %dot_general3A_5, %add3A : vector<20x128xf32>
    %max3A = arith.constant 0.000000e+00 : f32
    %max3A_10 = vector.broadcast %max3A : f32 to vector<20x128xf32>
    %max3A_11 = arith.maximumf %add3A_9, %max3A_10 : vector<20x128xf32>
    %get3A_12 = arith.constant 0 : index
    %get3A_13 = arith.constant 0 : index
    %get3A_14 = vector.load %arg3[%get3A_12, %get3A_13] : memref<128x10xf32, #tpu.memory_space<vmem>>, vector<128x10xf32>
    %dot_general3A_15 = arith.constant dense<0.000000e+00> : vector<20x10xf32>
    %dot_general3A_16 = tpu.matmul %max3A_11, %get3A_14, %dot_general3A_15 {dimension_numbers = #tpu.dot_dimension_numbers<[1], [0], [0], [1], [0, 0, 1, 1], [], []>, transpose_lhs_hint = false} : vector<20x128xf32>, vector<128x10xf32>, vector<20x10xf32> -> vector<20x10xf32>
    %get3A_17 = arith.constant 0 : index
    %get3A_18 = arith.constant 0 : index
    %get3A_19 = vector.load %arg4[%get3A_17, %get3A_18] : memref<1x10xf32, #tpu.memory_space<vmem>>, vector<1x10xf32>
    %add3A_20 = vector.broadcast %get3A_19 : vector<1x10xf32> to vector<20x10xf32>
    %add3A_21 = arith.addf %dot_general3A_16, %add3A_20 : vector<20x10xf32>
    %swap3A = arith.constant 0 : index
    %swap3A_22 = arith.constant 0 : index
    %swap3A_23 = vector.load %arg5[%swap3A, %swap3A_22] : memref<20x10xf32, #tpu.memory_space<vmem>>, vector<20x10xf32>
    tpu.vector_store %arg5[%swap3A, %swap3A_22], %add3A_21 {strides = array<i32>} : memref<20x10xf32, #tpu.memory_space<vmem>>, vector<20x10xf32>,
    return
  }
}

</mosaic_0001>

<sc_bundles>
// kernel: kernel.8.cloned.1.call-start
scs
__scs_entry_jumppad:
0x0: {  	(pc) =	sbr.rel $0x88, $3  }
0x1: {  	(tag) =	ssettag $0x0;
	lr =	simm.s32 $0x1  }
0x2: {  	[smem:$0x3F8F] =	sst lr;
	_ =	strace $0xD0000000  }
0x3: {  	_ = 	snop  }
0x4: {  	_ = 	snop  }
0x5: {  	_ = 	snop  }
0x6: {  	_ = 	snop  }
0x7: {  	_ = 	snop  }
__scs_overlays_trampoline_lowered:
0x8: {  	[smem:$0x3F9E] =	sst s0  }
0x9: {  	[smem:$0x3F9F] =	sst s1  }
0xa: {  	[smem:$0x3FA0] =	sst s2  }
0xb: {  	[smem:$0x3FA1] =	sst s3  }
0xc: {  	[smem:$0x3FA2] =	sst s4  }
0xd: {  	[smem:$0x3FA3] =	sst s5  }
0xe: {  	[smem:$0x3FA4] =	sst s6  }
0xf: {  	[smem:$0x3FA5] =	sst s7  }
0x10: {  	[smem:$0x3FA6] =	sst s8  }
0x11: {  	[smem:$0x3FA7] =	sst s9;
	s0 =	simm.s32 @!p0 $0x0  }
0x12: {  	s1 =	sld [smem:$0x3F8D];
	s0 =	simm.s32 @p0 $0x1  }
0x13: {  	[smem:$0x3FA8] =	sst s0;
	s0 =	simm.s32 @!p1 $0x0  }
0x14: {  	s2 =	sld [smem:$0x3F8C];
	s0 =	simm.s32 @p1 $0x1  }
0x15: {  	[smem:$0x3FA9] =	sst s0;
	s0 =	simm.s32 @!p2 $0x0  }
0x16: {  	s3 =	sld [smem:$0x3FDB];
	s0 =	simm.s32 @p2 $0x1  }
0x17: {  	s4 =	simm.s32 $0x1BF5;
	[smem:$0x3FAB] =	sst s0  }
0x18: {  	s0 =	sld [smem:$0x3F8E];
	_ =	swait.ge [sflag:s4], $0x0  }
0x19: {  	s7 =	sld [smem:$0x3F8F]  }
0x1a: {  	s8 =	sadd.s32 $0xFFFFE003, lr  }
0x1b: {  	s9 =	sadd.s32 $0xFFFFFEF7, lr;
	s5 =	simm.s32 $0xFFFFFFFF;
	p2 =	slt.u32 s8, $0xFFFFF086  }
0x1c: {  	p1 =	slt.u32 s9, $0xF7A;
	s5 =	simm.s32 @!p2 $0x0  }
0x1d: {  	s5 =	simm.s32 @p1 $0x1;
	p0 =	seq.s32 s7, s2  }
0x1e: {  	s7 =	smul.u32 @!p0 $0xF7A, s2;
	p2 =	seq.s32 @!p0 s5, $0x0  }
0x1f: {  	s9 =	smul.u32 $0xF7A, s1;
	s8 =	simm.s32 @!p0 $0x1BF5;
	p2 =	por !p2, p0  }
0x20: {  	[sflag:s8] =	ssyncset.s32 @!p0 $0xFFFFF086;
	s6 =	sadd.s32 @!p0 s3, s7;
	s7 =	simm.s32 @!p0 $0x108  }
0x21: {  	s3 =	sadd.s32 s3, s9;
	s6 =	sadd.s32 @!p0 $0x88, s6;
	s7 =	simm.s32 @p2 $0x1082  }
0x22: {  	[simem:s7], [sflag:s8] =	dma.local @!p0 [hbm:s6], $0xF7A  }
0x23: {  	s9 =	sor.u32 $0xD0000000, s2;
	s6 =	simm.s32 $0x108;
	_ =	swait.ge @!p0 [sflag:s8], $0x0  }
0x24: {  	s3 =	sadd.s32 $0x88, s3;
	s6 =	simm.s32 @!p1 $0x1082;
	[sflag:s4] =	ssyncset.s32 $0xFFFFF086  }
0x25: {  	[simem:s6], [sflag:s4] =	dma.local [hbm:s3], $0xF7A  }
0x26: {  	[smem:$0x3F8F] =	sst s1;
	(tag) =	ssettag s2;
	_ =	strace s9  }
0x27: {  	s1 =	sld [smem:$0x3F9F]  }
0x28: {  	s2 =	sld [smem:$0x3FA0]  }
0x29: {  	s4 =	sld [smem:$0x3FA2]  }
0x2a: {  	p0 =	seq.s32 s5, $0x0;
	s5 =	sld [smem:$0x3FA3]  }
0x2b: {  	s6 =	sld [smem:$0x3FA4]  }
0x2c: {  	s7 =	sld [smem:$0x3FA5]  }
0x2d: {  	s3 =	simm.s32 $0x108;
	s8 =	sld [smem:$0x3FA6]  }
0x2e: {  	s3 =	simm.s32 @!p0 $0x1082;
	s9 =	sld [smem:$0x3FA7]  }
0x2f: {  	lr =	sadd.s32 s0, s3;
	s0 =	sld [smem:$0x3F9E]  }
0x30: {  	s3 =	sld [smem:$0x3FA1]  }
0x31: {  	[smem:$0x3FAA] =	sst s10  }
0x32: {  	s10 =	sld [smem:$0x3FA8];
	_ =	sdelay $0x3  }
0x33: {  	p0 =	seq.s32 s10, $0x1;
	s10 =	sld [smem:$0x3FAA];
	_ =	sdelay $0x3  }
0x34: {  	[smem:$0x3FAA] =	sst s10  }
0x35: {  	s10 =	sld [smem:$0x3FA9];
	_ =	sdelay $0x3  }
0x36: {  	p1 =	seq.s32 s10, $0x1;
	s10 =	sld [smem:$0x3FAA];
	_ =	sdelay $0x3  }
0x37: {  	[smem:$0x3FAA] =	sst s10  }
0x38: {  	s10 =	sld [smem:$0x3FAB]  }
0x39: {  	_ = 	snop;
	(pc) =	sbr.ind lr, $3  }
0x3a: {  	_ = 	snop  }
0x3b: {  	_ = 	snop  }
0x3c: {  	p2 =	seq.s32 s10, $0x1;
	s10 =	sld [smem:$0x3FAA]  }
0x3d: {  	_ =	shalt  }
0x3e: {  	_ =	shalt  }
0x3f: {  	_ =	shalt  }
0x40: {  	_ =	shalt  }
0x41: {  	_ =	shalt  }
0x42: {  	_ =	shalt  }
0x43: {  	_ =	shalt  }
0x44: {  	_ =	shalt  }
0x45: {  	_ =	shalt  }
0x46: {  	_ =	shalt  }
0x47: {  	_ =	shalt  }
0x48: {  	_ =	shalt  }
0x49: {  	_ =	shalt  }
0x4a: {  	_ =	shalt  }
0x4b: {  	_ =	shalt  }
0x4c: {  	_ =	shalt  }
0x4d: {  	_ =	shalt  }
0x4e: {  	_ =	shalt  }
0x4f: {  	_ =	shalt  }
0x50: {  	_ =	shalt  }
0x51: {  	_ =	shalt  }
0x52: {  	_ =	shalt  }
0x53: {  	_ =	shalt  }
0x54: {  	_ =	shalt  }
0x55: {  	_ =	shalt  }
0x56: {  	_ =	shalt  }
0x57: {  	_ =	shalt  }
0x58: {  	_ =	shalt  }
0x59: {  	_ =	shalt  }
0x5a: {  	_ =	shalt  }
0x5b: {  	_ =	shalt  }
0x5c: {  	_ =	shalt  }
0x5d: {  	_ =	shalt  }
0x5e: {  	_ =	shalt  }
0x5f: {  	_ =	shalt  }
0x60: {  	_ =	shalt  }
0x61: {  	_ =	shalt  }
0x62: {  	_ =	shalt  }
0x63: {  	_ =	shalt  }
0x64: {  	_ =	shalt  }
0x65: {  	_ =	shalt  }
0x66: {  	_ =	shalt  }
0x67: {  	_ =	shalt  }
0x68: {  	_ =	shalt  }
0x69: {  	_ =	shalt  }
0x6a: {  	_ =	shalt  }
0x6b: {  	_ =	shalt  }
0x6c: {  	_ =	shalt  }
0x6d: {  	_ =	shalt  }
0x6e: {  	_ =	shalt  }
0x6f: {  	_ =	shalt  }
0x70: {  	_ =	shalt  }
0x71: {  	_ =	shalt  }
0x72: {  	_ =	shalt  }
0x73: {  	_ =	shalt  }
0x74: {  	_ =	shalt  }
0x75: {  	_ =	shalt  }
0x76: {  	_ =	shalt  }
0x77: {  	_ =	shalt  }
0x78: {  	_ =	shalt  }
0x79: {  	_ =	shalt  }
0x7a: {  	_ =	shalt  }
0x7b: {  	_ =	shalt  }
0x7c: {  	_ =	shalt  }
0x7d: {  	_ =	shalt  }
0x7e: {  	_ =	shalt  }
0x7f: {  	_ =	shalt  }
0x80: {  	_ =	shalt  }
0x81: {  	_ =	shalt  }
0x82: {  	_ =	shalt  }
0x83: {  	_ =	shalt  }
0x84: {  	_ =	shalt  }
0x85: {  	_ =	shalt  }
0x86: {  	_ =	shalt  }
0x87: {  	_ =	shalt  }
.Lfunc_end0:
.L_simem_size_0:
called_computation_lowered:
.L_overlay_start_0:
0x88: {  	s2 =	sld [smem:$0x3FD9]  }
0x89: {  	s3 =	sld [smem:$0x3FFE];
	_ =	sdelay $0x1  }
0x8a: {  	s1 =	srdreg.scid  }
0x8b: {  	s0 =	sand.u32 $0x1, s1  }
0x8c: {  	s16 =	sshll.u32 s0, $0xA;
	s2 =	sadd.s32 s3, s2  }
0x8d: {  	s2 =	sadd.s32 s2, s16  }
0x8e: {  	[smem:$0x3FB6] =	sst s2  }
0x8f: {  	_ = 	snop  }
0x90: {  	(tm) =	ssettm $0x1  }
0x91: {  	s17 =	sld [smem:$0x3FFB];
	_ =	sdelay $0x3  }
0x92: {  	_ =	strace s17  }
0x93: {  	s2 =	sld [smem:$0x3FFC];
	_ =	sdelay $0x3  }
0x94: {  	_ =	strace s2  }
0x95: {  	s2 =	sld [smem:$0x3FFD];
	_ =	sdelay $0x3  }
0x96: {  	_ =	strace s2  }
0x97: {  	_ =	strace $0x8FFFFFFF  }
0x98: {  	s18 =	sld [smem:$0x3FDB];
	_ =	sdelay $0x1  }
0x99: {  	s19 =	simm.s32 $_scs_section_size  }
0x9a: {  	s4 =	simm.s32 $_size__tile_overlayer_lowered;
	s5 =	simm.s32 $_tile_overlayer_lowered  }
0x9b: {  	s22 =	simm.s32 $0x1BFF;
	s21 =	sshll.u32 s5, $0x1;
	s2 =	sadd.s32 s19, s18  }
0x9c: {  	s6 =	simm.s32 $0x0;
	s20 =	sshll.u32 s4, $0x1;
	s4 =	sadd.s32 s21, s2  }
0x9d: {  	[timem:s6], [sflag:s22] =	dma.local [hbm:s4], s20  }
0x9e: {  	_ =	swait.ge [sflag:s22], s20  }
0x9f: {  	s3 =	ssub.s32 $0x0, s20;
	[sflag:s22] =	ssyncset.done $0x0  }
0xa0: {  	[sflag:s22] =	ssyncadd.s32 s3;
	_ =	sdelay $0x1  }
0xa1: {  	s23 =	simm.s32 $0x1B8B  }
0xa2: {  	_ =	swait.ge [sflag:s23], $0x1  }
0xa3: {  	[sflag:s23] =	ssyncset.done $0x0  }
0xa4: {  	s25 =	simm.s32 $0x1B8E;
	s24 =	sld [smem:$0x3FFE];
	[sflag:s23] =	ssyncadd.s32 $0xFFFFFFFF  }
0xa5: {  	s26 =	simm.s32 $execute0_lowered;
	[smem:$0x3FD2] =	sst s25  }
0xa6: {  	s4 =	sshll.u32 s26, $0x1;
	_ =	strace $0x80000046;
	[dreg:$0x1] =	wrdreg $0xFFFFFFFF  }
0xa7: {  	s28 =	simm.s32 $_size_execute0_lowered;
	s2 =	sadd.s32 s2, s4;
	[dreg:$0x0] =	wrdreg $0x0  }
0xa8: {  	s4 =	sshll.u32 s28, $0x1;
	[dreg:$0x2] =	wrdreg s2  }
0xa9: {  	[dreg:$0x3] =	wrdreg s4  }
0xaa: {  	[dreg:$0x4] =	wrdreg $0xC0  }
0xab: {  	_ =	task [dreg:s6], $0x5FFFF  }
0xac: {  	[dreg:$0x1] =	wrdreg $0xFFFFFFFF  }
0xad: {  	[dreg:$0x0] =	wrdreg $0x60  }
0xae: {  	[dreg:$0x2] =	wrdreg s24  }
0xaf: {  	[dreg:$0x3] =	wrdreg $0x10D000  }
0xb0: {  	[dreg:$0x4] =	wrdreg $0x9  }
0xb1: {  	_ =	task.clear_ibuf [dreg:s6], $0x5FFFF;
	_ =	strace $0x90000046  }
0xb2: {  	s29 =	simm.s32 $0x9;
	_ =	strace $0x80000048  }
0xb3: {  	_ =	swait.ge [sflag:s29], $0x1  }
0xb4: {  	[sflag:s29] =	ssyncadd.s32 $0xFFFFFFFF  }
0xb5: {  	_ =	strace $0x90000048  }
0xb6: {  	_ =	sfence  }
0xb7: {  	s30 =	sld [smem:$0x0];
	_ =	sdelay $0x2  }
0xb8: {  	s31 =	sshll.u32 s1, $0xD;
	s1 =	sshrl.u32 s1, $0x2  }
0xb9: {  	s3 =	sand.u32 $0x4000, s31;
	s1 =	sadd.s32 s1, s30  }
0xba: {  	s0 =	sor.u32 s3, s0;
	s1 =	sshll.u32 s1, $0x11  }
0xbb: {  	s0 =	sor.u32 s1, s0  }
0xbc: {  	s0 =	sadd.s32 $0x8F2B, s0  }
0xbd: {  	[sflag:s0] =	ssyncadd.remote.s32 $0x1  }
0xbe: {  	_ =	sfence.sel $0xFFFF  }
0xbf: {  	[dreg:$0x0] =	wrdreg $0xFFFFFFFF;
	(pc) =	sbr.abs _section_cstart, $3  }
0xc0: {  	[dreg:$0x1] =	wrdreg $0xFFFFFFFF  }
0xc1: {  	_ =	task.clear_ibuf [dreg:s6], $0x2FFFF;
	_ =	strace $0x9FFFFFFF  }
0xc2: {  	(tm) =	ssettm $0x7FFFFFFF  }
0xc3: {  	_ =	shalt  }
tec
execute0_lowered:
.L_overlay_start_1:
0x0: {  	(tag) =	ssettag $0x1  }
0x1: {  	s0 =	rddreg [dreg:$0x0]  }
0x2: {  	s1 =	rddreg [dreg:$0x1];
	s3 =	simm.s32 $0x0;
	s2 =	srdreg.scid  }
0x3: {  	s9 =	stileid.u32;
	s28 =	simm.s32 $0x7E00;
	s29 =	simm.s32 $0x1  }
0x4: {  	s30 =	simm.s32 $0x0;
	[smem:$0x7FF] =	sst s3;
	s7 =	smul.u32 $0x7D0, s9  }
0x5: {  	s2 =	sand.u32 $0x1, s2;
	s16 =	sadd.s32 $0xD400, s0;
	s9 =	smul.u32 $0x7E00, s9  }
0x6: {  	s17 =	sadd.s32 $0x3600, s0;
	s0 =	sadd.s32 $0x17200, s0;
	s6 =	smul.u32 $0x27100, s2  }
0x7: {  	s5 =	smul.u32 $0xA, s2;
	_ =	strace $0x80000047;
	s4 =	ssub.s32 $0x2, s2  }
0x8: {  	s2 =	smul.u32 $0x276000, s2;
	s8 =	sshrl.u32 s4, $0x1;
	s15 =	sadd.s32 s7, s6  }
0x9: {  	s24 =	sadd.s32 $0x2, s5;
	s20 =	ssub.s32 s4, s8;
	s4 =	sadd.s32 s9, s1  }
0xa: {  	s2 =	sadd.s32 s9, s2;
	s25 =	sadd.s32 $0x4, s5;
	s18 =	smul.u32 $0x3E80, s24  }
0xb: {  	s31 =	sadd.s32 $0x8, s5;
	s6 =	sshrl.u32 s15, $0x3;
	s19 =	smul.u32 $0x3F000, s24  }
0xc: {  	s21 =	sshrl.u32 s2, $0x3;
	s22 =	sadd.s32 $0xFA00, s15;
	s13 =	sadd.s32 $0xFC000, s2  }
0xd: {  	s14 =	sadd.s32 $0x17700, s15;
	s20 =	smax.u32 s20, $0x1;
	v1 =	vmov s24;
	s24 =	simm.s32 $0x80  }
0xe: {  	v2 =	vmov s25;
	s25 =	simm.s32 $0x10C00;
	s10 =	sadd.s32 s16, s6;
	s6 =	sadd.s32 s17, s6  }
0xf: {  	s12 =	sshrl.u32 s22, $0x3;
	s13 =	sshrl.u32 s13, $0x3;
	[dreg:$0x3] =	wrdreg s10  }
0x10: {  	s22 =	simm.s32 $0xFC00;
	[dreg:$0x4] =	wrdreg s6;
	s7 =	sadd.s32 s7, s18  }
0x11: {  	s9 =	sadd.s32 s9, s19;
	s13 =	sadd.s32 s0, s13;
	s18 =	sshrl.u32 s14, $0x3  }
0x12: {  	s19 =	sadd.s32 $0x17A000, s2;
	s2 =	sadd.s32 $0x1F8000, s2;
	s11 =	sshrl.u32 s7, $0x3  }
0x13: {  	s7 =	sadd.s32 s0, s21;
	s10 =	sshrl.u32 s9, $0x3;
	s14 =	sadd.s32 s16, s18  }
0x14: {  	s21 =	sadd.s32 $0x1F400, s15;
	s15 =	sadd.s32 s17, s18;
	s23 =	sshrl.u32 s19, $0x3  }
0x15: {  	s2 =	sshrl.u32 s2, $0x3;
	s8 =	sadd.s32 s16, s11;
	s9 =	sadd.s32 s17, s11  }
0x16: {  	s10 =	sadd.s32 s0, s10;
	s11 =	sadd.s32 s16, s12;
	s12 =	sadd.s32 s17, s12  }
0x17: {  	s26 =	sshrl.u32 s21, $0x3;
	s18 =	sadd.s32 s0, s23;
	s19 =	sadd.s32 s0, s2  }
0x18: {  	v5 =	vimm.f32 $0.0e+00;
	v6 =	vimm.f32 $1.000000000e+00;
	s16 =	sadd.s32 s16, s26;
	s17 =	sadd.s32 s17, s26;
	s26 =	sadd.s32 $0x6, s5  }
0x19: {  	v0 =	vmov s5;
	v4 =	vmov s31;
	s21 =	simm.s32 $0x2;
	s23 =	simm.s32 $0x10400;
	v3 =	vmov s26;
	s26 =	simm.s32 $0x10C80  }
.LBB2_1:
0x1a: {  	s0 =	simm.s32 $0x40;
	s2 =	simm.s32 $0x0  }
.LBB2_2:
0x1b: {  	p0 =	sne.s32 s0, $0x1F7C0;
	[tilespmem:s2+$0x0] =	vst v5;
	s2 =	smov.u32 s0;
	s0 =	sadd.s32 $0x40, s0  }
.Ltmp0:
0x1c: {  	(pc) =	sbr.rel @p0 .LBB2_2-.Ltmp0, $2  }
0x1d: {  	_ =	sdelay $0x2  }
0x1e: {  	s2 =	sshra.s32 s2, $0x2  }
0x1f: {  	[tilespmem:s2+$0x0] =	vst v5  }
0x20: {  	[tilespmem:$0x10C80] =	vst v6  }
0x21: {  	[tilespmem:$0x10C90] =	vst v6  }
0x22: {  	[tilespmem:$0x10CA0] =	vst v6  }
0x23: {  	[tilespmem:$0x10CB0] =	vst v6  }
0x24: {  	[tilespmem:$0x10CC0] =	vst v6  }
0x25: {  	[tilespmem:$0x10CD0] =	vst v6  }
0x26: {  	[tilespmem:$0x10CE0] =	vst v6  }
0x27: {  	[tilespmem:$0x10CF0] =	vst v6  }
0x28: {  	[spmem:s4] =	stream.linear.scatter [tilespmem:s3], [sflag:$0x2], $0x7E00, $0x38;
	[tilespmem:$0x18B08] =	vst v63  }
0x29: {  	_ =	swait.ge [sflag:s21], $0x7E00  }
0x2a: {  	[sflag:s21] =	ssyncset.done $0x0  }
0x2b: {  	s0 =	rddreg [dreg:$0x3];
	[sflag:s21] =	ssyncadd.s32 $0xFFFF8200  }
0x2c: {  	[tilespmem:s22], [sflag:$0x2] =	stream.linear.gather [hbm4b:s0+s3], $0x7D0, $0x38;
	[tilespmem:$0x18B08] =	vst v63  }
0x2d: {  	_ =	swait.ge [sflag:s21], $0x7D0  }
0x2e: {  	[sflag:s21] =	ssyncset.done $0x0  }
0x2f: {  	s6 =	rddreg [dreg:$0x4];
	[sflag:s21] =	ssyncadd.s32 $0xFFFFF830  }
0x30: {  	[tilespmem:s23], [sflag:$0x2] =	stream.linear.gather [hbm4b:s6+s3], $0x7D0, $0x38;
	[tilespmem:$0x18B08] =	vst v63  }
0x31: {  	_ =	swait.ge [sflag:s21], $0x7D0  }
0x32: {  	[sflag:s21] =	ssyncset.done $0x0  }
0x33: {  	[sflag:s21] =	ssyncadd.s32 $0xFFFFF830  }
0x34: {  	s31 =	simm.s32 $0x10440;
	[bflag:$0x0] =	sbarrier.arrive $0xFFFF  }
0x35: {  	v7 =	vld [tilespmem:s31+$0xFFFFFFC0];
	_ =	sdelay $0x4  }
0x36: {  	s0 =	simm.s32 $0xFC40;
	v8 =	vmul.u32 $0x418A, v7  }
0x37: {  	v9 =	vld [tilespmem:s0+$0xFFFFFFC0]  }
0x38: {  	v8 =	vshrl.u32 v8, $0x17  }
0x39: {  	v10 =	vmul.u32 $0x1F4, v8;
	_ =	sdelay $0x1  }
0x3a: {  	v7 =	vsub.s32 v7, v10  }
0x3b: {  	v9 =	vsub.s32 v9, v10;
	v35 =	vshrl.u32 v7, $0x1  }
0x3c: {  	v8 =	vsub.s32 v8, v0;
	v11 =	vshrl.u32 v9, $0x7;
	v10 =	vand.u32 $0x3FFFFC, v35  }
0x3d: {  	v8 =	vmul.u32 $0x3F000, v8;
	v10 =	vadd.s32 v11, v10  }
0x3e: {  	v7 =	vshll.u32 v7, $0x7;
	v10 =	vshll.u32 v10, $0xA  }
0x3f: {  	v7 =	vand.u32 $0x380, v7;
	v8 =	vadd.s32 v8, v10  }
0x40: {  	v7 =	vor.u32 v7, v8;
	v8 =	vand.u32 $0x7F, v9  }
0x41: {  	v7 =	vor.u32 v8, v7  }
0x42: {  	[tilespmem:$0x10C00] =	vst v7  }
0x43: {  	v7 =	vld [tilespmem:s31+$0xFFFFFFD0];
	_ =	sdelay $0x4  }
0x44: {  	v8 =	vmul.u32 $0x418A, v7  }
0x45: {  	v36 =	vld [tilespmem:s0+$0xFFFFFFD0]  }
0x46: {  	v8 =	vshrl.u32 v8, $0x17  }
0x47: {  	v37 =	vmul.u32 $0x1F4, v8;
	_ =	sdelay $0x1  }
0x48: {  	v7 =	vsub.s32 v7, v37  }
0x49: {  	v9 =	vsub.s32 v36, v37;
	v38 =	vshrl.u32 v7, $0x1  }
0x4a: {  	v8 =	vsub.s32 v8, v0;
	v39 =	vshrl.u32 v9, $0x7;
	v10 =	vand.u32 $0x3FFFFC, v38  }
0x4b: {  	v8 =	vmul.u32 $0x3F000, v8;
	v10 =	vadd.s32 v39, v10  }
0x4c: {  	v7 =	vshll.u32 v7, $0x7;
	v10 =	vshll.u32 v10, $0xA  }
0x4d: {  	v7 =	vand.u32 $0x380, v7;
	v8 =	vadd.s32 v8, v10  }
0x4e: {  	v7 =	vor.u32 v7, v8;
	v8 =	vand.u32 $0x7F, v9  }
0x4f: {  	v7 =	vor.u32 v8, v7  }
0x50: {  	[tilespmem:$0x10C10] =	vst v7  }
0x51: {  	v7 =	vld [tilespmem:s31+$0xFFFFFFE0];
	_ =	sdelay $0x4  }
0x52: {  	v8 =	vmul.u32 $0x418A, v7  }
0x53: {  	v40 =	vld [tilespmem:s0+$0xFFFFFFE0]  }
0x54: {  	v8 =	vshrl.u32 v8, $0x17  }
0x55: {  	v41 =	vmul.u32 $0x1F4, v8;
	_ =	sdelay $0x1  }
0x56: {  	v7 =	vsub.s32 v7, v41  }
0x57: {  	v9 =	vsub.s32 v40, v41;
	v42 =	vshrl.u32 v7, $0x1  }
0x58: {  	v8 =	vsub.s32 v8, v0;
	v43 =	vshrl.u32 v9, $0x7;
	v10 =	vand.u32 $0x3FFFFC, v42  }
0x59: {  	v8 =	vmul.u32 $0x3F000, v8;
	v10 =	vadd.s32 v43, v10  }
0x5a: {  	v7 =	vshll.u32 v7, $0x7;
	v10 =	vshll.u32 v10, $0xA  }
0x5b: {  	v7 =	vand.u32 $0x380, v7;
	v8 =	vadd.s32 v8, v10  }
0x5c: {  	v7 =	vor.u32 v7, v8;
	v8 =	vand.u32 $0x7F, v9  }
0x5d: {  	v7 =	vor.u32 v8, v7  }
0x5e: {  	[tilespmem:$0x10C20] =	vst v7  }
0x5f: {  	v7 =	vld [tilespmem:s31+$0xFFFFFFF0];
	_ =	sdelay $0x4  }
0x60: {  	v8 =	vmul.u32 $0x418A, v7  }
0x61: {  	v44 =	vld [tilespmem:s0+$0xFFFFFFF0]  }
0x62: {  	v8 =	vshrl.u32 v8, $0x17  }
0x63: {  	v45 =	vmul.u32 $0x1F4, v8;
	_ =	sdelay $0x1  }
0x64: {  	v7 =	vsub.s32 v7, v45  }
0x65: {  	v9 =	vsub.s32 v44, v45;
	v46 =	vshrl.u32 v7, $0x1  }
0x66: {  	v8 =	vsub.s32 v8, v0;
	v47 =	vshrl.u32 v9, $0x7;
	v10 =	vand.u32 $0x3FFFFC, v46  }
0x67: {  	v8 =	vmul.u32 $0x3F000, v8;
	v10 =	vadd.s32 v47, v10  }
0x68: {  	v7 =	vshll.u32 v7, $0x7;
	v10 =	vshll.u32 v10, $0xA  }
0x69: {  	v7 =	vand.u32 $0x380, v7;
	v8 =	vadd.s32 v8, v10  }
0x6a: {  	v7 =	vor.u32 v7, v8;
	v8 =	vand.u32 $0x7F, v9  }
0x6b: {  	v7 =	vor.u32 v8, v7  }
0x6c: {  	[tilespmem:$0x10C30] =	vst v7  }
0x6d: {  	v7 =	vld [tilespmem:s31+$0x0];
	_ =	sdelay $0x4  }
0x6e: {  	v8 =	vmul.u32 $0x418A, v7  }
0x6f: {  	v48 =	vld [tilespmem:s0+$0x0]  }
0x70: {  	v8 =	vshrl.u32 v8, $0x17  }
0x71: {  	v49 =	vmul.u32 $0x1F4, v8;
	_ =	sdelay $0x1  }
0x72: {  	v7 =	vsub.s32 v7, v49  }
0x73: {  	v9 =	vsub.s32 v48, v49;
	v50 =	vshrl.u32 v7, $0x1  }
0x74: {  	v8 =	vsub.s32 v8, v0;
	v51 =	vshrl.u32 v9, $0x7;
	v10 =	vand.u32 $0x3FFFFC, v50  }
0x75: {  	v8 =	vmul.u32 $0x3F000, v8;
	v10 =	vadd.s32 v51, v10  }
0x76: {  	v7 =	vshll.u32 v7, $0x7;
	v10 =	vshll.u32 v10, $0xA  }
0x77: {  	v7 =	vand.u32 $0x380, v7;
	v8 =	vadd.s32 v8, v10  }
0x78: {  	v7 =	vor.u32 v7, v8;
	v8 =	vand.u32 $0x7F, v9  }
0x79: {  	p0 =	por $0x1, $0x1;
	v7 =	vor.u32 v8, v7  }
0x7a: {  	v7 =	vpsel !p0, $0x7E000, v7  }
0x7b: {  	[tilespmem:$0x10C40] =	vst v7  }
0x7c: {  	v7 =	vld [tilespmem:s31+$0x10];
	_ =	sdelay $0x4  }
0x7d: {  	v8 =	vmul.u32 $0x418A, v7  }
0x7e: {  	v52 =	vld [tilespmem:s0+$0x10]  }
0x7f: {  	v8 =	vshrl.u32 v8, $0x17  }
0x80: {  	v53 =	vmul.u32 $0x1F4, v8;
	_ =	sdelay $0x1  }
0x81: {  	v7 =	vsub.s32 v7, v53  }
0x82: {  	v9 =	vsub.s32 v52, v53;
	v54 =	vshrl.u32 v7, $0x1  }
0x83: {  	v8 =	vsub.s32 v8, v0;
	v55 =	vshrl.u32 v9, $0x7;
	v10 =	vand.u32 $0x3FFFFC, v54  }
0x84: {  	v8 =	vmul.u32 $0x3F000, v8;
	v10 =	vadd.s32 v55, v10  }
0x85: {  	v7 =	vshll.u32 v7, $0x7;
	v10 =	vshll.u32 v10, $0xA  }
0x86: {  	v7 =	vand.u32 $0x380, v7;
	v8 =	vadd.s32 v8, v10  }
0x87: {  	v7 =	vor.u32 v7, v8;
	v8 =	vand.u32 $0x7F, v9  }
0x88: {  	p4 =	por $0x1, $0x1;
	v7 =	vor.u32 v8, v7  }
0x89: {  	v7 =	vpsel !p4, $0x7E000, v7  }
0x8a: {  	[tilespmem:$0x10C50] =	vst v7  }
0x8b: {  	v7 =	vld [tilespmem:s31+$0x20];
	_ =	sdelay $0x4  }
0x8c: {  	v8 =	vmul.u32 $0x418A, v7  }
0x8d: {  	v56 =	vld [tilespmem:s0+$0x20]  }
0x8e: {  	v8 =	vshrl.u32 v8, $0x17  }
0x8f: {  	v57 =	vmul.u32 $0x1F4, v8;
	_ =	sdelay $0x1  }
0x90: {  	v7 =	vsub.s32 v7, v57  }
0x91: {  	v9 =	vsub.s32 v56, v57;
	v58 =	vshrl.u32 v7, $0x1  }
0x92: {  	v8 =	vsub.s32 v8, v0;
	v59 =	vshrl.u32 v9, $0x7;
	v10 =	vand.u32 $0x3FFFFC, v58  }
0x93: {  	v8 =	vmul.u32 $0x3F000, v8;
	v10 =	vadd.s32 v59, v10  }
0x94: {  	v7 =	vshll.u32 v7, $0x7;
	v10 =	vshll.u32 v10, $0xA  }
0x95: {  	v7 =	vand.u32 $0x380, v7;
	v8 =	vadd.s32 v8, v10  }
0x96: {  	v7 =	vor.u32 v7, v8;
	v8 =	vand.u32 $0x7F, v9  }
0x97: {  	p5 =	por $0x1, $0x1;
	v7 =	vor.u32 v8, v7  }
0x98: {  	v7 =	vpsel !p5, $0x7E000, v7  }
0x99: {  	[tilespmem:$0x10C60] =	vst v7  }
0x9a: {  	v7 =	vld [tilespmem:s31+$0x30];
	_ =	sdelay $0x4  }
0x9b: {  	v8 =	vmul.u32 $0x418A, v7  }
0x9c: {  	v60 =	vld [tilespmem:s0+$0x30]  }
0x9d: {  	v8 =	vshrl.u32 v8, $0x17  }
0x9e: {  	v61 =	vmul.u32 $0x1F4, v8;
	_ =	sdelay $0x1  }
0x9f: {  	v7 =	vsub.s32 v7, v61  }
0xa0: {  	v9 =	vsub.s32 v60, v61;
	v62 =	vshrl.u32 v7, $0x1  }
0xa1: {  	v8 =	vsub.s32 v8, v0;
	v63 =	vshrl.u32 v9, $0x7;
	v10 =	vand.u32 $0x3FFFFC, v62  }
0xa2: {  	v8 =	vmul.u32 $0x3F000, v8;
	v10 =	vadd.s32 v63, v10  }
0xa3: {  	v7 =	vshll.u32 v7, $0x7;
	v10 =	vshll.u32 v10, $0xA  }
0xa4: {  	v7 =	vand.u32 $0x380, v7;
	v8 =	vadd.s32 v8, v10  }
0xa5: {  	v7 =	vor.u32 v7, v8;
	v8 =	vand.u32 $0x7F, v9  }
0xa6: {  	p6 =	por $0x1, $0x1;
	v7 =	vor.u32 v8, v7  }
0xa7: {  	v7 =	vpsel !p6, $0x7E000, v7  }
0xa8: {  	[tilespmem:$0x10C70] =	vst v7  }
0xa9: {  	[spmem:s1] =	stream.indirect.scatter.add.f32 [tilespmem:s26], [sflag:$0x2], $0x1, s25, s24, $0xb8;
	[tilespmem:$0x18B08] =	vst v63  }
0xaa: {  	_ =	swait.ge [sflag:s21], $0x80  }
0xab: {  	s2 =	simm.s32 $0xF0;
	[sflag:s21] =	ssyncset.done $0x0  }
.LBB2_4:
0xac: {  	[sflag:s21] =	ssyncadd.s32 $0xFFFFFF80;
	s31 =	sadd.s32 $0x80, s31;
	s0 =	sadd.s32 $0x80, s0  }
0xad: {  	p0 =	sne.s32 s2, $0x7F0;
	s5 =	smov.u32 s2;
	s2 =	sadd.s32 $0x80, s2;
	v7 =	vld [tilespmem:s31+$0xFFFFFFC0]  }
0xae: {  	_ =	sdelay $0x3  }
0xaf: {  	v8 =	vld [tilespmem:s0+$0xFFFFFFC0];
	v9 =	vmul.u32 $0x418A, v7;
	_ =	sdelay $0x1  }
0xb0: {  	v9 =	vshrl.u32 v9, $0x17  }
0xb1: {  	v10 =	vmul.u32 $0x1F4, v9;
	v9 =	vsub.s32 v9, v0;
	_ =	sdelay $0x1  }
0xb2: {  	v7 =	vsub.s32 v7, v10;
	v8 =	vsub.s32 v8, v10  }
0xb3: {  	v10 =	vshrl.u32 v7, $0x1;
	v7 =	vshll.u32 v7, $0x7  }
0xb4: {  	v11 =	vshrl.u32 v8, $0x7;
	v10 =	vand.u32 $0x3FFFFC, v10  }
0xb5: {  	v9 =	vmul.u32 $0x3F000, v9;
	v10 =	vadd.s32 v11, v10  }
0xb6: {  	v10 =	vshll.u32 v10, $0xA  }
0xb7: {  	v7 =	vand.u32 $0x380, v7;
	v9 =	vadd.s32 v9, v10  }
0xb8: {  	v8 =	vand.u32 $0x7F, v8;
	v7 =	vor.u32 v7, v9  }
0xb9: {  	v7 =	vor.u32 v8, v7  }
0xba: {  	[tilespmem:$0x10C00] =	vst v7  }
0xbb: {  	v7 =	vld [tilespmem:s31+$0xFFFFFFD0];
	_ =	sdelay $0x4  }
0xbc: {  	v8 =	vld [tilespmem:s0+$0xFFFFFFD0];
	v9 =	vmul.u32 $0x418A, v7;
	_ =	sdelay $0x1  }
0xbd: {  	v9 =	vshrl.u32 v9, $0x17  }
0xbe: {  	v10 =	vmul.u32 $0x1F4, v9;
	v9 =	vsub.s32 v9, v0;
	_ =	sdelay $0x1  }
0xbf: {  	v7 =	vsub.s32 v7, v10;
	v8 =	vsub.s32 v8, v10  }
0xc0: {  	v10 =	vshrl.u32 v7, $0x1;
	v7 =	vshll.u32 v7, $0x7  }
0xc1: {  	v11 =	vshrl.u32 v8, $0x7;
	v10 =	vand.u32 $0x3FFFFC, v10  }
0xc2: {  	v9 =	vmul.u32 $0x3F000, v9;
	v10 =	vadd.s32 v11, v10  }
0xc3: {  	v10 =	vshll.u32 v10, $0xA  }
0xc4: {  	v7 =	vand.u32 $0x380, v7;
	v9 =	vadd.s32 v9, v10  }
0xc5: {  	v8 =	vand.u32 $0x7F, v8;
	v7 =	vor.u32 v7, v9  }
0xc6: {  	v7 =	vor.u32 v8, v7  }
0xc7: {  	[tilespmem:$0x10C10] =	vst v7  }
0xc8: {  	v7 =	vld [tilespmem:s31+$0xFFFFFFE0];
	_ =	sdelay $0x4  }
0xc9: {  	v8 =	vld [tilespmem:s0+$0xFFFFFFE0];
	v9 =	vmul.u32 $0x418A, v7;
	_ =	sdelay $0x1  }
0xca: {  	v9 =	vshrl.u32 v9, $0x17  }
0xcb: {  	v10 =	vmul.u32 $0x1F4, v9;
	v9 =	vsub.s32 v9, v0;
	_ =	sdelay $0x1  }
0xcc: {  	v7 =	vsub.s32 v7, v10;
	v8 =	vsub.s32 v8, v10  }
0xcd: {  	v10 =	vshrl.u32 v7, $0x1;
	v7 =	vshll.u32 v7, $0x7  }
0xce: {  	v11 =	vshrl.u32 v8, $0x7;
	v10 =	vand.u32 $0x3FFFFC, v10  }
0xcf: {  	v9 =	vmul.u32 $0x3F000, v9;
	v10 =	vadd.s32 v11, v10  }
0xd0: {  	v10 =	vshll.u32 v10, $0xA  }
0xd1: {  	v7 =	vand.u32 $0x380, v7;
	v9 =	vadd.s32 v9, v10  }
0xd2: {  	v8 =	vand.u32 $0x7F, v8;
	v7 =	vor.u32 v7, v9  }
0xd3: {  	v7 =	vor.u32 v8, v7  }
0xd4: {  	[tilespmem:$0x10C20] =	vst v7  }
0xd5: {  	v7 =	vld [tilespmem:s31+$0xFFFFFFF0];
	_ =	sdelay $0x4  }
0xd6: {  	v8 =	vld [tilespmem:s0+$0xFFFFFFF0];
	v9 =	vmul.u32 $0x418A, v7;
	_ =	sdelay $0x1  }
0xd7: {  	v9 =	vshrl.u32 v9, $0x17  }
0xd8: {  	v10 =	vmul.u32 $0x1F4, v9;
	v9 =	vsub.s32 v9, v0;
	_ =	sdelay $0x1  }
0xd9: {  	v7 =	vsub.s32 v7, v10;
	v8 =	vsub.s32 v8, v10  }
0xda: {  	v10 =	vshrl.u32 v7, $0x1;
	v7 =	vshll.u32 v7, $0x7  }
0xdb: {  	v11 =	vshrl.u32 v8, $0x7;
	v10 =	vand.u32 $0x3FFFFC, v10  }
0xdc: {  	v9 =	vmul.u32 $0x3F000, v9;
	v10 =	vadd.s32 v11, v10  }
0xdd: {  	v10 =	vshll.u32 v10, $0xA  }
0xde: {  	v7 =	vand.u32 $0x380, v7;
	v9 =	vadd.s32 v9, v10  }
0xdf: {  	v8 =	vand.u32 $0x7F, v8;
	v7 =	vor.u32 v7, v9  }
0xe0: {  	v7 =	vor.u32 v8, v7  }
0xe1: {  	[tilespmem:$0x10C30] =	vst v7  }
0xe2: {  	v7 =	vld [tilespmem:s31+$0x0];
	_ =	sdelay $0x4  }
0xe3: {  	v8 =	vld [tilespmem:s0+$0x0];
	v9 =	vmul.u32 $0x418A, v7;
	_ =	sdelay $0x1  }
0xe4: {  	v9 =	vshrl.u32 v9, $0x17  }
0xe5: {  	v10 =	vmul.u32 $0x1F4, v9;
	v9 =	vsub.s32 v9, v0;
	_ =	sdelay $0x1  }
0xe6: {  	v7 =	vsub.s32 v7, v10;
	v8 =	vsub.s32 v8, v10  }
0xe7: {  	v10 =	vshrl.u32 v7, $0x1;
	v7 =	vshll.u32 v7, $0x7  }
0xe8: {  	v11 =	vshrl.u32 v8, $0x7;
	v10 =	vand.u32 $0x3FFFFC, v10  }
0xe9: {  	v9 =	vmul.u32 $0x3F000, v9;
	v10 =	vadd.s32 v11, v10  }
0xea: {  	v10 =	vshll.u32 v10, $0xA  }
0xeb: {  	v7 =	vand.u32 $0x380, v7;
	v9 =	vadd.s32 v9, v10  }
0xec: {  	s6 =	sadd.s32 $0xFFFFFFD0, s5;
	v8 =	vand.u32 $0x7F, v8;
	v7 =	vor.u32 v7, v9  }
0xed: {  	p1 =	slt.u32 s6, $0x7D0;
	v7 =	vor.u32 v8, v7  }
0xee: {  	v7 =	vpsel !p1, $0x7E000, v7  }
0xef: {  	[tilespmem:$0x10C40] =	vst v7  }
0xf0: {  	v7 =	vld [tilespmem:s31+$0x10];
	_ =	sdelay $0x4  }
0xf1: {  	v8 =	vld [tilespmem:s0+$0x10];
	v9 =	vmul.u32 $0x418A, v7;
	_ =	sdelay $0x1  }
0xf2: {  	v9 =	vshrl.u32 v9, $0x17  }
0xf3: {  	v10 =	vmul.u32 $0x1F4, v9;
	v9 =	vsub.s32 v9, v0;
	_ =	sdelay $0x1  }
0xf4: {  	v7 =	vsub.s32 v7, v10;
	v8 =	vsub.s32 v8, v10  }
0xf5: {  	v10 =	vshrl.u32 v7, $0x1;
	v7 =	vshll.u32 v7, $0x7  }
0xf6: {  	v11 =	vshrl.u32 v8, $0x7;
	v10 =	vand.u32 $0x3FFFFC, v10  }
0xf7: {  	v9 =	vmul.u32 $0x3F000, v9;
	v10 =	vadd.s32 v11, v10  }
0xf8: {  	v10 =	vshll.u32 v10, $0xA  }
0xf9: {  	v7 =	vand.u32 $0x380, v7;
	v9 =	vadd.s32 v9, v10  }
0xfa: {  	s6 =	sadd.s32 $0xFFFFFFE0, s5;
	v8 =	vand.u32 $0x7F, v8;
	v7 =	vor.u32 v7, v9  }
0xfb: {  	p1 =	slt.u32 s6, $0x7D0;
	v7 =	vor.u32 v8, v7  }
0xfc: {  	v7 =	vpsel !p1, $0x7E000, v7  }
0xfd: {  	[tilespmem:$0x10C50] =	vst v7  }
0xfe: {  	v7 =	vld [tilespmem:s31+$0x20]  }
0xff: {  	v8 =	vld [tilespmem:s0+$0x20];
	_ =	sdelay $0x3  }
0x100: {  	v9 =	vmul.u32 $0x418A, v7;
	_ =	sdelay $0x1  }
0x101: {  	v9 =	vshrl.u32 v9, $0x17  }
0x102: {  	v10 =	vmul.u32 $0x1F4, v9;
	v9 =	vsub.s32 v9, v0;
	_ =	sdelay $0x1  }
0x103: {  	v7 =	vsub.s32 v7, v10;
	v8 =	vsub.s32 v8, v10  }
0x104: {  	v10 =	vshrl.u32 v7, $0x1;
	v7 =	vshll.u32 v7, $0x7  }
0x105: {  	v11 =	vshrl.u32 v8, $0x7;
	v10 =	vand.u32 $0x3FFFFC, v10  }
0x106: {  	v9 =	vmul.u32 $0x3F000, v9;
	v10 =	vadd.s32 v11, v10  }
0x107: {  	v10 =	vshll.u32 v10, $0xA  }
0x108: {  	v7 =	vand.u32 $0x380, v7;
	v9 =	vadd.s32 v9, v10  }
0x109: {  	s6 =	sadd.s32 $0xFFFFFFF0, s5;
	v8 =	vand.u32 $0x7F, v8;
	v7 =	vor.u32 v7, v9  }
0x10a: {  	p1 =	slt.u32 s6, $0x7D0;
	v7 =	vor.u32 v8, v7  }
0x10b: {  	v7 =	vpsel !p1, $0x7E000, v7  }
0x10c: {  	[tilespmem:$0x10C60] =	vst v7  }
0x10d: {  	v7 =	vld [tilespmem:s31+$0x30]  }
0x10e: {  	v8 =	vld [tilespmem:s0+$0x30];
	_ =	sdelay $0x3  }
0x10f: {  	v9 =	vmul.u32 $0x418A, v7;
	_ =	sdelay $0x1  }
0x110: {  	v9 =	vshrl.u32 v9, $0x17  }
0x111: {  	v10 =	vmul.u32 $0x1F4, v9;
	v9 =	vsub.s32 v9, v0;
	_ =	sdelay $0x1  }
0x112: {  	v7 =	vsub.s32 v7, v10;
	v8 =	vsub.s32 v8, v10  }
0x113: {  	v10 =	vshrl.u32 v7, $0x1;
	v7 =	vshll.u32 v7, $0x7  }
0x114: {  	v11 =	vshrl.u32 v8, $0x7;
	v10 =	vand.u32 $0x3FFFFC, v10  }
0x115: {  	v9 =	vmul.u32 $0x3F000, v9;
	v10 =	vadd.s32 v11, v10  }
0x116: {  	v10 =	vshll.u32 v10, $0xA  }
0x117: {  	v7 =	vand.u32 $0x380, v7;
	v9 =	vadd.s32 v9, v10  }
0x118: {  	v8 =	vand.u32 $0x7F, v8;
	v7 =	vor.u32 v7, v9  }
0x119: {  	p1 =	slt.u32 s5, $0x7D0;
	v7 =	vor.u32 v8, v7  }
.Ltmp1:
0x11a: {  	v7 =	vpsel !p1, $0x7E000, v7;
	(pc) =	sbr.rel @p0 .LBB2_4-.Ltmp1, $4  }
0x11b: {  	[tilespmem:$0x10C70] =	vst v7  }
0x11c: {  	[spmem:s1] =	stream.indirect.scatter.add.f32 [tilespmem:s26], [sflag:$0x2], $0x1, s25, s24, $0xb8;
	[tilespmem:$0x18B08] =	vst v63  }
0x11d: {  	_ =	swait.ge [sflag:s21], $0x80  }
0x11e: {  	[sflag:s21] =	ssyncset.done $0x0  }
0x11f: {  	[sflag:s21] =	ssyncadd.s32 $0xFFFFFF80  }
0x120: {  	[bflag:$0x0] =	sbarrier.arrive $0xFFFF  }
0x121: {  	[tilespmem:s28], [sflag:$0x2] =	stream.linear.gather [spmem:s4], $0x7E00, $0x38;
	[tilespmem:$0x18B08] =	vst v63  }
0x122: {  	_ =	swait.ge [sflag:s21], $0x7E00  }
0x123: {  	[sflag:s21] =	ssyncset.done $0x0  }
0x124: {  	[sflag:s21] =	ssyncadd.s32 $0xFFFF8200  }
0x125: {  	[bflag:$0x0] =	sbarrier.arrive $0xFFFF  }
0x126: {  	[hbm4b:s7+s3] =	stream.linear.scatter [tilespmem:s28], [sflag:$0x1], $0x7E00, $0x38;
	[tilespmem:$0x18B08] =	vst v63  }
0x127: {  	_ = 	snop  }
0x128: {  	[spmem:s4] =	stream.linear.scatter [tilespmem:s3], [sflag:$0x2], $0x7E00, $0x38;
	[tilespmem:$0x18B08] =	vst v63  }
0x129: {  	_ =	swait.ge [sflag:s21], $0x7E00  }
0x12a: {  	[sflag:s21] =	ssyncset.done $0x0  }
0x12b: {  	[sflag:s21] =	ssyncadd.s32 $0xFFFF8200  }
0x12c: {  	[tilespmem:s22], [sflag:$0x2] =	stream.linear.gather [hbm4b:s8+s3], $0x7D0, $0x38;
	[tilespmem:$0x18B08] =	vst v63  }
0x12d: {  	_ =	swait.ge [sflag:s21], $0x7D0  }
0x12e: {  	[sflag:s21] =	ssyncset.done $0x0  }
0x12f: {  	[sflag:s21] =	ssyncadd.s32 $0xFFFFF830  }
0x130: {  	[tilespmem:s23], [sflag:$0x2] =	stream.linear.gather [hbm4b:s9+s3], $0x7D0, $0x38;
	[tilespmem:$0x18B08] =	vst v63  }
0x131: {  	_ =	swait.ge [sflag:s21], $0x7D0  }
0x132: {  	[sflag:s21] =	ssyncset.done $0x0  }
0x133: {  	[sflag:s21] =	ssyncadd.s32 $0xFFFFF830  }
0x134: {  	s31 =	simm.s32 $0x10440;
	[bflag:$0x0] =	sbarrier.arrive $0xFFFF  }
0x135: {  	v7 =	vld [tilespmem:s31+$0xFFFFFFC0];
	_ =	sdelay $0x4  }
0x136: {  	s0 =	simm.s32 $0xFC40;
	v8 =	vmul.u32 $0x418A, v7  }
0x137: {  	v9 =	vld [tilespmem:s0+$0xFFFFFFC0]  }
0x138: {  	v8 =	vshrl.u32 v8, $0x17  }
0x139: {  	v10 =	vmul.u32 $0x1F4, v8;
	_ =	sdelay $0x1  }
0x13a: {  	v7 =	vsub.s32 v7, v10  }
0x13b: {  	v9 =	vsub.s32 v9, v10;
	v35 =	vshrl.u32 v7, $0x1  }
0x13c: {  	v8 =	vsub.s32 v8, v1;
	v11 =	vshrl.u32 v9, $0x7;
	v10 =	vand.u32 $0x3FFFFC, v35  }
0x13d: {  	v8 =	vmul.u32 $0x3F000, v8;
	v10 =	vadd.s32 v11, v10  }
0x13e: {  	v7 =	vshll.u32 v7, $0x7;
	v10 =	vshll.u32 v10, $0xA  }
0x13f: {  	v7 =	vand.u32 $0x380, v7;
	v8 =	vadd.s32 v8, v10  }
0x140: {  	v7 =	vor.u32 v7, v8;
	v8 =	vand.u32 $0x7F, v9  }
0x141: {  	v7 =	vor.u32 v8, v7  }
0x142: {  	[tilespmem:$0x10C00] =	vst v7  }
0x143: {  	v7 =	vld [tilespmem:s31+$0xFFFFFFD0];
	_ =	sdelay $0x4  }
0x144: {  	v8 =	vmul.u32 $0x418A, v7  }
0x145: {  	v36 =	vld [tilespmem:s0+$0xFFFFFFD0]  }
0x146: {  	v8 =	vshrl.u32 v8, $0x17  }
0x147: {  	v37 =	vmul.u32 $0x1F4, v8;
	_ =	sdelay $0x1  }
0x148: {  	v7 =	vsub.s32 v7, v37  }
0x149: {  	v9 =	vsub.s32 v36, v37;
	v38 =	vshrl.u32 v7, $0x1  }
0x14a: {  	v8 =	vsub.s32 v8, v1;
	v39 =	vshrl.u32 v9, $0x7;
	v10 =	vand.u32 $0x3FFFFC, v38  }
0x14b: {  	v8 =	vmul.u32 $0x3F000, v8;
	v10 =	vadd.s32 v39, v10  }
0x14c: {  	v7 =	vshll.u32 v7, $0x7;
	v10 =	vshll.u32 v10, $0xA  }
0x14d: {  	v7 =	vand.u32 $0x380, v7;
	v8 =	vadd.s32 v8, v10  }
0x14e: {  	v7 =	vor.u32 v7, v8;
	v8 =	vand.u32 $0x7F, v9  }
0x14f: {  	v7 =	vor.u32 v8, v7  }
0x150: {  	[tilespmem:$0x10C10] =	vst v7  }
0x151: {  	v7 =	vld [tilespmem:s31+$0xFFFFFFE0];
	_ =	sdelay $0x4  }
0x152: {  	v8 =	vmul.u32 $0x418A, v7  }
0x153: {  	v40 =	vld [tilespmem:s0+$0xFFFFFFE0]  }
0x154: {  	v8 =	vshrl.u32 v8, $0x17  }
0x155: {  	v41 =	vmul.u32 $0x1F4, v8;
	_ =	sdelay $0x1  }
0x156: {  	v7 =	vsub.s32 v7, v41  }
0x157: {  	v9 =	vsub.s32 v40, v41;
	v42 =	vshrl.u32 v7, $0x1  }
0x158: {  	v8 =	vsub.s32 v8, v1;
	v43 =	vshrl.u32 v9, $0x7;
	v10 =	vand.u32 $0x3FFFFC, v42  }
0x159: {  	v8 =	vmul.u32 $0x3F000, v8;
	v10 =	vadd.s32 v43, v10  }
0x15a: {  	v7 =	vshll.u32 v7, $0x7;
	v10 =	vshll.u32 v10, $0xA  }
0x15b: {  	v7 =	vand.u32 $0x380, v7;
	v8 =	vadd.s32 v8, v10  }
0x15c: {  	v7 =	vor.u32 v7, v8;
	v8 =	vand.u32 $0x7F, v9  }
0x15d: {  	v7 =	vor.u32 v8, v7  }
0x15e: {  	[tilespmem:$0x10C20] =	vst v7  }
0x15f: {  	v7 =	vld [tilespmem:s31+$0xFFFFFFF0];
	_ =	sdelay $0x4  }
0x160: {  	v8 =	vmul.u32 $0x418A, v7  }
0x161: {  	v44 =	vld [tilespmem:s0+$0xFFFFFFF0]  }
0x162: {  	v8 =	vshrl.u32 v8, $0x17  }
0x163: {  	v45 =	vmul.u32 $0x1F4, v8;
	_ =	sdelay $0x1  }
0x164: {  	v7 =	vsub.s32 v7, v45  }
0x165: {  	v9 =	vsub.s32 v44, v45;
	v46 =	vshrl.u32 v7, $0x1  }
0x166: {  	v8 =	vsub.s32 v8, v1;
	v47 =	vshrl.u32 v9, $0x7;
	v10 =	vand.u32 $0x3FFFFC, v46  }
0x167: {  	v8 =	vmul.u32 $0x3F000, v8;
	v10 =	vadd.s32 v47, v10  }
0x168: {  	v7 =	vshll.u32 v7, $0x7;
	v10 =	vshll.u32 v10, $0xA  }
0x169: {  	v7 =	vand.u32 $0x380, v7;
	v8 =	vadd.s32 v8, v10  }
0x16a: {  	v7 =	vor.u32 v7, v8;
	v8 =	vand.u32 $0x7F, v9  }
0x16b: {  	v7 =	vor.u32 v8, v7  }
0x16c: {  	[tilespmem:$0x10C30] =	vst v7  }
0x16d: {  	v7 =	vld [tilespmem:s31+$0x0];
	_ =	sdelay $0x4  }
0x16e: {  	v8 =	vmul.u32 $0x418A, v7  }
0x16f: {  	v48 =	vld [tilespmem:s0+$0x0]  }
0x170: {  	v8 =	vshrl.u32 v8, $0x17  }
0x171: {  	v49 =	vmul.u32 $0x1F4, v8;
	_ =	sdelay $0x1  }
0x172: {  	v7 =	vsub.s32 v7, v49  }
0x173: {  	v9 =	vsub.s32 v48, v49;
	v50 =	vshrl.u32 v7, $0x1  }
0x174: {  	v8 =	vsub.s32 v8, v1;
	v51 =	vshrl.u32 v9, $0x7;
	v10 =	vand.u32 $0x3FFFFC, v50  }
0x175: {  	v8 =	vmul.u32 $0x3F000, v8;
	v10 =	vadd.s32 v51, v10  }
0x176: {  	v7 =	vshll.u32 v7, $0x7;
	v10 =	vshll.u32 v10, $0xA  }
0x177: {  	v7 =	vand.u32 $0x380, v7;
	v8 =	vadd.s32 v8, v10  }
0x178: {  	v7 =	vor.u32 v7, v8;
	v8 =	vand.u32 $0x7F, v9  }
0x179: {  	p0 =	por $0x1, $0x1;
	v7 =	vor.u32 v8, v7  }
0x17a: {  	v7 =	vpsel !p0, $0x7E000, v7  }
0x17b: {  	[tilespmem:$0x10C40] =	vst v7  }
0x17c: {  	v7 =	vld [tilespmem:s31+$0x10];
	_ =	sdelay $0x4  }
0x17d: {  	v8 =	vmul.u32 $0x418A, v7  }
0x17e: {  	v52 =	vld [tilespmem:s0+$0x10]  }
0x17f: {  	v8 =	vshrl.u32 v8, $0x17  }
0x180: {  	v53 =	vmul.u32 $0x1F4, v8;
	_ =	sdelay $0x1  }
0x181: {  	v7 =	vsub.s32 v7, v53  }
0x182: {  	v9 =	vsub.s32 v52, v53;
	v54 =	vshrl.u32 v7, $0x1  }
0x183: {  	v8 =	vsub.s32 v8, v1;
	v55 =	vshrl.u32 v9, $0x7;
	v10 =	vand.u32 $0x3FFFFC, v54  }
0x184: {  	v8 =	vmul.u32 $0x3F000, v8;
	v10 =	vadd.s32 v55, v10  }
0x185: {  	v7 =	vshll.u32 v7, $0x7;
	v10 =	vshll.u32 v10, $0xA  }
0x186: {  	v7 =	vand.u32 $0x380, v7;
	v8 =	vadd.s32 v8, v10  }
0x187: {  	v7 =	vor.u32 v7, v8;
	v8 =	vand.u32 $0x7F, v9  }
0x188: {  	p4 =	por $0x1, $0x1;
	v7 =	vor.u32 v8, v7  }
0x189: {  	v7 =	vpsel !p4, $0x7E000, v7  }
0x18a: {  	[tilespmem:$0x10C50] =	vst v7  }
0x18b: {  	v7 =	vld [tilespmem:s31+$0x20];
	_ =	sdelay $0x4  }
0x18c: {  	v8 =	vmul.u32 $0x418A, v7  }
0x18d: {  	v56 =	vld [tilespmem:s0+$0x20]  }
0x18e: {  	v8 =	vshrl.u32 v8, $0x17  }
0x18f: {  	v57 =	vmul.u32 $0x1F4, v8;
	_ =	sdelay $0x1  }
0x190: {  	v7 =	vsub.s32 v7, v57  }
0x191: {  	v9 =	vsub.s32 v56, v57;
	v58 =	vshrl.u32 v7, $0x1  }
0x192: {  	v8 =	vsub.s32 v8, v1;
	v59 =	vshrl.u32 v9, $0x7;
	v10 =	vand.u32 $0x3FFFFC, v58  }
0x193: {  	v8 =	vmul.u32 $0x3F000, v8;
	v10 =	vadd.s32 v59, v10  }
0x194: {  	v7 =	vshll.u32 v7, $0x7;
	v10 =	vshll.u32 v10, $0xA  }
0x195: {  	v7 =	vand.u32 $0x380, v7;
	v8 =	vadd.s32 v8, v10  }
0x196: {  	v7 =	vor.u32 v7, v8;
	v8 =	vand.u32 $0x7F, v9  }
0x197: {  	p5 =	por $0x1, $0x1;
	v7 =	vor.u32 v8, v7  }
0x198: {  	v7 =	vpsel !p5, $0x7E000, v7  }
0x199: {  	[tilespmem:$0x10C60] =	vst v7  }
0x19a: {  	v7 =	vld [tilespmem:s31+$0x30];
	_ =	sdelay $0x4  }
0x19b: {  	v8 =	vmul.u32 $0x418A, v7  }
0x19c: {  	v60 =	vld [tilespmem:s0+$0x30]  }
0x19d: {  	v8 =	vshrl.u32 v8, $0x17  }
0x19e: {  	v61 =	vmul.u32 $0x1F4, v8;
	_ =	sdelay $0x1  }
0x19f: {  	v7 =	vsub.s32 v7, v61  }
0x1a0: {  	v9 =	vsub.s32 v60, v61;
	v62 =	vshrl.u32 v7, $0x1  }
0x1a1: {  	v8 =	vsub.s32 v8, v1;
	v63 =	vshrl.u32 v9, $0x7;
	v10 =	vand.u32 $0x3FFFFC, v62  }
0x1a2: {  	v8 =	vmul.u32 $0x3F000, v8;
	v10 =	vadd.s32 v63, v10  }
0x1a3: {  	v7 =	vshll.u32 v7, $0x7;
	v10 =	vshll.u32 v10, $0xA  }
0x1a4: {  	v7 =	vand.u32 $0x380, v7;
	v8 =	vadd.s32 v8, v10  }
0x1a5: {  	v7 =	vor.u32 v7, v8;
	v8 =	vand.u32 $0x7F, v9  }
0x1a6: {  	p6 =	por $0x1, $0x1;
	v7 =	vor.u32 v8, v7  }
0x1a7: {  	v7 =	vpsel !p6, $0x7E000, v7  }
0x1a8: {  	[tilespmem:$0x10C70] =	vst v7  }
0x1a9: {  	[spmem:s1] =	stream.indirect.scatter.add.f32 [tilespmem:s26], [sflag:$0x2], $0x1, s25, s24, $0xb8;
	[tilespmem:$0x18B08] =	vst v63  }
0x1aa: {  	_ =	swait.ge [sflag:s21], $0x80  }
0x1ab: {  	s2 =	simm.s32 $0xF0;
	[sflag:s21] =	ssyncset.done $0x0  }
.LBB2_6:
0x1ac: {  	[sflag:s21] =	ssyncadd.s32 $0xFFFFFF80;
	s31 =	sadd.s32 $0x80, s31;
	s0 =	sadd.s32 $0x80, s0  }
0x1ad: {  	p0 =	sne.s32 s2, $0x7F0;
	s5 =	smov.u32 s2;
	s2 =	sadd.s32 $0x80, s2;
	v7 =	vld [tilespmem:s31+$0xFFFFFFC0]  }
0x1ae: {  	_ =	sdelay $0x3  }
0x1af: {  	v8 =	vld [tilespmem:s0+$0xFFFFFFC0];
	v9 =	vmul.u32 $0x418A, v7;
	_ =	sdelay $0x1  }
0x1b0: {  	v9 =	vshrl.u32 v9, $0x17  }
0x1b1: {  	v10 =	vmul.u32 $0x1F4, v9;
	v9 =	vsub.s32 v9, v1;
	_ =	sdelay $0x1  }
0x1b2: {  	v7 =	vsub.s32 v7, v10;
	v8 =	vsub.s32 v8, v10  }
0x1b3: {  	v10 =	vshrl.u32 v7, $0x1;
	v7 =	vshll.u32 v7, $0x7  }
0x1b4: {  	v11 =	vshrl.u32 v8, $0x7;
	v10 =	vand.u32 $0x3FFFFC, v10  }
0x1b5: {  	v9 =	vmul.u32 $0x3F000, v9;
	v10 =	vadd.s32 v11, v10  }
0x1b6: {  	v10 =	vshll.u32 v10, $0xA  }
0x1b7: {  	v7 =	vand.u32 $0x380, v7;
	v9 =	vadd.s32 v9, v10  }
0x1b8: {  	v8 =	vand.u32 $0x7F, v8;
	v7 =	vor.u32 v7, v9  }
0x1b9: {  	v7 =	vor.u32 v8, v7  }
0x1ba: {  	[tilespmem:$0x10C00] =	vst v7  }
0x1bb: {  	v7 =	vld [tilespmem:s31+$0xFFFFFFD0];
	_ =	sdelay $0x4  }
0x1bc: {  	v8 =	vld [tilespmem:s0+$0xFFFFFFD0];
	v9 =	vmul.u32 $0x418A, v7;
	_ =	sdelay $0x1  }
0x1bd: {  	v9 =	vshrl.u32 v9, $0x17  }
0x1be: {  	v10 =	vmul.u32 $0x1F4, v9;
	v9 =	vsub.s32 v9, v1;
	_ =	sdelay $0x1  }
0x1bf: {  	v7 =	vsub.s32 v7, v10;
	v8 =	vsub.s32 v8, v10  }
0x1c0: {  	v10 =	vshrl.u32 v7, $0x1;
	v7 =	vshll.u32 v7, $0x7  }
0x1c1: {  	v11 =	vshrl.u32 v8, $0x7;
	v10 =	vand.u32 $0x3FFFFC, v10  }
0x1c2: {  	v9 =	vmul.u32 $0x3F000, v9;
	v10 =	vadd.s32 v11, v10  }
0x1c3: {  	v10 =	vshll.u32 v10, $0xA  }
0x1c4: {  	v7 =	vand.u32 $0x380, v7;
	v9 =	vadd.s32 v9, v10  }
0x1c5: {  	v8 =	vand.u32 $0x7F, v8;
	v7 =	vor.u32 v7, v9  }
0x1c6: {  	v7 =	vor.u32 v8, v7  }
0x1c7: {  	[tilespmem:$0x10C10] =	vst v7  }
0x1c8: {  	v7 =	vld [tilespmem:s31+$0xFFFFFFE0];
	_ =	sdelay $0x4  }
0x1c9: {  	v8 =	vld [tilespmem:s0+$0xFFFFFFE0];
	v9 =	vmul.u32 $0x418A, v7;
	_ =	sdelay $0x1  }
0x1ca: {  	v9 =	vshrl.u32 v9, $0x17  }
0x1cb: {  	v10 =	vmul.u32 $0x1F4, v9;
	v9 =	vsub.s32 v9, v1;
	_ =	sdelay $0x1  }
0x1cc: {  	v7 =	vsub.s32 v7, v10;
	v8 =	vsub.s32 v8, v10  }
0x1cd: {  	v10 =	vshrl.u32 v7, $0x1;
	v7 =	vshll.u32 v7, $0x7  }
0x1ce: {  	v11 =	vshrl.u32 v8, $0x7;
	v10 =	vand.u32 $0x3FFFFC, v10  }
0x1cf: {  	v9 =	vmul.u32 $0x3F000, v9;
	v10 =	vadd.s32 v11, v10  }
0x1d0: {  	v10 =	vshll.u32 v10, $0xA  }
0x1d1: {  	v7 =	vand.u32 $0x380, v7;
	v9 =	vadd.s32 v9, v10  }
0x1d2: {  	v8 =	vand.u32 $0x7F, v8;
	v7 =	vor.u32 v7, v9  }
0x1d3: {  	v7 =	vor.u32 v8, v7  }
0x1d4: {  	[tilespmem:$0x10C20] =	vst v7  }
0x1d5: {  	v7 =	vld [tilespmem:s31+$0xFFFFFFF0];
	_ =	sdelay $0x4  }
0x1d6: {  	v8 =	vld [tilespmem:s0+$0xFFFFFFF0];
	v9 =	vmul.u32 $0x418A, v7;
	_ =	sdelay $0x1  }
0x1d7: {  	v9 =	vshrl.u32 v9, $0x17  }
0x1d8: {  	v10 =	vmul.u32 $0x1F4, v9;
	v9 =	vsub.s32 v9, v1;
	_ =	sdelay $0x1  }
0x1d9: {  	v7 =	vsub.s32 v7, v10;
	v8 =	vsub.s32 v8, v10  }
0x1da: {  	v10 =	vshrl.u32 v7, $0x1;
	v7 =	vshll.u32 v7, $0x7  }
0x1db: {  	v11 =	vshrl.u32 v8, $0x7;
	v10 =	vand.u32 $0x3FFFFC, v10  }
0x1dc: {  	v9 =	vmul.u32 $0x3F000, v9;
	v10 =	vadd.s32 v11, v10  }
0x1dd: {  	v10 =	vshll.u32 v10, $0xA  }
0x1de: {  	v7 =	vand.u32 $0x380, v7;
	v9 =	vadd.s32 v9, v10  }
0x1df: {  	v8 =	vand.u32 $0x7F, v8;
	v7 =	vor.u32 v7, v9  }
0x1e0: {  	v7 =	vor.u32 v8, v7  }
0x1e1: {  	[tilespmem:$0x10C30] =	vst v7  }
0x1e2: {  	v7 =	vld [tilespmem:s31+$0x0];
	_ =	sdelay $0x4  }
0x1e3: {  	v8 =	vld [tilespmem:s0+$0x0];
	v9 =	vmul.u32 $0x418A, v7;
	_ =	sdelay $0x1  }
0x1e4: {  	v9 =	vshrl.u32 v9, $0x17  }
0x1e5: {  	v10 =	vmul.u32 $0x1F4, v9;
	v9 =	vsub.s32 v9, v1;
	_ =	sdelay $0x1  }
0x1e6: {  	v7 =	vsub.s32 v7, v10;
	v8 =	vsub.s32 v8, v10  }
0x1e7: {  	v10 =	vshrl.u32 v7, $0x1;
	v7 =	vshll.u32 v7, $0x7  }
0x1e8: {  	v11 =	vshrl.u32 v8, $0x7;
	v10 =	vand.u32 $0x3FFFFC, v10  }
0x1e9: {  	v9 =	vmul.u32 $0x3F000, v9;
	v10 =	vadd.s32 v11, v10  }
0x1ea: {  	v10 =	vshll.u32 v10, $0xA  }
0x1eb: {  	v7 =	vand.u32 $0x380, v7;
	v9 =	vadd.s32 v9, v10  }
0x1ec: {  	s6 =	sadd.s32 $0xFFFFFFD0, s5;
	v8 =	vand.u32 $0x7F, v8;
	v7 =	vor.u32 v7, v9  }
0x1ed: {  	p1 =	slt.u32 s6, $0x7D0;
	v7 =	vor.u32 v8, v7  }
0x1ee: {  	v7 =	vpsel !p1, $0x7E000, v7  }
0x1ef: {  	[tilespmem:$0x10C40] =	vst v7  }
0x1f0: {  	v7 =	vld [tilespmem:s31+$0x10];
	_ =	sdelay $0x4  }
0x1f1: {  	v8 =	vld [tilespmem:s0+$0x10];
	v9 =	vmul.u32 $0x418A, v7;
	_ =	sdelay $0x1  }
0x1f2: {  	v9 =	vshrl.u32 v9, $0x17  }
0x1f3: {  	v10 =	vmul.u32 $0x1F4, v9;
	v9 =	vsub.s32 v9, v1;
	_ =	sdelay $0x1  }
0x1f4: {  	v7 =	vsub.s32 v7, v10;
	v8 =	vsub.s32 v8, v10  }
0x1f5: {  	v10 =	vshrl.u32 v7, $0x1;
	v7 =	vshll.u32 v7, $0x7  }
0x1f6: {  	v11 =	vshrl.u32 v8, $0x7;
	v10 =	vand.u32 $0x3FFFFC, v10  }
0x1f7: {  	v9 =	vmul.u32 $0x3F000, v9;
	v10 =	vadd.s32 v11, v10  }
0x1f8: {  	v10 =	vshll.u32 v10, $0xA  }
0x1f9: {  	v7 =	vand.u32 $0x380, v7;
	v9 =	vadd.s32 v9, v10  }
0x1fa: {  	s6 =	sadd.s32 $0xFFFFFFE0, s5;
	v8 =	vand.u32 $0x7F, v8;
	v7 =	vor.u32 v7, v9  }
0x1fb: {  	p1 =	slt.u32 s6, $0x7D0;
	v7 =	vor.u32 v8, v7  }
0x1fc: {  	v7 =	vpsel !p1, $0x7E000, v7  }
0x1fd: {  	[tilespmem:$0x10C50] =	vst v7  }
0x1fe: {  	v7 =	vld [tilespmem:s31+$0x20]  }
0x1ff: {  	v8 =	vld [tilespmem:s0+$0x20];
	_ =	sdelay $0x3  }
0x200: {  	v9 =	vmul.u32 $0x418A, v7;
	_ =	sdelay $0x1  }
0x201: {  	v9 =	vshrl.u32 v9, $0x17  }
0x202: {  	v10 =	vmul.u32 $0x1F4, v9;
	v9 =	vsub.s32 v9, v1;
	_ =	sdelay $0x1  }
0x203: {  	v7 =	vsub.s32 v7, v10;
	v8 =	vsub.s32 v8, v10  }
0x204: {  	v10 =	vshrl.u32 v7, $0x1;
	v7 =	vshll.u32 v7, $0x7  }
0x205: {  	v11 =	vshrl.u32 v8, $0x7;
	v10 =	vand.u32 $0x3FFFFC, v10  }
0x206: {  	v9 =	vmul.u32 $0x3F000, v9;
	v10 =	vadd.s32 v11, v10  }
0x207: {  	v10 =	vshll.u32 v10, $0xA  }
0x208: {  	v7 =	vand.u32 $0x380, v7;
	v9 =	vadd.s32 v9, v10  }
0x209: {  	s6 =	sadd.s32 $0xFFFFFFF0, s5;
	v8 =	vand.u32 $0x7F, v8;
	v7 =	vor.u32 v7, v9  }
0x20a: {  	p1 =	slt.u32 s6, $0x7D0;
	v7 =	vor.u32 v8, v7  }
0x20b: {  	v7 =	vpsel !p1, $0x7E000, v7  }
0x20c: {  	[tilespmem:$0x10C60] =	vst v7  }
0x20d: {  	v7 =	vld [tilespmem:s31+$0x30]  }
0x20e: {  	v8 =	vld [tilespmem:s0+$0x30];
	_ =	sdelay $0x3  }
0x20f: {  	v9 =	vmul.u32 $0x418A, v7;
	_ =	sdelay $0x1  }
0x210: {  	v9 =	vshrl.u32 v9, $0x17  }
0x211: {  	v10 =	vmul.u32 $0x1F4, v9;
	v9 =	vsub.s32 v9, v1;
	_ =	sdelay $0x1  }
0x212: {  	v7 =	vsub.s32 v7, v10;
	v8 =	vsub.s32 v8, v10  }
0x213: {  	v10 =	vshrl.u32 v7, $0x1;
	v7 =	vshll.u32 v7, $0x7  }
0x214: {  	v11 =	vshrl.u32 v8, $0x7;
	v10 =	vand.u32 $0x3FFFFC, v10  }
0x215: {  	v9 =	vmul.u32 $0x3F000, v9;
	v10 =	vadd.s32 v11, v10  }
0x216: {  	v10 =	vshll.u32 v10, $0xA  }
0x217: {  	v7 =	vand.u32 $0x380, v7;
	v9 =	vadd.s32 v9, v10  }
0x218: {  	v8 =	vand.u32 $0x7F, v8;
	v7 =	vor.u32 v7, v9  }
0x219: {  	p1 =	slt.u32 s5, $0x7D0;
	v7 =	vor.u32 v8, v7  }
.Ltmp2:
0x21a: {  	v7 =	vpsel !p1, $0x7E000, v7;
	(pc) =	sbr.rel @p0 .LBB2_6-.Ltmp2, $4  }
0x21b: {  	[tilespmem:$0x10C70] =	vst v7  }
0x21c: {  	[spmem:s1] =	stream.indirect.scatter.add.f32 [tilespmem:s26], [sflag:$0x2], $0x1, s25, s24, $0xb8;
	[tilespmem:$0x18B08] =	vst v63  }
0x21d: {  	_ =	swait.ge [sflag:s21], $0x80  }
0x21e: {  	[sflag:s21] =	ssyncset.done $0x0  }
0x21f: {  	[sflag:s21] =	ssyncadd.s32 $0xFFFFFF80  }
0x220: {  	[bflag:$0x0] =	sbarrier.arrive $0xFFFF  }
0x221: {  	_ =	swait.ge [sflag:s29], $0x7E00  }
0x222: {  	[sflag:s29] =	ssyncset.done $0x0  }
0x223: {  	[sflag:s29] =	ssyncadd.s32 $0xFFFF8200  }
0x224: {  	[tilespmem:s28], [sflag:$0x2] =	stream.linear.gather [spmem:s4], $0x7E00, $0x38;
	[tilespmem:$0x18B08] =	vst v63  }
0x225: {  	_ =	swait.ge [sflag:s21], $0x7E00  }
0x226: {  	[sflag:s21] =	ssyncset.done $0x0  }
0x227: {  	[sflag:s21] =	ssyncadd.s32 $0xFFFF8200  }
0x228: {  	[bflag:$0x0] =	sbarrier.arrive $0xFFFF  }
0x229: {  	[hbm4b:s10+s3] =	stream.linear.scatter [tilespmem:s28], [sflag:$0x1], $0x7E00, $0x38;
	[tilespmem:$0x18B08] =	vst v63  }
0x22a: {  	_ = 	snop  }
0x22b: {  	[spmem:s4] =	stream.linear.scatter [tilespmem:s3], [sflag:$0x2], $0x7E00, $0x38;
	[tilespmem:$0x18B08] =	vst v63  }
0x22c: {  	_ =	swait.ge [sflag:s21], $0x7E00  }
0x22d: {  	[sflag:s21] =	ssyncset.done $0x0  }
0x22e: {  	[sflag:s21] =	ssyncadd.s32 $0xFFFF8200  }
0x22f: {  	[tilespmem:s22], [sflag:$0x2] =	stream.linear.gather [hbm4b:s11+s3], $0x7D0, $0x38;
	[tilespmem:$0x18B08] =	vst v63  }
0x230: {  	_ =	swait.ge [sflag:s21], $0x7D0  }
0x231: {  	[sflag:s21] =	ssyncset.done $0x0  }
0x232: {  	[sflag:s21] =	ssyncadd.s32 $0xFFFFF830  }
0x233: {  	[tilespmem:s23], [sflag:$0x2] =	stream.linear.gather [hbm4b:s12+s3], $0x7D0, $0x38;
	[tilespmem:$0x18B08] =	vst v63  }
0x234: {  	_ =	swait.ge [sflag:s21], $0x7D0  }
0x235: {  	[sflag:s21] =	ssyncset.done $0x0  }
0x236: {  	[sflag:s21] =	ssyncadd.s32 $0xFFFFF830  }
0x237: {  	s31 =	simm.s32 $0x10440;
	[bflag:$0x0] =	sbarrier.arrive $0xFFFF  }
0x238: {  	v7 =	vld [tilespmem:s31+$0xFFFFFFC0];
	_ =	sdelay $0x4  }
0x239: {  	s0 =	simm.s32 $0xFC40;
	v8 =	vmul.u32 $0x418A, v7  }
0x23a: {  	v9 =	vld [tilespmem:s0+$0xFFFFFFC0]  }
0x23b: {  	v8 =	vshrl.u32 v8, $0x17  }
0x23c: {  	v10 =	vmul.u32 $0x1F4, v8;
	_ =	sdelay $0x1  }
0x23d: {  	v7 =	vsub.s32 v7, v10  }
0x23e: {  	v9 =	vsub.s32 v9, v10;
	v35 =	vshrl.u32 v7, $0x1  }
0x23f: {  	v8 =	vsub.s32 v8, v2;
	v11 =	vshrl.u32 v9, $0x7;
	v10 =	vand.u32 $0x3FFFFC, v35  }
0x240: {  	v8 =	vmul.u32 $0x3F000, v8;
	v10 =	vadd.s32 v11, v10  }
0x241: {  	v7 =	vshll.u32 v7, $0x7;
	v10 =	vshll.u32 v10, $0xA  }
0x242: {  	v7 =	vand.u32 $0x380, v7;
	v8 =	vadd.s32 v8, v10  }
0x243: {  	v7 =	vor.u32 v7, v8;
	v8 =	vand.u32 $0x7F, v9  }
0x244: {  	v7 =	vor.u32 v8, v7  }
0x245: {  	[tilespmem:$0x10C00] =	vst v7  }
0x246: {  	v7 =	vld [tilespmem:s31+$0xFFFFFFD0];
	_ =	sdelay $0x4  }
0x247: {  	v8 =	vmul.u32 $0x418A, v7  }
0x248: {  	v36 =	vld [tilespmem:s0+$0xFFFFFFD0]  }
0x249: {  	v8 =	vshrl.u32 v8, $0x17  }
0x24a: {  	v37 =	vmul.u32 $0x1F4, v8;
	_ =	sdelay $0x1  }
0x24b: {  	v7 =	vsub.s32 v7, v37  }
0x24c: {  	v9 =	vsub.s32 v36, v37;
	v38 =	vshrl.u32 v7, $0x1  }
0x24d: {  	v8 =	vsub.s32 v8, v2;
	v39 =	vshrl.u32 v9, $0x7;
	v10 =	vand.u32 $0x3FFFFC, v38  }
0x24e: {  	v8 =	vmul.u32 $0x3F000, v8;
	v10 =	vadd.s32 v39, v10  }
0x24f: {  	v7 =	vshll.u32 v7, $0x7;
	v10 =	vshll.u32 v10, $0xA  }
0x250: {  	v7 =	vand.u32 $0x380, v7;
	v8 =	vadd.s32 v8, v10  }
0x251: {  	v7 =	vor.u32 v7, v8;
	v8 =	vand.u32 $0x7F, v9  }
0x252: {  	v7 =	vor.u32 v8, v7  }
0x253: {  	[tilespmem:$0x10C10] =	vst v7  }
0x254: {  	v7 =	vld [tilespmem:s31+$0xFFFFFFE0];
	_ =	sdelay $0x4  }
0x255: {  	v8 =	vmul.u32 $0x418A, v7  }
0x256: {  	v40 =	vld [tilespmem:s0+$0xFFFFFFE0]  }
0x257: {  	v8 =	vshrl.u32 v8, $0x17  }
0x258: {  	v41 =	vmul.u32 $0x1F4, v8;
	_ =	sdelay $0x1  }
0x259: {  	v7 =	vsub.s32 v7, v41  }
0x25a: {  	v9 =	vsub.s32 v40, v41;
	v42 =	vshrl.u32 v7, $0x1  }
0x25b: {  	v8 =	vsub.s32 v8, v2;
	v43 =	vshrl.u32 v9, $0x7;
	v10 =	vand.u32 $0x3FFFFC, v42  }
0x25c: {  	v8 =	vmul.u32 $0x3F000, v8;
	v10 =	vadd.s32 v43, v10  }
0x25d: {  	v7 =	vshll.u32 v7, $0x7;
	v10 =	vshll.u32 v10, $0xA  }
0x25e: {  	v7 =	vand.u32 $0x380, v7;
	v8 =	vadd.s32 v8, v10  }
0x25f: {  	v7 =	vor.u32 v7, v8;
	v8 =	vand.u32 $0x7F, v9  }
0x260: {  	v7 =	vor.u32 v8, v7  }
0x261: {  	[tilespmem:$0x10C20] =	vst v7  }
0x262: {  	v7 =	vld [tilespmem:s31+$0xFFFFFFF0];
	_ =	sdelay $0x4  }
0x263: {  	v8 =	vmul.u32 $0x418A, v7  }
0x264: {  	v44 =	vld [tilespmem:s0+$0xFFFFFFF0]  }
0x265: {  	v8 =	vshrl.u32 v8, $0x17  }
0x266: {  	v45 =	vmul.u32 $0x1F4, v8;
	_ =	sdelay $0x1  }
0x267: {  	v7 =	vsub.s32 v7, v45  }
0x268: {  	v9 =	vsub.s32 v44, v45;
	v46 =	vshrl.u32 v7, $0x1  }
0x269: {  	v8 =	vsub.s32 v8, v2;
	v47 =	vshrl.u32 v9, $0x7;
	v10 =	vand.u32 $0x3FFFFC, v46  }
0x26a: {  	v8 =	vmul.u32 $0x3F000, v8;
	v10 =	vadd.s32 v47, v10  }
0x26b: {  	v7 =	vshll.u32 v7, $0x7;
	v10 =	vshll.u32 v10, $0xA  }
0x26c: {  	v7 =	vand.u32 $0x380, v7;
	v8 =	vadd.s32 v8, v10  }
0x26d: {  	v7 =	vor.u32 v7, v8;
	v8 =	vand.u32 $0x7F, v9  }
0x26e: {  	v7 =	vor.u32 v8, v7  }
0x26f: {  	[tilespmem:$0x10C30] =	vst v7  }
0x270: {  	v7 =	vld [tilespmem:s31+$0x0];
	_ =	sdelay $0x4  }
0x271: {  	v8 =	vmul.u32 $0x418A, v7  }
0x272: {  	v48 =	vld [tilespmem:s0+$0x0]  }
0x273: {  	v8 =	vshrl.u32 v8, $0x17  }
0x274: {  	v49 =	vmul.u32 $0x1F4, v8;
	_ =	sdelay $0x1  }
0x275: {  	v7 =	vsub.s32 v7, v49  }
0x276: {  	v9 =	vsub.s32 v48, v49;
	v50 =	vshrl.u32 v7, $0x1  }
0x277: {  	v8 =	vsub.s32 v8, v2;
	v51 =	vshrl.u32 v9, $0x7;
	v10 =	vand.u32 $0x3FFFFC, v50  }
0x278: {  	v8 =	vmul.u32 $0x3F000, v8;
	v10 =	vadd.s32 v51, v10  }
0x279: {  	v7 =	vshll.u32 v7, $0x7;
	v10 =	vshll.u32 v10, $0xA  }
0x27a: {  	v7 =	vand.u32 $0x380, v7;
	v8 =	vadd.s32 v8, v10  }
0x27b: {  	v7 =	vor.u32 v7, v8;
	v8 =	vand.u32 $0x7F, v9  }
0x27c: {  	p0 =	por $0x1, $0x1;
	v7 =	vor.u32 v8, v7  }
0x27d: {  	v7 =	vpsel !p0, $0x7E000, v7  }
0x27e: {  	[tilespmem:$0x10C40] =	vst v7  }
0x27f: {  	v7 =	vld [tilespmem:s31+$0x10];
	_ =	sdelay $0x4  }
0x280: {  	v8 =	vmul.u32 $0x418A, v7  }
0x281: {  	v52 =	vld [tilespmem:s0+$0x10]  }
0x282: {  	v8 =	vshrl.u32 v8, $0x17  }
0x283: {  	v53 =	vmul.u32 $0x1F4, v8;
	_ =	sdelay $0x1  }
0x284: {  	v7 =	vsub.s32 v7, v53  }
0x285: {  	v9 =	vsub.s32 v52, v53;
	v54 =	vshrl.u32 v7, $0x1  }
0x286: {  	v8 =	vsub.s32 v8, v2;
	v55 =	vshrl.u32 v9, $0x7;
	v10 =	vand.u32 $0x3FFFFC, v54  }
0x287: {  	v8 =	vmul.u32 $0x3F000, v8;
	v10 =	vadd.s32 v55, v10  }
0x288: {  	v7 =	vshll.u32 v7, $0x7;
	v10 =	vshll.u32 v10, $0xA  }
0x289: {  	v7 =	vand.u32 $0x380, v7;
	v8 =	vadd.s32 v8, v10  }
0x28a: {  	v7 =	vor.u32 v7, v8;
	v8 =	vand.u32 $0x7F, v9  }
0x28b: {  	p4 =	por $0x1, $0x1;
	v7 =	vor.u32 v8, v7  }
0x28c: {  	v7 =	vpsel !p4, $0x7E000, v7  }
0x28d: {  	[tilespmem:$0x10C50] =	vst v7  }
0x28e: {  	v7 =	vld [tilespmem:s31+$0x20];
	_ =	sdelay $0x4  }
0x28f: {  	v8 =	vmul.u32 $0x418A, v7  }
0x290: {  	v56 =	vld [tilespmem:s0+$0x20]  }
0x291: {  	v8 =	vshrl.u32 v8, $0x17  }
0x292: {  	v57 =	vmul.u32 $0x1F4, v8;
	_ =	sdelay $0x1  }
0x293: {  	v7 =	vsub.s32 v7, v57  }
0x294: {  	v9 =	vsub.s32 v56, v57;
	v58 =	vshrl.u32 v7, $0x1  }
0x295: {  	v8 =	vsub.s32 v8, v2;
	v59 =	vshrl.u32 v9, $0x7;
	v10 =	vand.u32 $0x3FFFFC, v58  }
0x296: {  	v8 =	vmul.u32 $0x3F000, v8;
	v10 =	vadd.s32 v59, v10  }
0x297: {  	v7 =	vshll.u32 v7, $0x7;
	v10 =	vshll.u32 v10, $0xA  }
0x298: {  	v7 =	vand.u32 $0x380, v7;
	v8 =	vadd.s32 v8, v10  }
0x299: {  	v7 =	vor.u32 v7, v8;
	v8 =	vand.u32 $0x7F, v9  }
0x29a: {  	p5 =	por $0x1, $0x1;
	v7 =	vor.u32 v8, v7  }
0x29b: {  	v7 =	vpsel !p5, $0x7E000, v7  }
0x29c: {  	[tilespmem:$0x10C60] =	vst v7  }
0x29d: {  	v7 =	vld [tilespmem:s31+$0x30];
	_ =	sdelay $0x4  }
0x29e: {  	v8 =	vmul.u32 $0x418A, v7  }
0x29f: {  	v60 =	vld [tilespmem:s0+$0x30]  }
0x2a0: {  	v8 =	vshrl.u32 v8, $0x17  }
0x2a1: {  	v61 =	vmul.u32 $0x1F4, v8;
	_ =	sdelay $0x1  }
0x2a2: {  	v7 =	vsub.s32 v7, v61  }
0x2a3: {  	v9 =	vsub.s32 v60, v61;
	v62 =	vshrl.u32 v7, $0x1  }
0x2a4: {  	v8 =	vsub.s32 v8, v2;
	v63 =	vshrl.u32 v9, $0x7;
	v10 =	vand.u32 $0x3FFFFC, v62  }
0x2a5: {  	v8 =	vmul.u32 $0x3F000, v8;
	v10 =	vadd.s32 v63, v10  }
0x2a6: {  	v7 =	vshll.u32 v7, $0x7;
	v10 =	vshll.u32 v10, $0xA  }
0x2a7: {  	v7 =	vand.u32 $0x380, v7;
	v8 =	vadd.s32 v8, v10  }
0x2a8: {  	v7 =	vor.u32 v7, v8;
	v8 =	vand.u32 $0x7F, v9  }
0x2a9: {  	p6 =	por $0x1, $0x1;
	v7 =	vor.u32 v8, v7  }
0x2aa: {  	v7 =	vpsel !p6, $0x7E000, v7  }
0x2ab: {  	[tilespmem:$0x10C70] =	vst v7  }
0x2ac: {  	[spmem:s1] =	stream.indirect.scatter.add.f32 [tilespmem:s26], [sflag:$0x2], $0x1, s25, s24, $0xb8;
	[tilespmem:$0x18B08] =	vst v63  }
0x2ad: {  	_ =	swait.ge [sflag:s21], $0x80  }
0x2ae: {  	s2 =	simm.s32 $0xF0;
	[sflag:s21] =	ssyncset.done $0x0  }
.LBB2_8:
0x2af: {  	[sflag:s21] =	ssyncadd.s32 $0xFFFFFF80;
	s31 =	sadd.s32 $0x80, s31;
	s0 =	sadd.s32 $0x80, s0  }
0x2b0: {  	p0 =	sne.s32 s2, $0x7F0;
	s5 =	smov.u32 s2;
	s2 =	sadd.s32 $0x80, s2;
	v7 =	vld [tilespmem:s31+$0xFFFFFFC0]  }
0x2b1: {  	_ =	sdelay $0x3  }
0x2b2: {  	v8 =	vld [tilespmem:s0+$0xFFFFFFC0];
	v9 =	vmul.u32 $0x418A, v7;
	_ =	sdelay $0x1  }
0x2b3: {  	v9 =	vshrl.u32 v9, $0x17  }
0x2b4: {  	v10 =	vmul.u32 $0x1F4, v9;
	v9 =	vsub.s32 v9, v2;
	_ =	sdelay $0x1  }
0x2b5: {  	v7 =	vsub.s32 v7, v10;
	v8 =	vsub.s32 v8, v10  }
0x2b6: {  	v10 =	vshrl.u32 v7, $0x1;
	v7 =	vshll.u32 v7, $0x7  }
0x2b7: {  	v11 =	vshrl.u32 v8, $0x7;
	v10 =	vand.u32 $0x3FFFFC, v10  }
0x2b8: {  	v9 =	vmul.u32 $0x3F000, v9;
	v10 =	vadd.s32 v11, v10  }
0x2b9: {  	v10 =	vshll.u32 v10, $0xA  }
0x2ba: {  	v7 =	vand.u32 $0x380, v7;
	v9 =	vadd.s32 v9, v10  }
0x2bb: {  	v8 =	vand.u32 $0x7F, v8;
	v7 =	vor.u32 v7, v9  }
0x2bc: {  	v7 =	vor.u32 v8, v7  }
0x2bd: {  	[tilespmem:$0x10C00] =	vst v7  }
0x2be: {  	v7 =	vld [tilespmem:s31+$0xFFFFFFD0];
	_ =	sdelay $0x4  }
0x2bf: {  	v8 =	vld [tilespmem:s0+$0xFFFFFFD0];
	v9 =	vmul.u32 $0x418A, v7;
	_ =	sdelay $0x1  }
0x2c0: {  	v9 =	vshrl.u32 v9, $0x17  }
0x2c1: {  	v10 =	vmul.u32 $0x1F4, v9;
	v9 =	vsub.s32 v9, v2;
	_ =	sdelay $0x1  }
0x2c2: {  	v7 =	vsub.s32 v7, v10;
	v8 =	vsub.s32 v8, v10  }
0x2c3: {  	v10 =	vshrl.u32 v7, $0x1;
	v7 =	vshll.u32 v7, $0x7  }
0x2c4: {  	v11 =	vshrl.u32 v8, $0x7;
	v10 =	vand.u32 $0x3FFFFC, v10  }
0x2c5: {  	v9 =	vmul.u32 $0x3F000, v9;
	v10 =	vadd.s32 v11, v10  }
0x2c6: {  	v10 =	vshll.u32 v10, $0xA  }
0x2c7: {  	v7 =	vand.u32 $0x380, v7;
	v9 =	vadd.s32 v9, v10  }
0x2c8: {  	v8 =	vand.u32 $0x7F, v8;
	v7 =	vor.u32 v7, v9  }
0x2c9: {  	v7 =	vor.u32 v8, v7  }
0x2ca: {  	[tilespmem:$0x10C10] =	vst v7  }
0x2cb: {  	v7 =	vld [tilespmem:s31+$0xFFFFFFE0];
	_ =	sdelay $0x4  }
0x2cc: {  	v8 =	vld [tilespmem:s0+$0xFFFFFFE0];
	v9 =	vmul.u32 $0x418A, v7;
	_ =	sdelay $0x1  }
0x2cd: {  	v9 =	vshrl.u32 v9, $0x17  }
0x2ce: {  	v10 =	vmul.u32 $0x1F4, v9;
	v9 =	vsub.s32 v9, v2;
	_ =	sdelay $0x1  }
0x2cf: {  	v7 =	vsub.s32 v7, v10;
	v8 =	vsub.s32 v8, v10  }
0x2d0: {  	v10 =	vshrl.u32 v7, $0x1;
	v7 =	vshll.u32 v7, $0x7  }
0x2d1: {  	v11 =	vshrl.u32 v8, $0x7;
	v10 =	vand.u32 $0x3FFFFC, v10  }
0x2d2: {  	v9 =	vmul.u32 $0x3F000, v9;
	v10 =	vadd.s32 v11, v10  }
0x2d3: {  	v10 =	vshll.u32 v10, $0xA  }
0x2d4: {  	v7 =	vand.u32 $0x380, v7;
	v9 =	vadd.s32 v9, v10  }
0x2d5: {  	v8 =	vand.u32 $0x7F, v8;
	v7 =	vor.u32 v7, v9  }
0x2d6: {  	v7 =	vor.u32 v8, v7  }
0x2d7: {  	[tilespmem:$0x10C20] =	vst v7  }
0x2d8: {  	v7 =	vld [tilespmem:s31+$0xFFFFFFF0];
	_ =	sdelay $0x4  }
0x2d9: {  	v8 =	vld [tilespmem:s0+$0xFFFFFFF0];
	v9 =	vmul.u32 $0x418A, v7;
	_ =	sdelay $0x1  }
0x2da: {  	v9 =	vshrl.u32 v9, $0x17  }
0x2db: {  	v10 =	vmul.u32 $0x1F4, v9;
	v9 =	vsub.s32 v9, v2;
	_ =	sdelay $0x1  }
0x2dc: {  	v7 =	vsub.s32 v7, v10;
	v8 =	vsub.s32 v8, v10  }
0x2dd: {  	v10 =	vshrl.u32 v7, $0x1;
	v7 =	vshll.u32 v7, $0x7  }
0x2de: {  	v11 =	vshrl.u32 v8, $0x7;
	v10 =	vand.u32 $0x3FFFFC, v10  }
0x2df: {  	v9 =	vmul.u32 $0x3F000, v9;
	v10 =	vadd.s32 v11, v10  }
0x2e0: {  	v10 =	vshll.u32 v10, $0xA  }
0x2e1: {  	v7 =	vand.u32 $0x380, v7;
	v9 =	vadd.s32 v9, v10  }
0x2e2: {  	v8 =	vand.u32 $0x7F, v8;
	v7 =	vor.u32 v7, v9  }
0x2e3: {  	v7 =	vor.u32 v8, v7  }
0x2e4: {  	[tilespmem:$0x10C30] =	vst v7  }
0x2e5: {  	v7 =	vld [tilespmem:s31+$0x0];
	_ =	sdelay $0x4  }
0x2e6: {  	v8 =	vld [tilespmem:s0+$0x0];
	v9 =	vmul.u32 $0x418A, v7;
	_ =	sdelay $0x1  }
0x2e7: {  	v9 =	vshrl.u32 v9, $0x17  }
0x2e8: {  	v10 =	vmul.u32 $0x1F4, v9;
	v9 =	vsub.s32 v9, v2;
	_ =	sdelay $0x1  }
0x2e9: {  	v7 =	vsub.s32 v7, v10;
	v8 =	vsub.s32 v8, v10  }
0x2ea: {  	v10 =	vshrl.u32 v7, $0x1;
	v7 =	vshll.u32 v7, $0x7  }
0x2eb: {  	v11 =	vshrl.u32 v8, $0x7;
	v10 =	vand.u32 $0x3FFFFC, v10  }
0x2ec: {  	v9 =	vmul.u32 $0x3F000, v9;
	v10 =	vadd.s32 v11, v10  }
0x2ed: {  	v10 =	vshll.u32 v10, $0xA  }
0x2ee: {  	v7 =	vand.u32 $0x380, v7;
	v9 =	vadd.s32 v9, v10  }
0x2ef: {  	s6 =	sadd.s32 $0xFFFFFFD0, s5;
	v8 =	vand.u32 $0x7F, v8;
	v7 =	vor.u32 v7, v9  }
0x2f0: {  	p1 =	slt.u32 s6, $0x7D0;
	v7 =	vor.u32 v8, v7  }
0x2f1: {  	v7 =	vpsel !p1, $0x7E000, v7  }
0x2f2: {  	[tilespmem:$0x10C40] =	vst v7  }
0x2f3: {  	v7 =	vld [tilespmem:s31+$0x10];
	_ =	sdelay $0x4  }
0x2f4: {  	v8 =	vld [tilespmem:s0+$0x10];
	v9 =	vmul.u32 $0x418A, v7;
	_ =	sdelay $0x1  }
0x2f5: {  	v9 =	vshrl.u32 v9, $0x17  }
0x2f6: {  	v10 =	vmul.u32 $0x1F4, v9;
	v9 =	vsub.s32 v9, v2;
	_ =	sdelay $0x1  }
0x2f7: {  	v7 =	vsub.s32 v7, v10;
	v8 =	vsub.s32 v8, v10  }
0x2f8: {  	v10 =	vshrl.u32 v7, $0x1;
	v7 =	vshll.u32 v7, $0x7  }
0x2f9: {  	v11 =	vshrl.u32 v8, $0x7;
	v10 =	vand.u32 $0x3FFFFC, v10  }
0x2fa: {  	v9 =	vmul.u32 $0x3F000, v9;
	v10 =	vadd.s32 v11, v10  }
0x2fb: {  	v10 =	vshll.u32 v10, $0xA  }
0x2fc: {  	v7 =	vand.u32 $0x380, v7;
	v9 =	vadd.s32 v9, v10  }
0x2fd: {  	s6 =	sadd.s32 $0xFFFFFFE0, s5;
	v8 =	vand.u32 $0x7F, v8;
	v7 =	vor.u32 v7, v9  }
0x2fe: {  	p1 =	slt.u32 s6, $0x7D0;
	v7 =	vor.u32 v8, v7  }
0x2ff: {  	v7 =	vpsel !p1, $0x7E000, v7  }
0x300: {  	[tilespmem:$0x10C50] =	vst v7  }
0x301: {  	v7 =	vld [tilespmem:s31+$0x20]  }
0x302: {  	v8 =	vld [tilespmem:s0+$0x20];
	_ =	sdelay $0x3  }
0x303: {  	v9 =	vmul.u32 $0x418A, v7;
	_ =	sdelay $0x1  }
0x304: {  	v9 =	vshrl.u32 v9, $0x17  }
0x305: {  	v10 =	vmul.u32 $0x1F4, v9;
	v9 =	vsub.s32 v9, v2;
	_ =	sdelay $0x1  }
0x306: {  	v7 =	vsub.s32 v7, v10;
	v8 =	vsub.s32 v8, v10  }
0x307: {  	v10 =	vshrl.u32 v7, $0x1;
	v7 =	vshll.u32 v7, $0x7  }
0x308: {  	v11 =	vshrl.u32 v8, $0x7;
	v10 =	vand.u32 $0x3FFFFC, v10  }
0x309: {  	v9 =	vmul.u32 $0x3F000, v9;
	v10 =	vadd.s32 v11, v10  }
0x30a: {  	v10 =	vshll.u32 v10, $0xA  }
0x30b: {  	v7 =	vand.u32 $0x380, v7;
	v9 =	vadd.s32 v9, v10  }
0x30c: {  	s6 =	sadd.s32 $0xFFFFFFF0, s5;
	v8 =	vand.u32 $0x7F, v8;
	v7 =	vor.u32 v7, v9  }
0x30d: {  	p1 =	slt.u32 s6, $0x7D0;
	v7 =	vor.u32 v8, v7  }
0x30e: {  	v7 =	vpsel !p1, $0x7E000, v7  }
0x30f: {  	[tilespmem:$0x10C60] =	vst v7  }
0x310: {  	v7 =	vld [tilespmem:s31+$0x30]  }
0x311: {  	v8 =	vld [tilespmem:s0+$0x30];
	_ =	sdelay $0x3  }
0x312: {  	v9 =	vmul.u32 $0x418A, v7;
	_ =	sdelay $0x1  }
0x313: {  	v9 =	vshrl.u32 v9, $0x17  }
0x314: {  	v10 =	vmul.u32 $0x1F4, v9;
	v9 =	vsub.s32 v9, v2;
	_ =	sdelay $0x1  }
0x315: {  	v7 =	vsub.s32 v7, v10;
	v8 =	vsub.s32 v8, v10  }
0x316: {  	v10 =	vshrl.u32 v7, $0x1;
	v7 =	vshll.u32 v7, $0x7  }
0x317: {  	v11 =	vshrl.u32 v8, $0x7;
	v10 =	vand.u32 $0x3FFFFC, v10  }
0x318: {  	v9 =	vmul.u32 $0x3F000, v9;
	v10 =	vadd.s32 v11, v10  }
0x319: {  	v10 =	vshll.u32 v10, $0xA  }
0x31a: {  	v7 =	vand.u32 $0x380, v7;
	v9 =	vadd.s32 v9, v10  }
0x31b: {  	v8 =	vand.u32 $0x7F, v8;
	v7 =	vor.u32 v7, v9  }
0x31c: {  	p1 =	slt.u32 s5, $0x7D0;
	v7 =	vor.u32 v8, v7  }
.Ltmp3:
0x31d: {  	v7 =	vpsel !p1, $0x7E000, v7;
	(pc) =	sbr.rel @p0 .LBB2_8-.Ltmp3, $4  }
0x31e: {  	[tilespmem:$0x10C70] =	vst v7  }
0x31f: {  	[spmem:s1] =	stream.indirect.scatter.add.f32 [tilespmem:s26], [sflag:$0x2], $0x1, s25, s24, $0xb8;
	[tilespmem:$0x18B08] =	vst v63  }
0x320: {  	_ =	swait.ge [sflag:s21], $0x80  }
0x321: {  	[sflag:s21] =	ssyncset.done $0x0  }
0x322: {  	[sflag:s21] =	ssyncadd.s32 $0xFFFFFF80  }
0x323: {  	[bflag:$0x0] =	sbarrier.arrive $0xFFFF  }
0x324: {  	_ =	swait.ge [sflag:s29], $0x7E00  }
0x325: {  	[sflag:s29] =	ssyncset.done $0x0  }
0x326: {  	[sflag:s29] =	ssyncadd.s32 $0xFFFF8200  }
0x327: {  	[tilespmem:s28], [sflag:$0x2] =	stream.linear.gather [spmem:s4], $0x7E00, $0x38;
	[tilespmem:$0x18B08] =	vst v63  }
0x328: {  	_ =	swait.ge [sflag:s21], $0x7E00  }
0x329: {  	[sflag:s21] =	ssyncset.done $0x0  }
0x32a: {  	[sflag:s21] =	ssyncadd.s32 $0xFFFF8200  }
0x32b: {  	[bflag:$0x0] =	sbarrier.arrive $0xFFFF  }
0x32c: {  	[hbm4b:s13+s3] =	stream.linear.scatter [tilespmem:s28], [sflag:$0x1], $0x7E00, $0x38;
	[tilespmem:$0x18B08] =	vst v63  }
0x32d: {  	_ = 	snop  }
0x32e: {  	[spmem:s4] =	stream.linear.scatter [tilespmem:s3], [sflag:$0x2], $0x7E00, $0x38;
	[tilespmem:$0x18B08] =	vst v63  }
0x32f: {  	_ =	swait.ge [sflag:s21], $0x7E00  }
0x330: {  	[sflag:s21] =	ssyncset.done $0x0  }
0x331: {  	[sflag:s21] =	ssyncadd.s32 $0xFFFF8200  }
0x332: {  	[tilespmem:s22], [sflag:$0x2] =	stream.linear.gather [hbm4b:s14+s3], $0x7D0, $0x38;
	[tilespmem:$0x18B08] =	vst v63  }
0x333: {  	_ =	swait.ge [sflag:s21], $0x7D0  }
0x334: {  	[sflag:s21] =	ssyncset.done $0x0  }
0x335: {  	[sflag:s21] =	ssyncadd.s32 $0xFFFFF830  }
0x336: {  	[tilespmem:s23], [sflag:$0x2] =	stream.linear.gather [hbm4b:s15+s3], $0x7D0, $0x38;
	[tilespmem:$0x18B08] =	vst v63  }
0x337: {  	_ =	swait.ge [sflag:s21], $0x7D0  }
0x338: {  	[sflag:s21] =	ssyncset.done $0x0  }
0x339: {  	[sflag:s21] =	ssyncadd.s32 $0xFFFFF830  }
0x33a: {  	s31 =	simm.s32 $0x10440;
	[bflag:$0x0] =	sbarrier.arrive $0xFFFF  }
0x33b: {  	v7 =	vld [tilespmem:s31+$0xFFFFFFC0];
	_ =	sdelay $0x4  }
0x33c: {  	s0 =	simm.s32 $0xFC40;
	v8 =	vmul.u32 $0x418A, v7  }
0x33d: {  	v9 =	vld [tilespmem:s0+$0xFFFFFFC0]  }
0x33e: {  	v8 =	vshrl.u32 v8, $0x17  }
0x33f: {  	v10 =	vmul.u32 $0x1F4, v8;
	_ =	sdelay $0x1  }
0x340: {  	v7 =	vsub.s32 v7, v10  }
0x341: {  	v9 =	vsub.s32 v9, v10;
	v35 =	vshrl.u32 v7, $0x1  }
0x342: {  	v8 =	vsub.s32 v8, v3;
	v11 =	vshrl.u32 v9, $0x7;
	v10 =	vand.u32 $0x3FFFFC, v35  }
0x343: {  	v8 =	vmul.u32 $0x3F000, v8;
	v10 =	vadd.s32 v11, v10  }
0x344: {  	v7 =	vshll.u32 v7, $0x7;
	v10 =	vshll.u32 v10, $0xA  }
0x345: {  	v7 =	vand.u32 $0x380, v7;
	v8 =	vadd.s32 v8, v10  }
0x346: {  	v7 =	vor.u32 v7, v8;
	v8 =	vand.u32 $0x7F, v9  }
0x347: {  	v7 =	vor.u32 v8, v7  }
0x348: {  	[tilespmem:$0x10C00] =	vst v7  }
0x349: {  	v7 =	vld [tilespmem:s31+$0xFFFFFFD0];
	_ =	sdelay $0x4  }
0x34a: {  	v8 =	vmul.u32 $0x418A, v7  }
0x34b: {  	v36 =	vld [tilespmem:s0+$0xFFFFFFD0]  }
0x34c: {  	v8 =	vshrl.u32 v8, $0x17  }
0x34d: {  	v37 =	vmul.u32 $0x1F4, v8;
	_ =	sdelay $0x1  }
0x34e: {  	v7 =	vsub.s32 v7, v37  }
0x34f: {  	v9 =	vsub.s32 v36, v37;
	v38 =	vshrl.u32 v7, $0x1  }
0x350: {  	v8 =	vsub.s32 v8, v3;
	v39 =	vshrl.u32 v9, $0x7;
	v10 =	vand.u32 $0x3FFFFC, v38  }
0x351: {  	v8 =	vmul.u32 $0x3F000, v8;
	v10 =	vadd.s32 v39, v10  }
0x352: {  	v7 =	vshll.u32 v7, $0x7;
	v10 =	vshll.u32 v10, $0xA  }
0x353: {  	v7 =	vand.u32 $0x380, v7;
	v8 =	vadd.s32 v8, v10  }
0x354: {  	v7 =	vor.u32 v7, v8;
	v8 =	vand.u32 $0x7F, v9  }
0x355: {  	v7 =	vor.u32 v8, v7  }
0x356: {  	[tilespmem:$0x10C10] =	vst v7  }
0x357: {  	v7 =	vld [tilespmem:s31+$0xFFFFFFE0];
	_ =	sdelay $0x4  }
0x358: {  	v8 =	vmul.u32 $0x418A, v7  }
0x359: {  	v40 =	vld [tilespmem:s0+$0xFFFFFFE0]  }
0x35a: {  	v8 =	vshrl.u32 v8, $0x17  }
0x35b: {  	v41 =	vmul.u32 $0x1F4, v8;
	_ =	sdelay $0x1  }
0x35c: {  	v7 =	vsub.s32 v7, v41  }
0x35d: {  	v9 =	vsub.s32 v40, v41;
	v42 =	vshrl.u32 v7, $0x1  }
0x35e: {  	v8 =	vsub.s32 v8, v3;
	v43 =	vshrl.u32 v9, $0x7;
	v10 =	vand.u32 $0x3FFFFC, v42  }
0x35f: {  	v8 =	vmul.u32 $0x3F000, v8;
	v10 =	vadd.s32 v43, v10  }
0x360: {  	v7 =	vshll.u32 v7, $0x7;
	v10 =	vshll.u32 v10, $0xA  }
0x361: {  	v7 =	vand.u32 $0x380, v7;
	v8 =	vadd.s32 v8, v10  }
0x362: {  	v7 =	vor.u32 v7, v8;
	v8 =	vand.u32 $0x7F, v9  }
0x363: {  	v7 =	vor.u32 v8, v7  }
0x364: {  	[tilespmem:$0x10C20] =	vst v7  }
0x365: {  	v7 =	vld [tilespmem:s31+$0xFFFFFFF0];
	_ =	sdelay $0x4  }
0x366: {  	v8 =	vmul.u32 $0x418A, v7  }
0x367: {  	v44 =	vld [tilespmem:s0+$0xFFFFFFF0]  }
0x368: {  	v8 =	vshrl.u32 v8, $0x17  }
0x369: {  	v45 =	vmul.u32 $0x1F4, v8;
	_ =	sdelay $0x1  }
0x36a: {  	v7 =	vsub.s32 v7, v45  }
0x36b: {  	v9 =	vsub.s32 v44, v45;
	v46 =	vshrl.u32 v7, $0x1  }
0x36c: {  	v8 =	vsub.s32 v8, v3;
	v47 =	vshrl.u32 v9, $0x7;
	v10 =	vand.u32 $0x3FFFFC, v46  }
0x36d: {  	v8 =	vmul.u32 $0x3F000, v8;
	v10 =	vadd.s32 v47, v10  }
0x36e: {  	v7 =	vshll.u32 v7, $0x7;
	v10 =	vshll.u32 v10, $0xA  }
0x36f: {  	v7 =	vand.u32 $0x380, v7;
	v8 =	vadd.s32 v8, v10  }
0x370: {  	v7 =	vor.u32 v7, v8;
	v8 =	vand.u32 $0x7F, v9  }
0x371: {  	v7 =	vor.u32 v8, v7  }
0x372: {  	[tilespmem:$0x10C30] =	vst v7  }
0x373: {  	v7 =	vld [tilespmem:s31+$0x0];
	_ =	sdelay $0x4  }
0x374: {  	v8 =	vmul.u32 $0x418A, v7  }
0x375: {  	v48 =	vld [tilespmem:s0+$0x0]  }
0x376: {  	v8 =	vshrl.u32 v8, $0x17  }
0x377: {  	v49 =	vmul.u32 $0x1F4, v8;
	_ =	sdelay $0x1  }
0x378: {  	v7 =	vsub.s32 v7, v49  }
0x379: {  	v9 =	vsub.s32 v48, v49;
	v50 =	vshrl.u32 v7, $0x1  }
0x37a: {  	v8 =	vsub.s32 v8, v3;
	v51 =	vshrl.u32 v9, $0x7;
	v10 =	vand.u32 $0x3FFFFC, v50  }
0x37b: {  	v8 =	vmul.u32 $0x3F000, v8;
	v10 =	vadd.s32 v51, v10  }
0x37c: {  	v7 =	vshll.u32 v7, $0x7;
	v10 =	vshll.u32 v10, $0xA  }
0x37d: {  	v7 =	vand.u32 $0x380, v7;
	v8 =	vadd.s32 v8, v10  }
0x37e: {  	v7 =	vor.u32 v7, v8;
	v8 =	vand.u32 $0x7F, v9  }
0x37f: {  	p0 =	por $0x1, $0x1;
	v7 =	vor.u32 v8, v7  }
0x380: {  	v7 =	vpsel !p0, $0x7E000, v7  }
0x381: {  	[tilespmem:$0x10C40] =	vst v7  }
0x382: {  	v7 =	vld [tilespmem:s31+$0x10];
	_ =	sdelay $0x4  }
0x383: {  	v8 =	vmul.u32 $0x418A, v7  }
0x384: {  	v52 =	vld [tilespmem:s0+$0x10]  }
0x385: {  	v8 =	vshrl.u32 v8, $0x17  }
0x386: {  	v53 =	vmul.u32 $0x1F4, v8;
	_ =	sdelay $0x1  }
0x387: {  	v7 =	vsub.s32 v7, v53  }
0x388: {  	v9 =	vsub.s32 v52, v53;
	v54 =	vshrl.u32 v7, $0x1  }
0x389: {  	v8 =	vsub.s32 v8, v3;
	v55 =	vshrl.u32 v9, $0x7;
	v10 =	vand.u32 $0x3FFFFC, v54  }
0x38a: {  	v8 =	vmul.u32 $0x3F000, v8;
	v10 =	vadd.s32 v55, v10  }
0x38b: {  	v7 =	vshll.u32 v7, $0x7;
	v10 =	vshll.u32 v10, $0xA  }
0x38c: {  	v7 =	vand.u32 $0x380, v7;
	v8 =	vadd.s32 v8, v10  }
0x38d: {  	v7 =	vor.u32 v7, v8;
	v8 =	vand.u32 $0x7F, v9  }
0x38e: {  	p4 =	por $0x1, $0x1;
	v7 =	vor.u32 v8, v7  }
0x38f: {  	v7 =	vpsel !p4, $0x7E000, v7  }
0x390: {  	[tilespmem:$0x10C50] =	vst v7  }
0x391: {  	v7 =	vld [tilespmem:s31+$0x20];
	_ =	sdelay $0x4  }
0x392: {  	v8 =	vmul.u32 $0x418A, v7  }
0x393: {  	v56 =	vld [tilespmem:s0+$0x20]  }
0x394: {  	v8 =	vshrl.u32 v8, $0x17  }
0x395: {  	v57 =	vmul.u32 $0x1F4, v8;
	_ =	sdelay $0x1  }
0x396: {  	v7 =	vsub.s32 v7, v57  }
0x397: {  	v9 =	vsub.s32 v56, v57;
	v58 =	vshrl.u32 v7, $0x1  }
0x398: {  	v8 =	vsub.s32 v8, v3;
	v59 =	vshrl.u32 v9, $0x7;
	v10 =	vand.u32 $0x3FFFFC, v58  }
0x399: {  	v8 =	vmul.u32 $0x3F000, v8;
	v10 =	vadd.s32 v59, v10  }
0x39a: {  	v7 =	vshll.u32 v7, $0x7;
	v10 =	vshll.u32 v10, $0xA  }
0x39b: {  	v7 =	vand.u32 $0x380, v7;
	v8 =	vadd.s32 v8, v10  }
0x39c: {  	v7 =	vor.u32 v7, v8;
	v8 =	vand.u32 $0x7F, v9  }
0x39d: {  	p5 =	por $0x1, $0x1;
	v7 =	vor.u32 v8, v7  }
0x39e: {  	v7 =	vpsel !p5, $0x7E000, v7  }
0x39f: {  	[tilespmem:$0x10C60] =	vst v7  }
0x3a0: {  	v7 =	vld [tilespmem:s31+$0x30];
	_ =	sdelay $0x4  }
0x3a1: {  	v8 =	vmul.u32 $0x418A, v7  }
0x3a2: {  	v60 =	vld [tilespmem:s0+$0x30]  }
0x3a3: {  	v8 =	vshrl.u32 v8, $0x17  }
0x3a4: {  	v61 =	vmul.u32 $0x1F4, v8;
	_ =	sdelay $0x1  }
0x3a5: {  	v7 =	vsub.s32 v7, v61  }
0x3a6: {  	v9 =	vsub.s32 v60, v61;
	v62 =	vshrl.u32 v7, $0x1  }
0x3a7: {  	v8 =	vsub.s32 v8, v3;
	v63 =	vshrl.u32 v9, $0x7;
	v10 =	vand.u32 $0x3FFFFC, v62  }
0x3a8: {  	v8 =	vmul.u32 $0x3F000, v8;
	v10 =	vadd.s32 v63, v10  }
0x3a9: {  	v7 =	vshll.u32 v7, $0x7;
	v10 =	vshll.u32 v10, $0xA  }
0x3aa: {  	v7 =	vand.u32 $0x380, v7;
	v8 =	vadd.s32 v8, v10  }
0x3ab: {  	v7 =	vor.u32 v7, v8;
	v8 =	vand.u32 $0x7F, v9  }
0x3ac: {  	p6 =	por $0x1, $0x1;
	v7 =	vor.u32 v8, v7  }
0x3ad: {  	v7 =	vpsel !p6, $0x7E000, v7  }
0x3ae: {  	[tilespmem:$0x10C70] =	vst v7  }
0x3af: {  	[spmem:s1] =	stream.indirect.scatter.add.f32 [tilespmem:s26], [sflag:$0x2], $0x1, s25, s24, $0xb8;
	[tilespmem:$0x18B08] =	vst v63  }
0x3b0: {  	_ =	swait.ge [sflag:s21], $0x80  }
0x3b1: {  	s2 =	simm.s32 $0xF0;
	[sflag:s21] =	ssyncset.done $0x0  }
.LBB2_10:
0x3b2: {  	[sflag:s21] =	ssyncadd.s32 $0xFFFFFF80;
	s31 =	sadd.s32 $0x80, s31;
	s0 =	sadd.s32 $0x80, s0  }
0x3b3: {  	p0 =	sne.s32 s2, $0x7F0;
	s5 =	smov.u32 s2;
	s2 =	sadd.s32 $0x80, s2;
	v7 =	vld [tilespmem:s31+$0xFFFFFFC0]  }
0x3b4: {  	_ =	sdelay $0x3  }
0x3b5: {  	v8 =	vld [tilespmem:s0+$0xFFFFFFC0];
	v9 =	vmul.u32 $0x418A, v7;
	_ =	sdelay $0x1  }
0x3b6: {  	v9 =	vshrl.u32 v9, $0x17  }
0x3b7: {  	v10 =	vmul.u32 $0x1F4, v9;
	v9 =	vsub.s32 v9, v3;
	_ =	sdelay $0x1  }
0x3b8: {  	v7 =	vsub.s32 v7, v10;
	v8 =	vsub.s32 v8, v10  }
0x3b9: {  	v10 =	vshrl.u32 v7, $0x1;
	v7 =	vshll.u32 v7, $0x7  }
0x3ba: {  	v11 =	vshrl.u32 v8, $0x7;
	v10 =	vand.u32 $0x3FFFFC, v10  }
0x3bb: {  	v9 =	vmul.u32 $0x3F000, v9;
	v10 =	vadd.s32 v11, v10  }
0x3bc: {  	v10 =	vshll.u32 v10, $0xA  }
0x3bd: {  	v7 =	vand.u32 $0x380, v7;
	v9 =	vadd.s32 v9, v10  }
0x3be: {  	v8 =	vand.u32 $0x7F, v8;
	v7 =	vor.u32 v7, v9  }
0x3bf: {  	v7 =	vor.u32 v8, v7  }
0x3c0: {  	[tilespmem:$0x10C00] =	vst v7  }
0x3c1: {  	v7 =	vld [tilespmem:s31+$0xFFFFFFD0];
	_ =	sdelay $0x4  }
0x3c2: {  	v8 =	vld [tilespmem:s0+$0xFFFFFFD0];
	v9 =	vmul.u32 $0x418A, v7;
	_ =	sdelay $0x1  }
0x3c3: {  	v9 =	vshrl.u32 v9, $0x17  }
0x3c4: {  	v10 =	vmul.u32 $0x1F4, v9;
	v9 =	vsub.s32 v9, v3;
	_ =	sdelay $0x1  }
0x3c5: {  	v7 =	vsub.s32 v7, v10;
	v8 =	vsub.s32 v8, v10  }
0x3c6: {  	v10 =	vshrl.u32 v7, $0x1;
	v7 =	vshll.u32 v7, $0x7  }
0x3c7: {  	v11 =	vshrl.u32 v8, $0x7;
	v10 =	vand.u32 $0x3FFFFC, v10  }
0x3c8: {  	v9 =	vmul.u32 $0x3F000, v9;
	v10 =	vadd.s32 v11, v10  }
0x3c9: {  	v10 =	vshll.u32 v10, $0xA  }
0x3ca: {  	v7 =	vand.u32 $0x380, v7;
	v9 =	vadd.s32 v9, v10  }
0x3cb: {  	v8 =	vand.u32 $0x7F, v8;
	v7 =	vor.u32 v7, v9  }
0x3cc: {  	v7 =	vor.u32 v8, v7  }
0x3cd: {  	[tilespmem:$0x10C10] =	vst v7  }
0x3ce: {  	v7 =	vld [tilespmem:s31+$0xFFFFFFE0];
	_ =	sdelay $0x4  }
0x3cf: {  	v8 =	vld [tilespmem:s0+$0xFFFFFFE0];
	v9 =	vmul.u32 $0x418A, v7;
	_ =	sdelay $0x1  }
0x3d0: {  	v9 =	vshrl.u32 v9, $0x17  }
0x3d1: {  	v10 =	vmul.u32 $0x1F4, v9;
	v9 =	vsub.s32 v9, v3;
	_ =	sdelay $0x1  }
0x3d2: {  	v7 =	vsub.s32 v7, v10;
	v8 =	vsub.s32 v8, v10  }
0x3d3: {  	v10 =	vshrl.u32 v7, $0x1;
	v7 =	vshll.u32 v7, $0x7  }
0x3d4: {  	v11 =	vshrl.u32 v8, $0x7;
	v10 =	vand.u32 $0x3FFFFC, v10  }
0x3d5: {  	v9 =	vmul.u32 $0x3F000, v9;
	v10 =	vadd.s32 v11, v10  }
0x3d6: {  	v10 =	vshll.u32 v10, $0xA  }
0x3d7: {  	v7 =	vand.u32 $0x380, v7;
	v9 =	vadd.s32 v9, v10  }
0x3d8: {  	v8 =	vand.u32 $0x7F, v8;
	v7 =	vor.u32 v7, v9  }
0x3d9: {  	v7 =	vor.u32 v8, v7  }
0x3da: {  	[tilespmem:$0x10C20] =	vst v7  }
0x3db: {  	v7 =	vld [tilespmem:s31+$0xFFFFFFF0];
	_ =	sdelay $0x4  }
0x3dc: {  	v8 =	vld [tilespmem:s0+$0xFFFFFFF0];
	v9 =	vmul.u32 $0x418A, v7;
	_ =	sdelay $0x1  }
0x3dd: {  	v9 =	vshrl.u32 v9, $0x17  }
0x3de: {  	v10 =	vmul.u32 $0x1F4, v9;
	v9 =	vsub.s32 v9, v3;
	_ =	sdelay $0x1  }
0x3df: {  	v7 =	vsub.s32 v7, v10;
	v8 =	vsub.s32 v8, v10  }
0x3e0: {  	v10 =	vshrl.u32 v7, $0x1;
	v7 =	vshll.u32 v7, $0x7  }
0x3e1: {  	v11 =	vshrl.u32 v8, $0x7;
	v10 =	vand.u32 $0x3FFFFC, v10  }
0x3e2: {  	v9 =	vmul.u32 $0x3F000, v9;
	v10 =	vadd.s32 v11, v10  }
0x3e3: {  	v10 =	vshll.u32 v10, $0xA  }
0x3e4: {  	v7 =	vand.u32 $0x380, v7;
	v9 =	vadd.s32 v9, v10  }
0x3e5: {  	v8 =	vand.u32 $0x7F, v8;
	v7 =	vor.u32 v7, v9  }
0x3e6: {  	v7 =	vor.u32 v8, v7  }
0x3e7: {  	[tilespmem:$0x10C30] =	vst v7  }
0x3e8: {  	v7 =	vld [tilespmem:s31+$0x0];
	_ =	sdelay $0x4  }
0x3e9: {  	v8 =	vld [tilespmem:s0+$0x0];
	v9 =	vmul.u32 $0x418A, v7;
	_ =	sdelay $0x1  }
0x3ea: {  	v9 =	vshrl.u32 v9, $0x17  }
0x3eb: {  	v10 =	vmul.u32 $0x1F4, v9;
	v9 =	vsub.s32 v9, v3;
	_ =	sdelay $0x1  }
0x3ec: {  	v7 =	vsub.s32 v7, v10;
	v8 =	vsub.s32 v8, v10  }
0x3ed: {  	v10 =	vshrl.u32 v7, $0x1;
	v7 =	vshll.u32 v7, $0x7  }
0x3ee: {  	v11 =	vshrl.u32 v8, $0x7;
	v10 =	vand.u32 $0x3FFFFC, v10  }
0x3ef: {  	v9 =	vmul.u32 $0x3F000, v9;
	v10 =	vadd.s32 v11, v10  }
0x3f0: {  	v10 =	vshll.u32 v10, $0xA  }
0x3f1: {  	v7 =	vand.u32 $0x380, v7;
	v9 =	vadd.s32 v9, v10  }
0x3f2: {  	s6 =	sadd.s32 $0xFFFFFFD0, s5;
	v8 =	vand.u32 $0x7F, v8;
	v7 =	vor.u32 v7, v9  }
0x3f3: {  	p1 =	slt.u32 s6, $0x7D0;
	v7 =	vor.u32 v8, v7  }
0x3f4: {  	v7 =	vpsel !p1, $0x7E000, v7  }
0x3f5: {  	[tilespmem:$0x10C40] =	vst v7  }
0x3f6: {  	v7 =	vld [tilespmem:s31+$0x10];
	_ =	sdelay $0x4  }
0x3f7: {  	v8 =	vld [tilespmem:s0+$0x10];
	v9 =	vmul.u32 $0x418A, v7;
	_ =	sdelay $0x1  }
0x3f8: {  	v9 =	vshrl.u32 v9, $0x17  }
0x3f9: {  	v10 =	vmul.u32 $0x1F4, v9;
	v9 =	vsub.s32 v9, v3;
	_ =	sdelay $0x1  }
0x3fa: {  	v7 =	vsub.s32 v7, v10;
	v8 =	vsub.s32 v8, v10  }
0x3fb: {  	v10 =	vshrl.u32 v7, $0x1;
	v7 =	vshll.u32 v7, $0x7  }
0x3fc: {  	v11 =	vshrl.u32 v8, $0x7;
	v10 =	vand.u32 $0x3FFFFC, v10  }
0x3fd: {  	v9 =	vmul.u32 $0x3F000, v9;
	v10 =	vadd.s32 v11, v10  }
0x3fe: {  	v10 =	vshll.u32 v10, $0xA  }
0x3ff: {  	v7 =	vand.u32 $0x380, v7;
	v9 =	vadd.s32 v9, v10  }
0x400: {  	s6 =	sadd.s32 $0xFFFFFFE0, s5;
	v8 =	vand.u32 $0x7F, v8;
	v7 =	vor.u32 v7, v9  }
0x401: {  	p1 =	slt.u32 s6, $0x7D0;
	v7 =	vor.u32 v8, v7  }
0x402: {  	v7 =	vpsel !p1, $0x7E000, v7  }
0x403: {  	[tilespmem:$0x10C50] =	vst v7  }
0x404: {  	v7 =	vld [tilespmem:s31+$0x20]  }
0x405: {  	v8 =	vld [tilespmem:s0+$0x20];
	_ =	sdelay $0x3  }
0x406: {  	v9 =	vmul.u32 $0x418A, v7;
	_ =	sdelay $0x1  }
0x407: {  	v9 =	vshrl.u32 v9, $0x17  }
0x408: {  	v10 =	vmul.u32 $0x1F4, v9;
	v9 =	vsub.s32 v9, v3;
	_ =	sdelay $0x1  }
0x409: {  	v7 =	vsub.s32 v7, v10;
	v8 =	vsub.s32 v8, v10  }
0x40a: {  	v10 =	vshrl.u32 v7, $0x1;
	v7 =	vshll.u32 v7, $0x7  }
0x40b: {  	v11 =	vshrl.u32 v8, $0x7;
	v10 =	vand.u32 $0x3FFFFC, v10  }
0x40c: {  	v9 =	vmul.u32 $0x3F000, v9;
	v10 =	vadd.s32 v11, v10  }
0x40d: {  	v10 =	vshll.u32 v10, $0xA  }
0x40e: {  	v7 =	vand.u32 $0x380, v7;
	v9 =	vadd.s32 v9, v10  }
0x40f: {  	s6 =	sadd.s32 $0xFFFFFFF0, s5;
	v8 =	vand.u32 $0x7F, v8;
	v7 =	vor.u32 v7, v9  }
0x410: {  	p1 =	slt.u32 s6, $0x7D0;
	v7 =	vor.u32 v8, v7  }
0x411: {  	v7 =	vpsel !p1, $0x7E000, v7  }
0x412: {  	[tilespmem:$0x10C60] =	vst v7  }
0x413: {  	v7 =	vld [tilespmem:s31+$0x30]  }
0x414: {  	v8 =	vld [tilespmem:s0+$0x30];
	_ =	sdelay $0x3  }
0x415: {  	v9 =	vmul.u32 $0x418A, v7;
	_ =	sdelay $0x1  }
0x416: {  	v9 =	vshrl.u32 v9, $0x17  }
0x417: {  	v10 =	vmul.u32 $0x1F4, v9;
	v9 =	vsub.s32 v9, v3;
	_ =	sdelay $0x1  }
0x418: {  	v7 =	vsub.s32 v7, v10;
	v8 =	vsub.s32 v8, v10  }
0x419: {  	v10 =	vshrl.u32 v7, $0x1;
	v7 =	vshll.u32 v7, $0x7  }
0x41a: {  	v11 =	vshrl.u32 v8, $0x7;
	v10 =	vand.u32 $0x3FFFFC, v10  }
0x41b: {  	v9 =	vmul.u32 $0x3F000, v9;
	v10 =	vadd.s32 v11, v10  }
0x41c: {  	v10 =	vshll.u32 v10, $0xA  }
0x41d: {  	v7 =	vand.u32 $0x380, v7;
	v9 =	vadd.s32 v9, v10  }
0x41e: {  	v8 =	vand.u32 $0x7F, v8;
	v7 =	vor.u32 v7, v9  }
0x41f: {  	p1 =	slt.u32 s5, $0x7D0;
	v7 =	vor.u32 v8, v7  }
.Ltmp4:
0x420: {  	v7 =	vpsel !p1, $0x7E000, v7;
	(pc) =	sbr.rel @p0 .LBB2_10-.Ltmp4, $4  }
0x421: {  	[tilespmem:$0x10C70] =	vst v7  }
0x422: {  	[spmem:s1] =	stream.indirect.scatter.add.f32 [tilespmem:s26], [sflag:$0x2], $0x1, s25, s24, $0xb8;
	[tilespmem:$0x18B08] =	vst v63  }
0x423: {  	_ =	swait.ge [sflag:s21], $0x80  }
0x424: {  	[sflag:s21] =	ssyncset.done $0x0  }
0x425: {  	[sflag:s21] =	ssyncadd.s32 $0xFFFFFF80  }
0x426: {  	[bflag:$0x0] =	sbarrier.arrive $0xFFFF  }
0x427: {  	_ =	swait.ge [sflag:s29], $0x7E00  }
0x428: {  	[sflag:s29] =	ssyncset.done $0x0  }
0x429: {  	[sflag:s29] =	ssyncadd.s32 $0xFFFF8200  }
0x42a: {  	[tilespmem:s28], [sflag:$0x2] =	stream.linear.gather [spmem:s4], $0x7E00, $0x38;
	[tilespmem:$0x18B08] =	vst v63  }
0x42b: {  	_ =	swait.ge [sflag:s21], $0x7E00  }
0x42c: {  	[sflag:s21] =	ssyncset.done $0x0  }
0x42d: {  	[sflag:s21] =	ssyncadd.s32 $0xFFFF8200  }
0x42e: {  	[bflag:$0x0] =	sbarrier.arrive $0xFFFF  }
0x42f: {  	[hbm4b:s18+s3] =	stream.linear.scatter [tilespmem:s28], [sflag:$0x1], $0x7E00, $0x38;
	[tilespmem:$0x18B08] =	vst v63  }
0x430: {  	_ = 	snop  }
0x431: {  	[spmem:s4] =	stream.linear.scatter [tilespmem:s3], [sflag:$0x2], $0x7E00, $0x38;
	[tilespmem:$0x18B08] =	vst v63  }
0x432: {  	_ =	swait.ge [sflag:s21], $0x7E00  }
0x433: {  	[sflag:s21] =	ssyncset.done $0x0  }
0x434: {  	[sflag:s21] =	ssyncadd.s32 $0xFFFF8200  }
0x435: {  	[tilespmem:s22], [sflag:$0x2] =	stream.linear.gather [hbm4b:s16+s3], $0x7D0, $0x38;
	[tilespmem:$0x18B08] =	vst v63  }
0x436: {  	_ =	swait.ge [sflag:s21], $0x7D0  }
0x437: {  	[sflag:s21] =	ssyncset.done $0x0  }
0x438: {  	[sflag:s21] =	ssyncadd.s32 $0xFFFFF830  }
0x439: {  	[tilespmem:s23], [sflag:$0x2] =	stream.linear.gather [hbm4b:s17+s3], $0x7D0, $0x38;
	[tilespmem:$0x18B08] =	vst v63  }
0x43a: {  	_ =	swait.ge [sflag:s21], $0x7D0  }
0x43b: {  	[sflag:s21] =	ssyncset.done $0x0  }
0x43c: {  	[sflag:s21] =	ssyncadd.s32 $0xFFFFF830  }
0x43d: {  	s31 =	simm.s32 $0x10440;
	[bflag:$0x0] =	sbarrier.arrive $0xFFFF  }
0x43e: {  	v7 =	vld [tilespmem:s31+$0xFFFFFFC0];
	_ =	sdelay $0x4  }
0x43f: {  	s0 =	simm.s32 $0xFC40;
	v8 =	vmul.u32 $0x418A, v7  }
0x440: {  	v9 =	vld [tilespmem:s0+$0xFFFFFFC0]  }
0x441: {  	v8 =	vshrl.u32 v8, $0x17  }
0x442: {  	v10 =	vmul.u32 $0x1F4, v8;
	_ =	sdelay $0x1  }
0x443: {  	v7 =	vsub.s32 v7, v10  }
0x444: {  	v9 =	vsub.s32 v9, v10;
	v35 =	vshrl.u32 v7, $0x1  }
0x445: {  	v8 =	vsub.s32 v8, v4;
	v11 =	vshrl.u32 v9, $0x7;
	v10 =	vand.u32 $0x3FFFFC, v35  }
0x446: {  	v8 =	vmul.u32 $0x3F000, v8;
	v10 =	vadd.s32 v11, v10  }
0x447: {  	v7 =	vshll.u32 v7, $0x7;
	v10 =	vshll.u32 v10, $0xA  }
0x448: {  	v7 =	vand.u32 $0x380, v7;
	v8 =	vadd.s32 v8, v10  }
0x449: {  	v7 =	vor.u32 v7, v8;
	v8 =	vand.u32 $0x7F, v9  }
0x44a: {  	v7 =	vor.u32 v8, v7  }
0x44b: {  	[tilespmem:$0x10C00] =	vst v7  }
0x44c: {  	v7 =	vld [tilespmem:s31+$0xFFFFFFD0];
	_ =	sdelay $0x4  }
0x44d: {  	v8 =	vmul.u32 $0x418A, v7  }
0x44e: {  	v36 =	vld [tilespmem:s0+$0xFFFFFFD0]  }
0x44f: {  	v8 =	vshrl.u32 v8, $0x17  }
0x450: {  	v37 =	vmul.u32 $0x1F4, v8;
	_ =	sdelay $0x1  }
0x451: {  	v7 =	vsub.s32 v7, v37  }
0x452: {  	v9 =	vsub.s32 v36, v37;
	v38 =	vshrl.u32 v7, $0x1  }
0x453: {  	v8 =	vsub.s32 v8, v4;
	v39 =	vshrl.u32 v9, $0x7;
	v10 =	vand.u32 $0x3FFFFC, v38  }
0x454: {  	v8 =	vmul.u32 $0x3F000, v8;
	v10 =	vadd.s32 v39, v10  }
0x455: {  	v7 =	vshll.u32 v7, $0x7;
	v10 =	vshll.u32 v10, $0xA  }
0x456: {  	v7 =	vand.u32 $0x380, v7;
	v8 =	vadd.s32 v8, v10  }
0x457: {  	v7 =	vor.u32 v7, v8;
	v8 =	vand.u32 $0x7F, v9  }
0x458: {  	v7 =	vor.u32 v8, v7  }
0x459: {  	[tilespmem:$0x10C10] =	vst v7  }
0x45a: {  	v7 =	vld [tilespmem:s31+$0xFFFFFFE0];
	_ =	sdelay $0x4  }
0x45b: {  	v8 =	vmul.u32 $0x418A, v7  }
0x45c: {  	v40 =	vld [tilespmem:s0+$0xFFFFFFE0]  }
0x45d: {  	v8 =	vshrl.u32 v8, $0x17  }
0x45e: {  	v41 =	vmul.u32 $0x1F4, v8;
	_ =	sdelay $0x1  }
0x45f: {  	v7 =	vsub.s32 v7, v41  }
0x460: {  	v9 =	vsub.s32 v40, v41;
	v42 =	vshrl.u32 v7, $0x1  }
0x461: {  	v8 =	vsub.s32 v8, v4;
	v43 =	vshrl.u32 v9, $0x7;
	v10 =	vand.u32 $0x3FFFFC, v42  }
0x462: {  	v8 =	vmul.u32 $0x3F000, v8;
	v10 =	vadd.s32 v43, v10  }
0x463: {  	v7 =	vshll.u32 v7, $0x7;
	v10 =	vshll.u32 v10, $0xA  }
0x464: {  	v7 =	vand.u32 $0x380, v7;
	v8 =	vadd.s32 v8, v10  }
0x465: {  	v7 =	vor.u32 v7, v8;
	v8 =	vand.u32 $0x7F, v9  }
0x466: {  	v7 =	vor.u32 v8, v7  }
0x467: {  	[tilespmem:$0x10C20] =	vst v7  }
0x468: {  	v7 =	vld [tilespmem:s31+$0xFFFFFFF0];
	_ =	sdelay $0x4  }
0x469: {  	v8 =	vmul.u32 $0x418A, v7  }
0x46a: {  	v44 =	vld [tilespmem:s0+$0xFFFFFFF0]  }
0x46b: {  	v8 =	vshrl.u32 v8, $0x17  }
0x46c: {  	v45 =	vmul.u32 $0x1F4, v8;
	_ =	sdelay $0x1  }
0x46d: {  	v7 =	vsub.s32 v7, v45  }
0x46e: {  	v9 =	vsub.s32 v44, v45;
	v46 =	vshrl.u32 v7, $0x1  }
0x46f: {  	v8 =	vsub.s32 v8, v4;
	v47 =	vshrl.u32 v9, $0x7;
	v10 =	vand.u32 $0x3FFFFC, v46  }
0x470: {  	v8 =	vmul.u32 $0x3F000, v8;
	v10 =	vadd.s32 v47, v10  }
0x471: {  	v7 =	vshll.u32 v7, $0x7;
	v10 =	vshll.u32 v10, $0xA  }
0x472: {  	v7 =	vand.u32 $0x380, v7;
	v8 =	vadd.s32 v8, v10  }
0x473: {  	v7 =	vor.u32 v7, v8;
	v8 =	vand.u32 $0x7F, v9  }
0x474: {  	v7 =	vor.u32 v8, v7  }
0x475: {  	[tilespmem:$0x10C30] =	vst v7  }
0x476: {  	v7 =	vld [tilespmem:s31+$0x0];
	_ =	sdelay $0x4  }
0x477: {  	v8 =	vmul.u32 $0x418A, v7  }
0x478: {  	v48 =	vld [tilespmem:s0+$0x0]  }
0x479: {  	v8 =	vshrl.u32 v8, $0x17  }
0x47a: {  	v49 =	vmul.u32 $0x1F4, v8;
	_ =	sdelay $0x1  }
0x47b: {  	v7 =	vsub.s32 v7, v49  }
0x47c: {  	v9 =	vsub.s32 v48, v49;
	v50 =	vshrl.u32 v7, $0x1  }
0x47d: {  	v8 =	vsub.s32 v8, v4;
	v51 =	vshrl.u32 v9, $0x7;
	v10 =	vand.u32 $0x3FFFFC, v50  }
0x47e: {  	v8 =	vmul.u32 $0x3F000, v8;
	v10 =	vadd.s32 v51, v10  }
0x47f: {  	v7 =	vshll.u32 v7, $0x7;
	v10 =	vshll.u32 v10, $0xA  }
0x480: {  	v7 =	vand.u32 $0x380, v7;
	v8 =	vadd.s32 v8, v10  }
0x481: {  	v7 =	vor.u32 v7, v8;
	v8 =	vand.u32 $0x7F, v9  }
0x482: {  	p0 =	por $0x1, $0x1;
	v7 =	vor.u32 v8, v7  }
0x483: {  	v7 =	vpsel !p0, $0x7E000, v7  }
0x484: {  	[tilespmem:$0x10C40] =	vst v7  }
0x485: {  	v7 =	vld [tilespmem:s31+$0x10];
	_ =	sdelay $0x4  }
0x486: {  	v8 =	vmul.u32 $0x418A, v7  }
0x487: {  	v52 =	vld [tilespmem:s0+$0x10]  }
0x488: {  	v8 =	vshrl.u32 v8, $0x17  }
0x489: {  	v53 =	vmul.u32 $0x1F4, v8;
	_ =	sdelay $0x1  }
0x48a: {  	v7 =	vsub.s32 v7, v53  }
0x48b: {  	v9 =	vsub.s32 v52, v53;
	v54 =	vshrl.u32 v7, $0x1  }
0x48c: {  	v8 =	vsub.s32 v8, v4;
	v55 =	vshrl.u32 v9, $0x7;
	v10 =	vand.u32 $0x3FFFFC, v54  }
0x48d: {  	v8 =	vmul.u32 $0x3F000, v8;
	v10 =	vadd.s32 v55, v10  }
0x48e: {  	v7 =	vshll.u32 v7, $0x7;
	v10 =	vshll.u32 v10, $0xA  }
0x48f: {  	v7 =	vand.u32 $0x380, v7;
	v8 =	vadd.s32 v8, v10  }
0x490: {  	v7 =	vor.u32 v7, v8;
	v8 =	vand.u32 $0x7F, v9  }
0x491: {  	p4 =	por $0x1, $0x1;
	v7 =	vor.u32 v8, v7  }
0x492: {  	v7 =	vpsel !p4, $0x7E000, v7  }
0x493: {  	[tilespmem:$0x10C50] =	vst v7  }
0x494: {  	v7 =	vld [tilespmem:s31+$0x20];
	_ =	sdelay $0x4  }
0x495: {  	v8 =	vmul.u32 $0x418A, v7  }
0x496: {  	v56 =	vld [tilespmem:s0+$0x20]  }
0x497: {  	v8 =	vshrl.u32 v8, $0x17  }
0x498: {  	v57 =	vmul.u32 $0x1F4, v8;
	_ =	sdelay $0x1  }
0x499: {  	v7 =	vsub.s32 v7, v57  }
0x49a: {  	v9 =	vsub.s32 v56, v57;
	v58 =	vshrl.u32 v7, $0x1  }
0x49b: {  	v8 =	vsub.s32 v8, v4;
	v59 =	vshrl.u32 v9, $0x7;
	v10 =	vand.u32 $0x3FFFFC, v58  }
0x49c: {  	v8 =	vmul.u32 $0x3F000, v8;
	v10 =	vadd.s32 v59, v10  }
0x49d: {  	v7 =	vshll.u32 v7, $0x7;
	v10 =	vshll.u32 v10, $0xA  }
0x49e: {  	v7 =	vand.u32 $0x380, v7;
	v8 =	vadd.s32 v8, v10  }
0x49f: {  	v7 =	vor.u32 v7, v8;
	v8 =	vand.u32 $0x7F, v9  }
0x4a0: {  	p5 =	por $0x1, $0x1;
	v7 =	vor.u32 v8, v7  }
0x4a1: {  	v7 =	vpsel !p5, $0x7E000, v7  }
0x4a2: {  	[tilespmem:$0x10C60] =	vst v7  }
0x4a3: {  	v7 =	vld [tilespmem:s31+$0x30];
	_ =	sdelay $0x4  }
0x4a4: {  	v8 =	vmul.u32 $0x418A, v7  }
0x4a5: {  	v60 =	vld [tilespmem:s0+$0x30]  }
0x4a6: {  	v8 =	vshrl.u32 v8, $0x17  }
0x4a7: {  	v61 =	vmul.u32 $0x1F4, v8;
	_ =	sdelay $0x1  }
0x4a8: {  	v7 =	vsub.s32 v7, v61  }
0x4a9: {  	v9 =	vsub.s32 v60, v61;
	v62 =	vshrl.u32 v7, $0x1  }
0x4aa: {  	v8 =	vsub.s32 v8, v4;
	v63 =	vshrl.u32 v9, $0x7;
	v10 =	vand.u32 $0x3FFFFC, v62  }
0x4ab: {  	v8 =	vmul.u32 $0x3F000, v8;
	v10 =	vadd.s32 v63, v10  }
0x4ac: {  	v7 =	vshll.u32 v7, $0x7;
	v10 =	vshll.u32 v10, $0xA  }
0x4ad: {  	v7 =	vand.u32 $0x380, v7;
	v8 =	vadd.s32 v8, v10  }
0x4ae: {  	v7 =	vor.u32 v7, v8;
	v8 =	vand.u32 $0x7F, v9  }
0x4af: {  	p6 =	por $0x1, $0x1;
	v7 =	vor.u32 v8, v7  }
0x4b0: {  	v7 =	vpsel !p6, $0x7E000, v7  }
0x4b1: {  	[tilespmem:$0x10C70] =	vst v7  }
0x4b2: {  	[spmem:s1] =	stream.indirect.scatter.add.f32 [tilespmem:s26], [sflag:$0x2], $0x1, s25, s24, $0xb8;
	[tilespmem:$0x18B08] =	vst v63  }
0x4b3: {  	_ =	swait.ge [sflag:s21], $0x80  }
0x4b4: {  	s2 =	simm.s32 $0xF0;
	[sflag:s21] =	ssyncset.done $0x0  }
.LBB2_12:
0x4b5: {  	[sflag:s21] =	ssyncadd.s32 $0xFFFFFF80;
	s31 =	sadd.s32 $0x80, s31;
	s0 =	sadd.s32 $0x80, s0  }
0x4b6: {  	p0 =	sne.s32 s2, $0x7F0;
	s5 =	smov.u32 s2;
	s2 =	sadd.s32 $0x80, s2;
	v7 =	vld [tilespmem:s31+$0xFFFFFFC0]  }
0x4b7: {  	_ =	sdelay $0x3  }
0x4b8: {  	v8 =	vld [tilespmem:s0+$0xFFFFFFC0];
	v9 =	vmul.u32 $0x418A, v7;
	_ =	sdelay $0x1  }
0x4b9: {  	v9 =	vshrl.u32 v9, $0x17  }
0x4ba: {  	v10 =	vmul.u32 $0x1F4, v9;
	v9 =	vsub.s32 v9, v4;
	_ =	sdelay $0x1  }
0x4bb: {  	v7 =	vsub.s32 v7, v10;
	v8 =	vsub.s32 v8, v10  }
0x4bc: {  	v10 =	vshrl.u32 v7, $0x1;
	v7 =	vshll.u32 v7, $0x7  }
0x4bd: {  	v11 =	vshrl.u32 v8, $0x7;
	v10 =	vand.u32 $0x3FFFFC, v10  }
0x4be: {  	v9 =	vmul.u32 $0x3F000, v9;
	v10 =	vadd.s32 v11, v10  }
0x4bf: {  	v10 =	vshll.u32 v10, $0xA  }
0x4c0: {  	v7 =	vand.u32 $0x380, v7;
	v9 =	vadd.s32 v9, v10  }
0x4c1: {  	v8 =	vand.u32 $0x7F, v8;
	v7 =	vor.u32 v7, v9  }
0x4c2: {  	v7 =	vor.u32 v8, v7  }
0x4c3: {  	[tilespmem:$0x10C00] =	vst v7  }
0x4c4: {  	v7 =	vld [tilespmem:s31+$0xFFFFFFD0];
	_ =	sdelay $0x4  }
0x4c5: {  	v8 =	vld [tilespmem:s0+$0xFFFFFFD0];
	v9 =	vmul.u32 $0x418A, v7;
	_ =	sdelay $0x1  }
0x4c6: {  	v9 =	vshrl.u32 v9, $0x17  }
0x4c7: {  	v10 =	vmul.u32 $0x1F4, v9;
	v9 =	vsub.s32 v9, v4;
	_ =	sdelay $0x1  }
0x4c8: {  	v7 =	vsub.s32 v7, v10;
	v8 =	vsub.s32 v8, v10  }
0x4c9: {  	v10 =	vshrl.u32 v7, $0x1;
	v7 =	vshll.u32 v7, $0x7  }
0x4ca: {  	v11 =	vshrl.u32 v8, $0x7;
	v10 =	vand.u32 $0x3FFFFC, v10  }
0x4cb: {  	v9 =	vmul.u32 $0x3F000, v9;
	v10 =	vadd.s32 v11, v10  }
0x4cc: {  	v10 =	vshll.u32 v10, $0xA  }
0x4cd: {  	v7 =	vand.u32 $0x380, v7;
	v9 =	vadd.s32 v9, v10  }
0x4ce: {  	v8 =	vand.u32 $0x7F, v8;
	v7 =	vor.u32 v7, v9  }
0x4cf: {  	v7 =	vor.u32 v8, v7  }
0x4d0: {  	[tilespmem:$0x10C10] =	vst v7  }
0x4d1: {  	v7 =	vld [tilespmem:s31+$0xFFFFFFE0];
	_ =	sdelay $0x4  }
0x4d2: {  	v8 =	vld [tilespmem:s0+$0xFFFFFFE0];
	v9 =	vmul.u32 $0x418A, v7;
	_ =	sdelay $0x1  }
0x4d3: {  	v9 =	vshrl.u32 v9, $0x17  }
0x4d4: {  	v10 =	vmul.u32 $0x1F4, v9;
	v9 =	vsub.s32 v9, v4;
	_ =	sdelay $0x1  }
0x4d5: {  	v7 =	vsub.s32 v7, v10;
	v8 =	vsub.s32 v8, v10  }
0x4d6: {  	v10 =	vshrl.u32 v7, $0x1;
	v7 =	vshll.u32 v7, $0x7  }
0x4d7: {  	v11 =	vshrl.u32 v8, $0x7;
	v10 =	vand.u32 $0x3FFFFC, v10  }
0x4d8: {  	v9 =	vmul.u32 $0x3F000, v9;
	v10 =	vadd.s32 v11, v10  }
0x4d9: {  	v10 =	vshll.u32 v10, $0xA  }
0x4da: {  	v7 =	vand.u32 $0x380, v7;
	v9 =	vadd.s32 v9, v10  }
0x4db: {  	v8 =	vand.u32 $0x7F, v8;
	v7 =	vor.u32 v7, v9  }
0x4dc: {  	v7 =	vor.u32 v8, v7  }
0x4dd: {  	[tilespmem:$0x10C20] =	vst v7  }
0x4de: {  	v7 =	vld [tilespmem:s31+$0xFFFFFFF0];
	_ =	sdelay $0x4  }
0x4df: {  	v8 =	vld [tilespmem:s0+$0xFFFFFFF0];
	v9 =	vmul.u32 $0x418A, v7;
	_ =	sdelay $0x1  }
0x4e0: {  	v9 =	vshrl.u32 v9, $0x17  }
0x4e1: {  	v10 =	vmul.u32 $0x1F4, v9;
	v9 =	vsub.s32 v9, v4;
	_ =	sdelay $0x1  }
0x4e2: {  	v7 =	vsub.s32 v7, v10;
	v8 =	vsub.s32 v8, v10  }
0x4e3: {  	v10 =	vshrl.u32 v7, $0x1;
	v7 =	vshll.u32 v7, $0x7  }
0x4e4: {  	v11 =	vshrl.u32 v8, $0x7;
	v10 =	vand.u32 $0x3FFFFC, v10  }
0x4e5: {  	v9 =	vmul.u32 $0x3F000, v9;
	v10 =	vadd.s32 v11, v10  }
0x4e6: {  	v10 =	vshll.u32 v10, $0xA  }
0x4e7: {  	v7 =	vand.u32 $0x380, v7;
	v9 =	vadd.s32 v9, v10  }
0x4e8: {  	v8 =	vand.u32 $0x7F, v8;
	v7 =	vor.u32 v7, v9  }
0x4e9: {  	v7 =	vor.u32 v8, v7  }
0x4ea: {  	[tilespmem:$0x10C30] =	vst v7  }
0x4eb: {  	v7 =	vld [tilespmem:s31+$0x0];
	_ =	sdelay $0x4  }
0x4ec: {  	v8 =	vld [tilespmem:s0+$0x0];
	v9 =	vmul.u32 $0x418A, v7;
	_ =	sdelay $0x1  }
0x4ed: {  	v9 =	vshrl.u32 v9, $0x17  }
0x4ee: {  	v10 =	vmul.u32 $0x1F4, v9;
	v9 =	vsub.s32 v9, v4;
	_ =	sdelay $0x1  }
0x4ef: {  	v7 =	vsub.s32 v7, v10;
	v8 =	vsub.s32 v8, v10  }
0x4f0: {  	v10 =	vshrl.u32 v7, $0x1;
	v7 =	vshll.u32 v7, $0x7  }
0x4f1: {  	v11 =	vshrl.u32 v8, $0x7;
	v10 =	vand.u32 $0x3FFFFC, v10  }
0x4f2: {  	v9 =	vmul.u32 $0x3F000, v9;
	v10 =	vadd.s32 v11, v10  }
0x4f3: {  	v10 =	vshll.u32 v10, $0xA  }
0x4f4: {  	v7 =	vand.u32 $0x380, v7;
	v9 =	vadd.s32 v9, v10  }
0x4f5: {  	s6 =	sadd.s32 $0xFFFFFFD0, s5;
	v8 =	vand.u32 $0x7F, v8;
	v7 =	vor.u32 v7, v9  }
0x4f6: {  	p1 =	slt.u32 s6, $0x7D0;
	v7 =	vor.u32 v8, v7  }
0x4f7: {  	v7 =	vpsel !p1, $0x7E000, v7  }
0x4f8: {  	[tilespmem:$0x10C40] =	vst v7  }
0x4f9: {  	v7 =	vld [tilespmem:s31+$0x10];
	_ =	sdelay $0x4  }
0x4fa: {  	v8 =	vld [tilespmem:s0+$0x10];
	v9 =	vmul.u32 $0x418A, v7;
	_ =	sdelay $0x1  }
0x4fb: {  	v9 =	vshrl.u32 v9, $0x17  }
0x4fc: {  	v10 =	vmul.u32 $0x1F4, v9;
	v9 =	vsub.s32 v9, v4;
	_ =	sdelay $0x1  }
0x4fd: {  	v7 =	vsub.s32 v7, v10;
	v8 =	vsub.s32 v8, v10  }
0x4fe: {  	v10 =	vshrl.u32 v7, $0x1;
	v7 =	vshll.u32 v7, $0x7  }
0x4ff: {  	v11 =	vshrl.u32 v8, $0x7;
	v10 =	vand.u32 $0x3FFFFC, v10  }
0x500: {  	v9 =	vmul.u32 $0x3F000, v9;
	v10 =	vadd.s32 v11, v10  }
0x501: {  	v10 =	vshll.u32 v10, $0xA  }
0x502: {  	v7 =	vand.u32 $0x380, v7;
	v9 =	vadd.s32 v9, v10  }
0x503: {  	s6 =	sadd.s32 $0xFFFFFFE0, s5;
	v8 =	vand.u32 $0x7F, v8;
	v7 =	vor.u32 v7, v9  }
0x504: {  	p1 =	slt.u32 s6, $0x7D0;
	v7 =	vor.u32 v8, v7  }
0x505: {  	v7 =	vpsel !p1, $0x7E000, v7  }
0x506: {  	[tilespmem:$0x10C50] =	vst v7  }
0x507: {  	v7 =	vld [tilespmem:s31+$0x20]  }
0x508: {  	v8 =	vld [tilespmem:s0+$0x20];
	_ =	sdelay $0x3  }
0x509: {  	v9 =	vmul.u32 $0x418A, v7;
	_ =	sdelay $0x1  }
0x50a: {  	v9 =	vshrl.u32 v9, $0x17  }
0x50b: {  	v10 =	vmul.u32 $0x1F4, v9;
	v9 =	vsub.s32 v9, v4;
	_ =	sdelay $0x1  }
0x50c: {  	v7 =	vsub.s32 v7, v10;
	v8 =	vsub.s32 v8, v10  }
0x50d: {  	v10 =	vshrl.u32 v7, $0x1;
	v7 =	vshll.u32 v7, $0x7  }
0x50e: {  	v11 =	vshrl.u32 v8, $0x7;
	v10 =	vand.u32 $0x3FFFFC, v10  }
0x50f: {  	v9 =	vmul.u32 $0x3F000, v9;
	v10 =	vadd.s32 v11, v10  }
0x510: {  	v10 =	vshll.u32 v10, $0xA  }
0x511: {  	v7 =	vand.u32 $0x380, v7;
	v9 =	vadd.s32 v9, v10  }
0x512: {  	s6 =	sadd.s32 $0xFFFFFFF0, s5;
	v8 =	vand.u32 $0x7F, v8;
	v7 =	vor.u32 v7, v9  }
0x513: {  	p1 =	slt.u32 s6, $0x7D0;
	v7 =	vor.u32 v8, v7  }
0x514: {  	v7 =	vpsel !p1, $0x7E000, v7  }
0x515: {  	[tilespmem:$0x10C60] =	vst v7  }
0x516: {  	v7 =	vld [tilespmem:s31+$0x30]  }
0x517: {  	v8 =	vld [tilespmem:s0+$0x30];
	_ =	sdelay $0x3  }
0x518: {  	v9 =	vmul.u32 $0x418A, v7;
	_ =	sdelay $0x1  }
0x519: {  	v9 =	vshrl.u32 v9, $0x17  }
0x51a: {  	v10 =	vmul.u32 $0x1F4, v9;
	v9 =	vsub.s32 v9, v4;
	_ =	sdelay $0x1  }
0x51b: {  	v7 =	vsub.s32 v7, v10;
	v8 =	vsub.s32 v8, v10  }
0x51c: {  	v10 =	vshrl.u32 v7, $0x1;
	v7 =	vshll.u32 v7, $0x7  }
0x51d: {  	v11 =	vshrl.u32 v8, $0x7;
	v10 =	vand.u32 $0x3FFFFC, v10  }
0x51e: {  	v9 =	vmul.u32 $0x3F000, v9;
	v10 =	vadd.s32 v11, v10  }
0x51f: {  	v10 =	vshll.u32 v10, $0xA  }
0x520: {  	v7 =	vand.u32 $0x380, v7;
	v9 =	vadd.s32 v9, v10  }
0x521: {  	v8 =	vand.u32 $0x7F, v8;
	v7 =	vor.u32 v7, v9  }
0x522: {  	p1 =	slt.u32 s5, $0x7D0;
	v7 =	vor.u32 v8, v7  }
.Ltmp5:
0x523: {  	v7 =	vpsel !p1, $0x7E000, v7;
	(pc) =	sbr.rel @p0 .LBB2_12-.Ltmp5, $4  }
0x524: {  	[tilespmem:$0x10C70] =	vst v7  }
0x525: {  	[spmem:s1] =	stream.indirect.scatter.add.f32 [tilespmem:s26], [sflag:$0x2], $0x1, s25, s24, $0xb8;
	[tilespmem:$0x18B08] =	vst v63  }
0x526: {  	_ =	swait.ge [sflag:s21], $0x80  }
0x527: {  	[sflag:s21] =	ssyncset.done $0x0  }
0x528: {  	[sflag:s21] =	ssyncadd.s32 $0xFFFFFF80  }
0x529: {  	[bflag:$0x0] =	sbarrier.arrive $0xFFFF  }
0x52a: {  	_ =	swait.ge [sflag:s29], $0x7E00  }
0x52b: {  	[sflag:s29] =	ssyncset.done $0x0  }
0x52c: {  	[sflag:s29] =	ssyncadd.s32 $0xFFFF8200  }
0x52d: {  	[tilespmem:s28], [sflag:$0x2] =	stream.linear.gather [spmem:s4], $0x7E00, $0x38;
	[tilespmem:$0x18B08] =	vst v63  }
0x52e: {  	_ =	swait.ge [sflag:s21], $0x7E00  }
0x52f: {  	s30 =	sadd.s32 $0x1, s30;
	[sflag:s21] =	ssyncset.done $0x0  }
0x530: {  	p0 =	sne.s32 s30, s20;
	[sflag:s21] =	ssyncadd.s32 $0xFFFF8200  }
.Ltmp6:
0x531: {  	[bflag:$0x0] =	sbarrier.arrive $0xFFFF;
	(pc) =	sbr.rel @p0 .LBB2_1-.Ltmp6, $4  }
0x532: {  	[hbm4b:s19+s3] =	stream.linear.scatter [tilespmem:s28], [sflag:$0x1], $0x7E00, $0x38;
	[tilespmem:$0x18B08] =	vst v63  }
0x533: {  	_ =	swait.ge [sflag:s29], $0x7E00  }
0x534: {  	[sflag:s29] =	ssyncset.done $0x0  }
0x535: {  	[sflag:s29] =	ssyncadd.s32 $0xFFFF8200  }
0x536: {  	_ =	sfence.sel $0x180000  }
0x537: {  	[bflag:$0x0] =	sbarrier.arrive $0xFFFF  }
0x538: {  	_ =	strace $0x90000047  }
0x539: {  	s0 =	stileid.u32;
	[bflag:$0x2] =	sbarrier.arrive $0xFFFF  }
0x53a: {  	p0 =	sne.s32 s0, $0x0;
	s0 =	rddreg [dreg:$0x2]  }
0x53b: {  	s0 =	sadd.s32 @!p0 $0x100000, s0  }
0x53c: {  	[sflag:s0] =	ssyncadd.tile.s32 @!p0 $0x1;
	_ =	shalt  }
.Lfunc_end2:
_tile_overlayer_lowered:
.L_overlay_start_2:
0x53d: {  	(tag) =	ssettag $0x2  }
0x53e: {  	s0 =	rddreg [dreg:$0x0];
	s2 =	stileid.u32  }
0x53f: {  	s1 =	rddreg [dreg:$0x1];
	p0 =	sne.s32 s2, $0x0  }
0x540: {  	s3 =	rddreg [dreg:$0x2];
	[bflag:$0x3] =	sbarrier.arrive $0xFFFF;
	s2 =	simm.s32 @!p0 $0x1C02  }
0x541: {  	[timem:s3], [sflag:s2] =	dma.local @!p0 [hbm:s0], s1  }
0x542: {  	s0 =	simm.s32 @!p0 $0x2  }
0x543: {  	_ =	swait.ge @!p0 [sflag:s0], s1  }
0x544: {  	s1 =	ssub.s32 @!p0 $0x0, s1;
	[sflag:s0] =	ssyncset.done @!p0 $0x0  }
0x545: {  	[sflag:s0] =	ssyncadd.s32 @!p0 s1  }
0x546: {  	[bflag:$0x3] =	sbarrier.arrive $0xFFFF  }
0x547: {  	_ =	shalt  }

</sc_bundles>
